<compile_context>
chip_gen: v7x
topology: tpu7x:2x2x1
jax: 0.10.2.dev20260603
libtpu: 0.0.44.dev20260713+nightly
codegen_flags: <defaults>
</compile_context>

<pallas_src>
import functools

import jax
import jax.numpy as jnp
from jax import lax
from jax.experimental import pallas as pl
from jax.experimental.pallas import tpu as pltpu
from jax.experimental.pallas import tpu_sc as plsc

N = 2048
M = 64
CH = 256
NCH = N // CH
CHW = CH * M


def _shift_body(v_ref, w_ref):
    v = v_ref[...]
    w_ref[...] = v - jnp.min(v, axis=1, keepdims=True) + 1.0


def _tc_shift(v):
    return pl.pallas_call(
        _shift_body,
        out_shape=jax.ShapeDtypeStruct((N, M), jnp.float32),
    )(v)


def _sc_scan_body(w_hbm, out_hbm, inb0, inb1, outb0, outb1, sin, sout):
    wid = lax.axis_index("s") * 2 + lax.axis_index("c")

    @pl.when(wid == 0)
    def _():
        ones = jnp.ones((16,), jnp.float32)
        lane = lax.iota(jnp.int32, 16)
        p8 = lane ^ 8
        p4 = lane ^ 4
        p2 = lane ^ 2
        p1 = lane ^ 1

        inbufs = (inb0, inb1)
        outbufs = (outb0, outb1)

        def make_row_step(inb, outb, nxt_inb, off=0):
            def row_step(i, carry):
                c0, c1, c2, c3, z0, z1, z2, z3 = carry
                e0 = jnp.exp(z0)
                e1 = jnp.exp(z1)
                e2 = jnp.exp(z2)
                e3 = jnp.exp(z3)
                s = (e0 + e1) + (e2 + e3)
                s = s + s.at[p8].get(mode="promise_in_bounds")
                s = s + s.at[p4].get(mode="promise_in_bounds")
                s = s + s.at[p2].get(mode="promise_in_bounds")
                s = s + s.at[p1].get(mode="promise_in_bounds")
                inv = 1.0 / s
                outb[i, pl.ds(0, 16)] = e0 * inv
                outb[i, pl.ds(16, 16)] = e1 * inv
                outb[i, pl.ds(32, 16)] = e2 * inv
                outb[i, pl.ds(48, 16)] = e3 * inv
                j = i + 1 - off
                a0 = nxt_inb[j, pl.ds(0, 16)] * c0
                a1 = nxt_inb[j, pl.ds(16, 16)] * c1
                a2 = nxt_inb[j, pl.ds(32, 16)] * c2
                a3 = nxt_inb[j, pl.ds(48, 16)] * c3
                return (c0 - (c0 * e0) * inv, c1 - (c1 * e1) * inv,
                        c2 - (c2 * e2) * inv, c3 - (c3 * e3) * inv,
                        a0 - (a0 * e0) * inv, a1 - (a1 * e1) * inv,
                        a2 - (a2 * e2) * inv, a3 - (a3 * e3) * inv)
            return row_step

        cp0 = pltpu.make_async_copy(w_hbm.at[pl.ds(0, CH)], inb0, sin)
        cp0.start()
        cp0.wait()

        c = (ones, ones, ones, ones,
             inb0[0, pl.ds(0, 16)], inb0[0, pl.ds(16, 16)],
             inb0[0, pl.ds(32, 16)], inb0[0, pl.ds(48, 16)])

        for g in range(NCH):
            inb = inbufs[g % 2]
            outb = outbufs[g % 2]
            if g + 1 < NCH:
                nxt = pltpu.make_async_copy(
                    w_hbm.at[pl.ds((g + 1) * CH, CH)], inbufs[(g + 1) % 2], sin)
                nxt.start()
            if g >= 2:
                pltpu.make_async_copy(
                    outb, out_hbm.at[pl.ds((g - 2) * CH, CH)], sout).wait()
            c = plsc.parallel_loop(0, CH - 1, 1, unroll=8, carry=c)(
                make_row_step(inb, outb, inb))
            if g + 1 < NCH:
                nxt.wait()
                nb = inbufs[(g + 1) % 2]
            else:
                nb = inb
            step_last = make_row_step(inb, outb, nb, off=CH)
            c = step_last(CH - 1, c)
            st = pltpu.make_async_copy(outb, out_hbm.at[pl.ds(g * CH, CH)], sout)
            st.start()
        pltpu.make_async_copy(
            outbufs[(NCH - 2) % 2], out_hbm.at[pl.ds((NCH - 2) * CH, CH)], sout).wait()
        pltpu.make_async_copy(
            outbufs[(NCH - 1) % 2], out_hbm.at[pl.ds((NCH - 1) * CH, CH)], sout).wait()


_sc_scan = pl.kernel(
    _sc_scan_body,
    out_type=jax.ShapeDtypeStruct((N, M), jnp.float32),
    mesh=plsc.VectorSubcoreMesh(core_axis_name="c", subcore_axis_name="s", num_cores=1),
    scratch_types=[
        pltpu.VMEM((CH, M), jnp.float32),
        pltpu.VMEM((CH, M), jnp.float32),
        pltpu.VMEM((CH, M), jnp.float32),
        pltpu.VMEM((CH, M), jnp.float32),
        pltpu.SemaphoreType.DMA,
        pltpu.SemaphoreType.DMA,
    ],
)


def kernel(V):
    return _sc_scan(_tc_shift(V))

# --- scband reference (transcript-rebuilt; emitter-appended) ---
"""Pipeline reference for scband-soft-rr-48017734369483 (READ-ONLY COPY).

The authoritative reference and input builder live on the scoring server;
editing this copy changes nothing except your own understanding.
"""

import jax, jax.numpy as jnp
import numpy as np

TAU = 1.0

def setup_inputs(seed: int = 0) -> dict:
    key = jax.random.key(seed)
    V = jax.random.normal(key, (2048, 64), dtype=jnp.float32)
    return {"V": V}

def reference(V):
    # SoftRR forward in training mode (torch nn.Module default training=True).
    n, m = V.shape
    num_rounds = -(-m // n)  # math.ceil(m / n); here m=64 < n=2048 -> 1
    Vrep = jnp.tile(V, (num_rounds, 1))  # V.repeat(num_rounds, 1)

    # __one_round, training branch: sequential soft round-robin over rows
    def step(c, row):
        y = jax.nn.softmax((row - jnp.min(row) + 1.0) * c / TAU, axis=0)
        c_new = (1.0 - y) * c
        return c_new, y

    c0 = jnp.ones((m,), dtype=V.dtype)
    _, R = jax.lax.scan(step, c0, Vrep)  # R: [num_rounds*n, m]

    pi = R.reshape(num_rounds, n, m).sum(axis=0)
    return pi

if __name__ == "__main__":
    import jax
    _d = setup_inputs()
    print(jax.jit(kernel)(*tuple(_d.values())))

</pallas_src>

<mosaic_0001>
#map = affine_map<(d0, d1) -> (0, 0)>
module attributes {stable_mosaic.version = 14 : i64} {
  func.func @_sc_scan_body(%arg0: i32, %arg1: i32, %arg2: memref<2048x64xf32, #tpu.memory_space<hbm>>, %arg3: memref<2048x64xf32, #tpu.memory_space<hbm>>, %arg4: memref<256x64xf32, #tpu.memory_space<vmem>>, %arg5: memref<256x64xf32, #tpu.memory_space<vmem>>, %arg6: memref<256x64xf32, #tpu.memory_space<vmem>>, %arg7: memref<256x64xf32, #tpu.memory_space<vmem>>, %arg8: memref<!tpu.dma_semaphore, #tpu.memory_space<semaphore_mem>>, %arg9: memref<!tpu.dma_semaphore, #tpu.memory_space<semaphore_mem>>) attributes {dimension_semantics = [#tpu.dimension_semantics<core_parallel>, #tpu.dimension_semantics<subcore_parallel>], iteration_bounds = array<i64: 1, 16>, scalar_prefetch = 0 : i64, scratch_operands = 6 : i64, tpu.core_type = #tpu.core_type<sc_vector_subcore>, window_params = [{transform_indices = #map}, {transform_indices = #map}]} {
    %mul3A = arith.constant 2 : i32
    %mul3A_0 = arith.muli %arg1, %mul3A : i32
    %add3A = arith.addi %mul3A_0, %arg0 : i32
    %eq3A = arith.constant 0 : i32
    %eq3A_1 = arith.cmpi eq, %add3A, %eq3A : i32
    %convert_element_type3A = arith.extui %eq3A_1 : i1 to i32
    %cond3A = arith.constant 0 : i32
    %cond3A_2 = arith.cmpi ne, %convert_element_type3A, %cond3A : i32
    scf.if %cond3A_2 {
      %broadcast_in_dim3A = arith.constant 1.000000e+00 : f32
      %broadcast_in_dim3A_3 = vector.broadcast %broadcast_in_dim3A : f32 to vector<16xf32>
      %iota3A = tpu.iota {dimensions = array<i32: 0>} : vector<16xi32>
      %xor3A = arith.constant 8 : i32
      %xor3A_4 = vector.broadcast %xor3A : i32 to vector<16xi32>
      %xor3A_5 = arith.xori %iota3A, %xor3A_4 : vector<16xi32>
      %xor3A_6 = arith.constant 4 : i32
      %xor3A_7 = vector.broadcast %xor3A_6 : i32 to vector<16xi32>
      %xor3A_8 = arith.xori %iota3A, %xor3A_7 : vector<16xi32>
      %xor3A_9 = arith.constant 2 : i32
      %xor3A_10 = vector.broadcast %xor3A_9 : i32 to vector<16xi32>
      %xor3A_11 = arith.xori %iota3A, %xor3A_10 : vector<16xi32>
      %xor3A_12 = arith.constant 1 : i32
      %xor3A_13 = vector.broadcast %xor3A_12 : i32 to vector<16xi32>
      %xor3A_14 = arith.xori %iota3A, %xor3A_13 : vector<16xi32>
      %dma_start3A = arith.constant 0 : i32
      %dma_start3A_15 = arith.constant 0 : i32
      %dma_start3A_16 = tpu.memref_slice %arg2[%dma_start3A, %dma_start3A_15] : memref<2048x64xf32, #tpu.memory_space<hbm>> -> memref<256x64xf32, #tpu.memory_space<hbm>>
      %dma_start3A_17 = arith.constant 0 : i32
      %dma_start3A_18 = arith.constant 0 : i32
      %dma_start3A_19 = tpu.memref_slice %arg2[%dma_start3A_17, %dma_start3A_18] : memref<2048x64xf32, #tpu.memory_space<hbm>> -> memref<256x64xf32, #tpu.memory_space<hbm>>
      tpu.enqueue_dma source(%dma_start3A_19 : memref<256x64xf32, #tpu.memory_space<hbm>>) target(%arg4 : memref<256x64xf32, #tpu.memory_space<vmem>>) target_semaphore(%arg8 : memref<!tpu.dma_semaphore, #tpu.memory_space<semaphore_mem>>)
      %dma_wait3A = arith.constant 0 : i32
      %dma_wait3A_20 = arith.constant 0 : i32
      %dma_wait3A_21 = tpu.memref_slice %arg2[%dma_wait3A, %dma_wait3A_20] : memref<2048x64xf32, #tpu.memory_space<hbm>> -> memref<256x64xf32, #tpu.memory_space<hbm>>
      %dma_wait3A_22 = arith.constant 0 : i32
      %dma_wait3A_23 = arith.constant 0 : i32
      %dma_wait3A_24 = tpu.memref_slice %arg2[%dma_wait3A_22, %dma_wait3A_23] : memref<2048x64xf32, #tpu.memory_space<hbm>> -> memref<256x64xf32, #tpu.memory_space<hbm>>
      tpu.wait_dma2 semaphore(%arg8 : memref<!tpu.dma_semaphore, #tpu.memory_space<semaphore_mem>>) src(%dma_wait3A_24 : memref<256x64xf32, #tpu.memory_space<hbm>>) dst(%arg4 : memref<256x64xf32, #tpu.memory_space<vmem>>)
      %get3A = arith.constant 0 : i32
      %get3A_25 = arith.index_cast %get3A : i32 to index
      %get3A_26 = arith.constant 0 : index
      %get3A_27 = tpu.vector_load %arg4[%get3A_25, %get3A_26] {strides = array<i32>} : memref<256x64xf32, #tpu.memory_space<vmem>>, vector<1x16xf32>,
      %get3A_28 = vector.shape_cast %get3A_27 : vector<1x16xf32> to vector<16xf32>
      %get3A_29 = arith.constant 0 : i32
      %get3A_30 = arith.index_cast %get3A_29 : i32 to index
      %get3A_31 = arith.constant 16 : index
      %get3A_32 = tpu.vector_load %arg4[%get3A_30, %get3A_31] {strides = array<i32>} : memref<256x64xf32, #tpu.memory_space<vmem>>, vector<1x16xf32>,
      %get3A_33 = vector.shape_cast %get3A_32 : vector<1x16xf32> to vector<16xf32>
      %get3A_34 = arith.constant 0 : i32
      %get3A_35 = arith.index_cast %get3A_34 : i32 to index
      %get3A_36 = arith.constant 32 : index
      %get3A_37 = tpu.vector_load %arg4[%get3A_35, %get3A_36] {strides = array<i32>} : memref<256x64xf32, #tpu.memory_space<vmem>>, vector<1x16xf32>,
      %get3A_38 = vector.shape_cast %get3A_37 : vector<1x16xf32> to vector<16xf32>
      %get3A_39 = arith.constant 0 : i32
      %get3A_40 = arith.index_cast %get3A_39 : i32 to index
      %get3A_41 = arith.constant 48 : index
      %get3A_42 = tpu.vector_load %arg4[%get3A_40, %get3A_41] {strides = array<i32>} : memref<256x64xf32, #tpu.memory_space<vmem>>, vector<1x16xf32>,
      %get3A_43 = vector.shape_cast %get3A_42 : vector<1x16xf32> to vector<16xf32>
      %dma_start3A_44 = arith.constant 256 : i32
      %dma_start3A_45 = arith.constant 0 : i32
      %dma_start3A_46 = tpu.memref_slice %arg2[%dma_start3A_44, %dma_start3A_45] : memref<2048x64xf32, #tpu.memory_space<hbm>> -> memref<256x64xf32, #tpu.memory_space<hbm>>
      %dma_start3A_47 = arith.constant 256 : i32
      %dma_start3A_48 = arith.constant 0 : i32
      %dma_start3A_49 = tpu.memref_slice %arg2[%dma_start3A_47, %dma_start3A_48] : memref<2048x64xf32, #tpu.memory_space<hbm>> -> memref<256x64xf32, #tpu.memory_space<hbm>>
      tpu.enqueue_dma source(%dma_start3A_49 : memref<256x64xf32, #tpu.memory_space<hbm>>) target(%arg5 : memref<256x64xf32, #tpu.memory_space<vmem>>) target_semaphore(%arg8 : memref<!tpu.dma_semaphore, #tpu.memory_space<semaphore_mem>>)
      %parallel_loop3A = arith.constant 0 : i32
      %parallel_loop3A_50 = arith.constant 255 : i32
      %parallel_loop3A_51 = arith.constant 1 : i32
      %parallel_loop3A_52:8 = scf.for %parallel_loop3A_1288 = %parallel_loop3A to %parallel_loop3A_50 step %parallel_loop3A_51 iter_args(%parallel_loop3A_1289 = %broadcast_in_dim3A_3, %parallel_loop3A_1290 = %broadcast_in_dim3A_3, %parallel_loop3A_1291 = %broadcast_in_dim3A_3, %parallel_loop3A_1292 = %broadcast_in_dim3A_3, %parallel_loop3A_1293 = %get3A_28, %parallel_loop3A_1294 = %get3A_33, %parallel_loop3A_1295 = %get3A_38, %parallel_loop3A_1296 = %get3A_43) -> (vector<16xf32>, vector<16xf32>, vector<16xf32>, vector<16xf32>, vector<16xf32>, vector<16xf32>, vector<16xf32>, vector<16xf32>)  : i32 {
        %parallel_loop3A_1297 = math.exp %parallel_loop3A_1293 : vector<16xf32>
        %parallel_loop3A_1298 = math.exp %parallel_loop3A_1294 : vector<16xf32>
        %parallel_loop3A_1299 = math.exp %parallel_loop3A_1295 : vector<16xf32>
        %parallel_loop3A_1300 = math.exp %parallel_loop3A_1296 : vector<16xf32>
        %parallel_loop3A_1301 = arith.addf %parallel_loop3A_1297, %parallel_loop3A_1298 : vector<16xf32>
        %parallel_loop3A_1302 = arith.addf %parallel_loop3A_1299, %parallel_loop3A_1300 : vector<16xf32>
        %parallel_loop3A_1303 = arith.addf %parallel_loop3A_1301, %parallel_loop3A_1302 : vector<16xf32>
        %parallel_loop3A_1304 = arith.constant 0 : i32
        %parallel_loop3A_1305 = vector.broadcast %parallel_loop3A_1304 : i32 to vector<16xi32>
        %parallel_loop3A_1306 = arith.cmpi slt, %xor3A_5, %parallel_loop3A_1305 : vector<16xi32>
        %parallel_loop3A_1307 = arith.constant 16 : i32
        %parallel_loop3A_1308 = vector.broadcast %parallel_loop3A_1307 : i32 to vector<16xi32>
        %parallel_loop3A_1309 = arith.addi %xor3A_5, %parallel_loop3A_1308 : vector<16xi32>
        %parallel_loop3A_1310 = arith.select %parallel_loop3A_1306, %parallel_loop3A_1309, %xor3A_5 : vector<16xi1>, vector<16xi32>
        %parallel_loop3A_1311 = vector.shape_cast %parallel_loop3A_1310 : vector<16xi32> to vector<16x1xi32>
        %parallel_loop3A_1312 = vector.shape_cast %parallel_loop3A_1311 : vector<16x1xi32> to vector<16xi32>
        %parallel_loop3A_1313 = tpu.dynamic_gather %parallel_loop3A_1303[%parallel_loop3A_1312] in [0] : vector<16xf32>, vector<16xi32> -> vector<16xf32>
        %parallel_loop3A_1314 = arith.addf %parallel_loop3A_1303, %parallel_loop3A_1313 : vector<16xf32>
        %parallel_loop3A_1315 = arith.constant 0 : i32
        %parallel_loop3A_1316 = vector.broadcast %parallel_loop3A_1315 : i32 to vector<16xi32>
        %parallel_loop3A_1317 = arith.cmpi slt, %xor3A_8, %parallel_loop3A_1316 : vector<16xi32>
        %parallel_loop3A_1318 = arith.constant 16 : i32
        %parallel_loop3A_1319 = vector.broadcast %parallel_loop3A_1318 : i32 to vector<16xi32>
        %parallel_loop3A_1320 = arith.addi %xor3A_8, %parallel_loop3A_1319 : vector<16xi32>
        %parallel_loop3A_1321 = arith.select %parallel_loop3A_1317, %parallel_loop3A_1320, %xor3A_8 : vector<16xi1>, vector<16xi32>
        %parallel_loop3A_1322 = vector.shape_cast %parallel_loop3A_1321 : vector<16xi32> to vector<16x1xi32>
        %parallel_loop3A_1323 = vector.shape_cast %parallel_loop3A_1322 : vector<16x1xi32> to vector<16xi32>
        %parallel_loop3A_1324 = tpu.dynamic_gather %parallel_loop3A_1314[%parallel_loop3A_1323] in [0] : vector<16xf32>, vector<16xi32> -> vector<16xf32>
        %parallel_loop3A_1325 = arith.addf %parallel_loop3A_1314, %parallel_loop3A_1324 : vector<16xf32>
        %parallel_loop3A_1326 = arith.constant 0 : i32
        %parallel_loop3A_1327 = vector.broadcast %parallel_loop3A_1326 : i32 to vector<16xi32>
        %parallel_loop3A_1328 = arith.cmpi slt, %xor3A_11, %parallel_loop3A_1327 : vector<16xi32>
        %parallel_loop3A_1329 = arith.constant 16 : i32
        %parallel_loop3A_1330 = vector.broadcast %parallel_loop3A_1329 : i32 to vector<16xi32>
        %parallel_loop3A_1331 = arith.addi %xor3A_11, %parallel_loop3A_1330 : vector<16xi32>
        %parallel_loop3A_1332 = arith.select %parallel_loop3A_1328, %parallel_loop3A_1331, %xor3A_11 : vector<16xi1>, vector<16xi32>
        %parallel_loop3A_1333 = vector.shape_cast %parallel_loop3A_1332 : vector<16xi32> to vector<16x1xi32>
        %parallel_loop3A_1334 = vector.shape_cast %parallel_loop3A_1333 : vector<16x1xi32> to vector<16xi32>
        %parallel_loop3A_1335 = tpu.dynamic_gather %parallel_loop3A_1325[%parallel_loop3A_1334] in [0] : vector<16xf32>, vector<16xi32> -> vector<16xf32>
        %parallel_loop3A_1336 = arith.addf %parallel_loop3A_1325, %parallel_loop3A_1335 : vector<16xf32>
        %parallel_loop3A_1337 = arith.constant 0 : i32
        %parallel_loop3A_1338 = vector.broadcast %parallel_loop3A_1337 : i32 to vector<16xi32>
        %parallel_loop3A_1339 = arith.cmpi slt, %xor3A_14, %parallel_loop3A_1338 : vector<16xi32>
        %parallel_loop3A_1340 = arith.constant 16 : i32
        %parallel_loop3A_1341 = vector.broadcast %parallel_loop3A_1340 : i32 to vector<16xi32>
        %parallel_loop3A_1342 = arith.addi %xor3A_14, %parallel_loop3A_1341 : vector<16xi32>
        %parallel_loop3A_1343 = arith.select %parallel_loop3A_1339, %parallel_loop3A_1342, %xor3A_14 : vector<16xi1>, vector<16xi32>
        %parallel_loop3A_1344 = vector.shape_cast %parallel_loop3A_1343 : vector<16xi32> to vector<16x1xi32>
        %parallel_loop3A_1345 = vector.shape_cast %parallel_loop3A_1344 : vector<16x1xi32> to vector<16xi32>
        %parallel_loop3A_1346 = tpu.dynamic_gather %parallel_loop3A_1336[%parallel_loop3A_1345] in [0] : vector<16xf32>, vector<16xi32> -> vector<16xf32>
        %parallel_loop3A_1347 = arith.addf %parallel_loop3A_1336, %parallel_loop3A_1346 : vector<16xf32>
        %parallel_loop3A_1348 = arith.constant 1.000000e+00 : f32
        %parallel_loop3A_1349 = vector.broadcast %parallel_loop3A_1348 : f32 to vector<16xf32>
        %parallel_loop3A_1350 = arith.divf %parallel_loop3A_1349, %parallel_loop3A_1347 : vector<16xf32>
        %parallel_loop3A_1351 = arith.mulf %parallel_loop3A_1297, %parallel_loop3A_1350 : vector<16xf32>
        %parallel_loop3A_1352 = arith.index_cast %parallel_loop3A_1288 : i32 to index
        %parallel_loop3A_1353 = arith.constant 0 : index
        %parallel_loop3A_1354 = tpu.vector_load %arg6[%parallel_loop3A_1352, %parallel_loop3A_1353] {strides = array<i32>} : memref<256x64xf32, #tpu.memory_space<vmem>>, vector<1x16xf32>,
        %parallel_loop3A_1355 = vector.shape_cast %parallel_loop3A_1354 : vector<1x16xf32> to vector<16xf32>
        %parallel_loop3A_1356 = vector.shape_cast %parallel_loop3A_1351 : vector<16xf32> to vector<1x16xf32>
        tpu.vector_store %arg6[%parallel_loop3A_1352, %parallel_loop3A_1353], %parallel_loop3A_1356 {strides = array<i32>} : memref<256x64xf32, #tpu.memory_space<vmem>>, vector<1x16xf32>,
        %parallel_loop3A_1357 = arith.mulf %parallel_loop3A_1298, %parallel_loop3A_1350 : vector<16xf32>
        %parallel_loop3A_1358 = arith.index_cast %parallel_loop3A_1288 : i32 to index
        %parallel_loop3A_1359 = arith.constant 16 : index
        %parallel_loop3A_1360 = tpu.vector_load %arg6[%parallel_loop3A_1358, %parallel_loop3A_1359] {strides = array<i32>} : memref<256x64xf32, #tpu.memory_space<vmem>>, vector<1x16xf32>,
        %parallel_loop3A_1361 = vector.shape_cast %parallel_loop3A_1360 : vector<1x16xf32> to vector<16xf32>
        %parallel_loop3A_1362 = vector.shape_cast %parallel_loop3A_1357 : vector<16xf32> to vector<1x16xf32>
        tpu.vector_store %arg6[%parallel_loop3A_1358, %parallel_loop3A_1359], %parallel_loop3A_1362 {strides = array<i32>} : memref<256x64xf32, #tpu.memory_space<vmem>>, vector<1x16xf32>,
        %parallel_loop3A_1363 = arith.mulf %parallel_loop3A_1299, %parallel_loop3A_1350 : vector<16xf32>
        %parallel_loop3A_1364 = arith.index_cast %parallel_loop3A_1288 : i32 to index
        %parallel_loop3A_1365 = arith.constant 32 : index
        %parallel_loop3A_1366 = tpu.vector_load %arg6[%parallel_loop3A_1364, %parallel_loop3A_1365] {strides = array<i32>} : memref<256x64xf32, #tpu.memory_space<vmem>>, vector<1x16xf32>,
        %parallel_loop3A_1367 = vector.shape_cast %parallel_loop3A_1366 : vector<1x16xf32> to vector<16xf32>
        %parallel_loop3A_1368 = vector.shape_cast %parallel_loop3A_1363 : vector<16xf32> to vector<1x16xf32>
        tpu.vector_store %arg6[%parallel_loop3A_1364, %parallel_loop3A_1365], %parallel_loop3A_1368 {strides = array<i32>} : memref<256x64xf32, #tpu.memory_space<vmem>>, vector<1x16xf32>,
        %parallel_loop3A_1369 = arith.mulf %parallel_loop3A_1300, %parallel_loop3A_1350 : vector<16xf32>
        %parallel_loop3A_1370 = arith.index_cast %parallel_loop3A_1288 : i32 to index
        %parallel_loop3A_1371 = arith.constant 48 : index
        %parallel_loop3A_1372 = tpu.vector_load %arg6[%parallel_loop3A_1370, %parallel_loop3A_1371] {strides = array<i32>} : memref<256x64xf32, #tpu.memory_space<vmem>>, vector<1x16xf32>,
        %parallel_loop3A_1373 = vector.shape_cast %parallel_loop3A_1372 : vector<1x16xf32> to vector<16xf32>
        %parallel_loop3A_1374 = vector.shape_cast %parallel_loop3A_1369 : vector<16xf32> to vector<1x16xf32>
        tpu.vector_store %arg6[%parallel_loop3A_1370, %parallel_loop3A_1371], %parallel_loop3A_1374 {strides = array<i32>} : memref<256x64xf32, #tpu.memory_space<vmem>>, vector<1x16xf32>,
        %parallel_loop3A_1375 = arith.constant 1 : i32
        %parallel_loop3A_1376 = arith.addi %parallel_loop3A_1288, %parallel_loop3A_1375 : i32
        %parallel_loop3A_1377 = arith.constant 0 : i32
        %parallel_loop3A_1378 = arith.subi %parallel_loop3A_1376, %parallel_loop3A_1377 : i32
        %parallel_loop3A_1379 = arith.index_cast %parallel_loop3A_1378 : i32 to index
        %parallel_loop3A_1380 = arith.constant 0 : index
        %parallel_loop3A_1381 = tpu.vector_load %arg4[%parallel_loop3A_1379, %parallel_loop3A_1380] {strides = array<i32>} : memref<256x64xf32, #tpu.memory_space<vmem>>, vector<1x16xf32>,
        %parallel_loop3A_1382 = vector.shape_cast %parallel_loop3A_1381 : vector<1x16xf32> to vector<16xf32>
        %parallel_loop3A_1383 = arith.mulf %parallel_loop3A_1382, %parallel_loop3A_1289 : vector<16xf32>
        %parallel_loop3A_1384 = arith.index_cast %parallel_loop3A_1378 : i32 to index
        %parallel_loop3A_1385 = arith.constant 16 : index
        %parallel_loop3A_1386 = tpu.vector_load %arg4[%parallel_loop3A_1384, %parallel_loop3A_1385] {strides = array<i32>} : memref<256x64xf32, #tpu.memory_space<vmem>>, vector<1x16xf32>,
        %parallel_loop3A_1387 = vector.shape_cast %parallel_loop3A_1386 : vector<1x16xf32> to vector<16xf32>
        %parallel_loop3A_1388 = arith.mulf %parallel_loop3A_1387, %parallel_loop3A_1290 : vector<16xf32>
        %parallel_loop3A_1389 = arith.index_cast %parallel_loop3A_1378 : i32 to index
        %parallel_loop3A_1390 = arith.constant 32 : index
        %parallel_loop3A_1391 = tpu.vector_load %arg4[%parallel_loop3A_1389, %parallel_loop3A_1390] {strides = array<i32>} : memref<256x64xf32, #tpu.memory_space<vmem>>, vector<1x16xf32>,
        %parallel_loop3A_1392 = vector.shape_cast %parallel_loop3A_1391 : vector<1x16xf32> to vector<16xf32>
        %parallel_loop3A_1393 = arith.mulf %parallel_loop3A_1392, %parallel_loop3A_1291 : vector<16xf32>
        %parallel_loop3A_1394 = arith.index_cast %parallel_loop3A_1378 : i32 to index
        %parallel_loop3A_1395 = arith.constant 48 : index
        %parallel_loop3A_1396 = tpu.vector_load %arg4[%parallel_loop3A_1394, %parallel_loop3A_1395] {strides = array<i32>} : memref<256x64xf32, #tpu.memory_space<vmem>>, vector<1x16xf32>,
        %parallel_loop3A_1397 = vector.shape_cast %parallel_loop3A_1396 : vector<1x16xf32> to vector<16xf32>
        %parallel_loop3A_1398 = arith.mulf %parallel_loop3A_1397, %parallel_loop3A_1292 : vector<16xf32>
        %parallel_loop3A_1399 = arith.mulf %parallel_loop3A_1289, %parallel_loop3A_1297 : vector<16xf32>
        %parallel_loop3A_1400 = arith.mulf %parallel_loop3A_1399, %parallel_loop3A_1350 : vector<16xf32>
        %parallel_loop3A_1401 = arith.subf %parallel_loop3A_1289, %parallel_loop3A_1400 : vector<16xf32>
        %parallel_loop3A_1402 = arith.mulf %parallel_loop3A_1290, %parallel_loop3A_1298 : vector<16xf32>
        %parallel_loop3A_1403 = arith.mulf %parallel_loop3A_1402, %parallel_loop3A_1350 : vector<16xf32>
        %parallel_loop3A_1404 = arith.subf %parallel_loop3A_1290, %parallel_loop3A_1403 : vector<16xf32>
        %parallel_loop3A_1405 = arith.mulf %parallel_loop3A_1291, %parallel_loop3A_1299 : vector<16xf32>
        %parallel_loop3A_1406 = arith.mulf %parallel_loop3A_1405, %parallel_loop3A_1350 : vector<16xf32>
        %parallel_loop3A_1407 = arith.subf %parallel_loop3A_1291, %parallel_loop3A_1406 : vector<16xf32>
        %parallel_loop3A_1408 = arith.mulf %parallel_loop3A_1292, %parallel_loop3A_1300 : vector<16xf32>
        %parallel_loop3A_1409 = arith.mulf %parallel_loop3A_1408, %parallel_loop3A_1350 : vector<16xf32>
        %parallel_loop3A_1410 = arith.subf %parallel_loop3A_1292, %parallel_loop3A_1409 : vector<16xf32>
        %parallel_loop3A_1411 = arith.mulf %parallel_loop3A_1383, %parallel_loop3A_1297 : vector<16xf32>
        %parallel_loop3A_1412 = arith.mulf %parallel_loop3A_1411, %parallel_loop3A_1350 : vector<16xf32>
        %parallel_loop3A_1413 = arith.subf %parallel_loop3A_1383, %parallel_loop3A_1412 : vector<16xf32>
        %parallel_loop3A_1414 = arith.mulf %parallel_loop3A_1388, %parallel_loop3A_1298 : vector<16xf32>
        %parallel_loop3A_1415 = arith.mulf %parallel_loop3A_1414, %parallel_loop3A_1350 : vector<16xf32>
        %parallel_loop3A_1416 = arith.subf %parallel_loop3A_1388, %parallel_loop3A_1415 : vector<16xf32>
        %parallel_loop3A_1417 = arith.mulf %parallel_loop3A_1393, %parallel_loop3A_1299 : vector<16xf32>
        %parallel_loop3A_1418 = arith.mulf %parallel_loop3A_1417, %parallel_loop3A_1350 : vector<16xf32>
        %parallel_loop3A_1419 = arith.subf %parallel_loop3A_1393, %parallel_loop3A_1418 : vector<16xf32>
        %parallel_loop3A_1420 = arith.mulf %parallel_loop3A_1398, %parallel_loop3A_1300 : vector<16xf32>
        %parallel_loop3A_1421 = arith.mulf %parallel_loop3A_1420, %parallel_loop3A_1350 : vector<16xf32>
        %parallel_loop3A_1422 = arith.subf %parallel_loop3A_1398, %parallel_loop3A_1421 : vector<16xf32>
        scf.yield %parallel_loop3A_1401, %parallel_loop3A_1404, %parallel_loop3A_1407, %parallel_loop3A_1410, %parallel_loop3A_1413, %parallel_loop3A_1416, %parallel_loop3A_1419, %parallel_loop3A_1422 : vector<16xf32>, vector<16xf32>, vector<16xf32>, vector<16xf32>, vector<16xf32>, vector<16xf32>, vector<16xf32>, vector<16xf32>
      } {sc.loop_unroll_factor = 8 : i64, sc.parallel_access}
      %dma_wait3A_53 = arith.constant 256 : i32
      %dma_wait3A_54 = arith.constant 0 : i32
      %dma_wait3A_55 = tpu.memref_slice %arg2[%dma_wait3A_53, %dma_wait3A_54] : memref<2048x64xf32, #tpu.memory_space<hbm>> -> memref<256x64xf32, #tpu.memory_space<hbm>>
      %dma_wait3A_56 = arith.constant 256 : i32
      %dma_wait3A_57 = arith.constant 0 : i32
      %dma_wait3A_58 = tpu.memref_slice %arg2[%dma_wait3A_56, %dma_wait3A_57] : memref<2048x64xf32, #tpu.memory_space<hbm>> -> memref<256x64xf32, #tpu.memory_space<hbm>>
      tpu.wait_dma2 semaphore(%arg8 : memref<!tpu.dma_semaphore, #tpu.memory_space<semaphore_mem>>) src(%dma_wait3A_58 : memref<256x64xf32, #tpu.memory_space<hbm>>) dst(%arg5 : memref<256x64xf32, #tpu.memory_space<vmem>>)
      %exp3A = math.exp %parallel_loop3A_52#4 : vector<16xf32>
      %exp3A_59 = math.exp %parallel_loop3A_52#5 : vector<16xf32>
      %exp3A_60 = math.exp %parallel_loop3A_52#6 : vector<16xf32>
      %exp3A_61 = math.exp %parallel_loop3A_52#7 : vector<16xf32>
      %add3A_62 = arith.addf %exp3A, %exp3A_59 : vector<16xf32>
      %add3A_63 = arith.addf %exp3A_60, %exp3A_61 : vector<16xf32>
      %add3A_64 = arith.addf %add3A_62, %add3A_63 : vector<16xf32>
      %lt3A = arith.constant 0 : i32
      %lt3A_65 = vector.broadcast %lt3A : i32 to vector<16xi32>
      %lt3A_66 = arith.cmpi slt, %xor3A_5, %lt3A_65 : vector<16xi32>
      %add3A_67 = arith.constant 16 : i32
      %add3A_68 = vector.broadcast %add3A_67 : i32 to vector<16xi32>
      %add3A_69 = arith.addi %xor3A_5, %add3A_68 : vector<16xi32>
      %select_n3A = arith.select %lt3A_66, %add3A_69, %xor3A_5 : vector<16xi1>, vector<16xi32>
      %broadcast_in_dim3A_70 = vector.shape_cast %select_n3A : vector<16xi32> to vector<16x1xi32>
      %gather3A = vector.shape_cast %broadcast_in_dim3A_70 : vector<16x1xi32> to vector<16xi32>
      %gather3A_71 = tpu.dynamic_gather %add3A_64[%gather3A] in [0] : vector<16xf32>, vector<16xi32> -> vector<16xf32>
      %add3A_72 = arith.addf %add3A_64, %gather3A_71 : vector<16xf32>
      %lt3A_73 = arith.constant 0 : i32
      %lt3A_74 = vector.broadcast %lt3A_73 : i32 to vector<16xi32>
      %lt3A_75 = arith.cmpi slt, %xor3A_8, %lt3A_74 : vector<16xi32>
      %add3A_76 = arith.constant 16 : i32
      %add3A_77 = vector.broadcast %add3A_76 : i32 to vector<16xi32>
      %add3A_78 = arith.addi %xor3A_8, %add3A_77 : vector<16xi32>
      %select_n3A_79 = arith.select %lt3A_75, %add3A_78, %xor3A_8 : vector<16xi1>, vector<16xi32>
      %broadcast_in_dim3A_80 = vector.shape_cast %select_n3A_79 : vector<16xi32> to vector<16x1xi32>
      %gather3A_81 = vector.shape_cast %broadcast_in_dim3A_80 : vector<16x1xi32> to vector<16xi32>
      %gather3A_82 = tpu.dynamic_gather %add3A_72[%gather3A_81] in [0] : vector<16xf32>, vector<16xi32> -> vector<16xf32>
      %add3A_83 = arith.addf %add3A_72, %gather3A_82 : vector<16xf32>
      %lt3A_84 = arith.constant 0 : i32
      %lt3A_85 = vector.broadcast %lt3A_84 : i32 to vector<16xi32>
      %lt3A_86 = arith.cmpi slt, %xor3A_11, %lt3A_85 : vector<16xi32>
      %add3A_87 = arith.constant 16 : i32
      %add3A_88 = vector.broadcast %add3A_87 : i32 to vector<16xi32>
      %add3A_89 = arith.addi %xor3A_11, %add3A_88 : vector<16xi32>
      %select_n3A_90 = arith.select %lt3A_86, %add3A_89, %xor3A_11 : vector<16xi1>, vector<16xi32>
      %broadcast_in_dim3A_91 = vector.shape_cast %select_n3A_90 : vector<16xi32> to vector<16x1xi32>
      %gather3A_92 = vector.shape_cast %broadcast_in_dim3A_91 : vector<16x1xi32> to vector<16xi32>
      %gather3A_93 = tpu.dynamic_gather %add3A_83[%gather3A_92] in [0] : vector<16xf32>, vector<16xi32> -> vector<16xf32>
      %add3A_94 = arith.addf %add3A_83, %gather3A_93 : vector<16xf32>
      %lt3A_95 = arith.constant 0 : i32
      %lt3A_96 = vector.broadcast %lt3A_95 : i32 to vector<16xi32>
      %lt3A_97 = arith.cmpi slt, %xor3A_14, %lt3A_96 : vector<16xi32>
      %add3A_98 = arith.constant 16 : i32
      %add3A_99 = vector.broadcast %add3A_98 : i32 to vector<16xi32>
      %add3A_100 = arith.addi %xor3A_14, %add3A_99 : vector<16xi32>
      %select_n3A_101 = arith.select %lt3A_97, %add3A_100, %xor3A_14 : vector<16xi1>, vector<16xi32>
      %broadcast_in_dim3A_102 = vector.shape_cast %select_n3A_101 : vector<16xi32> to vector<16x1xi32>
      %gather3A_103 = vector.shape_cast %broadcast_in_dim3A_102 : vector<16x1xi32> to vector<16xi32>
      %gather3A_104 = tpu.dynamic_gather %add3A_94[%gather3A_103] in [0] : vector<16xf32>, vector<16xi32> -> vector<16xf32>
      %add3A_105 = arith.addf %add3A_94, %gather3A_104 : vector<16xf32>
      %div3A = arith.constant 1.000000e+00 : f32
      %div3A_106 = vector.broadcast %div3A : f32 to vector<16xf32>
      %div3A_107 = arith.divf %div3A_106, %add3A_105 : vector<16xf32>
      %mul3A_108 = arith.mulf %exp3A, %div3A_107 : vector<16xf32>
      %swap3A = arith.constant 255 : i32
      %swap3A_109 = arith.index_cast %swap3A : i32 to index
      %swap3A_110 = arith.constant 0 : index
      %swap3A_111 = tpu.vector_load %arg6[%swap3A_109, %swap3A_110] {strides = array<i32>} : memref<256x64xf32, #tpu.memory_space<vmem>>, vector<1x16xf32>,
      %swap3A_112 = vector.shape_cast %swap3A_111 : vector<1x16xf32> to vector<16xf32>
      %swap3A_113 = vector.shape_cast %mul3A_108 : vector<16xf32> to vector<1x16xf32>
      tpu.vector_store %arg6[%swap3A_109, %swap3A_110], %swap3A_113 {strides = array<i32>} : memref<256x64xf32, #tpu.memory_space<vmem>>, vector<1x16xf32>,
      %mul3A_114 = arith.mulf %exp3A_59, %div3A_107 : vector<16xf32>
      %swap3A_115 = arith.constant 255 : i32
      %swap3A_116 = arith.index_cast %swap3A_115 : i32 to index
      %swap3A_117 = arith.constant 16 : index
      %swap3A_118 = tpu.vector_load %arg6[%swap3A_116, %swap3A_117] {strides = array<i32>} : memref<256x64xf32, #tpu.memory_space<vmem>>, vector<1x16xf32>,
      %swap3A_119 = vector.shape_cast %swap3A_118 : vector<1x16xf32> to vector<16xf32>
      %swap3A_120 = vector.shape_cast %mul3A_114 : vector<16xf32> to vector<1x16xf32>
      tpu.vector_store %arg6[%swap3A_116, %swap3A_117], %swap3A_120 {strides = array<i32>} : memref<256x64xf32, #tpu.memory_space<vmem>>, vector<1x16xf32>,
      %mul3A_121 = arith.mulf %exp3A_60, %div3A_107 : vector<16xf32>
      %swap3A_122 = arith.constant 255 : i32
      %swap3A_123 = arith.index_cast %swap3A_122 : i32 to index
      %swap3A_124 = arith.constant 32 : index
      %swap3A_125 = tpu.vector_load %arg6[%swap3A_123, %swap3A_124] {strides = array<i32>} : memref<256x64xf32, #tpu.memory_space<vmem>>, vector<1x16xf32>,
      %swap3A_126 = vector.shape_cast %swap3A_125 : vector<1x16xf32> to vector<16xf32>
      %swap3A_127 = vector.shape_cast %mul3A_121 : vector<16xf32> to vector<1x16xf32>
      tpu.vector_store %arg6[%swap3A_123, %swap3A_124], %swap3A_127 {strides = array<i32>} : memref<256x64xf32, #tpu.memory_space<vmem>>, vector<1x16xf32>,
      %mul3A_128 = arith.mulf %exp3A_61, %div3A_107 : vector<16xf32>
      %swap3A_129 = arith.constant 255 : i32
      %swap3A_130 = arith.index_cast %swap3A_129 : i32 to index
      %swap3A_131 = arith.constant 48 : index
      %swap3A_132 = tpu.vector_load %arg6[%swap3A_130, %swap3A_131] {strides = array<i32>} : memref<256x64xf32, #tpu.memory_space<vmem>>, vector<1x16xf32>,
      %swap3A_133 = vector.shape_cast %swap3A_132 : vector<1x16xf32> to vector<16xf32>
      %swap3A_134 = vector.shape_cast %mul3A_128 : vector<16xf32> to vector<1x16xf32>
      tpu.vector_store %arg6[%swap3A_130, %swap3A_131], %swap3A_134 {strides = array<i32>} : memref<256x64xf32, #tpu.memory_space<vmem>>, vector<1x16xf32>,
      %get3A_135 = arith.constant 0 : i32
      %get3A_136 = arith.index_cast %get3A_135 : i32 to index
      %get3A_137 = arith.constant 0 : index
      %get3A_138 = tpu.vector_load %arg5[%get3A_136, %get3A_137] {strides = array<i32>} : memref<256x64xf32, #tpu.memory_space<vmem>>, vector<1x16xf32>,
      %get3A_139 = vector.shape_cast %get3A_138 : vector<1x16xf32> to vector<16xf32>
      %mul3A_140 = arith.mulf %get3A_139, %parallel_loop3A_52#0 : vector<16xf32>
      %get3A_141 = arith.constant 0 : i32
      %get3A_142 = arith.index_cast %get3A_141 : i32 to index
      %get3A_143 = arith.constant 16 : index
      %get3A_144 = tpu.vector_load %arg5[%get3A_142, %get3A_143] {strides = array<i32>} : memref<256x64xf32, #tpu.memory_space<vmem>>, vector<1x16xf32>,
      %get3A_145 = vector.shape_cast %get3A_144 : vector<1x16xf32> to vector<16xf32>
      %mul3A_146 = arith.mulf %get3A_145, %parallel_loop3A_52#1 : vector<16xf32>
      %get3A_147 = arith.constant 0 : i32
      %get3A_148 = arith.index_cast %get3A_147 : i32 to index
      %get3A_149 = arith.constant 32 : index
      %get3A_150 = tpu.vector_load %arg5[%get3A_148, %get3A_149] {strides = array<i32>} : memref<256x64xf32, #tpu.memory_space<vmem>>, vector<1x16xf32>,
      %get3A_151 = vector.shape_cast %get3A_150 : vector<1x16xf32> to vector<16xf32>
      %mul3A_152 = arith.mulf %get3A_151, %parallel_loop3A_52#2 : vector<16xf32>
      %get3A_153 = arith.constant 0 : i32
      %get3A_154 = arith.index_cast %get3A_153 : i32 to index
      %get3A_155 = arith.constant 48 : index
      %get3A_156 = tpu.vector_load %arg5[%get3A_154, %get3A_155] {strides = array<i32>} : memref<256x64xf32, #tpu.memory_space<vmem>>, vector<1x16xf32>,
      %get3A_157 = vector.shape_cast %get3A_156 : vector<1x16xf32> to vector<16xf32>
      %mul3A_158 = arith.mulf %get3A_157, %parallel_loop3A_52#3 : vector<16xf32>
      %mul3A_159 = arith.mulf %parallel_loop3A_52#0, %exp3A : vector<16xf32>
      %mul3A_160 = arith.mulf %mul3A_159, %div3A_107 : vector<16xf32>
      %sub3A = arith.subf %parallel_loop3A_52#0, %mul3A_160 : vector<16xf32>
      %mul3A_161 = arith.mulf %parallel_loop3A_52#1, %exp3A_59 : vector<16xf32>
      %mul3A_162 = arith.mulf %mul3A_161, %div3A_107 : vector<16xf32>
      %sub3A_163 = arith.subf %parallel_loop3A_52#1, %mul3A_162 : vector<16xf32>
      %mul3A_164 = arith.mulf %parallel_loop3A_52#2, %exp3A_60 : vector<16xf32>
      %mul3A_165 = arith.mulf %mul3A_164, %div3A_107 : vector<16xf32>
      %sub3A_166 = arith.subf %parallel_loop3A_52#2, %mul3A_165 : vector<16xf32>
      %mul3A_167 = arith.mulf %parallel_loop3A_52#3, %exp3A_61 : vector<16xf32>
      %mul3A_168 = arith.mulf %mul3A_167, %div3A_107 : vector<16xf32>
      %sub3A_169 = arith.subf %parallel_loop3A_52#3, %mul3A_168 : vector<16xf32>
      %mul3A_170 = arith.mulf %mul3A_140, %exp3A : vector<16xf32>
      %mul3A_171 = arith.mulf %mul3A_170, %div3A_107 : vector<16xf32>
      %sub3A_172 = arith.subf %mul3A_140, %mul3A_171 : vector<16xf32>
      %mul3A_173 = arith.mulf %mul3A_146, %exp3A_59 : vector<16xf32>
      %mul3A_174 = arith.mulf %mul3A_173, %div3A_107 : vector<16xf32>
      %sub3A_175 = arith.subf %mul3A_146, %mul3A_174 : vector<16xf32>
      %mul3A_176 = arith.mulf %mul3A_152, %exp3A_60 : vector<16xf32>
      %mul3A_177 = arith.mulf %mul3A_176, %div3A_107 : vector<16xf32>
      %sub3A_178 = arith.subf %mul3A_152, %mul3A_177 : vector<16xf32>
      %mul3A_179 = arith.mulf %mul3A_158, %exp3A_61 : vector<16xf32>
      %mul3A_180 = arith.mulf %mul3A_179, %div3A_107 : vector<16xf32>
      %sub3A_181 = arith.subf %mul3A_158, %mul3A_180 : vector<16xf32>
      %dma_start3A_182 = arith.constant 0 : i32
      %dma_start3A_183 = arith.constant 0 : i32
      %dma_start3A_184 = tpu.memref_slice %arg3[%dma_start3A_182, %dma_start3A_183] : memref<2048x64xf32, #tpu.memory_space<hbm>> -> memref<256x64xf32, #tpu.memory_space<hbm>>
      %dma_start3A_185 = arith.constant 0 : i32
      %dma_start3A_186 = arith.constant 0 : i32
      %dma_start3A_187 = tpu.memref_slice %arg3[%dma_start3A_185, %dma_start3A_186] : memref<2048x64xf32, #tpu.memory_space<hbm>> -> memref<256x64xf32, #tpu.memory_space<hbm>>
      tpu.enqueue_dma source(%arg6 : memref<256x64xf32, #tpu.memory_space<vmem>>) target(%dma_start3A_187 : memref<256x64xf32, #tpu.memory_space<hbm>>) target_semaphore(%arg9 : memref<!tpu.dma_semaphore, #tpu.memory_space<semaphore_mem>>)
      %dma_start3A_188 = arith.constant 512 : i32
      %dma_start3A_189 = arith.constant 0 : i32
      %dma_start3A_190 = tpu.memref_slice %arg2[%dma_start3A_188, %dma_start3A_189] : memref<2048x64xf32, #tpu.memory_space<hbm>> -> memref<256x64xf32, #tpu.memory_space<hbm>>
      %dma_start3A_191 = arith.constant 512 : i32
      %dma_start3A_192 = arith.constant 0 : i32
      %dma_start3A_193 = tpu.memref_slice %arg2[%dma_start3A_191, %dma_start3A_192] : memref<2048x64xf32, #tpu.memory_space<hbm>> -> memref<256x64xf32, #tpu.memory_space<hbm>>
      tpu.enqueue_dma source(%dma_start3A_193 : memref<256x64xf32, #tpu.memory_space<hbm>>) target(%arg4 : memref<256x64xf32, #tpu.memory_space<vmem>>) target_semaphore(%arg8 : memref<!tpu.dma_semaphore, #tpu.memory_space<semaphore_mem>>)
      %parallel_loop3A_194 = arith.constant 0 : i32
      %parallel_loop3A_195 = arith.constant 255 : i32
      %parallel_loop3A_196 = arith.constant 1 : i32
      %parallel_loop3A_197:8 = scf.for %parallel_loop3A_1288 = %parallel_loop3A_194 to %parallel_loop3A_195 step %parallel_loop3A_196 iter_args(%parallel_loop3A_1289 = %sub3A, %parallel_loop3A_1290 = %sub3A_163, %parallel_loop3A_1291 = %sub3A_166, %parallel_loop3A_1292 = %sub3A_169, %parallel_loop3A_1293 = %sub3A_172, %parallel_loop3A_1294 = %sub3A_175, %parallel_loop3A_1295 = %sub3A_178, %parallel_loop3A_1296 = %sub3A_181) -> (vector<16xf32>, vector<16xf32>, vector<16xf32>, vector<16xf32>, vector<16xf32>, vector<16xf32>, vector<16xf32>, vector<16xf32>)  : i32 {
        %parallel_loop3A_1297 = math.exp %parallel_loop3A_1293 : vector<16xf32>
        %parallel_loop3A_1298 = math.exp %parallel_loop3A_1294 : vector<16xf32>
        %parallel_loop3A_1299 = math.exp %parallel_loop3A_1295 : vector<16xf32>
        %parallel_loop3A_1300 = math.exp %parallel_loop3A_1296 : vector<16xf32>
        %parallel_loop3A_1301 = arith.addf %parallel_loop3A_1297, %parallel_loop3A_1298 : vector<16xf32>
        %parallel_loop3A_1302 = arith.addf %parallel_loop3A_1299, %parallel_loop3A_1300 : vector<16xf32>
        %parallel_loop3A_1303 = arith.addf %parallel_loop3A_1301, %parallel_loop3A_1302 : vector<16xf32>
        %parallel_loop3A_1304 = arith.constant 0 : i32
        %parallel_loop3A_1305 = vector.broadcast %parallel_loop3A_1304 : i32 to vector<16xi32>
        %parallel_loop3A_1306 = arith.cmpi slt, %xor3A_5, %parallel_loop3A_1305 : vector<16xi32>
        %parallel_loop3A_1307 = arith.constant 16 : i32
        %parallel_loop3A_1308 = vector.broadcast %parallel_loop3A_1307 : i32 to vector<16xi32>
        %parallel_loop3A_1309 = arith.addi %xor3A_5, %parallel_loop3A_1308 : vector<16xi32>
        %parallel_loop3A_1310 = arith.select %parallel_loop3A_1306, %parallel_loop3A_1309, %xor3A_5 : vector<16xi1>, vector<16xi32>
        %parallel_loop3A_1311 = vector.shape_cast %parallel_loop3A_1310 : vector<16xi32> to vector<16x1xi32>
        %parallel_loop3A_1312 = vector.shape_cast %parallel_loop3A_1311 : vector<16x1xi32> to vector<16xi32>
        %parallel_loop3A_1313 = tpu.dynamic_gather %parallel_loop3A_1303[%parallel_loop3A_1312] in [0] : vector<16xf32>, vector<16xi32> -> vector<16xf32>
        %parallel_loop3A_1314 = arith.addf %parallel_loop3A_1303, %parallel_loop3A_1313 : vector<16xf32>
        %parallel_loop3A_1315 = arith.constant 0 : i32
        %parallel_loop3A_1316 = vector.broadcast %parallel_loop3A_1315 : i32 to vector<16xi32>
        %parallel_loop3A_1317 = arith.cmpi slt, %xor3A_8, %parallel_loop3A_1316 : vector<16xi32>
        %parallel_loop3A_1318 = arith.constant 16 : i32
        %parallel_loop3A_1319 = vector.broadcast %parallel_loop3A_1318 : i32 to vector<16xi32>
        %parallel_loop3A_1320 = arith.addi %xor3A_8, %parallel_loop3A_1319 : vector<16xi32>
        %parallel_loop3A_1321 = arith.select %parallel_loop3A_1317, %parallel_loop3A_1320, %xor3A_8 : vector<16xi1>, vector<16xi32>
        %parallel_loop3A_1322 = vector.shape_cast %parallel_loop3A_1321 : vector<16xi32> to vector<16x1xi32>
        %parallel_loop3A_1323 = vector.shape_cast %parallel_loop3A_1322 : vector<16x1xi32> to vector<16xi32>
        %parallel_loop3A_1324 = tpu.dynamic_gather %parallel_loop3A_1314[%parallel_loop3A_1323] in [0] : vector<16xf32>, vector<16xi32> -> vector<16xf32>
        %parallel_loop3A_1325 = arith.addf %parallel_loop3A_1314, %parallel_loop3A_1324 : vector<16xf32>
        %parallel_loop3A_1326 = arith.constant 0 : i32
        %parallel_loop3A_1327 = vector.broadcast %parallel_loop3A_1326 : i32 to vector<16xi32>
        %parallel_loop3A_1328 = arith.cmpi slt, %xor3A_11, %parallel_loop3A_1327 : vector<16xi32>
        %parallel_loop3A_1329 = arith.constant 16 : i32
        %parallel_loop3A_1330 = vector.broadcast %parallel_loop3A_1329 : i32 to vector<16xi32>
        %parallel_loop3A_1331 = arith.addi %xor3A_11, %parallel_loop3A_1330 : vector<16xi32>
        %parallel_loop3A_1332 = arith.select %parallel_loop3A_1328, %parallel_loop3A_1331, %xor3A_11 : vector<16xi1>, vector<16xi32>
        %parallel_loop3A_1333 = vector.shape_cast %parallel_loop3A_1332 : vector<16xi32> to vector<16x1xi32>
        %parallel_loop3A_1334 = vector.shape_cast %parallel_loop3A_1333 : vector<16x1xi32> to vector<16xi32>
        %parallel_loop3A_1335 = tpu.dynamic_gather %parallel_loop3A_1325[%parallel_loop3A_1334] in [0] : vector<16xf32>, vector<16xi32> -> vector<16xf32>
        %parallel_loop3A_1336 = arith.addf %parallel_loop3A_1325, %parallel_loop3A_1335 : vector<16xf32>
        %parallel_loop3A_1337 = arith.constant 0 : i32
        %parallel_loop3A_1338 = vector.broadcast %parallel_loop3A_1337 : i32 to vector<16xi32>
        %parallel_loop3A_1339 = arith.cmpi slt, %xor3A_14, %parallel_loop3A_1338 : vector<16xi32>
        %parallel_loop3A_1340 = arith.constant 16 : i32
        %parallel_loop3A_1341 = vector.broadcast %parallel_loop3A_1340 : i32 to vector<16xi32>
        %parallel_loop3A_1342 = arith.addi %xor3A_14, %parallel_loop3A_1341 : vector<16xi32>
        %parallel_loop3A_1343 = arith.select %parallel_loop3A_1339, %parallel_loop3A_1342, %xor3A_14 : vector<16xi1>, vector<16xi32>
        %parallel_loop3A_1344 = vector.shape_cast %parallel_loop3A_1343 : vector<16xi32> to vector<16x1xi32>
        %parallel_loop3A_1345 = vector.shape_cast %parallel_loop3A_1344 : vector<16x1xi32> to vector<16xi32>
        %parallel_loop3A_1346 = tpu.dynamic_gather %parallel_loop3A_1336[%parallel_loop3A_1345] in [0] : vector<16xf32>, vector<16xi32> -> vector<16xf32>
        %parallel_loop3A_1347 = arith.addf %parallel_loop3A_1336, %parallel_loop3A_1346 : vector<16xf32>
        %parallel_loop3A_1348 = arith.constant 1.000000e+00 : f32
        %parallel_loop3A_1349 = vector.broadcast %parallel_loop3A_1348 : f32 to vector<16xf32>
        %parallel_loop3A_1350 = arith.divf %parallel_loop3A_1349, %parallel_loop3A_1347 : vector<16xf32>
        %parallel_loop3A_1351 = arith.mulf %parallel_loop3A_1297, %parallel_loop3A_1350 : vector<16xf32>
        %parallel_loop3A_1352 = arith.index_cast %parallel_loop3A_1288 : i32 to index
        %parallel_loop3A_1353 = arith.constant 0 : index
        %parallel_loop3A_1354 = tpu.vector_load %arg7[%parallel_loop3A_1352, %parallel_loop3A_1353] {strides = array<i32>} : memref<256x64xf32, #tpu.memory_space<vmem>>, vector<1x16xf32>,
        %parallel_loop3A_1355 = vector.shape_cast %parallel_loop3A_1354 : vector<1x16xf32> to vector<16xf32>
        %parallel_loop3A_1356 = vector.shape_cast %parallel_loop3A_1351 : vector<16xf32> to vector<1x16xf32>
        tpu.vector_store %arg7[%parallel_loop3A_1352, %parallel_loop3A_1353], %parallel_loop3A_1356 {strides = array<i32>} : memref<256x64xf32, #tpu.memory_space<vmem>>, vector<1x16xf32>,
        %parallel_loop3A_1357 = arith.mulf %parallel_loop3A_1298, %parallel_loop3A_1350 : vector<16xf32>
        %parallel_loop3A_1358 = arith.index_cast %parallel_loop3A_1288 : i32 to index
        %parallel_loop3A_1359 = arith.constant 16 : index
        %parallel_loop3A_1360 = tpu.vector_load %arg7[%parallel_loop3A_1358, %parallel_loop3A_1359] {strides = array<i32>} : memref<256x64xf32, #tpu.memory_space<vmem>>, vector<1x16xf32>,
        %parallel_loop3A_1361 = vector.shape_cast %parallel_loop3A_1360 : vector<1x16xf32> to vector<16xf32>
        %parallel_loop3A_1362 = vector.shape_cast %parallel_loop3A_1357 : vector<16xf32> to vector<1x16xf32>
        tpu.vector_store %arg7[%parallel_loop3A_1358, %parallel_loop3A_1359], %parallel_loop3A_1362 {strides = array<i32>} : memref<256x64xf32, #tpu.memory_space<vmem>>, vector<1x16xf32>,
        %parallel_loop3A_1363 = arith.mulf %parallel_loop3A_1299, %parallel_loop3A_1350 : vector<16xf32>
        %parallel_loop3A_1364 = arith.index_cast %parallel_loop3A_1288 : i32 to index
        %parallel_loop3A_1365 = arith.constant 32 : index
        %parallel_loop3A_1366 = tpu.vector_load %arg7[%parallel_loop3A_1364, %parallel_loop3A_1365] {strides = array<i32>} : memref<256x64xf32, #tpu.memory_space<vmem>>, vector<1x16xf32>,
        %parallel_loop3A_1367 = vector.shape_cast %parallel_loop3A_1366 : vector<1x16xf32> to vector<16xf32>
        %parallel_loop3A_1368 = vector.shape_cast %parallel_loop3A_1363 : vector<16xf32> to vector<1x16xf32>
        tpu.vector_store %arg7[%parallel_loop3A_1364, %parallel_loop3A_1365], %parallel_loop3A_1368 {strides = array<i32>} : memref<256x64xf32, #tpu.memory_space<vmem>>, vector<1x16xf32>,
        %parallel_loop3A_1369 = arith.mulf %parallel_loop3A_1300, %parallel_loop3A_1350 : vector<16xf32>
        %parallel_loop3A_1370 = arith.index_cast %parallel_loop3A_1288 : i32 to index
        %parallel_loop3A_1371 = arith.constant 48 : index
        %parallel_loop3A_1372 = tpu.vector_load %arg7[%parallel_loop3A_1370, %parallel_loop3A_1371] {strides = array<i32>} : memref<256x64xf32, #tpu.memory_space<vmem>>, vector<1x16xf32>,
        %parallel_loop3A_1373 = vector.shape_cast %parallel_loop3A_1372 : vector<1x16xf32> to vector<16xf32>
        %parallel_loop3A_1374 = vector.shape_cast %parallel_loop3A_1369 : vector<16xf32> to vector<1x16xf32>
        tpu.vector_store %arg7[%parallel_loop3A_1370, %parallel_loop3A_1371], %parallel_loop3A_1374 {strides = array<i32>} : memref<256x64xf32, #tpu.memory_space<vmem>>, vector<1x16xf32>,
        %parallel_loop3A_1375 = arith.constant 1 : i32
        %parallel_loop3A_1376 = arith.addi %parallel_loop3A_1288, %parallel_loop3A_1375 : i32
        %parallel_loop3A_1377 = arith.constant 0 : i32
        %parallel_loop3A_1378 = arith.subi %parallel_loop3A_1376, %parallel_loop3A_1377 : i32
        %parallel_loop3A_1379 = arith.index_cast %parallel_loop3A_1378 : i32 to index
        %parallel_loop3A_1380 = arith.constant 0 : index
        %parallel_loop3A_1381 = tpu.vector_load %arg5[%parallel_loop3A_1379, %parallel_loop3A_1380] {strides = array<i32>} : memref<256x64xf32, #tpu.memory_space<vmem>>, vector<1x16xf32>,
        %parallel_loop3A_1382 = vector.shape_cast %parallel_loop3A_1381 : vector<1x16xf32> to vector<16xf32>
        %parallel_loop3A_1383 = arith.mulf %parallel_loop3A_1382, %parallel_loop3A_1289 : vector<16xf32>
        %parallel_loop3A_1384 = arith.index_cast %parallel_loop3A_1378 : i32 to index
        %parallel_loop3A_1385 = arith.constant 16 : index
        %parallel_loop3A_1386 = tpu.vector_load %arg5[%parallel_loop3A_1384, %parallel_loop3A_1385] {strides = array<i32>} : memref<256x64xf32, #tpu.memory_space<vmem>>, vector<1x16xf32>,
        %parallel_loop3A_1387 = vector.shape_cast %parallel_loop3A_1386 : vector<1x16xf32> to vector<16xf32>
        %parallel_loop3A_1388 = arith.mulf %parallel_loop3A_1387, %parallel_loop3A_1290 : vector<16xf32>
        %parallel_loop3A_1389 = arith.index_cast %parallel_loop3A_1378 : i32 to index
        %parallel_loop3A_1390 = arith.constant 32 : index
        %parallel_loop3A_1391 = tpu.vector_load %arg5[%parallel_loop3A_1389, %parallel_loop3A_1390] {strides = array<i32>} : memref<256x64xf32, #tpu.memory_space<vmem>>, vector<1x16xf32>,
        %parallel_loop3A_1392 = vector.shape_cast %parallel_loop3A_1391 : vector<1x16xf32> to vector<16xf32>
        %parallel_loop3A_1393 = arith.mulf %parallel_loop3A_1392, %parallel_loop3A_1291 : vector<16xf32>
        %parallel_loop3A_1394 = arith.index_cast %parallel_loop3A_1378 : i32 to index
        %parallel_loop3A_1395 = arith.constant 48 : index
        %parallel_loop3A_1396 = tpu.vector_load %arg5[%parallel_loop3A_1394, %parallel_loop3A_1395] {strides = array<i32>} : memref<256x64xf32, #tpu.memory_space<vmem>>, vector<1x16xf32>,
        %parallel_loop3A_1397 = vector.shape_cast %parallel_loop3A_1396 : vector<1x16xf32> to vector<16xf32>
        %parallel_loop3A_1398 = arith.mulf %parallel_loop3A_1397, %parallel_loop3A_1292 : vector<16xf32>
        %parallel_loop3A_1399 = arith.mulf %parallel_loop3A_1289, %parallel_loop3A_1297 : vector<16xf32>
        %parallel_loop3A_1400 = arith.mulf %parallel_loop3A_1399, %parallel_loop3A_1350 : vector<16xf32>
        %parallel_loop3A_1401 = arith.subf %parallel_loop3A_1289, %parallel_loop3A_1400 : vector<16xf32>
        %parallel_loop3A_1402 = arith.mulf %parallel_loop3A_1290, %parallel_loop3A_1298 : vector<16xf32>
        %parallel_loop3A_1403 = arith.mulf %parallel_loop3A_1402, %parallel_loop3A_1350 : vector<16xf32>
        %parallel_loop3A_1404 = arith.subf %parallel_loop3A_1290, %parallel_loop3A_1403 : vector<16xf32>
        %parallel_loop3A_1405 = arith.mulf %parallel_loop3A_1291, %parallel_loop3A_1299 : vector<16xf32>
        %parallel_loop3A_1406 = arith.mulf %parallel_loop3A_1405, %parallel_loop3A_1350 : vector<16xf32>
        %parallel_loop3A_1407 = arith.subf %parallel_loop3A_1291, %parallel_loop3A_1406 : vector<16xf32>
        %parallel_loop3A_1408 = arith.mulf %parallel_loop3A_1292, %parallel_loop3A_1300 : vector<16xf32>
        %parallel_loop3A_1409 = arith.mulf %parallel_loop3A_1408, %parallel_loop3A_1350 : vector<16xf32>
        %parallel_loop3A_1410 = arith.subf %parallel_loop3A_1292, %parallel_loop3A_1409 : vector<16xf32>
        %parallel_loop3A_1411 = arith.mulf %parallel_loop3A_1383, %parallel_loop3A_1297 : vector<16xf32>
        %parallel_loop3A_1412 = arith.mulf %parallel_loop3A_1411, %parallel_loop3A_1350 : vector<16xf32>
        %parallel_loop3A_1413 = arith.subf %parallel_loop3A_1383, %parallel_loop3A_1412 : vector<16xf32>
        %parallel_loop3A_1414 = arith.mulf %parallel_loop3A_1388, %parallel_loop3A_1298 : vector<16xf32>
        %parallel_loop3A_1415 = arith.mulf %parallel_loop3A_1414, %parallel_loop3A_1350 : vector<16xf32>
        %parallel_loop3A_1416 = arith.subf %parallel_loop3A_1388, %parallel_loop3A_1415 : vector<16xf32>
        %parallel_loop3A_1417 = arith.mulf %parallel_loop3A_1393, %parallel_loop3A_1299 : vector<16xf32>
        %parallel_loop3A_1418 = arith.mulf %parallel_loop3A_1417, %parallel_loop3A_1350 : vector<16xf32>
        %parallel_loop3A_1419 = arith.subf %parallel_loop3A_1393, %parallel_loop3A_1418 : vector<16xf32>
        %parallel_loop3A_1420 = arith.mulf %parallel_loop3A_1398, %parallel_loop3A_1300 : vector<16xf32>
        %parallel_loop3A_1421 = arith.mulf %parallel_loop3A_1420, %parallel_loop3A_1350 : vector<16xf32>
        %parallel_loop3A_1422 = arith.subf %parallel_loop3A_1398, %parallel_loop3A_1421 : vector<16xf32>
        scf.yield %parallel_loop3A_1401, %parallel_loop3A_1404, %parallel_loop3A_1407, %parallel_loop3A_1410, %parallel_loop3A_1413, %parallel_loop3A_1416, %parallel_loop3A_1419, %parallel_loop3A_1422 : vector<16xf32>, vector<16xf32>, vector<16xf32>, vector<16xf32>, vector<16xf32>, vector<16xf32>, vector<16xf32>, vector<16xf32>
      } {sc.loop_unroll_factor = 8 : i64, sc.parallel_access}
      %dma_wait3A_198 = arith.constant 512 : i32
      %dma_wait3A_199 = arith.constant 0 : i32
      %dma_wait3A_200 = tpu.memref_slice %arg2[%dma_wait3A_198, %dma_wait3A_199] : memref<2048x64xf32, #tpu.memory_space<hbm>> -> memref<256x64xf32, #tpu.memory_space<hbm>>
      %dma_wait3A_201 = arith.constant 512 : i32
      %dma_wait3A_202 = arith.constant 0 : i32
      %dma_wait3A_203 = tpu.memref_slice %arg2[%dma_wait3A_201, %dma_wait3A_202] : memref<2048x64xf32, #tpu.memory_space<hbm>> -> memref<256x64xf32, #tpu.memory_space<hbm>>
      tpu.wait_dma2 semaphore(%arg8 : memref<!tpu.dma_semaphore, #tpu.memory_space<semaphore_mem>>) src(%dma_wait3A_203 : memref<256x64xf32, #tpu.memory_space<hbm>>) dst(%arg4 : memref<256x64xf32, #tpu.memory_space<vmem>>)
      %exp3A_204 = math.exp %parallel_loop3A_197#4 : vector<16xf32>
      %exp3A_205 = math.exp %parallel_loop3A_197#5 : vector<16xf32>
      %exp3A_206 = math.exp %parallel_loop3A_197#6 : vector<16xf32>
      %exp3A_207 = math.exp %parallel_loop3A_197#7 : vector<16xf32>
      %add3A_208 = arith.addf %exp3A_204, %exp3A_205 : vector<16xf32>
      %add3A_209 = arith.addf %exp3A_206, %exp3A_207 : vector<16xf32>
      %add3A_210 = arith.addf %add3A_208, %add3A_209 : vector<16xf32>
      %lt3A_211 = arith.constant 0 : i32
      %lt3A_212 = vector.broadcast %lt3A_211 : i32 to vector<16xi32>
      %lt3A_213 = arith.cmpi slt, %xor3A_5, %lt3A_212 : vector<16xi32>
      %add3A_214 = arith.constant 16 : i32
      %add3A_215 = vector.broadcast %add3A_214 : i32 to vector<16xi32>
      %add3A_216 = arith.addi %xor3A_5, %add3A_215 : vector<16xi32>
      %select_n3A_217 = arith.select %lt3A_213, %add3A_216, %xor3A_5 : vector<16xi1>, vector<16xi32>
      %broadcast_in_dim3A_218 = vector.shape_cast %select_n3A_217 : vector<16xi32> to vector<16x1xi32>
      %gather3A_219 = vector.shape_cast %broadcast_in_dim3A_218 : vector<16x1xi32> to vector<16xi32>
      %gather3A_220 = tpu.dynamic_gather %add3A_210[%gather3A_219] in [0] : vector<16xf32>, vector<16xi32> -> vector<16xf32>
      %add3A_221 = arith.addf %add3A_210, %gather3A_220 : vector<16xf32>
      %lt3A_222 = arith.constant 0 : i32
      %lt3A_223 = vector.broadcast %lt3A_222 : i32 to vector<16xi32>
      %lt3A_224 = arith.cmpi slt, %xor3A_8, %lt3A_223 : vector<16xi32>
      %add3A_225 = arith.constant 16 : i32
      %add3A_226 = vector.broadcast %add3A_225 : i32 to vector<16xi32>
      %add3A_227 = arith.addi %xor3A_8, %add3A_226 : vector<16xi32>
      %select_n3A_228 = arith.select %lt3A_224, %add3A_227, %xor3A_8 : vector<16xi1>, vector<16xi32>
      %broadcast_in_dim3A_229 = vector.shape_cast %select_n3A_228 : vector<16xi32> to vector<16x1xi32>
      %gather3A_230 = vector.shape_cast %broadcast_in_dim3A_229 : vector<16x1xi32> to vector<16xi32>
      %gather3A_231 = tpu.dynamic_gather %add3A_221[%gather3A_230] in [0] : vector<16xf32>, vector<16xi32> -> vector<16xf32>
      %add3A_232 = arith.addf %add3A_221, %gather3A_231 : vector<16xf32>
      %lt3A_233 = arith.constant 0 : i32
      %lt3A_234 = vector.broadcast %lt3A_233 : i32 to vector<16xi32>
      %lt3A_235 = arith.cmpi slt, %xor3A_11, %lt3A_234 : vector<16xi32>
      %add3A_236 = arith.constant 16 : i32
      %add3A_237 = vector.broadcast %add3A_236 : i32 to vector<16xi32>
      %add3A_238 = arith.addi %xor3A_11, %add3A_237 : vector<16xi32>
      %select_n3A_239 = arith.select %lt3A_235, %add3A_238, %xor3A_11 : vector<16xi1>, vector<16xi32>
      %broadcast_in_dim3A_240 = vector.shape_cast %select_n3A_239 : vector<16xi32> to vector<16x1xi32>
      %gather3A_241 = vector.shape_cast %broadcast_in_dim3A_240 : vector<16x1xi32> to vector<16xi32>
      %gather3A_242 = tpu.dynamic_gather %add3A_232[%gather3A_241] in [0] : vector<16xf32>, vector<16xi32> -> vector<16xf32>
      %add3A_243 = arith.addf %add3A_232, %gather3A_242 : vector<16xf32>
      %lt3A_244 = arith.constant 0 : i32
      %lt3A_245 = vector.broadcast %lt3A_244 : i32 to vector<16xi32>
      %lt3A_246 = arith.cmpi slt, %xor3A_14, %lt3A_245 : vector<16xi32>
      %add3A_247 = arith.constant 16 : i32
      %add3A_248 = vector.broadcast %add3A_247 : i32 to vector<16xi32>
      %add3A_249 = arith.addi %xor3A_14, %add3A_248 : vector<16xi32>
      %select_n3A_250 = arith.select %lt3A_246, %add3A_249, %xor3A_14 : vector<16xi1>, vector<16xi32>
      %broadcast_in_dim3A_251 = vector.shape_cast %select_n3A_250 : vector<16xi32> to vector<16x1xi32>
      %gather3A_252 = vector.shape_cast %broadcast_in_dim3A_251 : vector<16x1xi32> to vector<16xi32>
      %gather3A_253 = tpu.dynamic_gather %add3A_243[%gather3A_252] in [0] : vector<16xf32>, vector<16xi32> -> vector<16xf32>
      %add3A_254 = arith.addf %add3A_243, %gather3A_253 : vector<16xf32>
      %div3A_255 = arith.constant 1.000000e+00 : f32
      %div3A_256 = vector.broadcast %div3A_255 : f32 to vector<16xf32>
      %div3A_257 = arith.divf %div3A_256, %add3A_254 : vector<16xf32>
      %mul3A_258 = arith.mulf %exp3A_204, %div3A_257 : vector<16xf32>
      %swap3A_259 = arith.constant 255 : i32
      %swap3A_260 = arith.index_cast %swap3A_259 : i32 to index
      %swap3A_261 = arith.constant 0 : index
      %swap3A_262 = tpu.vector_load %arg7[%swap3A_260, %swap3A_261] {strides = array<i32>} : memref<256x64xf32, #tpu.memory_space<vmem>>, vector<1x16xf32>,
      %swap3A_263 = vector.shape_cast %swap3A_262 : vector<1x16xf32> to vector<16xf32>
      %swap3A_264 = vector.shape_cast %mul3A_258 : vector<16xf32> to vector<1x16xf32>
      tpu.vector_store %arg7[%swap3A_260, %swap3A_261], %swap3A_264 {strides = array<i32>} : memref<256x64xf32, #tpu.memory_space<vmem>>, vector<1x16xf32>,
      %mul3A_265 = arith.mulf %exp3A_205, %div3A_257 : vector<16xf32>
      %swap3A_266 = arith.constant 255 : i32
      %swap3A_267 = arith.index_cast %swap3A_266 : i32 to index
      %swap3A_268 = arith.constant 16 : index
      %swap3A_269 = tpu.vector_load %arg7[%swap3A_267, %swap3A_268] {strides = array<i32>} : memref<256x64xf32, #tpu.memory_space<vmem>>, vector<1x16xf32>,
      %swap3A_270 = vector.shape_cast %swap3A_269 : vector<1x16xf32> to vector<16xf32>
      %swap3A_271 = vector.shape_cast %mul3A_265 : vector<16xf32> to vector<1x16xf32>
      tpu.vector_store %arg7[%swap3A_267, %swap3A_268], %swap3A_271 {strides = array<i32>} : memref<256x64xf32, #tpu.memory_space<vmem>>, vector<1x16xf32>,
      %mul3A_272 = arith.mulf %exp3A_206, %div3A_257 : vector<16xf32>
      %swap3A_273 = arith.constant 255 : i32
      %swap3A_274 = arith.index_cast %swap3A_273 : i32 to index
      %swap3A_275 = arith.constant 32 : index
      %swap3A_276 = tpu.vector_load %arg7[%swap3A_274, %swap3A_275] {strides = array<i32>} : memref<256x64xf32, #tpu.memory_space<vmem>>, vector<1x16xf32>,
      %swap3A_277 = vector.shape_cast %swap3A_276 : vector<1x16xf32> to vector<16xf32>
      %swap3A_278 = vector.shape_cast %mul3A_272 : vector<16xf32> to vector<1x16xf32>
      tpu.vector_store %arg7[%swap3A_274, %swap3A_275], %swap3A_278 {strides = array<i32>} : memref<256x64xf32, #tpu.memory_space<vmem>>, vector<1x16xf32>,
      %mul3A_279 = arith.mulf %exp3A_207, %div3A_257 : vector<16xf32>
      %swap3A_280 = arith.constant 255 : i32
      %swap3A_281 = arith.index_cast %swap3A_280 : i32 to index
      %swap3A_282 = arith.constant 48 : index
      %swap3A_283 = tpu.vector_load %arg7[%swap3A_281, %swap3A_282] {strides = array<i32>} : memref<256x64xf32, #tpu.memory_space<vmem>>, vector<1x16xf32>,
      %swap3A_284 = vector.shape_cast %swap3A_283 : vector<1x16xf32> to vector<16xf32>
      %swap3A_285 = vector.shape_cast %mul3A_279 : vector<16xf32> to vector<1x16xf32>
      tpu.vector_store %arg7[%swap3A_281, %swap3A_282], %swap3A_285 {strides = array<i32>} : memref<256x64xf32, #tpu.memory_space<vmem>>, vector<1x16xf32>,
      %get3A_286 = arith.constant 0 : i32
      %get3A_287 = arith.index_cast %get3A_286 : i32 to index
      %get3A_288 = arith.constant 0 : index
      %get3A_289 = tpu.vector_load %arg4[%get3A_287, %get3A_288] {strides = array<i32>} : memref<256x64xf32, #tpu.memory_space<vmem>>, vector<1x16xf32>,
      %get3A_290 = vector.shape_cast %get3A_289 : vector<1x16xf32> to vector<16xf32>
      %mul3A_291 = arith.mulf %get3A_290, %parallel_loop3A_197#0 : vector<16xf32>
      %get3A_292 = arith.constant 0 : i32
      %get3A_293 = arith.index_cast %get3A_292 : i32 to index
      %get3A_294 = arith.constant 16 : index
      %get3A_295 = tpu.vector_load %arg4[%get3A_293, %get3A_294] {strides = array<i32>} : memref<256x64xf32, #tpu.memory_space<vmem>>, vector<1x16xf32>,
      %get3A_296 = vector.shape_cast %get3A_295 : vector<1x16xf32> to vector<16xf32>
      %mul3A_297 = arith.mulf %get3A_296, %parallel_loop3A_197#1 : vector<16xf32>
      %get3A_298 = arith.constant 0 : i32
      %get3A_299 = arith.index_cast %get3A_298 : i32 to index
      %get3A_300 = arith.constant 32 : index
      %get3A_301 = tpu.vector_load %arg4[%get3A_299, %get3A_300] {strides = array<i32>} : memref<256x64xf32, #tpu.memory_space<vmem>>, vector<1x16xf32>,
      %get3A_302 = vector.shape_cast %get3A_301 : vector<1x16xf32> to vector<16xf32>
      %mul3A_303 = arith.mulf %get3A_302, %parallel_loop3A_197#2 : vector<16xf32>
      %get3A_304 = arith.constant 0 : i32
      %get3A_305 = arith.index_cast %get3A_304 : i32 to index
      %get3A_306 = arith.constant 48 : index
      %get3A_307 = tpu.vector_load %arg4[%get3A_305, %get3A_306] {strides = array<i32>} : memref<256x64xf32, #tpu.memory_space<vmem>>, vector<1x16xf32>,
      %get3A_308 = vector.shape_cast %get3A_307 : vector<1x16xf32> to vector<16xf32>
      %mul3A_309 = arith.mulf %get3A_308, %parallel_loop3A_197#3 : vector<16xf32>
      %mul3A_310 = arith.mulf %parallel_loop3A_197#0, %exp3A_204 : vector<16xf32>
      %mul3A_311 = arith.mulf %mul3A_310, %div3A_257 : vector<16xf32>
      %sub3A_312 = arith.subf %parallel_loop3A_197#0, %mul3A_311 : vector<16xf32>
      %mul3A_313 = arith.mulf %parallel_loop3A_197#1, %exp3A_205 : vector<16xf32>
      %mul3A_314 = arith.mulf %mul3A_313, %div3A_257 : vector<16xf32>
      %sub3A_315 = arith.subf %parallel_loop3A_197#1, %mul3A_314 : vector<16xf32>
      %mul3A_316 = arith.mulf %parallel_loop3A_197#2, %exp3A_206 : vector<16xf32>
      %mul3A_317 = arith.mulf %mul3A_316, %div3A_257 : vector<16xf32>
      %sub3A_318 = arith.subf %parallel_loop3A_197#2, %mul3A_317 : vector<16xf32>
      %mul3A_319 = arith.mulf %parallel_loop3A_197#3, %exp3A_207 : vector<16xf32>
      %mul3A_320 = arith.mulf %mul3A_319, %div3A_257 : vector<16xf32>
      %sub3A_321 = arith.subf %parallel_loop3A_197#3, %mul3A_320 : vector<16xf32>
      %mul3A_322 = arith.mulf %mul3A_291, %exp3A_204 : vector<16xf32>
      %mul3A_323 = arith.mulf %mul3A_322, %div3A_257 : vector<16xf32>
      %sub3A_324 = arith.subf %mul3A_291, %mul3A_323 : vector<16xf32>
      %mul3A_325 = arith.mulf %mul3A_297, %exp3A_205 : vector<16xf32>
      %mul3A_326 = arith.mulf %mul3A_325, %div3A_257 : vector<16xf32>
      %sub3A_327 = arith.subf %mul3A_297, %mul3A_326 : vector<16xf32>
      %mul3A_328 = arith.mulf %mul3A_303, %exp3A_206 : vector<16xf32>
      %mul3A_329 = arith.mulf %mul3A_328, %div3A_257 : vector<16xf32>
      %sub3A_330 = arith.subf %mul3A_303, %mul3A_329 : vector<16xf32>
      %mul3A_331 = arith.mulf %mul3A_309, %exp3A_207 : vector<16xf32>
      %mul3A_332 = arith.mulf %mul3A_331, %div3A_257 : vector<16xf32>
      %sub3A_333 = arith.subf %mul3A_309, %mul3A_332 : vector<16xf32>
      %dma_start3A_334 = arith.constant 256 : i32
      %dma_start3A_335 = arith.constant 0 : i32
      %dma_start3A_336 = tpu.memref_slice %arg3[%dma_start3A_334, %dma_start3A_335] : memref<2048x64xf32, #tpu.memory_space<hbm>> -> memref<256x64xf32, #tpu.memory_space<hbm>>
      %dma_start3A_337 = arith.constant 256 : i32
      %dma_start3A_338 = arith.constant 0 : i32
      %dma_start3A_339 = tpu.memref_slice %arg3[%dma_start3A_337, %dma_start3A_338] : memref<2048x64xf32, #tpu.memory_space<hbm>> -> memref<256x64xf32, #tpu.memory_space<hbm>>
      tpu.enqueue_dma source(%arg7 : memref<256x64xf32, #tpu.memory_space<vmem>>) target(%dma_start3A_339 : memref<256x64xf32, #tpu.memory_space<hbm>>) target_semaphore(%arg9 : memref<!tpu.dma_semaphore, #tpu.memory_space<semaphore_mem>>)
      %dma_start3A_340 = arith.constant 768 : i32
      %dma_start3A_341 = arith.constant 0 : i32
      %dma_start3A_342 = tpu.memref_slice %arg2[%dma_start3A_340, %dma_start3A_341] : memref<2048x64xf32, #tpu.memory_space<hbm>> -> memref<256x64xf32, #tpu.memory_space<hbm>>
      %dma_start3A_343 = arith.constant 768 : i32
      %dma_start3A_344 = arith.constant 0 : i32
      %dma_start3A_345 = tpu.memref_slice %arg2[%dma_start3A_343, %dma_start3A_344] : memref<2048x64xf32, #tpu.memory_space<hbm>> -> memref<256x64xf32, #tpu.memory_space<hbm>>
      tpu.enqueue_dma source(%dma_start3A_345 : memref<256x64xf32, #tpu.memory_space<hbm>>) target(%arg5 : memref<256x64xf32, #tpu.memory_space<vmem>>) target_semaphore(%arg8 : memref<!tpu.dma_semaphore, #tpu.memory_space<semaphore_mem>>)
      %dma_wait3A_346 = arith.constant 0 : i32
      %dma_wait3A_347 = arith.constant 0 : i32
      %dma_wait3A_348 = tpu.memref_slice %arg3[%dma_wait3A_346, %dma_wait3A_347] : memref<2048x64xf32, #tpu.memory_space<hbm>> -> memref<256x64xf32, #tpu.memory_space<hbm>>
      %dma_wait3A_349 = arith.constant 0 : i32
      %dma_wait3A_350 = arith.constant 0 : i32
      %dma_wait3A_351 = tpu.memref_slice %arg3[%dma_wait3A_349, %dma_wait3A_350] : memref<2048x64xf32, #tpu.memory_space<hbm>> -> memref<256x64xf32, #tpu.memory_space<hbm>>
      tpu.wait_dma2 semaphore(%arg9 : memref<!tpu.dma_semaphore, #tpu.memory_space<semaphore_mem>>) src(%arg6 : memref<256x64xf32, #tpu.memory_space<vmem>>) dst(%dma_wait3A_351 : memref<256x64xf32, #tpu.memory_space<hbm>>)
      %parallel_loop3A_352 = arith.constant 0 : i32
      %parallel_loop3A_353 = arith.constant 255 : i32
      %parallel_loop3A_354 = arith.constant 1 : i32
      %parallel_loop3A_355:8 = scf.for %parallel_loop3A_1288 = %parallel_loop3A_352 to %parallel_loop3A_353 step %parallel_loop3A_354 iter_args(%parallel_loop3A_1289 = %sub3A_312, %parallel_loop3A_1290 = %sub3A_315, %parallel_loop3A_1291 = %sub3A_318, %parallel_loop3A_1292 = %sub3A_321, %parallel_loop3A_1293 = %sub3A_324, %parallel_loop3A_1294 = %sub3A_327, %parallel_loop3A_1295 = %sub3A_330, %parallel_loop3A_1296 = %sub3A_333) -> (vector<16xf32>, vector<16xf32>, vector<16xf32>, vector<16xf32>, vector<16xf32>, vector<16xf32>, vector<16xf32>, vector<16xf32>)  : i32 {
        %parallel_loop3A_1297 = math.exp %parallel_loop3A_1293 : vector<16xf32>
        %parallel_loop3A_1298 = math.exp %parallel_loop3A_1294 : vector<16xf32>
        %parallel_loop3A_1299 = math.exp %parallel_loop3A_1295 : vector<16xf32>
        %parallel_loop3A_1300 = math.exp %parallel_loop3A_1296 : vector<16xf32>
        %parallel_loop3A_1301 = arith.addf %parallel_loop3A_1297, %parallel_loop3A_1298 : vector<16xf32>
        %parallel_loop3A_1302 = arith.addf %parallel_loop3A_1299, %parallel_loop3A_1300 : vector<16xf32>
        %parallel_loop3A_1303 = arith.addf %parallel_loop3A_1301, %parallel_loop3A_1302 : vector<16xf32>
        %parallel_loop3A_1304 = arith.constant 0 : i32
        %parallel_loop3A_1305 = vector.broadcast %parallel_loop3A_1304 : i32 to vector<16xi32>
        %parallel_loop3A_1306 = arith.cmpi slt, %xor3A_5, %parallel_loop3A_1305 : vector<16xi32>
        %parallel_loop3A_1307 = arith.constant 16 : i32
        %parallel_loop3A_1308 = vector.broadcast %parallel_loop3A_1307 : i32 to vector<16xi32>
        %parallel_loop3A_1309 = arith.addi %xor3A_5, %parallel_loop3A_1308 : vector<16xi32>
        %parallel_loop3A_1310 = arith.select %parallel_loop3A_1306, %parallel_loop3A_1309, %xor3A_5 : vector<16xi1>, vector<16xi32>
        %parallel_loop3A_1311 = vector.shape_cast %parallel_loop3A_1310 : vector<16xi32> to vector<16x1xi32>
        %parallel_loop3A_1312 = vector.shape_cast %parallel_loop3A_1311 : vector<16x1xi32> to vector<16xi32>
        %parallel_loop3A_1313 = tpu.dynamic_gather %parallel_loop3A_1303[%parallel_loop3A_1312] in [0] : vector<16xf32>, vector<16xi32> -> vector<16xf32>
        %parallel_loop3A_1314 = arith.addf %parallel_loop3A_1303, %parallel_loop3A_1313 : vector<16xf32>
        %parallel_loop3A_1315 = arith.constant 0 : i32
        %parallel_loop3A_1316 = vector.broadcast %parallel_loop3A_1315 : i32 to vector<16xi32>
        %parallel_loop3A_1317 = arith.cmpi slt, %xor3A_8, %parallel_loop3A_1316 : vector<16xi32>
        %parallel_loop3A_1318 = arith.constant 16 : i32
        %parallel_loop3A_1319 = vector.broadcast %parallel_loop3A_1318 : i32 to vector<16xi32>
        %parallel_loop3A_1320 = arith.addi %xor3A_8, %parallel_loop3A_1319 : vector<16xi32>
        %parallel_loop3A_1321 = arith.select %parallel_loop3A_1317, %parallel_loop3A_1320, %xor3A_8 : vector<16xi1>, vector<16xi32>
        %parallel_loop3A_1322 = vector.shape_cast %parallel_loop3A_1321 : vector<16xi32> to vector<16x1xi32>
        %parallel_loop3A_1323 = vector.shape_cast %parallel_loop3A_1322 : vector<16x1xi32> to vector<16xi32>
        %parallel_loop3A_1324 = tpu.dynamic_gather %parallel_loop3A_1314[%parallel_loop3A_1323] in [0] : vector<16xf32>, vector<16xi32> -> vector<16xf32>
        %parallel_loop3A_1325 = arith.addf %parallel_loop3A_1314, %parallel_loop3A_1324 : vector<16xf32>
        %parallel_loop3A_1326 = arith.constant 0 : i32
        %parallel_loop3A_1327 = vector.broadcast %parallel_loop3A_1326 : i32 to vector<16xi32>
        %parallel_loop3A_1328 = arith.cmpi slt, %xor3A_11, %parallel_loop3A_1327 : vector<16xi32>
        %parallel_loop3A_1329 = arith.constant 16 : i32
        %parallel_loop3A_1330 = vector.broadcast %parallel_loop3A_1329 : i32 to vector<16xi32>
        %parallel_loop3A_1331 = arith.addi %xor3A_11, %parallel_loop3A_1330 : vector<16xi32>
        %parallel_loop3A_1332 = arith.select %parallel_loop3A_1328, %parallel_loop3A_1331, %xor3A_11 : vector<16xi1>, vector<16xi32>
        %parallel_loop3A_1333 = vector.shape_cast %parallel_loop3A_1332 : vector<16xi32> to vector<16x1xi32>
        %parallel_loop3A_1334 = vector.shape_cast %parallel_loop3A_1333 : vector<16x1xi32> to vector<16xi32>
        %parallel_loop3A_1335 = tpu.dynamic_gather %parallel_loop3A_1325[%parallel_loop3A_1334] in [0] : vector<16xf32>, vector<16xi32> -> vector<16xf32>
        %parallel_loop3A_1336 = arith.addf %parallel_loop3A_1325, %parallel_loop3A_1335 : vector<16xf32>
        %parallel_loop3A_1337 = arith.constant 0 : i32
        %parallel_loop3A_1338 = vector.broadcast %parallel_loop3A_1337 : i32 to vector<16xi32>
        %parallel_loop3A_1339 = arith.cmpi slt, %xor3A_14, %parallel_loop3A_1338 : vector<16xi32>
        %parallel_loop3A_1340 = arith.constant 16 : i32
        %parallel_loop3A_1341 = vector.broadcast %parallel_loop3A_1340 : i32 to vector<16xi32>
        %parallel_loop3A_1342 = arith.addi %xor3A_14, %parallel_loop3A_1341 : vector<16xi32>
        %parallel_loop3A_1343 = arith.select %parallel_loop3A_1339, %parallel_loop3A_1342, %xor3A_14 : vector<16xi1>, vector<16xi32>
        %parallel_loop3A_1344 = vector.shape_cast %parallel_loop3A_1343 : vector<16xi32> to vector<16x1xi32>
        %parallel_loop3A_1345 = vector.shape_cast %parallel_loop3A_1344 : vector<16x1xi32> to vector<16xi32>
        %parallel_loop3A_1346 = tpu.dynamic_gather %parallel_loop3A_1336[%parallel_loop3A_1345] in [0] : vector<16xf32>, vector<16xi32> -> vector<16xf32>
        %parallel_loop3A_1347 = arith.addf %parallel_loop3A_1336, %parallel_loop3A_1346 : vector<16xf32>
        %parallel_loop3A_1348 = arith.constant 1.000000e+00 : f32
        %parallel_loop3A_1349 = vector.broadcast %parallel_loop3A_1348 : f32 to vector<16xf32>
        %parallel_loop3A_1350 = arith.divf %parallel_loop3A_1349, %parallel_loop3A_1347 : vector<16xf32>
        %parallel_loop3A_1351 = arith.mulf %parallel_loop3A_1297, %parallel_loop3A_1350 : vector<16xf32>
        %parallel_loop3A_1352 = arith.index_cast %parallel_loop3A_1288 : i32 to index
        %parallel_loop3A_1353 = arith.constant 0 : index
        %parallel_loop3A_1354 = tpu.vector_load %arg6[%parallel_loop3A_1352, %parallel_loop3A_1353] {strides = array<i32>} : memref<256x64xf32, #tpu.memory_space<vmem>>, vector<1x16xf32>,
        %parallel_loop3A_1355 = vector.shape_cast %parallel_loop3A_1354 : vector<1x16xf32> to vector<16xf32>
        %parallel_loop3A_1356 = vector.shape_cast %parallel_loop3A_1351 : vector<16xf32> to vector<1x16xf32>
        tpu.vector_store %arg6[%parallel_loop3A_1352, %parallel_loop3A_1353], %parallel_loop3A_1356 {strides = array<i32>} : memref<256x64xf32, #tpu.memory_space<vmem>>, vector<1x16xf32>,
        %parallel_loop3A_1357 = arith.mulf %parallel_loop3A_1298, %parallel_loop3A_1350 : vector<16xf32>
        %parallel_loop3A_1358 = arith.index_cast %parallel_loop3A_1288 : i32 to index
        %parallel_loop3A_1359 = arith.constant 16 : index
        %parallel_loop3A_1360 = tpu.vector_load %arg6[%parallel_loop3A_1358, %parallel_loop3A_1359] {strides = array<i32>} : memref<256x64xf32, #tpu.memory_space<vmem>>, vector<1x16xf32>,
        %parallel_loop3A_1361 = vector.shape_cast %parallel_loop3A_1360 : vector<1x16xf32> to vector<16xf32>
        %parallel_loop3A_1362 = vector.shape_cast %parallel_loop3A_1357 : vector<16xf32> to vector<1x16xf32>
        tpu.vector_store %arg6[%parallel_loop3A_1358, %parallel_loop3A_1359], %parallel_loop3A_1362 {strides = array<i32>} : memref<256x64xf32, #tpu.memory_space<vmem>>, vector<1x16xf32>,
        %parallel_loop3A_1363 = arith.mulf %parallel_loop3A_1299, %parallel_loop3A_1350 : vector<16xf32>
        %parallel_loop3A_1364 = arith.index_cast %parallel_loop3A_1288 : i32 to index
        %parallel_loop3A_1365 = arith.constant 32 : index
        %parallel_loop3A_1366 = tpu.vector_load %arg6[%parallel_loop3A_1364, %parallel_loop3A_1365] {strides = array<i32>} : memref<256x64xf32, #tpu.memory_space<vmem>>, vector<1x16xf32>,
        %parallel_loop3A_1367 = vector.shape_cast %parallel_loop3A_1366 : vector<1x16xf32> to vector<16xf32>
        %parallel_loop3A_1368 = vector.shape_cast %parallel_loop3A_1363 : vector<16xf32> to vector<1x16xf32>
        tpu.vector_store %arg6[%parallel_loop3A_1364, %parallel_loop3A_1365], %parallel_loop3A_1368 {strides = array<i32>} : memref<256x64xf32, #tpu.memory_space<vmem>>, vector<1x16xf32>,
        %parallel_loop3A_1369 = arith.mulf %parallel_loop3A_1300, %parallel_loop3A_1350 : vector<16xf32>
        %parallel_loop3A_1370 = arith.index_cast %parallel_loop3A_1288 : i32 to index
        %parallel_loop3A_1371 = arith.constant 48 : index
        %parallel_loop3A_1372 = tpu.vector_load %arg6[%parallel_loop3A_1370, %parallel_loop3A_1371] {strides = array<i32>} : memref<256x64xf32, #tpu.memory_space<vmem>>, vector<1x16xf32>,
        %parallel_loop3A_1373 = vector.shape_cast %parallel_loop3A_1372 : vector<1x16xf32> to vector<16xf32>
        %parallel_loop3A_1374 = vector.shape_cast %parallel_loop3A_1369 : vector<16xf32> to vector<1x16xf32>
        tpu.vector_store %arg6[%parallel_loop3A_1370, %parallel_loop3A_1371], %parallel_loop3A_1374 {strides = array<i32>} : memref<256x64xf32, #tpu.memory_space<vmem>>, vector<1x16xf32>,
        %parallel_loop3A_1375 = arith.constant 1 : i32
        %parallel_loop3A_1376 = arith.addi %parallel_loop3A_1288, %parallel_loop3A_1375 : i32
        %parallel_loop3A_1377 = arith.constant 0 : i32
        %parallel_loop3A_1378 = arith.subi %parallel_loop3A_1376, %parallel_loop3A_1377 : i32
        %parallel_loop3A_1379 = arith.index_cast %parallel_loop3A_1378 : i32 to index
        %parallel_loop3A_1380 = arith.constant 0 : index
        %parallel_loop3A_1381 = tpu.vector_load %arg4[%parallel_loop3A_1379, %parallel_loop3A_1380] {strides = array<i32>} : memref<256x64xf32, #tpu.memory_space<vmem>>, vector<1x16xf32>,
        %parallel_loop3A_1382 = vector.shape_cast %parallel_loop3A_1381 : vector<1x16xf32> to vector<16xf32>
        %parallel_loop3A_1383 = arith.mulf %parallel_loop3A_1382, %parallel_loop3A_1289 : vector<16xf32>
        %parallel_loop3A_1384 = arith.index_cast %parallel_loop3A_1378 : i32 to index
        %parallel_loop3A_1385 = arith.constant 16 : index
        %parallel_loop3A_1386 = tpu.vector_load %arg4[%parallel_loop3A_1384, %parallel_loop3A_1385] {strides = array<i32>} : memref<256x64xf32, #tpu.memory_space<vmem>>, vector<1x16xf32>,
        %parallel_loop3A_1387 = vector.shape_cast %parallel_loop3A_1386 : vector<1x16xf32> to vector<16xf32>
        %parallel_loop3A_1388 = arith.mulf %parallel_loop3A_1387, %parallel_loop3A_1290 : vector<16xf32>
        %parallel_loop3A_1389 = arith.index_cast %parallel_loop3A_1378 : i32 to index
        %parallel_loop3A_1390 = arith.constant 32 : index
        %parallel_loop3A_1391 = tpu.vector_load %arg4[%parallel_loop3A_1389, %parallel_loop3A_1390] {strides = array<i32>} : memref<256x64xf32, #tpu.memory_space<vmem>>, vector<1x16xf32>,
        %parallel_loop3A_1392 = vector.shape_cast %parallel_loop3A_1391 : vector<1x16xf32> to vector<16xf32>
        %parallel_loop3A_1393 = arith.mulf %parallel_loop3A_1392, %parallel_loop3A_1291 : vector<16xf32>
        %parallel_loop3A_1394 = arith.index_cast %parallel_loop3A_1378 : i32 to index
        %parallel_loop3A_1395 = arith.constant 48 : index
        %parallel_loop3A_1396 = tpu.vector_load %arg4[%parallel_loop3A_1394, %parallel_loop3A_1395] {strides = array<i32>} : memref<256x64xf32, #tpu.memory_space<vmem>>, vector<1x16xf32>,
        %parallel_loop3A_1397 = vector.shape_cast %parallel_loop3A_1396 : vector<1x16xf32> to vector<16xf32>
        %parallel_loop3A_1398 = arith.mulf %parallel_loop3A_1397, %parallel_loop3A_1292 : vector<16xf32>
        %parallel_loop3A_1399 = arith.mulf %parallel_loop3A_1289, %parallel_loop3A_1297 : vector<16xf32>
        %parallel_loop3A_1400 = arith.mulf %parallel_loop3A_1399, %parallel_loop3A_1350 : vector<16xf32>
        %parallel_loop3A_1401 = arith.subf %parallel_loop3A_1289, %parallel_loop3A_1400 : vector<16xf32>
        %parallel_loop3A_1402 = arith.mulf %parallel_loop3A_1290, %parallel_loop3A_1298 : vector<16xf32>
        %parallel_loop3A_1403 = arith.mulf %parallel_loop3A_1402, %parallel_loop3A_1350 : vector<16xf32>
        %parallel_loop3A_1404 = arith.subf %parallel_loop3A_1290, %parallel_loop3A_1403 : vector<16xf32>
        %parallel_loop3A_1405 = arith.mulf %parallel_loop3A_1291, %parallel_loop3A_1299 : vector<16xf32>
        %parallel_loop3A_1406 = arith.mulf %parallel_loop3A_1405, %parallel_loop3A_1350 : vector<16xf32>
        %parallel_loop3A_1407 = arith.subf %parallel_loop3A_1291, %parallel_loop3A_1406 : vector<16xf32>
        %parallel_loop3A_1408 = arith.mulf %parallel_loop3A_1292, %parallel_loop3A_1300 : vector<16xf32>
        %parallel_loop3A_1409 = arith.mulf %parallel_loop3A_1408, %parallel_loop3A_1350 : vector<16xf32>
        %parallel_loop3A_1410 = arith.subf %parallel_loop3A_1292, %parallel_loop3A_1409 : vector<16xf32>
        %parallel_loop3A_1411 = arith.mulf %parallel_loop3A_1383, %parallel_loop3A_1297 : vector<16xf32>
        %parallel_loop3A_1412 = arith.mulf %parallel_loop3A_1411, %parallel_loop3A_1350 : vector<16xf32>
        %parallel_loop3A_1413 = arith.subf %parallel_loop3A_1383, %parallel_loop3A_1412 : vector<16xf32>
        %parallel_loop3A_1414 = arith.mulf %parallel_loop3A_1388, %parallel_loop3A_1298 : vector<16xf32>
        %parallel_loop3A_1415 = arith.mulf %parallel_loop3A_1414, %parallel_loop3A_1350 : vector<16xf32>
        %parallel_loop3A_1416 = arith.subf %parallel_loop3A_1388, %parallel_loop3A_1415 : vector<16xf32>
        %parallel_loop3A_1417 = arith.mulf %parallel_loop3A_1393, %parallel_loop3A_1299 : vector<16xf32>
        %parallel_loop3A_1418 = arith.mulf %parallel_loop3A_1417, %parallel_loop3A_1350 : vector<16xf32>
        %parallel_loop3A_1419 = arith.subf %parallel_loop3A_1393, %parallel_loop3A_1418 : vector<16xf32>
        %parallel_loop3A_1420 = arith.mulf %parallel_loop3A_1398, %parallel_loop3A_1300 : vector<16xf32>
        %parallel_loop3A_1421 = arith.mulf %parallel_loop3A_1420, %parallel_loop3A_1350 : vector<16xf32>
        %parallel_loop3A_1422 = arith.subf %parallel_loop3A_1398, %parallel_loop3A_1421 : vector<16xf32>
        scf.yield %parallel_loop3A_1401, %parallel_loop3A_1404, %parallel_loop3A_1407, %parallel_loop3A_1410, %parallel_loop3A_1413, %parallel_loop3A_1416, %parallel_loop3A_1419, %parallel_loop3A_1422 : vector<16xf32>, vector<16xf32>, vector<16xf32>, vector<16xf32>, vector<16xf32>, vector<16xf32>, vector<16xf32>, vector<16xf32>
      } {sc.loop_unroll_factor = 8 : i64, sc.parallel_access}
      %dma_wait3A_356 = arith.constant 768 : i32
      %dma_wait3A_357 = arith.constant 0 : i32
      %dma_wait3A_358 = tpu.memref_slice %arg2[%dma_wait3A_356, %dma_wait3A_357] : memref<2048x64xf32, #tpu.memory_space<hbm>> -> memref<256x64xf32, #tpu.memory_space<hbm>>
      %dma_wait3A_359 = arith.constant 768 : i32
      %dma_wait3A_360 = arith.constant 0 : i32
      %dma_wait3A_361 = tpu.memref_slice %arg2[%dma_wait3A_359, %dma_wait3A_360] : memref<2048x64xf32, #tpu.memory_space<hbm>> -> memref<256x64xf32, #tpu.memory_space<hbm>>
      tpu.wait_dma2 semaphore(%arg8 : memref<!tpu.dma_semaphore, #tpu.memory_space<semaphore_mem>>) src(%dma_wait3A_361 : memref<256x64xf32, #tpu.memory_space<hbm>>) dst(%arg5 : memref<256x64xf32, #tpu.memory_space<vmem>>)
      %exp3A_362 = math.exp %parallel_loop3A_355#4 : vector<16xf32>
      %exp3A_363 = math.exp %parallel_loop3A_355#5 : vector<16xf32>
      %exp3A_364 = math.exp %parallel_loop3A_355#6 : vector<16xf32>
      %exp3A_365 = math.exp %parallel_loop3A_355#7 : vector<16xf32>
      %add3A_366 = arith.addf %exp3A_362, %exp3A_363 : vector<16xf32>
      %add3A_367 = arith.addf %exp3A_364, %exp3A_365 : vector<16xf32>
      %add3A_368 = arith.addf %add3A_366, %add3A_367 : vector<16xf32>
      %lt3A_369 = arith.constant 0 : i32
      %lt3A_370 = vector.broadcast %lt3A_369 : i32 to vector<16xi32>
      %lt3A_371 = arith.cmpi slt, %xor3A_5, %lt3A_370 : vector<16xi32>
      %add3A_372 = arith.constant 16 : i32
      %add3A_373 = vector.broadcast %add3A_372 : i32 to vector<16xi32>
      %add3A_374 = arith.addi %xor3A_5, %add3A_373 : vector<16xi32>
      %select_n3A_375 = arith.select %lt3A_371, %add3A_374, %xor3A_5 : vector<16xi1>, vector<16xi32>
      %broadcast_in_dim3A_376 = vector.shape_cast %select_n3A_375 : vector<16xi32> to vector<16x1xi32>
      %gather3A_377 = vector.shape_cast %broadcast_in_dim3A_376 : vector<16x1xi32> to vector<16xi32>
      %gather3A_378 = tpu.dynamic_gather %add3A_368[%gather3A_377] in [0] : vector<16xf32>, vector<16xi32> -> vector<16xf32>
      %add3A_379 = arith.addf %add3A_368, %gather3A_378 : vector<16xf32>
      %lt3A_380 = arith.constant 0 : i32
      %lt3A_381 = vector.broadcast %lt3A_380 : i32 to vector<16xi32>
      %lt3A_382 = arith.cmpi slt, %xor3A_8, %lt3A_381 : vector<16xi32>
      %add3A_383 = arith.constant 16 : i32
      %add3A_384 = vector.broadcast %add3A_383 : i32 to vector<16xi32>
      %add3A_385 = arith.addi %xor3A_8, %add3A_384 : vector<16xi32>
      %select_n3A_386 = arith.select %lt3A_382, %add3A_385, %xor3A_8 : vector<16xi1>, vector<16xi32>
      %broadcast_in_dim3A_387 = vector.shape_cast %select_n3A_386 : vector<16xi32> to vector<16x1xi32>
      %gather3A_388 = vector.shape_cast %broadcast_in_dim3A_387 : vector<16x1xi32> to vector<16xi32>
      %gather3A_389 = tpu.dynamic_gather %add3A_379[%gather3A_388] in [0] : vector<16xf32>, vector<16xi32> -> vector<16xf32>
      %add3A_390 = arith.addf %add3A_379, %gather3A_389 : vector<16xf32>
      %lt3A_391 = arith.constant 0 : i32
      %lt3A_392 = vector.broadcast %lt3A_391 : i32 to vector<16xi32>
      %lt3A_393 = arith.cmpi slt, %xor3A_11, %lt3A_392 : vector<16xi32>
      %add3A_394 = arith.constant 16 : i32
      %add3A_395 = vector.broadcast %add3A_394 : i32 to vector<16xi32>
      %add3A_396 = arith.addi %xor3A_11, %add3A_395 : vector<16xi32>
      %select_n3A_397 = arith.select %lt3A_393, %add3A_396, %xor3A_11 : vector<16xi1>, vector<16xi32>
      %broadcast_in_dim3A_398 = vector.shape_cast %select_n3A_397 : vector<16xi32> to vector<16x1xi32>
      %gather3A_399 = vector.shape_cast %broadcast_in_dim3A_398 : vector<16x1xi32> to vector<16xi32>
      %gather3A_400 = tpu.dynamic_gather %add3A_390[%gather3A_399] in [0] : vector<16xf32>, vector<16xi32> -> vector<16xf32>
      %add3A_401 = arith.addf %add3A_390, %gather3A_400 : vector<16xf32>
      %lt3A_402 = arith.constant 0 : i32
      %lt3A_403 = vector.broadcast %lt3A_402 : i32 to vector<16xi32>
      %lt3A_404 = arith.cmpi slt, %xor3A_14, %lt3A_403 : vector<16xi32>
      %add3A_405 = arith.constant 16 : i32
      %add3A_406 = vector.broadcast %add3A_405 : i32 to vector<16xi32>
      %add3A_407 = arith.addi %xor3A_14, %add3A_406 : vector<16xi32>
      %select_n3A_408 = arith.select %lt3A_404, %add3A_407, %xor3A_14 : vector<16xi1>, vector<16xi32>
      %broadcast_in_dim3A_409 = vector.shape_cast %select_n3A_408 : vector<16xi32> to vector<16x1xi32>
      %gather3A_410 = vector.shape_cast %broadcast_in_dim3A_409 : vector<16x1xi32> to vector<16xi32>
      %gather3A_411 = tpu.dynamic_gather %add3A_401[%gather3A_410] in [0] : vector<16xf32>, vector<16xi32> -> vector<16xf32>
      %add3A_412 = arith.addf %add3A_401, %gather3A_411 : vector<16xf32>
      %div3A_413 = arith.constant 1.000000e+00 : f32
      %div3A_414 = vector.broadcast %div3A_413 : f32 to vector<16xf32>
      %div3A_415 = arith.divf %div3A_414, %add3A_412 : vector<16xf32>
      %mul3A_416 = arith.mulf %exp3A_362, %div3A_415 : vector<16xf32>
      %swap3A_417 = arith.constant 255 : i32
      %swap3A_418 = arith.index_cast %swap3A_417 : i32 to index
      %swap3A_419 = arith.constant 0 : index
      %swap3A_420 = tpu.vector_load %arg6[%swap3A_418, %swap3A_419] {strides = array<i32>} : memref<256x64xf32, #tpu.memory_space<vmem>>, vector<1x16xf32>,
      %swap3A_421 = vector.shape_cast %swap3A_420 : vector<1x16xf32> to vector<16xf32>
      %swap3A_422 = vector.shape_cast %mul3A_416 : vector<16xf32> to vector<1x16xf32>
      tpu.vector_store %arg6[%swap3A_418, %swap3A_419], %swap3A_422 {strides = array<i32>} : memref<256x64xf32, #tpu.memory_space<vmem>>, vector<1x16xf32>,
      %mul3A_423 = arith.mulf %exp3A_363, %div3A_415 : vector<16xf32>
      %swap3A_424 = arith.constant 255 : i32
      %swap3A_425 = arith.index_cast %swap3A_424 : i32 to index
      %swap3A_426 = arith.constant 16 : index
      %swap3A_427 = tpu.vector_load %arg6[%swap3A_425, %swap3A_426] {strides = array<i32>} : memref<256x64xf32, #tpu.memory_space<vmem>>, vector<1x16xf32>,
      %swap3A_428 = vector.shape_cast %swap3A_427 : vector<1x16xf32> to vector<16xf32>
      %swap3A_429 = vector.shape_cast %mul3A_423 : vector<16xf32> to vector<1x16xf32>
      tpu.vector_store %arg6[%swap3A_425, %swap3A_426], %swap3A_429 {strides = array<i32>} : memref<256x64xf32, #tpu.memory_space<vmem>>, vector<1x16xf32>,
      %mul3A_430 = arith.mulf %exp3A_364, %div3A_415 : vector<16xf32>
      %swap3A_431 = arith.constant 255 : i32
      %swap3A_432 = arith.index_cast %swap3A_431 : i32 to index
      %swap3A_433 = arith.constant 32 : index
      %swap3A_434 = tpu.vector_load %arg6[%swap3A_432, %swap3A_433] {strides = array<i32>} : memref<256x64xf32, #tpu.memory_space<vmem>>, vector<1x16xf32>,
      %swap3A_435 = vector.shape_cast %swap3A_434 : vector<1x16xf32> to vector<16xf32>
      %swap3A_436 = vector.shape_cast %mul3A_430 : vector<16xf32> to vector<1x16xf32>
      tpu.vector_store %arg6[%swap3A_432, %swap3A_433], %swap3A_436 {strides = array<i32>} : memref<256x64xf32, #tpu.memory_space<vmem>>, vector<1x16xf32>,
      %mul3A_437 = arith.mulf %exp3A_365, %div3A_415 : vector<16xf32>
      %swap3A_438 = arith.constant 255 : i32
      %swap3A_439 = arith.index_cast %swap3A_438 : i32 to index
      %swap3A_440 = arith.constant 48 : index
      %swap3A_441 = tpu.vector_load %arg6[%swap3A_439, %swap3A_440] {strides = array<i32>} : memref<256x64xf32, #tpu.memory_space<vmem>>, vector<1x16xf32>,
      %swap3A_442 = vector.shape_cast %swap3A_441 : vector<1x16xf32> to vector<16xf32>
      %swap3A_443 = vector.shape_cast %mul3A_437 : vector<16xf32> to vector<1x16xf32>
      tpu.vector_store %arg6[%swap3A_439, %swap3A_440], %swap3A_443 {strides = array<i32>} : memref<256x64xf32, #tpu.memory_space<vmem>>, vector<1x16xf32>,
      %get3A_444 = arith.constant 0 : i32
      %get3A_445 = arith.index_cast %get3A_444 : i32 to index
      %get3A_446 = arith.constant 0 : index
      %get3A_447 = tpu.vector_load %arg5[%get3A_445, %get3A_446] {strides = array<i32>} : memref<256x64xf32, #tpu.memory_space<vmem>>, vector<1x16xf32>,
      %get3A_448 = vector.shape_cast %get3A_447 : vector<1x16xf32> to vector<16xf32>
      %mul3A_449 = arith.mulf %get3A_448, %parallel_loop3A_355#0 : vector<16xf32>
      %get3A_450 = arith.constant 0 : i32
      %get3A_451 = arith.index_cast %get3A_450 : i32 to index
      %get3A_452 = arith.constant 16 : index
      %get3A_453 = tpu.vector_load %arg5[%get3A_451, %get3A_452] {strides = array<i32>} : memref<256x64xf32, #tpu.memory_space<vmem>>, vector<1x16xf32>,
      %get3A_454 = vector.shape_cast %get3A_453 : vector<1x16xf32> to vector<16xf32>
      %mul3A_455 = arith.mulf %get3A_454, %parallel_loop3A_355#1 : vector<16xf32>
      %get3A_456 = arith.constant 0 : i32
      %get3A_457 = arith.index_cast %get3A_456 : i32 to index
      %get3A_458 = arith.constant 32 : index
      %get3A_459 = tpu.vector_load %arg5[%get3A_457, %get3A_458] {strides = array<i32>} : memref<256x64xf32, #tpu.memory_space<vmem>>, vector<1x16xf32>,
      %get3A_460 = vector.shape_cast %get3A_459 : vector<1x16xf32> to vector<16xf32>
      %mul3A_461 = arith.mulf %get3A_460, %parallel_loop3A_355#2 : vector<16xf32>
      %get3A_462 = arith.constant 0 : i32
      %get3A_463 = arith.index_cast %get3A_462 : i32 to index
      %get3A_464 = arith.constant 48 : index
      %get3A_465 = tpu.vector_load %arg5[%get3A_463, %get3A_464] {strides = array<i32>} : memref<256x64xf32, #tpu.memory_space<vmem>>, vector<1x16xf32>,
      %get3A_466 = vector.shape_cast %get3A_465 : vector<1x16xf32> to vector<16xf32>
      %mul3A_467 = arith.mulf %get3A_466, %parallel_loop3A_355#3 : vector<16xf32>
      %mul3A_468 = arith.mulf %parallel_loop3A_355#0, %exp3A_362 : vector<16xf32>
      %mul3A_469 = arith.mulf %mul3A_468, %div3A_415 : vector<16xf32>
      %sub3A_470 = arith.subf %parallel_loop3A_355#0, %mul3A_469 : vector<16xf32>
      %mul3A_471 = arith.mulf %parallel_loop3A_355#1, %exp3A_363 : vector<16xf32>
      %mul3A_472 = arith.mulf %mul3A_471, %div3A_415 : vector<16xf32>
      %sub3A_473 = arith.subf %parallel_loop3A_355#1, %mul3A_472 : vector<16xf32>
      %mul3A_474 = arith.mulf %parallel_loop3A_355#2, %exp3A_364 : vector<16xf32>
      %mul3A_475 = arith.mulf %mul3A_474, %div3A_415 : vector<16xf32>
      %sub3A_476 = arith.subf %parallel_loop3A_355#2, %mul3A_475 : vector<16xf32>
      %mul3A_477 = arith.mulf %parallel_loop3A_355#3, %exp3A_365 : vector<16xf32>
      %mul3A_478 = arith.mulf %mul3A_477, %div3A_415 : vector<16xf32>
      %sub3A_479 = arith.subf %parallel_loop3A_355#3, %mul3A_478 : vector<16xf32>
      %mul3A_480 = arith.mulf %mul3A_449, %exp3A_362 : vector<16xf32>
      %mul3A_481 = arith.mulf %mul3A_480, %div3A_415 : vector<16xf32>
      %sub3A_482 = arith.subf %mul3A_449, %mul3A_481 : vector<16xf32>
      %mul3A_483 = arith.mulf %mul3A_455, %exp3A_363 : vector<16xf32>
      %mul3A_484 = arith.mulf %mul3A_483, %div3A_415 : vector<16xf32>
      %sub3A_485 = arith.subf %mul3A_455, %mul3A_484 : vector<16xf32>
      %mul3A_486 = arith.mulf %mul3A_461, %exp3A_364 : vector<16xf32>
      %mul3A_487 = arith.mulf %mul3A_486, %div3A_415 : vector<16xf32>
      %sub3A_488 = arith.subf %mul3A_461, %mul3A_487 : vector<16xf32>
      %mul3A_489 = arith.mulf %mul3A_467, %exp3A_365 : vector<16xf32>
      %mul3A_490 = arith.mulf %mul3A_489, %div3A_415 : vector<16xf32>
      %sub3A_491 = arith.subf %mul3A_467, %mul3A_490 : vector<16xf32>
      %dma_start3A_492 = arith.constant 512 : i32
      %dma_start3A_493 = arith.constant 0 : i32
      %dma_start3A_494 = tpu.memref_slice %arg3[%dma_start3A_492, %dma_start3A_493] : memref<2048x64xf32, #tpu.memory_space<hbm>> -> memref<256x64xf32, #tpu.memory_space<hbm>>
      %dma_start3A_495 = arith.constant 512 : i32
      %dma_start3A_496 = arith.constant 0 : i32
      %dma_start3A_497 = tpu.memref_slice %arg3[%dma_start3A_495, %dma_start3A_496] : memref<2048x64xf32, #tpu.memory_space<hbm>> -> memref<256x64xf32, #tpu.memory_space<hbm>>
      tpu.enqueue_dma source(%arg6 : memref<256x64xf32, #tpu.memory_space<vmem>>) target(%dma_start3A_497 : memref<256x64xf32, #tpu.memory_space<hbm>>) target_semaphore(%arg9 : memref<!tpu.dma_semaphore, #tpu.memory_space<semaphore_mem>>)
      %dma_start3A_498 = arith.constant 1024 : i32
      %dma_start3A_499 = arith.constant 0 : i32
      %dma_start3A_500 = tpu.memref_slice %arg2[%dma_start3A_498, %dma_start3A_499] : memref<2048x64xf32, #tpu.memory_space<hbm>> -> memref<256x64xf32, #tpu.memory_space<hbm>>
      %dma_start3A_501 = arith.constant 1024 : i32
      %dma_start3A_502 = arith.constant 0 : i32
      %dma_start3A_503 = tpu.memref_slice %arg2[%dma_start3A_501, %dma_start3A_502] : memref<2048x64xf32, #tpu.memory_space<hbm>> -> memref<256x64xf32, #tpu.memory_space<hbm>>
      tpu.enqueue_dma source(%dma_start3A_503 : memref<256x64xf32, #tpu.memory_space<hbm>>) target(%arg4 : memref<256x64xf32, #tpu.memory_space<vmem>>) target_semaphore(%arg8 : memref<!tpu.dma_semaphore, #tpu.memory_space<semaphore_mem>>)
      %dma_wait3A_504 = arith.constant 256 : i32
      %dma_wait3A_505 = arith.constant 0 : i32
      %dma_wait3A_506 = tpu.memref_slice %arg3[%dma_wait3A_504, %dma_wait3A_505] : memref<2048x64xf32, #tpu.memory_space<hbm>> -> memref<256x64xf32, #tpu.memory_space<hbm>>
      %dma_wait3A_507 = arith.constant 256 : i32
      %dma_wait3A_508 = arith.constant 0 : i32
      %dma_wait3A_509 = tpu.memref_slice %arg3[%dma_wait3A_507, %dma_wait3A_508] : memref<2048x64xf32, #tpu.memory_space<hbm>> -> memref<256x64xf32, #tpu.memory_space<hbm>>
      tpu.wait_dma2 semaphore(%arg9 : memref<!tpu.dma_semaphore, #tpu.memory_space<semaphore_mem>>) src(%arg7 : memref<256x64xf32, #tpu.memory_space<vmem>>) dst(%dma_wait3A_509 : memref<256x64xf32, #tpu.memory_space<hbm>>)
      %parallel_loop3A_510 = arith.constant 0 : i32
      %parallel_loop3A_511 = arith.constant 255 : i32
      %parallel_loop3A_512 = arith.constant 1 : i32
      %parallel_loop3A_513:8 = scf.for %parallel_loop3A_1288 = %parallel_loop3A_510 to %parallel_loop3A_511 step %parallel_loop3A_512 iter_args(%parallel_loop3A_1289 = %sub3A_470, %parallel_loop3A_1290 = %sub3A_473, %parallel_loop3A_1291 = %sub3A_476, %parallel_loop3A_1292 = %sub3A_479, %parallel_loop3A_1293 = %sub3A_482, %parallel_loop3A_1294 = %sub3A_485, %parallel_loop3A_1295 = %sub3A_488, %parallel_loop3A_1296 = %sub3A_491) -> (vector<16xf32>, vector<16xf32>, vector<16xf32>, vector<16xf32>, vector<16xf32>, vector<16xf32>, vector<16xf32>, vector<16xf32>)  : i32 {
        %parallel_loop3A_1297 = math.exp %parallel_loop3A_1293 : vector<16xf32>
        %parallel_loop3A_1298 = math.exp %parallel_loop3A_1294 : vector<16xf32>
        %parallel_loop3A_1299 = math.exp %parallel_loop3A_1295 : vector<16xf32>
        %parallel_loop3A_1300 = math.exp %parallel_loop3A_1296 : vector<16xf32>
        %parallel_loop3A_1301 = arith.addf %parallel_loop3A_1297, %parallel_loop3A_1298 : vector<16xf32>
        %parallel_loop3A_1302 = arith.addf %parallel_loop3A_1299, %parallel_loop3A_1300 : vector<16xf32>
        %parallel_loop3A_1303 = arith.addf %parallel_loop3A_1301, %parallel_loop3A_1302 : vector<16xf32>
        %parallel_loop3A_1304 = arith.constant 0 : i32
        %parallel_loop3A_1305 = vector.broadcast %parallel_loop3A_1304 : i32 to vector<16xi32>
        %parallel_loop3A_1306 = arith.cmpi slt, %xor3A_5, %parallel_loop3A_1305 : vector<16xi32>
        %parallel_loop3A_1307 = arith.constant 16 : i32
        %parallel_loop3A_1308 = vector.broadcast %parallel_loop3A_1307 : i32 to vector<16xi32>
        %parallel_loop3A_1309 = arith.addi %xor3A_5, %parallel_loop3A_1308 : vector<16xi32>
        %parallel_loop3A_1310 = arith.select %parallel_loop3A_1306, %parallel_loop3A_1309, %xor3A_5 : vector<16xi1>, vector<16xi32>
        %parallel_loop3A_1311 = vector.shape_cast %parallel_loop3A_1310 : vector<16xi32> to vector<16x1xi32>
        %parallel_loop3A_1312 = vector.shape_cast %parallel_loop3A_1311 : vector<16x1xi32> to vector<16xi32>
        %parallel_loop3A_1313 = tpu.dynamic_gather %parallel_loop3A_1303[%parallel_loop3A_1312] in [0] : vector<16xf32>, vector<16xi32> -> vector<16xf32>
        %parallel_loop3A_1314 = arith.addf %parallel_loop3A_1303, %parallel_loop3A_1313 : vector<16xf32>
        %parallel_loop3A_1315 = arith.constant 0 : i32
        %parallel_loop3A_1316 = vector.broadcast %parallel_loop3A_1315 : i32 to vector<16xi32>
        %parallel_loop3A_1317 = arith.cmpi slt, %xor3A_8, %parallel_loop3A_1316 : vector<16xi32>
        %parallel_loop3A_1318 = arith.constant 16 : i32
        %parallel_loop3A_1319 = vector.broadcast %parallel_loop3A_1318 : i32 to vector<16xi32>
        %parallel_loop3A_1320 = arith.addi %xor3A_8, %parallel_loop3A_1319 : vector<16xi32>
        %parallel_loop3A_1321 = arith.select %parallel_loop3A_1317, %parallel_loop3A_1320, %xor3A_8 : vector<16xi1>, vector<16xi32>
        %parallel_loop3A_1322 = vector.shape_cast %parallel_loop3A_1321 : vector<16xi32> to vector<16x1xi32>
        %parallel_loop3A_1323 = vector.shape_cast %parallel_loop3A_1322 : vector<16x1xi32> to vector<16xi32>
        %parallel_loop3A_1324 = tpu.dynamic_gather %parallel_loop3A_1314[%parallel_loop3A_1323] in [0] : vector<16xf32>, vector<16xi32> -> vector<16xf32>
        %parallel_loop3A_1325 = arith.addf %parallel_loop3A_1314, %parallel_loop3A_1324 : vector<16xf32>
        %parallel_loop3A_1326 = arith.constant 0 : i32
        %parallel_loop3A_1327 = vector.broadcast %parallel_loop3A_1326 : i32 to vector<16xi32>
        %parallel_loop3A_1328 = arith.cmpi slt, %xor3A_11, %parallel_loop3A_1327 : vector<16xi32>
        %parallel_loop3A_1329 = arith.constant 16 : i32
        %parallel_loop3A_1330 = vector.broadcast %parallel_loop3A_1329 : i32 to vector<16xi32>
        %parallel_loop3A_1331 = arith.addi %xor3A_11, %parallel_loop3A_1330 : vector<16xi32>
        %parallel_loop3A_1332 = arith.select %parallel_loop3A_1328, %parallel_loop3A_1331, %xor3A_11 : vector<16xi1>, vector<16xi32>
        %parallel_loop3A_1333 = vector.shape_cast %parallel_loop3A_1332 : vector<16xi32> to vector<16x1xi32>
        %parallel_loop3A_1334 = vector.shape_cast %parallel_loop3A_1333 : vector<16x1xi32> to vector<16xi32>
        %parallel_loop3A_1335 = tpu.dynamic_gather %parallel_loop3A_1325[%parallel_loop3A_1334] in [0] : vector<16xf32>, vector<16xi32> -> vector<16xf32>
        %parallel_loop3A_1336 = arith.addf %parallel_loop3A_1325, %parallel_loop3A_1335 : vector<16xf32>
        %parallel_loop3A_1337 = arith.constant 0 : i32
        %parallel_loop3A_1338 = vector.broadcast %parallel_loop3A_1337 : i32 to vector<16xi32>
        %parallel_loop3A_1339 = arith.cmpi slt, %xor3A_14, %parallel_loop3A_1338 : vector<16xi32>
        %parallel_loop3A_1340 = arith.constant 16 : i32
        %parallel_loop3A_1341 = vector.broadcast %parallel_loop3A_1340 : i32 to vector<16xi32>
        %parallel_loop3A_1342 = arith.addi %xor3A_14, %parallel_loop3A_1341 : vector<16xi32>
        %parallel_loop3A_1343 = arith.select %parallel_loop3A_1339, %parallel_loop3A_1342, %xor3A_14 : vector<16xi1>, vector<16xi32>
        %parallel_loop3A_1344 = vector.shape_cast %parallel_loop3A_1343 : vector<16xi32> to vector<16x1xi32>
        %parallel_loop3A_1345 = vector.shape_cast %parallel_loop3A_1344 : vector<16x1xi32> to vector<16xi32>
        %parallel_loop3A_1346 = tpu.dynamic_gather %parallel_loop3A_1336[%parallel_loop3A_1345] in [0] : vector<16xf32>, vector<16xi32> -> vector<16xf32>
        %parallel_loop3A_1347 = arith.addf %parallel_loop3A_1336, %parallel_loop3A_1346 : vector<16xf32>
        %parallel_loop3A_1348 = arith.constant 1.000000e+00 : f32
        %parallel_loop3A_1349 = vector.broadcast %parallel_loop3A_1348 : f32 to vector<16xf32>
        %parallel_loop3A_1350 = arith.divf %parallel_loop3A_1349, %parallel_loop3A_1347 : vector<16xf32>
        %parallel_loop3A_1351 = arith.mulf %parallel_loop3A_1297, %parallel_loop3A_1350 : vector<16xf32>
        %parallel_loop3A_1352 = arith.index_cast %parallel_loop3A_1288 : i32 to index
        %parallel_loop3A_1353 = arith.constant 0 : index
        %parallel_loop3A_1354 = tpu.vector_load %arg7[%parallel_loop3A_1352, %parallel_loop3A_1353] {strides = array<i32>} : memref<256x64xf32, #tpu.memory_space<vmem>>, vector<1x16xf32>,
        %parallel_loop3A_1355 = vector.shape_cast %parallel_loop3A_1354 : vector<1x16xf32> to vector<16xf32>
        %parallel_loop3A_1356 = vector.shape_cast %parallel_loop3A_1351 : vector<16xf32> to vector<1x16xf32>
        tpu.vector_store %arg7[%parallel_loop3A_1352, %parallel_loop3A_1353], %parallel_loop3A_1356 {strides = array<i32>} : memref<256x64xf32, #tpu.memory_space<vmem>>, vector<1x16xf32>,
        %parallel_loop3A_1357 = arith.mulf %parallel_loop3A_1298, %parallel_loop3A_1350 : vector<16xf32>
        %parallel_loop3A_1358 = arith.index_cast %parallel_loop3A_1288 : i32 to index
        %parallel_loop3A_1359 = arith.constant 16 : index
        %parallel_loop3A_1360 = tpu.vector_load %arg7[%parallel_loop3A_1358, %parallel_loop3A_1359] {strides = array<i32>} : memref<256x64xf32, #tpu.memory_space<vmem>>, vector<1x16xf32>,
        %parallel_loop3A_1361 = vector.shape_cast %parallel_loop3A_1360 : vector<1x16xf32> to vector<16xf32>
        %parallel_loop3A_1362 = vector.shape_cast %parallel_loop3A_1357 : vector<16xf32> to vector<1x16xf32>
        tpu.vector_store %arg7[%parallel_loop3A_1358, %parallel_loop3A_1359], %parallel_loop3A_1362 {strides = array<i32>} : memref<256x64xf32, #tpu.memory_space<vmem>>, vector<1x16xf32>,
        %parallel_loop3A_1363 = arith.mulf %parallel_loop3A_1299, %parallel_loop3A_1350 : vector<16xf32>
        %parallel_loop3A_1364 = arith.index_cast %parallel_loop3A_1288 : i32 to index
        %parallel_loop3A_1365 = arith.constant 32 : index
        %parallel_loop3A_1366 = tpu.vector_load %arg7[%parallel_loop3A_1364, %parallel_loop3A_1365] {strides = array<i32>} : memref<256x64xf32, #tpu.memory_space<vmem>>, vector<1x16xf32>,
        %parallel_loop3A_1367 = vector.shape_cast %parallel_loop3A_1366 : vector<1x16xf32> to vector<16xf32>
        %parallel_loop3A_1368 = vector.shape_cast %parallel_loop3A_1363 : vector<16xf32> to vector<1x16xf32>
        tpu.vector_store %arg7[%parallel_loop3A_1364, %parallel_loop3A_1365], %parallel_loop3A_1368 {strides = array<i32>} : memref<256x64xf32, #tpu.memory_space<vmem>>, vector<1x16xf32>,
        %parallel_loop3A_1369 = arith.mulf %parallel_loop3A_1300, %parallel_loop3A_1350 : vector<16xf32>
        %parallel_loop3A_1370 = arith.index_cast %parallel_loop3A_1288 : i32 to index
        %parallel_loop3A_1371 = arith.constant 48 : index
        %parallel_loop3A_1372 = tpu.vector_load %arg7[%parallel_loop3A_1370, %parallel_loop3A_1371] {strides = array<i32>} : memref<256x64xf32, #tpu.memory_space<vmem>>, vector<1x16xf32>,
        %parallel_loop3A_1373 = vector.shape_cast %parallel_loop3A_1372 : vector<1x16xf32> to vector<16xf32>
        %parallel_loop3A_1374 = vector.shape_cast %parallel_loop3A_1369 : vector<16xf32> to vector<1x16xf32>
        tpu.vector_store %arg7[%parallel_loop3A_1370, %parallel_loop3A_1371], %parallel_loop3A_1374 {strides = array<i32>} : memref<256x64xf32, #tpu.memory_space<vmem>>, vector<1x16xf32>,
        %parallel_loop3A_1375 = arith.constant 1 : i32
        %parallel_loop3A_1376 = arith.addi %parallel_loop3A_1288, %parallel_loop3A_1375 : i32
        %parallel_loop3A_1377 = arith.constant 0 : i32
        %parallel_loop3A_1378 = arith.subi %parallel_loop3A_1376, %parallel_loop3A_1377 : i32
        %parallel_loop3A_1379 = arith.index_cast %parallel_loop3A_1378 : i32 to index
        %parallel_loop3A_1380 = arith.constant 0 : index
        %parallel_loop3A_1381 = tpu.vector_load %arg5[%parallel_loop3A_1379, %parallel_loop3A_1380] {strides = array<i32>} : memref<256x64xf32, #tpu.memory_space<vmem>>, vector<1x16xf32>,
        %parallel_loop3A_1382 = vector.shape_cast %parallel_loop3A_1381 : vector<1x16xf32> to vector<16xf32>
        %parallel_loop3A_1383 = arith.mulf %parallel_loop3A_1382, %parallel_loop3A_1289 : vector<16xf32>
        %parallel_loop3A_1384 = arith.index_cast %parallel_loop3A_1378 : i32 to index
        %parallel_loop3A_1385 = arith.constant 16 : index
        %parallel_loop3A_1386 = tpu.vector_load %arg5[%parallel_loop3A_1384, %parallel_loop3A_1385] {strides = array<i32>} : memref<256x64xf32, #tpu.memory_space<vmem>>, vector<1x16xf32>,
        %parallel_loop3A_1387 = vector.shape_cast %parallel_loop3A_1386 : vector<1x16xf32> to vector<16xf32>
        %parallel_loop3A_1388 = arith.mulf %parallel_loop3A_1387, %parallel_loop3A_1290 : vector<16xf32>
        %parallel_loop3A_1389 = arith.index_cast %parallel_loop3A_1378 : i32 to index
        %parallel_loop3A_1390 = arith.constant 32 : index
        %parallel_loop3A_1391 = tpu.vector_load %arg5[%parallel_loop3A_1389, %parallel_loop3A_1390] {strides = array<i32>} : memref<256x64xf32, #tpu.memory_space<vmem>>, vector<1x16xf32>,
        %parallel_loop3A_1392 = vector.shape_cast %parallel_loop3A_1391 : vector<1x16xf32> to vector<16xf32>
        %parallel_loop3A_1393 = arith.mulf %parallel_loop3A_1392, %parallel_loop3A_1291 : vector<16xf32>
        %parallel_loop3A_1394 = arith.index_cast %parallel_loop3A_1378 : i32 to index
        %parallel_loop3A_1395 = arith.constant 48 : index
        %parallel_loop3A_1396 = tpu.vector_load %arg5[%parallel_loop3A_1394, %parallel_loop3A_1395] {strides = array<i32>} : memref<256x64xf32, #tpu.memory_space<vmem>>, vector<1x16xf32>,
        %parallel_loop3A_1397 = vector.shape_cast %parallel_loop3A_1396 : vector<1x16xf32> to vector<16xf32>
        %parallel_loop3A_1398 = arith.mulf %parallel_loop3A_1397, %parallel_loop3A_1292 : vector<16xf32>
        %parallel_loop3A_1399 = arith.mulf %parallel_loop3A_1289, %parallel_loop3A_1297 : vector<16xf32>
        %parallel_loop3A_1400 = arith.mulf %parallel_loop3A_1399, %parallel_loop3A_1350 : vector<16xf32>
        %parallel_loop3A_1401 = arith.subf %parallel_loop3A_1289, %parallel_loop3A_1400 : vector<16xf32>
        %parallel_loop3A_1402 = arith.mulf %parallel_loop3A_1290, %parallel_loop3A_1298 : vector<16xf32>
        %parallel_loop3A_1403 = arith.mulf %parallel_loop3A_1402, %parallel_loop3A_1350 : vector<16xf32>
        %parallel_loop3A_1404 = arith.subf %parallel_loop3A_1290, %parallel_loop3A_1403 : vector<16xf32>
        %parallel_loop3A_1405 = arith.mulf %parallel_loop3A_1291, %parallel_loop3A_1299 : vector<16xf32>
        %parallel_loop3A_1406 = arith.mulf %parallel_loop3A_1405, %parallel_loop3A_1350 : vector<16xf32>
        %parallel_loop3A_1407 = arith.subf %parallel_loop3A_1291, %parallel_loop3A_1406 : vector<16xf32>
        %parallel_loop3A_1408 = arith.mulf %parallel_loop3A_1292, %parallel_loop3A_1300 : vector<16xf32>
        %parallel_loop3A_1409 = arith.mulf %parallel_loop3A_1408, %parallel_loop3A_1350 : vector<16xf32>
        %parallel_loop3A_1410 = arith.subf %parallel_loop3A_1292, %parallel_loop3A_1409 : vector<16xf32>
        %parallel_loop3A_1411 = arith.mulf %parallel_loop3A_1383, %parallel_loop3A_1297 : vector<16xf32>
        %parallel_loop3A_1412 = arith.mulf %parallel_loop3A_1411, %parallel_loop3A_1350 : vector<16xf32>
        %parallel_loop3A_1413 = arith.subf %parallel_loop3A_1383, %parallel_loop3A_1412 : vector<16xf32>
        %parallel_loop3A_1414 = arith.mulf %parallel_loop3A_1388, %parallel_loop3A_1298 : vector<16xf32>
        %parallel_loop3A_1415 = arith.mulf %parallel_loop3A_1414, %parallel_loop3A_1350 : vector<16xf32>
        %parallel_loop3A_1416 = arith.subf %parallel_loop3A_1388, %parallel_loop3A_1415 : vector<16xf32>
        %parallel_loop3A_1417 = arith.mulf %parallel_loop3A_1393, %parallel_loop3A_1299 : vector<16xf32>
        %parallel_loop3A_1418 = arith.mulf %parallel_loop3A_1417, %parallel_loop3A_1350 : vector<16xf32>
        %parallel_loop3A_1419 = arith.subf %parallel_loop3A_1393, %parallel_loop3A_1418 : vector<16xf32>
        %parallel_loop3A_1420 = arith.mulf %parallel_loop3A_1398, %parallel_loop3A_1300 : vector<16xf32>
        %parallel_loop3A_1421 = arith.mulf %parallel_loop3A_1420, %parallel_loop3A_1350 : vector<16xf32>
        %parallel_loop3A_1422 = arith.subf %parallel_loop3A_1398, %parallel_loop3A_1421 : vector<16xf32>
        scf.yield %parallel_loop3A_1401, %parallel_loop3A_1404, %parallel_loop3A_1407, %parallel_loop3A_1410, %parallel_loop3A_1413, %parallel_loop3A_1416, %parallel_loop3A_1419, %parallel_loop3A_1422 : vector<16xf32>, vector<16xf32>, vector<16xf32>, vector<16xf32>, vector<16xf32>, vector<16xf32>, vector<16xf32>, vector<16xf32>
      } {sc.loop_unroll_factor = 8 : i64, sc.parallel_access}
      %dma_wait3A_514 = arith.constant 1024 : i32
      %dma_wait3A_515 = arith.constant 0 : i32
      %dma_wait3A_516 = tpu.memref_slice %arg2[%dma_wait3A_514, %dma_wait3A_515] : memref<2048x64xf32, #tpu.memory_space<hbm>> -> memref<256x64xf32, #tpu.memory_space<hbm>>
      %dma_wait3A_517 = arith.constant 1024 : i32
      %dma_wait3A_518 = arith.constant 0 : i32
      %dma_wait3A_519 = tpu.memref_slice %arg2[%dma_wait3A_517, %dma_wait3A_518] : memref<2048x64xf32, #tpu.memory_space<hbm>> -> memref<256x64xf32, #tpu.memory_space<hbm>>
      tpu.wait_dma2 semaphore(%arg8 : memref<!tpu.dma_semaphore, #tpu.memory_space<semaphore_mem>>) src(%dma_wait3A_519 : memref<256x64xf32, #tpu.memory_space<hbm>>) dst(%arg4 : memref<256x64xf32, #tpu.memory_space<vmem>>)
      %exp3A_520 = math.exp %parallel_loop3A_513#4 : vector<16xf32>
      %exp3A_521 = math.exp %parallel_loop3A_513#5 : vector<16xf32>
      %exp3A_522 = math.exp %parallel_loop3A_513#6 : vector<16xf32>
      %exp3A_523 = math.exp %parallel_loop3A_513#7 : vector<16xf32>
      %add3A_524 = arith.addf %exp3A_520, %exp3A_521 : vector<16xf32>
      %add3A_525 = arith.addf %exp3A_522, %exp3A_523 : vector<16xf32>
      %add3A_526 = arith.addf %add3A_524, %add3A_525 : vector<16xf32>
      %lt3A_527 = arith.constant 0 : i32
      %lt3A_528 = vector.broadcast %lt3A_527 : i32 to vector<16xi32>
      %lt3A_529 = arith.cmpi slt, %xor3A_5, %lt3A_528 : vector<16xi32>
      %add3A_530 = arith.constant 16 : i32
      %add3A_531 = vector.broadcast %add3A_530 : i32 to vector<16xi32>
      %add3A_532 = arith.addi %xor3A_5, %add3A_531 : vector<16xi32>
      %select_n3A_533 = arith.select %lt3A_529, %add3A_532, %xor3A_5 : vector<16xi1>, vector<16xi32>
      %broadcast_in_dim3A_534 = vector.shape_cast %select_n3A_533 : vector<16xi32> to vector<16x1xi32>
      %gather3A_535 = vector.shape_cast %broadcast_in_dim3A_534 : vector<16x1xi32> to vector<16xi32>
      %gather3A_536 = tpu.dynamic_gather %add3A_526[%gather3A_535] in [0] : vector<16xf32>, vector<16xi32> -> vector<16xf32>
      %add3A_537 = arith.addf %add3A_526, %gather3A_536 : vector<16xf32>
      %lt3A_538 = arith.constant 0 : i32
      %lt3A_539 = vector.broadcast %lt3A_538 : i32 to vector<16xi32>
      %lt3A_540 = arith.cmpi slt, %xor3A_8, %lt3A_539 : vector<16xi32>
      %add3A_541 = arith.constant 16 : i32
      %add3A_542 = vector.broadcast %add3A_541 : i32 to vector<16xi32>
      %add3A_543 = arith.addi %xor3A_8, %add3A_542 : vector<16xi32>
      %select_n3A_544 = arith.select %lt3A_540, %add3A_543, %xor3A_8 : vector<16xi1>, vector<16xi32>
      %broadcast_in_dim3A_545 = vector.shape_cast %select_n3A_544 : vector<16xi32> to vector<16x1xi32>
      %gather3A_546 = vector.shape_cast %broadcast_in_dim3A_545 : vector<16x1xi32> to vector<16xi32>
      %gather3A_547 = tpu.dynamic_gather %add3A_537[%gather3A_546] in [0] : vector<16xf32>, vector<16xi32> -> vector<16xf32>
      %add3A_548 = arith.addf %add3A_537, %gather3A_547 : vector<16xf32>
      %lt3A_549 = arith.constant 0 : i32
      %lt3A_550 = vector.broadcast %lt3A_549 : i32 to vector<16xi32>
      %lt3A_551 = arith.cmpi slt, %xor3A_11, %lt3A_550 : vector<16xi32>
      %add3A_552 = arith.constant 16 : i32
      %add3A_553 = vector.broadcast %add3A_552 : i32 to vector<16xi32>
      %add3A_554 = arith.addi %xor3A_11, %add3A_553 : vector<16xi32>
      %select_n3A_555 = arith.select %lt3A_551, %add3A_554, %xor3A_11 : vector<16xi1>, vector<16xi32>
      %broadcast_in_dim3A_556 = vector.shape_cast %select_n3A_555 : vector<16xi32> to vector<16x1xi32>
      %gather3A_557 = vector.shape_cast %broadcast_in_dim3A_556 : vector<16x1xi32> to vector<16xi32>
      %gather3A_558 = tpu.dynamic_gather %add3A_548[%gather3A_557] in [0] : vector<16xf32>, vector<16xi32> -> vector<16xf32>
      %add3A_559 = arith.addf %add3A_548, %gather3A_558 : vector<16xf32>
      %lt3A_560 = arith.constant 0 : i32
      %lt3A_561 = vector.broadcast %lt3A_560 : i32 to vector<16xi32>
      %lt3A_562 = arith.cmpi slt, %xor3A_14, %lt3A_561 : vector<16xi32>
      %add3A_563 = arith.constant 16 : i32
      %add3A_564 = vector.broadcast %add3A_563 : i32 to vector<16xi32>
      %add3A_565 = arith.addi %xor3A_14, %add3A_564 : vector<16xi32>
      %select_n3A_566 = arith.select %lt3A_562, %add3A_565, %xor3A_14 : vector<16xi1>, vector<16xi32>
      %broadcast_in_dim3A_567 = vector.shape_cast %select_n3A_566 : vector<16xi32> to vector<16x1xi32>
      %gather3A_568 = vector.shape_cast %broadcast_in_dim3A_567 : vector<16x1xi32> to vector<16xi32>
      %gather3A_569 = tpu.dynamic_gather %add3A_559[%gather3A_568] in [0] : vector<16xf32>, vector<16xi32> -> vector<16xf32>
      %add3A_570 = arith.addf %add3A_559, %gather3A_569 : vector<16xf32>
      %div3A_571 = arith.constant 1.000000e+00 : f32
      %div3A_572 = vector.broadcast %div3A_571 : f32 to vector<16xf32>
      %div3A_573 = arith.divf %div3A_572, %add3A_570 : vector<16xf32>
      %mul3A_574 = arith.mulf %exp3A_520, %div3A_573 : vector<16xf32>
      %swap3A_575 = arith.constant 255 : i32
      %swap3A_576 = arith.index_cast %swap3A_575 : i32 to index
      %swap3A_577 = arith.constant 0 : index
      %swap3A_578 = tpu.vector_load %arg7[%swap3A_576, %swap3A_577] {strides = array<i32>} : memref<256x64xf32, #tpu.memory_space<vmem>>, vector<1x16xf32>,
      %swap3A_579 = vector.shape_cast %swap3A_578 : vector<1x16xf32> to vector<16xf32>
      %swap3A_580 = vector.shape_cast %mul3A_574 : vector<16xf32> to vector<1x16xf32>
      tpu.vector_store %arg7[%swap3A_576, %swap3A_577], %swap3A_580 {strides = array<i32>} : memref<256x64xf32, #tpu.memory_space<vmem>>, vector<1x16xf32>,
      %mul3A_581 = arith.mulf %exp3A_521, %div3A_573 : vector<16xf32>
      %swap3A_582 = arith.constant 255 : i32
      %swap3A_583 = arith.index_cast %swap3A_582 : i32 to index
      %swap3A_584 = arith.constant 16 : index
      %swap3A_585 = tpu.vector_load %arg7[%swap3A_583, %swap3A_584] {strides = array<i32>} : memref<256x64xf32, #tpu.memory_space<vmem>>, vector<1x16xf32>,
      %swap3A_586 = vector.shape_cast %swap3A_585 : vector<1x16xf32> to vector<16xf32>
      %swap3A_587 = vector.shape_cast %mul3A_581 : vector<16xf32> to vector<1x16xf32>
      tpu.vector_store %arg7[%swap3A_583, %swap3A_584], %swap3A_587 {strides = array<i32>} : memref<256x64xf32, #tpu.memory_space<vmem>>, vector<1x16xf32>,
      %mul3A_588 = arith.mulf %exp3A_522, %div3A_573 : vector<16xf32>
      %swap3A_589 = arith.constant 255 : i32
      %swap3A_590 = arith.index_cast %swap3A_589 : i32 to index
      %swap3A_591 = arith.constant 32 : index
      %swap3A_592 = tpu.vector_load %arg7[%swap3A_590, %swap3A_591] {strides = array<i32>} : memref<256x64xf32, #tpu.memory_space<vmem>>, vector<1x16xf32>,
      %swap3A_593 = vector.shape_cast %swap3A_592 : vector<1x16xf32> to vector<16xf32>
      %swap3A_594 = vector.shape_cast %mul3A_588 : vector<16xf32> to vector<1x16xf32>
      tpu.vector_store %arg7[%swap3A_590, %swap3A_591], %swap3A_594 {strides = array<i32>} : memref<256x64xf32, #tpu.memory_space<vmem>>, vector<1x16xf32>,
      %mul3A_595 = arith.mulf %exp3A_523, %div3A_573 : vector<16xf32>
      %swap3A_596 = arith.constant 255 : i32
      %swap3A_597 = arith.index_cast %swap3A_596 : i32 to index
      %swap3A_598 = arith.constant 48 : index
      %swap3A_599 = tpu.vector_load %arg7[%swap3A_597, %swap3A_598] {strides = array<i32>} : memref<256x64xf32, #tpu.memory_space<vmem>>, vector<1x16xf32>,
      %swap3A_600 = vector.shape_cast %swap3A_599 : vector<1x16xf32> to vector<16xf32>
      %swap3A_601 = vector.shape_cast %mul3A_595 : vector<16xf32> to vector<1x16xf32>
      tpu.vector_store %arg7[%swap3A_597, %swap3A_598], %swap3A_601 {strides = array<i32>} : memref<256x64xf32, #tpu.memory_space<vmem>>, vector<1x16xf32>,
      %get3A_602 = arith.constant 0 : i32
      %get3A_603 = arith.index_cast %get3A_602 : i32 to index
      %get3A_604 = arith.constant 0 : index
      %get3A_605 = tpu.vector_load %arg4[%get3A_603, %get3A_604] {strides = array<i32>} : memref<256x64xf32, #tpu.memory_space<vmem>>, vector<1x16xf32>,
      %get3A_606 = vector.shape_cast %get3A_605 : vector<1x16xf32> to vector<16xf32>
      %mul3A_607 = arith.mulf %get3A_606, %parallel_loop3A_513#0 : vector<16xf32>
      %get3A_608 = arith.constant 0 : i32
      %get3A_609 = arith.index_cast %get3A_608 : i32 to index
      %get3A_610 = arith.constant 16 : index
      %get3A_611 = tpu.vector_load %arg4[%get3A_609, %get3A_610] {strides = array<i32>} : memref<256x64xf32, #tpu.memory_space<vmem>>, vector<1x16xf32>,
      %get3A_612 = vector.shape_cast %get3A_611 : vector<1x16xf32> to vector<16xf32>
      %mul3A_613 = arith.mulf %get3A_612, %parallel_loop3A_513#1 : vector<16xf32>
      %get3A_614 = arith.constant 0 : i32
      %get3A_615 = arith.index_cast %get3A_614 : i32 to index
      %get3A_616 = arith.constant 32 : index
      %get3A_617 = tpu.vector_load %arg4[%get3A_615, %get3A_616] {strides = array<i32>} : memref<256x64xf32, #tpu.memory_space<vmem>>, vector<1x16xf32>,
      %get3A_618 = vector.shape_cast %get3A_617 : vector<1x16xf32> to vector<16xf32>
      %mul3A_619 = arith.mulf %get3A_618, %parallel_loop3A_513#2 : vector<16xf32>
      %get3A_620 = arith.constant 0 : i32
      %get3A_621 = arith.index_cast %get3A_620 : i32 to index
      %get3A_622 = arith.constant 48 : index
      %get3A_623 = tpu.vector_load %arg4[%get3A_621, %get3A_622] {strides = array<i32>} : memref<256x64xf32, #tpu.memory_space<vmem>>, vector<1x16xf32>,
      %get3A_624 = vector.shape_cast %get3A_623 : vector<1x16xf32> to vector<16xf32>
      %mul3A_625 = arith.mulf %get3A_624, %parallel_loop3A_513#3 : vector<16xf32>
      %mul3A_626 = arith.mulf %parallel_loop3A_513#0, %exp3A_520 : vector<16xf32>
      %mul3A_627 = arith.mulf %mul3A_626, %div3A_573 : vector<16xf32>
      %sub3A_628 = arith.subf %parallel_loop3A_513#0, %mul3A_627 : vector<16xf32>
      %mul3A_629 = arith.mulf %parallel_loop3A_513#1, %exp3A_521 : vector<16xf32>
      %mul3A_630 = arith.mulf %mul3A_629, %div3A_573 : vector<16xf32>
      %sub3A_631 = arith.subf %parallel_loop3A_513#1, %mul3A_630 : vector<16xf32>
      %mul3A_632 = arith.mulf %parallel_loop3A_513#2, %exp3A_522 : vector<16xf32>
      %mul3A_633 = arith.mulf %mul3A_632, %div3A_573 : vector<16xf32>
      %sub3A_634 = arith.subf %parallel_loop3A_513#2, %mul3A_633 : vector<16xf32>
      %mul3A_635 = arith.mulf %parallel_loop3A_513#3, %exp3A_523 : vector<16xf32>
      %mul3A_636 = arith.mulf %mul3A_635, %div3A_573 : vector<16xf32>
      %sub3A_637 = arith.subf %parallel_loop3A_513#3, %mul3A_636 : vector<16xf32>
      %mul3A_638 = arith.mulf %mul3A_607, %exp3A_520 : vector<16xf32>
      %mul3A_639 = arith.mulf %mul3A_638, %div3A_573 : vector<16xf32>
      %sub3A_640 = arith.subf %mul3A_607, %mul3A_639 : vector<16xf32>
      %mul3A_641 = arith.mulf %mul3A_613, %exp3A_521 : vector<16xf32>
      %mul3A_642 = arith.mulf %mul3A_641, %div3A_573 : vector<16xf32>
      %sub3A_643 = arith.subf %mul3A_613, %mul3A_642 : vector<16xf32>
      %mul3A_644 = arith.mulf %mul3A_619, %exp3A_522 : vector<16xf32>
      %mul3A_645 = arith.mulf %mul3A_644, %div3A_573 : vector<16xf32>
      %sub3A_646 = arith.subf %mul3A_619, %mul3A_645 : vector<16xf32>
      %mul3A_647 = arith.mulf %mul3A_625, %exp3A_523 : vector<16xf32>
      %mul3A_648 = arith.mulf %mul3A_647, %div3A_573 : vector<16xf32>
      %sub3A_649 = arith.subf %mul3A_625, %mul3A_648 : vector<16xf32>
      %dma_start3A_650 = arith.constant 768 : i32
      %dma_start3A_651 = arith.constant 0 : i32
      %dma_start3A_652 = tpu.memref_slice %arg3[%dma_start3A_650, %dma_start3A_651] : memref<2048x64xf32, #tpu.memory_space<hbm>> -> memref<256x64xf32, #tpu.memory_space<hbm>>
      %dma_start3A_653 = arith.constant 768 : i32
      %dma_start3A_654 = arith.constant 0 : i32
      %dma_start3A_655 = tpu.memref_slice %arg3[%dma_start3A_653, %dma_start3A_654] : memref<2048x64xf32, #tpu.memory_space<hbm>> -> memref<256x64xf32, #tpu.memory_space<hbm>>
      tpu.enqueue_dma source(%arg7 : memref<256x64xf32, #tpu.memory_space<vmem>>) target(%dma_start3A_655 : memref<256x64xf32, #tpu.memory_space<hbm>>) target_semaphore(%arg9 : memref<!tpu.dma_semaphore, #tpu.memory_space<semaphore_mem>>)
      %dma_start3A_656 = arith.constant 1280 : i32
      %dma_start3A_657 = arith.constant 0 : i32
      %dma_start3A_658 = tpu.memref_slice %arg2[%dma_start3A_656, %dma_start3A_657] : memref<2048x64xf32, #tpu.memory_space<hbm>> -> memref<256x64xf32, #tpu.memory_space<hbm>>
      %dma_start3A_659 = arith.constant 1280 : i32
      %dma_start3A_660 = arith.constant 0 : i32
      %dma_start3A_661 = tpu.memref_slice %arg2[%dma_start3A_659, %dma_start3A_660] : memref<2048x64xf32, #tpu.memory_space<hbm>> -> memref<256x64xf32, #tpu.memory_space<hbm>>
      tpu.enqueue_dma source(%dma_start3A_661 : memref<256x64xf32, #tpu.memory_space<hbm>>) target(%arg5 : memref<256x64xf32, #tpu.memory_space<vmem>>) target_semaphore(%arg8 : memref<!tpu.dma_semaphore, #tpu.memory_space<semaphore_mem>>)
      %dma_wait3A_662 = arith.constant 512 : i32
      %dma_wait3A_663 = arith.constant 0 : i32
      %dma_wait3A_664 = tpu.memref_slice %arg3[%dma_wait3A_662, %dma_wait3A_663] : memref<2048x64xf32, #tpu.memory_space<hbm>> -> memref<256x64xf32, #tpu.memory_space<hbm>>
      %dma_wait3A_665 = arith.constant 512 : i32
      %dma_wait3A_666 = arith.constant 0 : i32
      %dma_wait3A_667 = tpu.memref_slice %arg3[%dma_wait3A_665, %dma_wait3A_666] : memref<2048x64xf32, #tpu.memory_space<hbm>> -> memref<256x64xf32, #tpu.memory_space<hbm>>
      tpu.wait_dma2 semaphore(%arg9 : memref<!tpu.dma_semaphore, #tpu.memory_space<semaphore_mem>>) src(%arg6 : memref<256x64xf32, #tpu.memory_space<vmem>>) dst(%dma_wait3A_667 : memref<256x64xf32, #tpu.memory_space<hbm>>)
      %parallel_loop3A_668 = arith.constant 0 : i32
      %parallel_loop3A_669 = arith.constant 255 : i32
      %parallel_loop3A_670 = arith.constant 1 : i32
      %parallel_loop3A_671:8 = scf.for %parallel_loop3A_1288 = %parallel_loop3A_668 to %parallel_loop3A_669 step %parallel_loop3A_670 iter_args(%parallel_loop3A_1289 = %sub3A_628, %parallel_loop3A_1290 = %sub3A_631, %parallel_loop3A_1291 = %sub3A_634, %parallel_loop3A_1292 = %sub3A_637, %parallel_loop3A_1293 = %sub3A_640, %parallel_loop3A_1294 = %sub3A_643, %parallel_loop3A_1295 = %sub3A_646, %parallel_loop3A_1296 = %sub3A_649) -> (vector<16xf32>, vector<16xf32>, vector<16xf32>, vector<16xf32>, vector<16xf32>, vector<16xf32>, vector<16xf32>, vector<16xf32>)  : i32 {
        %parallel_loop3A_1297 = math.exp %parallel_loop3A_1293 : vector<16xf32>
        %parallel_loop3A_1298 = math.exp %parallel_loop3A_1294 : vector<16xf32>
        %parallel_loop3A_1299 = math.exp %parallel_loop3A_1295 : vector<16xf32>
        %parallel_loop3A_1300 = math.exp %parallel_loop3A_1296 : vector<16xf32>
        %parallel_loop3A_1301 = arith.addf %parallel_loop3A_1297, %parallel_loop3A_1298 : vector<16xf32>
        %parallel_loop3A_1302 = arith.addf %parallel_loop3A_1299, %parallel_loop3A_1300 : vector<16xf32>
        %parallel_loop3A_1303 = arith.addf %parallel_loop3A_1301, %parallel_loop3A_1302 : vector<16xf32>
        %parallel_loop3A_1304 = arith.constant 0 : i32
        %parallel_loop3A_1305 = vector.broadcast %parallel_loop3A_1304 : i32 to vector<16xi32>
        %parallel_loop3A_1306 = arith.cmpi slt, %xor3A_5, %parallel_loop3A_1305 : vector<16xi32>
        %parallel_loop3A_1307 = arith.constant 16 : i32
        %parallel_loop3A_1308 = vector.broadcast %parallel_loop3A_1307 : i32 to vector<16xi32>
        %parallel_loop3A_1309 = arith.addi %xor3A_5, %parallel_loop3A_1308 : vector<16xi32>
        %parallel_loop3A_1310 = arith.select %parallel_loop3A_1306, %parallel_loop3A_1309, %xor3A_5 : vector<16xi1>, vector<16xi32>
        %parallel_loop3A_1311 = vector.shape_cast %parallel_loop3A_1310 : vector<16xi32> to vector<16x1xi32>
        %parallel_loop3A_1312 = vector.shape_cast %parallel_loop3A_1311 : vector<16x1xi32> to vector<16xi32>
        %parallel_loop3A_1313 = tpu.dynamic_gather %parallel_loop3A_1303[%parallel_loop3A_1312] in [0] : vector<16xf32>, vector<16xi32> -> vector<16xf32>
        %parallel_loop3A_1314 = arith.addf %parallel_loop3A_1303, %parallel_loop3A_1313 : vector<16xf32>
        %parallel_loop3A_1315 = arith.constant 0 : i32
        %parallel_loop3A_1316 = vector.broadcast %parallel_loop3A_1315 : i32 to vector<16xi32>
        %parallel_loop3A_1317 = arith.cmpi slt, %xor3A_8, %parallel_loop3A_1316 : vector<16xi32>
        %parallel_loop3A_1318 = arith.constant 16 : i32
        %parallel_loop3A_1319 = vector.broadcast %parallel_loop3A_1318 : i32 to vector<16xi32>
        %parallel_loop3A_1320 = arith.addi %xor3A_8, %parallel_loop3A_1319 : vector<16xi32>
        %parallel_loop3A_1321 = arith.select %parallel_loop3A_1317, %parallel_loop3A_1320, %xor3A_8 : vector<16xi1>, vector<16xi32>
        %parallel_loop3A_1322 = vector.shape_cast %parallel_loop3A_1321 : vector<16xi32> to vector<16x1xi32>
        %parallel_loop3A_1323 = vector.shape_cast %parallel_loop3A_1322 : vector<16x1xi32> to vector<16xi32>
        %parallel_loop3A_1324 = tpu.dynamic_gather %parallel_loop3A_1314[%parallel_loop3A_1323] in [0] : vector<16xf32>, vector<16xi32> -> vector<16xf32>
        %parallel_loop3A_1325 = arith.addf %parallel_loop3A_1314, %parallel_loop3A_1324 : vector<16xf32>
        %parallel_loop3A_1326 = arith.constant 0 : i32
        %parallel_loop3A_1327 = vector.broadcast %parallel_loop3A_1326 : i32 to vector<16xi32>
        %parallel_loop3A_1328 = arith.cmpi slt, %xor3A_11, %parallel_loop3A_1327 : vector<16xi32>
        %parallel_loop3A_1329 = arith.constant 16 : i32
        %parallel_loop3A_1330 = vector.broadcast %parallel_loop3A_1329 : i32 to vector<16xi32>
        %parallel_loop3A_1331 = arith.addi %xor3A_11, %parallel_loop3A_1330 : vector<16xi32>
        %parallel_loop3A_1332 = arith.select %parallel_loop3A_1328, %parallel_loop3A_1331, %xor3A_11 : vector<16xi1>, vector<16xi32>
        %parallel_loop3A_1333 = vector.shape_cast %parallel_loop3A_1332 : vector<16xi32> to vector<16x1xi32>
        %parallel_loop3A_1334 = vector.shape_cast %parallel_loop3A_1333 : vector<16x1xi32> to vector<16xi32>
        %parallel_loop3A_1335 = tpu.dynamic_gather %parallel_loop3A_1325[%parallel_loop3A_1334] in [0] : vector<16xf32>, vector<16xi32> -> vector<16xf32>
        %parallel_loop3A_1336 = arith.addf %parallel_loop3A_1325, %parallel_loop3A_1335 : vector<16xf32>
        %parallel_loop3A_1337 = arith.constant 0 : i32
        %parallel_loop3A_1338 = vector.broadcast %parallel_loop3A_1337 : i32 to vector<16xi32>
        %parallel_loop3A_1339 = arith.cmpi slt, %xor3A_14, %parallel_loop3A_1338 : vector<16xi32>
        %parallel_loop3A_1340 = arith.constant 16 : i32
        %parallel_loop3A_1341 = vector.broadcast %parallel_loop3A_1340 : i32 to vector<16xi32>
        %parallel_loop3A_1342 = arith.addi %xor3A_14, %parallel_loop3A_1341 : vector<16xi32>
        %parallel_loop3A_1343 = arith.select %parallel_loop3A_1339, %parallel_loop3A_1342, %xor3A_14 : vector<16xi1>, vector<16xi32>
        %parallel_loop3A_1344 = vector.shape_cast %parallel_loop3A_1343 : vector<16xi32> to vector<16x1xi32>
        %parallel_loop3A_1345 = vector.shape_cast %parallel_loop3A_1344 : vector<16x1xi32> to vector<16xi32>
        %parallel_loop3A_1346 = tpu.dynamic_gather %parallel_loop3A_1336[%parallel_loop3A_1345] in [0] : vector<16xf32>, vector<16xi32> -> vector<16xf32>
        %parallel_loop3A_1347 = arith.addf %parallel_loop3A_1336, %parallel_loop3A_1346 : vector<16xf32>
        %parallel_loop3A_1348 = arith.constant 1.000000e+00 : f32
        %parallel_loop3A_1349 = vector.broadcast %parallel_loop3A_1348 : f32 to vector<16xf32>
        %parallel_loop3A_1350 = arith.divf %parallel_loop3A_1349, %parallel_loop3A_1347 : vector<16xf32>
        %parallel_loop3A_1351 = arith.mulf %parallel_loop3A_1297, %parallel_loop3A_1350 : vector<16xf32>
        %parallel_loop3A_1352 = arith.index_cast %parallel_loop3A_1288 : i32 to index
        %parallel_loop3A_1353 = arith.constant 0 : index
        %parallel_loop3A_1354 = tpu.vector_load %arg6[%parallel_loop3A_1352, %parallel_loop3A_1353] {strides = array<i32>} : memref<256x64xf32, #tpu.memory_space<vmem>>, vector<1x16xf32>,
        %parallel_loop3A_1355 = vector.shape_cast %parallel_loop3A_1354 : vector<1x16xf32> to vector<16xf32>
        %parallel_loop3A_1356 = vector.shape_cast %parallel_loop3A_1351 : vector<16xf32> to vector<1x16xf32>
        tpu.vector_store %arg6[%parallel_loop3A_1352, %parallel_loop3A_1353], %parallel_loop3A_1356 {strides = array<i32>} : memref<256x64xf32, #tpu.memory_space<vmem>>, vector<1x16xf32>,
        %parallel_loop3A_1357 = arith.mulf %parallel_loop3A_1298, %parallel_loop3A_1350 : vector<16xf32>
        %parallel_loop3A_1358 = arith.index_cast %parallel_loop3A_1288 : i32 to index
        %parallel_loop3A_1359 = arith.constant 16 : index
        %parallel_loop3A_1360 = tpu.vector_load %arg6[%parallel_loop3A_1358, %parallel_loop3A_1359] {strides = array<i32>} : memref<256x64xf32, #tpu.memory_space<vmem>>, vector<1x16xf32>,
        %parallel_loop3A_1361 = vector.shape_cast %parallel_loop3A_1360 : vector<1x16xf32> to vector<16xf32>
        %parallel_loop3A_1362 = vector.shape_cast %parallel_loop3A_1357 : vector<16xf32> to vector<1x16xf32>
        tpu.vector_store %arg6[%parallel_loop3A_1358, %parallel_loop3A_1359], %parallel_loop3A_1362 {strides = array<i32>} : memref<256x64xf32, #tpu.memory_space<vmem>>, vector<1x16xf32>,
        %parallel_loop3A_1363 = arith.mulf %parallel_loop3A_1299, %parallel_loop3A_1350 : vector<16xf32>
        %parallel_loop3A_1364 = arith.index_cast %parallel_loop3A_1288 : i32 to index
        %parallel_loop3A_1365 = arith.constant 32 : index
        %parallel_loop3A_1366 = tpu.vector_load %arg6[%parallel_loop3A_1364, %parallel_loop3A_1365] {strides = array<i32>} : memref<256x64xf32, #tpu.memory_space<vmem>>, vector<1x16xf32>,
        %parallel_loop3A_1367 = vector.shape_cast %parallel_loop3A_1366 : vector<1x16xf32> to vector<16xf32>
        %parallel_loop3A_1368 = vector.shape_cast %parallel_loop3A_1363 : vector<16xf32> to vector<1x16xf32>
        tpu.vector_store %arg6[%parallel_loop3A_1364, %parallel_loop3A_1365], %parallel_loop3A_1368 {strides = array<i32>} : memref<256x64xf32, #tpu.memory_space<vmem>>, vector<1x16xf32>,
        %parallel_loop3A_1369 = arith.mulf %parallel_loop3A_1300, %parallel_loop3A_1350 : vector<16xf32>
        %parallel_loop3A_1370 = arith.index_cast %parallel_loop3A_1288 : i32 to index
        %parallel_loop3A_1371 = arith.constant 48 : index
        %parallel_loop3A_1372 = tpu.vector_load %arg6[%parallel_loop3A_1370, %parallel_loop3A_1371] {strides = array<i32>} : memref<256x64xf32, #tpu.memory_space<vmem>>, vector<1x16xf32>,
        %parallel_loop3A_1373 = vector.shape_cast %parallel_loop3A_1372 : vector<1x16xf32> to vector<16xf32>
        %parallel_loop3A_1374 = vector.shape_cast %parallel_loop3A_1369 : vector<16xf32> to vector<1x16xf32>
        tpu.vector_store %arg6[%parallel_loop3A_1370, %parallel_loop3A_1371], %parallel_loop3A_1374 {strides = array<i32>} : memref<256x64xf32, #tpu.memory_space<vmem>>, vector<1x16xf32>,
        %parallel_loop3A_1375 = arith.constant 1 : i32
        %parallel_loop3A_1376 = arith.addi %parallel_loop3A_1288, %parallel_loop3A_1375 : i32
        %parallel_loop3A_1377 = arith.constant 0 : i32
        %parallel_loop3A_1378 = arith.subi %parallel_loop3A_1376, %parallel_loop3A_1377 : i32
        %parallel_loop3A_1379 = arith.index_cast %parallel_loop3A_1378 : i32 to index
        %parallel_loop3A_1380 = arith.constant 0 : index
        %parallel_loop3A_1381 = tpu.vector_load %arg4[%parallel_loop3A_1379, %parallel_loop3A_1380] {strides = array<i32>} : memref<256x64xf32, #tpu.memory_space<vmem>>, vector<1x16xf32>,
        %parallel_loop3A_1382 = vector.shape_cast %parallel_loop3A_1381 : vector<1x16xf32> to vector<16xf32>
        %parallel_loop3A_1383 = arith.mulf %parallel_loop3A_1382, %parallel_loop3A_1289 : vector<16xf32>
        %parallel_loop3A_1384 = arith.index_cast %parallel_loop3A_1378 : i32 to index
        %parallel_loop3A_1385 = arith.constant 16 : index
        %parallel_loop3A_1386 = tpu.vector_load %arg4[%parallel_loop3A_1384, %parallel_loop3A_1385] {strides = array<i32>} : memref<256x64xf32, #tpu.memory_space<vmem>>, vector<1x16xf32>,
        %parallel_loop3A_1387 = vector.shape_cast %parallel_loop3A_1386 : vector<1x16xf32> to vector<16xf32>
        %parallel_loop3A_1388 = arith.mulf %parallel_loop3A_1387, %parallel_loop3A_1290 : vector<16xf32>
        %parallel_loop3A_1389 = arith.index_cast %parallel_loop3A_1378 : i32 to index
        %parallel_loop3A_1390 = arith.constant 32 : index
        %parallel_loop3A_1391 = tpu.vector_load %arg4[%parallel_loop3A_1389, %parallel_loop3A_1390] {strides = array<i32>} : memref<256x64xf32, #tpu.memory_space<vmem>>, vector<1x16xf32>,
        %parallel_loop3A_1392 = vector.shape_cast %parallel_loop3A_1391 : vector<1x16xf32> to vector<16xf32>
        %parallel_loop3A_1393 = arith.mulf %parallel_loop3A_1392, %parallel_loop3A_1291 : vector<16xf32>
        %parallel_loop3A_1394 = arith.index_cast %parallel_loop3A_1378 : i32 to index
        %parallel_loop3A_1395 = arith.constant 48 : index
        %parallel_loop3A_1396 = tpu.vector_load %arg4[%parallel_loop3A_1394, %parallel_loop3A_1395] {strides = array<i32>} : memref<256x64xf32, #tpu.memory_space<vmem>>, vector<1x16xf32>,
        %parallel_loop3A_1397 = vector.shape_cast %parallel_loop3A_1396 : vector<1x16xf32> to vector<16xf32>
        %parallel_loop3A_1398 = arith.mulf %parallel_loop3A_1397, %parallel_loop3A_1292 : vector<16xf32>
        %parallel_loop3A_1399 = arith.mulf %parallel_loop3A_1289, %parallel_loop3A_1297 : vector<16xf32>
        %parallel_loop3A_1400 = arith.mulf %parallel_loop3A_1399, %parallel_loop3A_1350 : vector<16xf32>
        %parallel_loop3A_1401 = arith.subf %parallel_loop3A_1289, %parallel_loop3A_1400 : vector<16xf32>
        %parallel_loop3A_1402 = arith.mulf %parallel_loop3A_1290, %parallel_loop3A_1298 : vector<16xf32>
        %parallel_loop3A_1403 = arith.mulf %parallel_loop3A_1402, %parallel_loop3A_1350 : vector<16xf32>
        %parallel_loop3A_1404 = arith.subf %parallel_loop3A_1290, %parallel_loop3A_1403 : vector<16xf32>
        %parallel_loop3A_1405 = arith.mulf %parallel_loop3A_1291, %parallel_loop3A_1299 : vector<16xf32>
        %parallel_loop3A_1406 = arith.mulf %parallel_loop3A_1405, %parallel_loop3A_1350 : vector<16xf32>
        %parallel_loop3A_1407 = arith.subf %parallel_loop3A_1291, %parallel_loop3A_1406 : vector<16xf32>
        %parallel_loop3A_1408 = arith.mulf %parallel_loop3A_1292, %parallel_loop3A_1300 : vector<16xf32>
        %parallel_loop3A_1409 = arith.mulf %parallel_loop3A_1408, %parallel_loop3A_1350 : vector<16xf32>
        %parallel_loop3A_1410 = arith.subf %parallel_loop3A_1292, %parallel_loop3A_1409 : vector<16xf32>
        %parallel_loop3A_1411 = arith.mulf %parallel_loop3A_1383, %parallel_loop3A_1297 : vector<16xf32>
        %parallel_loop3A_1412 = arith.mulf %parallel_loop3A_1411, %parallel_loop3A_1350 : vector<16xf32>
        %parallel_loop3A_1413 = arith.subf %parallel_loop3A_1383, %parallel_loop3A_1412 : vector<16xf32>
        %parallel_loop3A_1414 = arith.mulf %parallel_loop3A_1388, %parallel_loop3A_1298 : vector<16xf32>
        %parallel_loop3A_1415 = arith.mulf %parallel_loop3A_1414, %parallel_loop3A_1350 : vector<16xf32>
        %parallel_loop3A_1416 = arith.subf %parallel_loop3A_1388, %parallel_loop3A_1415 : vector<16xf32>
        %parallel_loop3A_1417 = arith.mulf %parallel_loop3A_1393, %parallel_loop3A_1299 : vector<16xf32>
        %parallel_loop3A_1418 = arith.mulf %parallel_loop3A_1417, %parallel_loop3A_1350 : vector<16xf32>
        %parallel_loop3A_1419 = arith.subf %parallel_loop3A_1393, %parallel_loop3A_1418 : vector<16xf32>
        %parallel_loop3A_1420 = arith.mulf %parallel_loop3A_1398, %parallel_loop3A_1300 : vector<16xf32>
        %parallel_loop3A_1421 = arith.mulf %parallel_loop3A_1420, %parallel_loop3A_1350 : vector<16xf32>
        %parallel_loop3A_1422 = arith.subf %parallel_loop3A_1398, %parallel_loop3A_1421 : vector<16xf32>
        scf.yield %parallel_loop3A_1401, %parallel_loop3A_1404, %parallel_loop3A_1407, %parallel_loop3A_1410, %parallel_loop3A_1413, %parallel_loop3A_1416, %parallel_loop3A_1419, %parallel_loop3A_1422 : vector<16xf32>, vector<16xf32>, vector<16xf32>, vector<16xf32>, vector<16xf32>, vector<16xf32>, vector<16xf32>, vector<16xf32>
      } {sc.loop_unroll_factor = 8 : i64, sc.parallel_access}
      %dma_wait3A_672 = arith.constant 1280 : i32
      %dma_wait3A_673 = arith.constant 0 : i32
      %dma_wait3A_674 = tpu.memref_slice %arg2[%dma_wait3A_672, %dma_wait3A_673] : memref<2048x64xf32, #tpu.memory_space<hbm>> -> memref<256x64xf32, #tpu.memory_space<hbm>>
      %dma_wait3A_675 = arith.constant 1280 : i32
      %dma_wait3A_676 = arith.constant 0 : i32
      %dma_wait3A_677 = tpu.memref_slice %arg2[%dma_wait3A_675, %dma_wait3A_676] : memref<2048x64xf32, #tpu.memory_space<hbm>> -> memref<256x64xf32, #tpu.memory_space<hbm>>
      tpu.wait_dma2 semaphore(%arg8 : memref<!tpu.dma_semaphore, #tpu.memory_space<semaphore_mem>>) src(%dma_wait3A_677 : memref<256x64xf32, #tpu.memory_space<hbm>>) dst(%arg5 : memref<256x64xf32, #tpu.memory_space<vmem>>)
      %exp3A_678 = math.exp %parallel_loop3A_671#4 : vector<16xf32>
      %exp3A_679 = math.exp %parallel_loop3A_671#5 : vector<16xf32>
      %exp3A_680 = math.exp %parallel_loop3A_671#6 : vector<16xf32>
      %exp3A_681 = math.exp %parallel_loop3A_671#7 : vector<16xf32>
      %add3A_682 = arith.addf %exp3A_678, %exp3A_679 : vector<16xf32>
      %add3A_683 = arith.addf %exp3A_680, %exp3A_681 : vector<16xf32>
      %add3A_684 = arith.addf %add3A_682, %add3A_683 : vector<16xf32>
      %lt3A_685 = arith.constant 0 : i32
      %lt3A_686 = vector.broadcast %lt3A_685 : i32 to vector<16xi32>
      %lt3A_687 = arith.cmpi slt, %xor3A_5, %lt3A_686 : vector<16xi32>
      %add3A_688 = arith.constant 16 : i32
      %add3A_689 = vector.broadcast %add3A_688 : i32 to vector<16xi32>
      %add3A_690 = arith.addi %xor3A_5, %add3A_689 : vector<16xi32>
      %select_n3A_691 = arith.select %lt3A_687, %add3A_690, %xor3A_5 : vector<16xi1>, vector<16xi32>
      %broadcast_in_dim3A_692 = vector.shape_cast %select_n3A_691 : vector<16xi32> to vector<16x1xi32>
      %gather3A_693 = vector.shape_cast %broadcast_in_dim3A_692 : vector<16x1xi32> to vector<16xi32>
      %gather3A_694 = tpu.dynamic_gather %add3A_684[%gather3A_693] in [0] : vector<16xf32>, vector<16xi32> -> vector<16xf32>
      %add3A_695 = arith.addf %add3A_684, %gather3A_694 : vector<16xf32>
      %lt3A_696 = arith.constant 0 : i32
      %lt3A_697 = vector.broadcast %lt3A_696 : i32 to vector<16xi32>
      %lt3A_698 = arith.cmpi slt, %xor3A_8, %lt3A_697 : vector<16xi32>
      %add3A_699 = arith.constant 16 : i32
      %add3A_700 = vector.broadcast %add3A_699 : i32 to vector<16xi32>
      %add3A_701 = arith.addi %xor3A_8, %add3A_700 : vector<16xi32>
      %select_n3A_702 = arith.select %lt3A_698, %add3A_701, %xor3A_8 : vector<16xi1>, vector<16xi32>
      %broadcast_in_dim3A_703 = vector.shape_cast %select_n3A_702 : vector<16xi32> to vector<16x1xi32>
      %gather3A_704 = vector.shape_cast %broadcast_in_dim3A_703 : vector<16x1xi32> to vector<16xi32>
      %gather3A_705 = tpu.dynamic_gather %add3A_695[%gather3A_704] in [0] : vector<16xf32>, vector<16xi32> -> vector<16xf32>
      %add3A_706 = arith.addf %add3A_695, %gather3A_705 : vector<16xf32>
      %lt3A_707 = arith.constant 0 : i32
      %lt3A_708 = vector.broadcast %lt3A_707 : i32 to vector<16xi32>
      %lt3A_709 = arith.cmpi slt, %xor3A_11, %lt3A_708 : vector<16xi32>
      %add3A_710 = arith.constant 16 : i32
      %add3A_711 = vector.broadcast %add3A_710 : i32 to vector<16xi32>
      %add3A_712 = arith.addi %xor3A_11, %add3A_711 : vector<16xi32>
      %select_n3A_713 = arith.select %lt3A_709, %add3A_712, %xor3A_11 : vector<16xi1>, vector<16xi32>
      %broadcast_in_dim3A_714 = vector.shape_cast %select_n3A_713 : vector<16xi32> to vector<16x1xi32>
      %gather3A_715 = vector.shape_cast %broadcast_in_dim3A_714 : vector<16x1xi32> to vector<16xi32>
      %gather3A_716 = tpu.dynamic_gather %add3A_706[%gather3A_715] in [0] : vector<16xf32>, vector<16xi32> -> vector<16xf32>
      %add3A_717 = arith.addf %add3A_706, %gather3A_716 : vector<16xf32>
      %lt3A_718 = arith.constant 0 : i32
      %lt3A_719 = vector.broadcast %lt3A_718 : i32 to vector<16xi32>
      %lt3A_720 = arith.cmpi slt, %xor3A_14, %lt3A_719 : vector<16xi32>
      %add3A_721 = arith.constant 16 : i32
      %add3A_722 = vector.broadcast %add3A_721 : i32 to vector<16xi32>
      %add3A_723 = arith.addi %xor3A_14, %add3A_722 : vector<16xi32>
      %select_n3A_724 = arith.select %lt3A_720, %add3A_723, %xor3A_14 : vector<16xi1>, vector<16xi32>
      %broadcast_in_dim3A_725 = vector.shape_cast %select_n3A_724 : vector<16xi32> to vector<16x1xi32>
      %gather3A_726 = vector.shape_cast %broadcast_in_dim3A_725 : vector<16x1xi32> to vector<16xi32>
      %gather3A_727 = tpu.dynamic_gather %add3A_717[%gather3A_726] in [0] : vector<16xf32>, vector<16xi32> -> vector<16xf32>
      %add3A_728 = arith.addf %add3A_717, %gather3A_727 : vector<16xf32>
      %div3A_729 = arith.constant 1.000000e+00 : f32
      %div3A_730 = vector.broadcast %div3A_729 : f32 to vector<16xf32>
      %div3A_731 = arith.divf %div3A_730, %add3A_728 : vector<16xf32>
      %mul3A_732 = arith.mulf %exp3A_678, %div3A_731 : vector<16xf32>
      %swap3A_733 = arith.constant 255 : i32
      %swap3A_734 = arith.index_cast %swap3A_733 : i32 to index
      %swap3A_735 = arith.constant 0 : index
      %swap3A_736 = tpu.vector_load %arg6[%swap3A_734, %swap3A_735] {strides = array<i32>} : memref<256x64xf32, #tpu.memory_space<vmem>>, vector<1x16xf32>,
      %swap3A_737 = vector.shape_cast %swap3A_736 : vector<1x16xf32> to vector<16xf32>
      %swap3A_738 = vector.shape_cast %mul3A_732 : vector<16xf32> to vector<1x16xf32>
      tpu.vector_store %arg6[%swap3A_734, %swap3A_735], %swap3A_738 {strides = array<i32>} : memref<256x64xf32, #tpu.memory_space<vmem>>, vector<1x16xf32>,
      %mul3A_739 = arith.mulf %exp3A_679, %div3A_731 : vector<16xf32>
      %swap3A_740 = arith.constant 255 : i32
      %swap3A_741 = arith.index_cast %swap3A_740 : i32 to index
      %swap3A_742 = arith.constant 16 : index
      %swap3A_743 = tpu.vector_load %arg6[%swap3A_741, %swap3A_742] {strides = array<i32>} : memref<256x64xf32, #tpu.memory_space<vmem>>, vector<1x16xf32>,
      %swap3A_744 = vector.shape_cast %swap3A_743 : vector<1x16xf32> to vector<16xf32>
      %swap3A_745 = vector.shape_cast %mul3A_739 : vector<16xf32> to vector<1x16xf32>
      tpu.vector_store %arg6[%swap3A_741, %swap3A_742], %swap3A_745 {strides = array<i32>} : memref<256x64xf32, #tpu.memory_space<vmem>>, vector<1x16xf32>,
      %mul3A_746 = arith.mulf %exp3A_680, %div3A_731 : vector<16xf32>
      %swap3A_747 = arith.constant 255 : i32
      %swap3A_748 = arith.index_cast %swap3A_747 : i32 to index
      %swap3A_749 = arith.constant 32 : index
      %swap3A_750 = tpu.vector_load %arg6[%swap3A_748, %swap3A_749] {strides = array<i32>} : memref<256x64xf32, #tpu.memory_space<vmem>>, vector<1x16xf32>,
      %swap3A_751 = vector.shape_cast %swap3A_750 : vector<1x16xf32> to vector<16xf32>
      %swap3A_752 = vector.shape_cast %mul3A_746 : vector<16xf32> to vector<1x16xf32>
      tpu.vector_store %arg6[%swap3A_748, %swap3A_749], %swap3A_752 {strides = array<i32>} : memref<256x64xf32, #tpu.memory_space<vmem>>, vector<1x16xf32>,
      %mul3A_753 = arith.mulf %exp3A_681, %div3A_731 : vector<16xf32>
      %swap3A_754 = arith.constant 255 : i32
      %swap3A_755 = arith.index_cast %swap3A_754 : i32 to index
      %swap3A_756 = arith.constant 48 : index
      %swap3A_757 = tpu.vector_load %arg6[%swap3A_755, %swap3A_756] {strides = array<i32>} : memref<256x64xf32, #tpu.memory_space<vmem>>, vector<1x16xf32>,
      %swap3A_758 = vector.shape_cast %swap3A_757 : vector<1x16xf32> to vector<16xf32>
      %swap3A_759 = vector.shape_cast %mul3A_753 : vector<16xf32> to vector<1x16xf32>
      tpu.vector_store %arg6[%swap3A_755, %swap3A_756], %swap3A_759 {strides = array<i32>} : memref<256x64xf32, #tpu.memory_space<vmem>>, vector<1x16xf32>,
      %get3A_760 = arith.constant 0 : i32
      %get3A_761 = arith.index_cast %get3A_760 : i32 to index
      %get3A_762 = arith.constant 0 : index
      %get3A_763 = tpu.vector_load %arg5[%get3A_761, %get3A_762] {strides = array<i32>} : memref<256x64xf32, #tpu.memory_space<vmem>>, vector<1x16xf32>,
      %get3A_764 = vector.shape_cast %get3A_763 : vector<1x16xf32> to vector<16xf32>
      %mul3A_765 = arith.mulf %get3A_764, %parallel_loop3A_671#0 : vector<16xf32>
      %get3A_766 = arith.constant 0 : i32
      %get3A_767 = arith.index_cast %get3A_766 : i32 to index
      %get3A_768 = arith.constant 16 : index
      %get3A_769 = tpu.vector_load %arg5[%get3A_767, %get3A_768] {strides = array<i32>} : memref<256x64xf32, #tpu.memory_space<vmem>>, vector<1x16xf32>,
      %get3A_770 = vector.shape_cast %get3A_769 : vector<1x16xf32> to vector<16xf32>
      %mul3A_771 = arith.mulf %get3A_770, %parallel_loop3A_671#1 : vector<16xf32>
      %get3A_772 = arith.constant 0 : i32
      %get3A_773 = arith.index_cast %get3A_772 : i32 to index
      %get3A_774 = arith.constant 32 : index
      %get3A_775 = tpu.vector_load %arg5[%get3A_773, %get3A_774] {strides = array<i32>} : memref<256x64xf32, #tpu.memory_space<vmem>>, vector<1x16xf32>,
      %get3A_776 = vector.shape_cast %get3A_775 : vector<1x16xf32> to vector<16xf32>
      %mul3A_777 = arith.mulf %get3A_776, %parallel_loop3A_671#2 : vector<16xf32>
      %get3A_778 = arith.constant 0 : i32
      %get3A_779 = arith.index_cast %get3A_778 : i32 to index
      %get3A_780 = arith.constant 48 : index
      %get3A_781 = tpu.vector_load %arg5[%get3A_779, %get3A_780] {strides = array<i32>} : memref<256x64xf32, #tpu.memory_space<vmem>>, vector<1x16xf32>,
      %get3A_782 = vector.shape_cast %get3A_781 : vector<1x16xf32> to vector<16xf32>
      %mul3A_783 = arith.mulf %get3A_782, %parallel_loop3A_671#3 : vector<16xf32>
      %mul3A_784 = arith.mulf %parallel_loop3A_671#0, %exp3A_678 : vector<16xf32>
      %mul3A_785 = arith.mulf %mul3A_784, %div3A_731 : vector<16xf32>
      %sub3A_786 = arith.subf %parallel_loop3A_671#0, %mul3A_785 : vector<16xf32>
      %mul3A_787 = arith.mulf %parallel_loop3A_671#1, %exp3A_679 : vector<16xf32>
      %mul3A_788 = arith.mulf %mul3A_787, %div3A_731 : vector<16xf32>
      %sub3A_789 = arith.subf %parallel_loop3A_671#1, %mul3A_788 : vector<16xf32>
      %mul3A_790 = arith.mulf %parallel_loop3A_671#2, %exp3A_680 : vector<16xf32>
      %mul3A_791 = arith.mulf %mul3A_790, %div3A_731 : vector<16xf32>
      %sub3A_792 = arith.subf %parallel_loop3A_671#2, %mul3A_791 : vector<16xf32>
      %mul3A_793 = arith.mulf %parallel_loop3A_671#3, %exp3A_681 : vector<16xf32>
      %mul3A_794 = arith.mulf %mul3A_793, %div3A_731 : vector<16xf32>
      %sub3A_795 = arith.subf %parallel_loop3A_671#3, %mul3A_794 : vector<16xf32>
      %mul3A_796 = arith.mulf %mul3A_765, %exp3A_678 : vector<16xf32>
      %mul3A_797 = arith.mulf %mul3A_796, %div3A_731 : vector<16xf32>
      %sub3A_798 = arith.subf %mul3A_765, %mul3A_797 : vector<16xf32>
      %mul3A_799 = arith.mulf %mul3A_771, %exp3A_679 : vector<16xf32>
      %mul3A_800 = arith.mulf %mul3A_799, %div3A_731 : vector<16xf32>
      %sub3A_801 = arith.subf %mul3A_771, %mul3A_800 : vector<16xf32>
      %mul3A_802 = arith.mulf %mul3A_777, %exp3A_680 : vector<16xf32>
      %mul3A_803 = arith.mulf %mul3A_802, %div3A_731 : vector<16xf32>
      %sub3A_804 = arith.subf %mul3A_777, %mul3A_803 : vector<16xf32>
      %mul3A_805 = arith.mulf %mul3A_783, %exp3A_681 : vector<16xf32>
      %mul3A_806 = arith.mulf %mul3A_805, %div3A_731 : vector<16xf32>
      %sub3A_807 = arith.subf %mul3A_783, %mul3A_806 : vector<16xf32>
      %dma_start3A_808 = arith.constant 1024 : i32
      %dma_start3A_809 = arith.constant 0 : i32
      %dma_start3A_810 = tpu.memref_slice %arg3[%dma_start3A_808, %dma_start3A_809] : memref<2048x64xf32, #tpu.memory_space<hbm>> -> memref<256x64xf32, #tpu.memory_space<hbm>>
      %dma_start3A_811 = arith.constant 1024 : i32
      %dma_start3A_812 = arith.constant 0 : i32
      %dma_start3A_813 = tpu.memref_slice %arg3[%dma_start3A_811, %dma_start3A_812] : memref<2048x64xf32, #tpu.memory_space<hbm>> -> memref<256x64xf32, #tpu.memory_space<hbm>>
      tpu.enqueue_dma source(%arg6 : memref<256x64xf32, #tpu.memory_space<vmem>>) target(%dma_start3A_813 : memref<256x64xf32, #tpu.memory_space<hbm>>) target_semaphore(%arg9 : memref<!tpu.dma_semaphore, #tpu.memory_space<semaphore_mem>>)
      %dma_start3A_814 = arith.constant 1536 : i32
      %dma_start3A_815 = arith.constant 0 : i32
      %dma_start3A_816 = tpu.memref_slice %arg2[%dma_start3A_814, %dma_start3A_815] : memref<2048x64xf32, #tpu.memory_space<hbm>> -> memref<256x64xf32, #tpu.memory_space<hbm>>
      %dma_start3A_817 = arith.constant 1536 : i32
      %dma_start3A_818 = arith.constant 0 : i32
      %dma_start3A_819 = tpu.memref_slice %arg2[%dma_start3A_817, %dma_start3A_818] : memref<2048x64xf32, #tpu.memory_space<hbm>> -> memref<256x64xf32, #tpu.memory_space<hbm>>
      tpu.enqueue_dma source(%dma_start3A_819 : memref<256x64xf32, #tpu.memory_space<hbm>>) target(%arg4 : memref<256x64xf32, #tpu.memory_space<vmem>>) target_semaphore(%arg8 : memref<!tpu.dma_semaphore, #tpu.memory_space<semaphore_mem>>)
      %dma_wait3A_820 = arith.constant 768 : i32
      %dma_wait3A_821 = arith.constant 0 : i32
      %dma_wait3A_822 = tpu.memref_slice %arg3[%dma_wait3A_820, %dma_wait3A_821] : memref<2048x64xf32, #tpu.memory_space<hbm>> -> memref<256x64xf32, #tpu.memory_space<hbm>>
      %dma_wait3A_823 = arith.constant 768 : i32
      %dma_wait3A_824 = arith.constant 0 : i32
      %dma_wait3A_825 = tpu.memref_slice %arg3[%dma_wait3A_823, %dma_wait3A_824] : memref<2048x64xf32, #tpu.memory_space<hbm>> -> memref<256x64xf32, #tpu.memory_space<hbm>>
      tpu.wait_dma2 semaphore(%arg9 : memref<!tpu.dma_semaphore, #tpu.memory_space<semaphore_mem>>) src(%arg7 : memref<256x64xf32, #tpu.memory_space<vmem>>) dst(%dma_wait3A_825 : memref<256x64xf32, #tpu.memory_space<hbm>>)
      %parallel_loop3A_826 = arith.constant 0 : i32
      %parallel_loop3A_827 = arith.constant 255 : i32
      %parallel_loop3A_828 = arith.constant 1 : i32
      %parallel_loop3A_829:8 = scf.for %parallel_loop3A_1288 = %parallel_loop3A_826 to %parallel_loop3A_827 step %parallel_loop3A_828 iter_args(%parallel_loop3A_1289 = %sub3A_786, %parallel_loop3A_1290 = %sub3A_789, %parallel_loop3A_1291 = %sub3A_792, %parallel_loop3A_1292 = %sub3A_795, %parallel_loop3A_1293 = %sub3A_798, %parallel_loop3A_1294 = %sub3A_801, %parallel_loop3A_1295 = %sub3A_804, %parallel_loop3A_1296 = %sub3A_807) -> (vector<16xf32>, vector<16xf32>, vector<16xf32>, vector<16xf32>, vector<16xf32>, vector<16xf32>, vector<16xf32>, vector<16xf32>)  : i32 {
        %parallel_loop3A_1297 = math.exp %parallel_loop3A_1293 : vector<16xf32>
        %parallel_loop3A_1298 = math.exp %parallel_loop3A_1294 : vector<16xf32>
        %parallel_loop3A_1299 = math.exp %parallel_loop3A_1295 : vector<16xf32>
        %parallel_loop3A_1300 = math.exp %parallel_loop3A_1296 : vector<16xf32>
        %parallel_loop3A_1301 = arith.addf %parallel_loop3A_1297, %parallel_loop3A_1298 : vector<16xf32>
        %parallel_loop3A_1302 = arith.addf %parallel_loop3A_1299, %parallel_loop3A_1300 : vector<16xf32>
        %parallel_loop3A_1303 = arith.addf %parallel_loop3A_1301, %parallel_loop3A_1302 : vector<16xf32>
        %parallel_loop3A_1304 = arith.constant 0 : i32
        %parallel_loop3A_1305 = vector.broadcast %parallel_loop3A_1304 : i32 to vector<16xi32>
        %parallel_loop3A_1306 = arith.cmpi slt, %xor3A_5, %parallel_loop3A_1305 : vector<16xi32>
        %parallel_loop3A_1307 = arith.constant 16 : i32
        %parallel_loop3A_1308 = vector.broadcast %parallel_loop3A_1307 : i32 to vector<16xi32>
        %parallel_loop3A_1309 = arith.addi %xor3A_5, %parallel_loop3A_1308 : vector<16xi32>
        %parallel_loop3A_1310 = arith.select %parallel_loop3A_1306, %parallel_loop3A_1309, %xor3A_5 : vector<16xi1>, vector<16xi32>
        %parallel_loop3A_1311 = vector.shape_cast %parallel_loop3A_1310 : vector<16xi32> to vector<16x1xi32>
        %parallel_loop3A_1312 = vector.shape_cast %parallel_loop3A_1311 : vector<16x1xi32> to vector<16xi32>
        %parallel_loop3A_1313 = tpu.dynamic_gather %parallel_loop3A_1303[%parallel_loop3A_1312] in [0] : vector<16xf32>, vector<16xi32> -> vector<16xf32>
        %parallel_loop3A_1314 = arith.addf %parallel_loop3A_1303, %parallel_loop3A_1313 : vector<16xf32>
        %parallel_loop3A_1315 = arith.constant 0 : i32
        %parallel_loop3A_1316 = vector.broadcast %parallel_loop3A_1315 : i32 to vector<16xi32>
        %parallel_loop3A_1317 = arith.cmpi slt, %xor3A_8, %parallel_loop3A_1316 : vector<16xi32>
        %parallel_loop3A_1318 = arith.constant 16 : i32
        %parallel_loop3A_1319 = vector.broadcast %parallel_loop3A_1318 : i32 to vector<16xi32>
        %parallel_loop3A_1320 = arith.addi %xor3A_8, %parallel_loop3A_1319 : vector<16xi32>
        %parallel_loop3A_1321 = arith.select %parallel_loop3A_1317, %parallel_loop3A_1320, %xor3A_8 : vector<16xi1>, vector<16xi32>
        %parallel_loop3A_1322 = vector.shape_cast %parallel_loop3A_1321 : vector<16xi32> to vector<16x1xi32>
        %parallel_loop3A_1323 = vector.shape_cast %parallel_loop3A_1322 : vector<16x1xi32> to vector<16xi32>
        %parallel_loop3A_1324 = tpu.dynamic_gather %parallel_loop3A_1314[%parallel_loop3A_1323] in [0] : vector<16xf32>, vector<16xi32> -> vector<16xf32>
        %parallel_loop3A_1325 = arith.addf %parallel_loop3A_1314, %parallel_loop3A_1324 : vector<16xf32>
        %parallel_loop3A_1326 = arith.constant 0 : i32
        %parallel_loop3A_1327 = vector.broadcast %parallel_loop3A_1326 : i32 to vector<16xi32>
        %parallel_loop3A_1328 = arith.cmpi slt, %xor3A_11, %parallel_loop3A_1327 : vector<16xi32>
        %parallel_loop3A_1329 = arith.constant 16 : i32
        %parallel_loop3A_1330 = vector.broadcast %parallel_loop3A_1329 : i32 to vector<16xi32>
        %parallel_loop3A_1331 = arith.addi %xor3A_11, %parallel_loop3A_1330 : vector<16xi32>
        %parallel_loop3A_1332 = arith.select %parallel_loop3A_1328, %parallel_loop3A_1331, %xor3A_11 : vector<16xi1>, vector<16xi32>
        %parallel_loop3A_1333 = vector.shape_cast %parallel_loop3A_1332 : vector<16xi32> to vector<16x1xi32>
        %parallel_loop3A_1334 = vector.shape_cast %parallel_loop3A_1333 : vector<16x1xi32> to vector<16xi32>
        %parallel_loop3A_1335 = tpu.dynamic_gather %parallel_loop3A_1325[%parallel_loop3A_1334] in [0] : vector<16xf32>, vector<16xi32> -> vector<16xf32>
        %parallel_loop3A_1336 = arith.addf %parallel_loop3A_1325, %parallel_loop3A_1335 : vector<16xf32>
        %parallel_loop3A_1337 = arith.constant 0 : i32
        %parallel_loop3A_1338 = vector.broadcast %parallel_loop3A_1337 : i32 to vector<16xi32>
        %parallel_loop3A_1339 = arith.cmpi slt, %xor3A_14, %parallel_loop3A_1338 : vector<16xi32>
        %parallel_loop3A_1340 = arith.constant 16 : i32
        %parallel_loop3A_1341 = vector.broadcast %parallel_loop3A_1340 : i32 to vector<16xi32>
        %parallel_loop3A_1342 = arith.addi %xor3A_14, %parallel_loop3A_1341 : vector<16xi32>
        %parallel_loop3A_1343 = arith.select %parallel_loop3A_1339, %parallel_loop3A_1342, %xor3A_14 : vector<16xi1>, vector<16xi32>
        %parallel_loop3A_1344 = vector.shape_cast %parallel_loop3A_1343 : vector<16xi32> to vector<16x1xi32>
        %parallel_loop3A_1345 = vector.shape_cast %parallel_loop3A_1344 : vector<16x1xi32> to vector<16xi32>
        %parallel_loop3A_1346 = tpu.dynamic_gather %parallel_loop3A_1336[%parallel_loop3A_1345] in [0] : vector<16xf32>, vector<16xi32> -> vector<16xf32>
        %parallel_loop3A_1347 = arith.addf %parallel_loop3A_1336, %parallel_loop3A_1346 : vector<16xf32>
        %parallel_loop3A_1348 = arith.constant 1.000000e+00 : f32
        %parallel_loop3A_1349 = vector.broadcast %parallel_loop3A_1348 : f32 to vector<16xf32>
        %parallel_loop3A_1350 = arith.divf %parallel_loop3A_1349, %parallel_loop3A_1347 : vector<16xf32>
        %parallel_loop3A_1351 = arith.mulf %parallel_loop3A_1297, %parallel_loop3A_1350 : vector<16xf32>
        %parallel_loop3A_1352 = arith.index_cast %parallel_loop3A_1288 : i32 to index
        %parallel_loop3A_1353 = arith.constant 0 : index
        %parallel_loop3A_1354 = tpu.vector_load %arg7[%parallel_loop3A_1352, %parallel_loop3A_1353] {strides = array<i32>} : memref<256x64xf32, #tpu.memory_space<vmem>>, vector<1x16xf32>,
        %parallel_loop3A_1355 = vector.shape_cast %parallel_loop3A_1354 : vector<1x16xf32> to vector<16xf32>
        %parallel_loop3A_1356 = vector.shape_cast %parallel_loop3A_1351 : vector<16xf32> to vector<1x16xf32>
        tpu.vector_store %arg7[%parallel_loop3A_1352, %parallel_loop3A_1353], %parallel_loop3A_1356 {strides = array<i32>} : memref<256x64xf32, #tpu.memory_space<vmem>>, vector<1x16xf32>,
        %parallel_loop3A_1357 = arith.mulf %parallel_loop3A_1298, %parallel_loop3A_1350 : vector<16xf32>
        %parallel_loop3A_1358 = arith.index_cast %parallel_loop3A_1288 : i32 to index
        %parallel_loop3A_1359 = arith.constant 16 : index
        %parallel_loop3A_1360 = tpu.vector_load %arg7[%parallel_loop3A_1358, %parallel_loop3A_1359] {strides = array<i32>} : memref<256x64xf32, #tpu.memory_space<vmem>>, vector<1x16xf32>,
        %parallel_loop3A_1361 = vector.shape_cast %parallel_loop3A_1360 : vector<1x16xf32> to vector<16xf32>
        %parallel_loop3A_1362 = vector.shape_cast %parallel_loop3A_1357 : vector<16xf32> to vector<1x16xf32>
        tpu.vector_store %arg7[%parallel_loop3A_1358, %parallel_loop3A_1359], %parallel_loop3A_1362 {strides = array<i32>} : memref<256x64xf32, #tpu.memory_space<vmem>>, vector<1x16xf32>,
        %parallel_loop3A_1363 = arith.mulf %parallel_loop3A_1299, %parallel_loop3A_1350 : vector<16xf32>
        %parallel_loop3A_1364 = arith.index_cast %parallel_loop3A_1288 : i32 to index
        %parallel_loop3A_1365 = arith.constant 32 : index
        %parallel_loop3A_1366 = tpu.vector_load %arg7[%parallel_loop3A_1364, %parallel_loop3A_1365] {strides = array<i32>} : memref<256x64xf32, #tpu.memory_space<vmem>>, vector<1x16xf32>,
        %parallel_loop3A_1367 = vector.shape_cast %parallel_loop3A_1366 : vector<1x16xf32> to vector<16xf32>
        %parallel_loop3A_1368 = vector.shape_cast %parallel_loop3A_1363 : vector<16xf32> to vector<1x16xf32>
        tpu.vector_store %arg7[%parallel_loop3A_1364, %parallel_loop3A_1365], %parallel_loop3A_1368 {strides = array<i32>} : memref<256x64xf32, #tpu.memory_space<vmem>>, vector<1x16xf32>,
        %parallel_loop3A_1369 = arith.mulf %parallel_loop3A_1300, %parallel_loop3A_1350 : vector<16xf32>
        %parallel_loop3A_1370 = arith.index_cast %parallel_loop3A_1288 : i32 to index
        %parallel_loop3A_1371 = arith.constant 48 : index
        %parallel_loop3A_1372 = tpu.vector_load %arg7[%parallel_loop3A_1370, %parallel_loop3A_1371] {strides = array<i32>} : memref<256x64xf32, #tpu.memory_space<vmem>>, vector<1x16xf32>,
        %parallel_loop3A_1373 = vector.shape_cast %parallel_loop3A_1372 : vector<1x16xf32> to vector<16xf32>
        %parallel_loop3A_1374 = vector.shape_cast %parallel_loop3A_1369 : vector<16xf32> to vector<1x16xf32>
        tpu.vector_store %arg7[%parallel_loop3A_1370, %parallel_loop3A_1371], %parallel_loop3A_1374 {strides = array<i32>} : memref<256x64xf32, #tpu.memory_space<vmem>>, vector<1x16xf32>,
        %parallel_loop3A_1375 = arith.constant 1 : i32
        %parallel_loop3A_1376 = arith.addi %parallel_loop3A_1288, %parallel_loop3A_1375 : i32
        %parallel_loop3A_1377 = arith.constant 0 : i32
        %parallel_loop3A_1378 = arith.subi %parallel_loop3A_1376, %parallel_loop3A_1377 : i32
        %parallel_loop3A_1379 = arith.index_cast %parallel_loop3A_1378 : i32 to index
        %parallel_loop3A_1380 = arith.constant 0 : index
        %parallel_loop3A_1381 = tpu.vector_load %arg5[%parallel_loop3A_1379, %parallel_loop3A_1380] {strides = array<i32>} : memref<256x64xf32, #tpu.memory_space<vmem>>, vector<1x16xf32>,
        %parallel_loop3A_1382 = vector.shape_cast %parallel_loop3A_1381 : vector<1x16xf32> to vector<16xf32>
        %parallel_loop3A_1383 = arith.mulf %parallel_loop3A_1382, %parallel_loop3A_1289 : vector<16xf32>
        %parallel_loop3A_1384 = arith.index_cast %parallel_loop3A_1378 : i32 to index
        %parallel_loop3A_1385 = arith.constant 16 : index
        %parallel_loop3A_1386 = tpu.vector_load %arg5[%parallel_loop3A_1384, %parallel_loop3A_1385] {strides = array<i32>} : memref<256x64xf32, #tpu.memory_space<vmem>>, vector<1x16xf32>,
        %parallel_loop3A_1387 = vector.shape_cast %parallel_loop3A_1386 : vector<1x16xf32> to vector<16xf32>
        %parallel_loop3A_1388 = arith.mulf %parallel_loop3A_1387, %parallel_loop3A_1290 : vector<16xf32>
        %parallel_loop3A_1389 = arith.index_cast %parallel_loop3A_1378 : i32 to index
        %parallel_loop3A_1390 = arith.constant 32 : index
        %parallel_loop3A_1391 = tpu.vector_load %arg5[%parallel_loop3A_1389, %parallel_loop3A_1390] {strides = array<i32>} : memref<256x64xf32, #tpu.memory_space<vmem>>, vector<1x16xf32>,
        %parallel_loop3A_1392 = vector.shape_cast %parallel_loop3A_1391 : vector<1x16xf32> to vector<16xf32>
        %parallel_loop3A_1393 = arith.mulf %parallel_loop3A_1392, %parallel_loop3A_1291 : vector<16xf32>
        %parallel_loop3A_1394 = arith.index_cast %parallel_loop3A_1378 : i32 to index
        %parallel_loop3A_1395 = arith.constant 48 : index
        %parallel_loop3A_1396 = tpu.vector_load %arg5[%parallel_loop3A_1394, %parallel_loop3A_1395] {strides = array<i32>} : memref<256x64xf32, #tpu.memory_space<vmem>>, vector<1x16xf32>,
        %parallel_loop3A_1397 = vector.shape_cast %parallel_loop3A_1396 : vector<1x16xf32> to vector<16xf32>
        %parallel_loop3A_1398 = arith.mulf %parallel_loop3A_1397, %parallel_loop3A_1292 : vector<16xf32>
        %parallel_loop3A_1399 = arith.mulf %parallel_loop3A_1289, %parallel_loop3A_1297 : vector<16xf32>
        %parallel_loop3A_1400 = arith.mulf %parallel_loop3A_1399, %parallel_loop3A_1350 : vector<16xf32>
        %parallel_loop3A_1401 = arith.subf %parallel_loop3A_1289, %parallel_loop3A_1400 : vector<16xf32>
        %parallel_loop3A_1402 = arith.mulf %parallel_loop3A_1290, %parallel_loop3A_1298 : vector<16xf32>
        %parallel_loop3A_1403 = arith.mulf %parallel_loop3A_1402, %parallel_loop3A_1350 : vector<16xf32>
        %parallel_loop3A_1404 = arith.subf %parallel_loop3A_1290, %parallel_loop3A_1403 : vector<16xf32>
        %parallel_loop3A_1405 = arith.mulf %parallel_loop3A_1291, %parallel_loop3A_1299 : vector<16xf32>
        %parallel_loop3A_1406 = arith.mulf %parallel_loop3A_1405, %parallel_loop3A_1350 : vector<16xf32>
        %parallel_loop3A_1407 = arith.subf %parallel_loop3A_1291, %parallel_loop3A_1406 : vector<16xf32>
        %parallel_loop3A_1408 = arith.mulf %parallel_loop3A_1292, %parallel_loop3A_1300 : vector<16xf32>
        %parallel_loop3A_1409 = arith.mulf %parallel_loop3A_1408, %parallel_loop3A_1350 : vector<16xf32>
        %parallel_loop3A_1410 = arith.subf %parallel_loop3A_1292, %parallel_loop3A_1409 : vector<16xf32>
        %parallel_loop3A_1411 = arith.mulf %parallel_loop3A_1383, %parallel_loop3A_1297 : vector<16xf32>
        %parallel_loop3A_1412 = arith.mulf %parallel_loop3A_1411, %parallel_loop3A_1350 : vector<16xf32>
        %parallel_loop3A_1413 = arith.subf %parallel_loop3A_1383, %parallel_loop3A_1412 : vector<16xf32>
        %parallel_loop3A_1414 = arith.mulf %parallel_loop3A_1388, %parallel_loop3A_1298 : vector<16xf32>
        %parallel_loop3A_1415 = arith.mulf %parallel_loop3A_1414, %parallel_loop3A_1350 : vector<16xf32>
        %parallel_loop3A_1416 = arith.subf %parallel_loop3A_1388, %parallel_loop3A_1415 : vector<16xf32>
        %parallel_loop3A_1417 = arith.mulf %parallel_loop3A_1393, %parallel_loop3A_1299 : vector<16xf32>
        %parallel_loop3A_1418 = arith.mulf %parallel_loop3A_1417, %parallel_loop3A_1350 : vector<16xf32>
        %parallel_loop3A_1419 = arith.subf %parallel_loop3A_1393, %parallel_loop3A_1418 : vector<16xf32>
        %parallel_loop3A_1420 = arith.mulf %parallel_loop3A_1398, %parallel_loop3A_1300 : vector<16xf32>
        %parallel_loop3A_1421 = arith.mulf %parallel_loop3A_1420, %parallel_loop3A_1350 : vector<16xf32>
        %parallel_loop3A_1422 = arith.subf %parallel_loop3A_1398, %parallel_loop3A_1421 : vector<16xf32>
        scf.yield %parallel_loop3A_1401, %parallel_loop3A_1404, %parallel_loop3A_1407, %parallel_loop3A_1410, %parallel_loop3A_1413, %parallel_loop3A_1416, %parallel_loop3A_1419, %parallel_loop3A_1422 : vector<16xf32>, vector<16xf32>, vector<16xf32>, vector<16xf32>, vector<16xf32>, vector<16xf32>, vector<16xf32>, vector<16xf32>
      } {sc.loop_unroll_factor = 8 : i64, sc.parallel_access}
      %dma_wait3A_830 = arith.constant 1536 : i32
      %dma_wait3A_831 = arith.constant 0 : i32
      %dma_wait3A_832 = tpu.memref_slice %arg2[%dma_wait3A_830, %dma_wait3A_831] : memref<2048x64xf32, #tpu.memory_space<hbm>> -> memref<256x64xf32, #tpu.memory_space<hbm>>
      %dma_wait3A_833 = arith.constant 1536 : i32
      %dma_wait3A_834 = arith.constant 0 : i32
      %dma_wait3A_835 = tpu.memref_slice %arg2[%dma_wait3A_833, %dma_wait3A_834] : memref<2048x64xf32, #tpu.memory_space<hbm>> -> memref<256x64xf32, #tpu.memory_space<hbm>>
      tpu.wait_dma2 semaphore(%arg8 : memref<!tpu.dma_semaphore, #tpu.memory_space<semaphore_mem>>) src(%dma_wait3A_835 : memref<256x64xf32, #tpu.memory_space<hbm>>) dst(%arg4 : memref<256x64xf32, #tpu.memory_space<vmem>>)
      %exp3A_836 = math.exp %parallel_loop3A_829#4 : vector<16xf32>
      %exp3A_837 = math.exp %parallel_loop3A_829#5 : vector<16xf32>
      %exp3A_838 = math.exp %parallel_loop3A_829#6 : vector<16xf32>
      %exp3A_839 = math.exp %parallel_loop3A_829#7 : vector<16xf32>
      %add3A_840 = arith.addf %exp3A_836, %exp3A_837 : vector<16xf32>
      %add3A_841 = arith.addf %exp3A_838, %exp3A_839 : vector<16xf32>
      %add3A_842 = arith.addf %add3A_840, %add3A_841 : vector<16xf32>
      %lt3A_843 = arith.constant 0 : i32
      %lt3A_844 = vector.broadcast %lt3A_843 : i32 to vector<16xi32>
      %lt3A_845 = arith.cmpi slt, %xor3A_5, %lt3A_844 : vector<16xi32>
      %add3A_846 = arith.constant 16 : i32
      %add3A_847 = vector.broadcast %add3A_846 : i32 to vector<16xi32>
      %add3A_848 = arith.addi %xor3A_5, %add3A_847 : vector<16xi32>
      %select_n3A_849 = arith.select %lt3A_845, %add3A_848, %xor3A_5 : vector<16xi1>, vector<16xi32>
      %broadcast_in_dim3A_850 = vector.shape_cast %select_n3A_849 : vector<16xi32> to vector<16x1xi32>
      %gather3A_851 = vector.shape_cast %broadcast_in_dim3A_850 : vector<16x1xi32> to vector<16xi32>
      %gather3A_852 = tpu.dynamic_gather %add3A_842[%gather3A_851] in [0] : vector<16xf32>, vector<16xi32> -> vector<16xf32>
      %add3A_853 = arith.addf %add3A_842, %gather3A_852 : vector<16xf32>
      %lt3A_854 = arith.constant 0 : i32
      %lt3A_855 = vector.broadcast %lt3A_854 : i32 to vector<16xi32>
      %lt3A_856 = arith.cmpi slt, %xor3A_8, %lt3A_855 : vector<16xi32>
      %add3A_857 = arith.constant 16 : i32
      %add3A_858 = vector.broadcast %add3A_857 : i32 to vector<16xi32>
      %add3A_859 = arith.addi %xor3A_8, %add3A_858 : vector<16xi32>
      %select_n3A_860 = arith.select %lt3A_856, %add3A_859, %xor3A_8 : vector<16xi1>, vector<16xi32>
      %broadcast_in_dim3A_861 = vector.shape_cast %select_n3A_860 : vector<16xi32> to vector<16x1xi32>
      %gather3A_862 = vector.shape_cast %broadcast_in_dim3A_861 : vector<16x1xi32> to vector<16xi32>
      %gather3A_863 = tpu.dynamic_gather %add3A_853[%gather3A_862] in [0] : vector<16xf32>, vector<16xi32> -> vector<16xf32>
      %add3A_864 = arith.addf %add3A_853, %gather3A_863 : vector<16xf32>
      %lt3A_865 = arith.constant 0 : i32
      %lt3A_866 = vector.broadcast %lt3A_865 : i32 to vector<16xi32>
      %lt3A_867 = arith.cmpi slt, %xor3A_11, %lt3A_866 : vector<16xi32>
      %add3A_868 = arith.constant 16 : i32
      %add3A_869 = vector.broadcast %add3A_868 : i32 to vector<16xi32>
      %add3A_870 = arith.addi %xor3A_11, %add3A_869 : vector<16xi32>
      %select_n3A_871 = arith.select %lt3A_867, %add3A_870, %xor3A_11 : vector<16xi1>, vector<16xi32>
      %broadcast_in_dim3A_872 = vector.shape_cast %select_n3A_871 : vector<16xi32> to vector<16x1xi32>
      %gather3A_873 = vector.shape_cast %broadcast_in_dim3A_872 : vector<16x1xi32> to vector<16xi32>
      %gather3A_874 = tpu.dynamic_gather %add3A_864[%gather3A_873] in [0] : vector<16xf32>, vector<16xi32> -> vector<16xf32>
      %add3A_875 = arith.addf %add3A_864, %gather3A_874 : vector<16xf32>
      %lt3A_876 = arith.constant 0 : i32
      %lt3A_877 = vector.broadcast %lt3A_876 : i32 to vector<16xi32>
      %lt3A_878 = arith.cmpi slt, %xor3A_14, %lt3A_877 : vector<16xi32>
      %add3A_879 = arith.constant 16 : i32
      %add3A_880 = vector.broadcast %add3A_879 : i32 to vector<16xi32>
      %add3A_881 = arith.addi %xor3A_14, %add3A_880 : vector<16xi32>
      %select_n3A_882 = arith.select %lt3A_878, %add3A_881, %xor3A_14 : vector<16xi1>, vector<16xi32>
      %broadcast_in_dim3A_883 = vector.shape_cast %select_n3A_882 : vector<16xi32> to vector<16x1xi32>
      %gather3A_884 = vector.shape_cast %broadcast_in_dim3A_883 : vector<16x1xi32> to vector<16xi32>
      %gather3A_885 = tpu.dynamic_gather %add3A_875[%gather3A_884] in [0] : vector<16xf32>, vector<16xi32> -> vector<16xf32>
      %add3A_886 = arith.addf %add3A_875, %gather3A_885 : vector<16xf32>
      %div3A_887 = arith.constant 1.000000e+00 : f32
      %div3A_888 = vector.broadcast %div3A_887 : f32 to vector<16xf32>
      %div3A_889 = arith.divf %div3A_888, %add3A_886 : vector<16xf32>
      %mul3A_890 = arith.mulf %exp3A_836, %div3A_889 : vector<16xf32>
      %swap3A_891 = arith.constant 255 : i32
      %swap3A_892 = arith.index_cast %swap3A_891 : i32 to index
      %swap3A_893 = arith.constant 0 : index
      %swap3A_894 = tpu.vector_load %arg7[%swap3A_892, %swap3A_893] {strides = array<i32>} : memref<256x64xf32, #tpu.memory_space<vmem>>, vector<1x16xf32>,
      %swap3A_895 = vector.shape_cast %swap3A_894 : vector<1x16xf32> to vector<16xf32>
      %swap3A_896 = vector.shape_cast %mul3A_890 : vector<16xf32> to vector<1x16xf32>
      tpu.vector_store %arg7[%swap3A_892, %swap3A_893], %swap3A_896 {strides = array<i32>} : memref<256x64xf32, #tpu.memory_space<vmem>>, vector<1x16xf32>,
      %mul3A_897 = arith.mulf %exp3A_837, %div3A_889 : vector<16xf32>
      %swap3A_898 = arith.constant 255 : i32
      %swap3A_899 = arith.index_cast %swap3A_898 : i32 to index
      %swap3A_900 = arith.constant 16 : index
      %swap3A_901 = tpu.vector_load %arg7[%swap3A_899, %swap3A_900] {strides = array<i32>} : memref<256x64xf32, #tpu.memory_space<vmem>>, vector<1x16xf32>,
      %swap3A_902 = vector.shape_cast %swap3A_901 : vector<1x16xf32> to vector<16xf32>
      %swap3A_903 = vector.shape_cast %mul3A_897 : vector<16xf32> to vector<1x16xf32>
      tpu.vector_store %arg7[%swap3A_899, %swap3A_900], %swap3A_903 {strides = array<i32>} : memref<256x64xf32, #tpu.memory_space<vmem>>, vector<1x16xf32>,
      %mul3A_904 = arith.mulf %exp3A_838, %div3A_889 : vector<16xf32>
      %swap3A_905 = arith.constant 255 : i32
      %swap3A_906 = arith.index_cast %swap3A_905 : i32 to index
      %swap3A_907 = arith.constant 32 : index
      %swap3A_908 = tpu.vector_load %arg7[%swap3A_906, %swap3A_907] {strides = array<i32>} : memref<256x64xf32, #tpu.memory_space<vmem>>, vector<1x16xf32>,
      %swap3A_909 = vector.shape_cast %swap3A_908 : vector<1x16xf32> to vector<16xf32>
      %swap3A_910 = vector.shape_cast %mul3A_904 : vector<16xf32> to vector<1x16xf32>
      tpu.vector_store %arg7[%swap3A_906, %swap3A_907], %swap3A_910 {strides = array<i32>} : memref<256x64xf32, #tpu.memory_space<vmem>>, vector<1x16xf32>,
      %mul3A_911 = arith.mulf %exp3A_839, %div3A_889 : vector<16xf32>
      %swap3A_912 = arith.constant 255 : i32
      %swap3A_913 = arith.index_cast %swap3A_912 : i32 to index
      %swap3A_914 = arith.constant 48 : index
      %swap3A_915 = tpu.vector_load %arg7[%swap3A_913, %swap3A_914] {strides = array<i32>} : memref<256x64xf32, #tpu.memory_space<vmem>>, vector<1x16xf32>,
      %swap3A_916 = vector.shape_cast %swap3A_915 : vector<1x16xf32> to vector<16xf32>
      %swap3A_917 = vector.shape_cast %mul3A_911 : vector<16xf32> to vector<1x16xf32>
      tpu.vector_store %arg7[%swap3A_913, %swap3A_914], %swap3A_917 {strides = array<i32>} : memref<256x64xf32, #tpu.memory_space<vmem>>, vector<1x16xf32>,
      %get3A_918 = arith.constant 0 : i32
      %get3A_919 = arith.index_cast %get3A_918 : i32 to index
      %get3A_920 = arith.constant 0 : index
      %get3A_921 = tpu.vector_load %arg4[%get3A_919, %get3A_920] {strides = array<i32>} : memref<256x64xf32, #tpu.memory_space<vmem>>, vector<1x16xf32>,
      %get3A_922 = vector.shape_cast %get3A_921 : vector<1x16xf32> to vector<16xf32>
      %mul3A_923 = arith.mulf %get3A_922, %parallel_loop3A_829#0 : vector<16xf32>
      %get3A_924 = arith.constant 0 : i32
      %get3A_925 = arith.index_cast %get3A_924 : i32 to index
      %get3A_926 = arith.constant 16 : index
      %get3A_927 = tpu.vector_load %arg4[%get3A_925, %get3A_926] {strides = array<i32>} : memref<256x64xf32, #tpu.memory_space<vmem>>, vector<1x16xf32>,
      %get3A_928 = vector.shape_cast %get3A_927 : vector<1x16xf32> to vector<16xf32>
      %mul3A_929 = arith.mulf %get3A_928, %parallel_loop3A_829#1 : vector<16xf32>
      %get3A_930 = arith.constant 0 : i32
      %get3A_931 = arith.index_cast %get3A_930 : i32 to index
      %get3A_932 = arith.constant 32 : index
      %get3A_933 = tpu.vector_load %arg4[%get3A_931, %get3A_932] {strides = array<i32>} : memref<256x64xf32, #tpu.memory_space<vmem>>, vector<1x16xf32>,
      %get3A_934 = vector.shape_cast %get3A_933 : vector<1x16xf32> to vector<16xf32>
      %mul3A_935 = arith.mulf %get3A_934, %parallel_loop3A_829#2 : vector<16xf32>
      %get3A_936 = arith.constant 0 : i32
      %get3A_937 = arith.index_cast %get3A_936 : i32 to index
      %get3A_938 = arith.constant 48 : index
      %get3A_939 = tpu.vector_load %arg4[%get3A_937, %get3A_938] {strides = array<i32>} : memref<256x64xf32, #tpu.memory_space<vmem>>, vector<1x16xf32>,
      %get3A_940 = vector.shape_cast %get3A_939 : vector<1x16xf32> to vector<16xf32>
      %mul3A_941 = arith.mulf %get3A_940, %parallel_loop3A_829#3 : vector<16xf32>
      %mul3A_942 = arith.mulf %parallel_loop3A_829#0, %exp3A_836 : vector<16xf32>
      %mul3A_943 = arith.mulf %mul3A_942, %div3A_889 : vector<16xf32>
      %sub3A_944 = arith.subf %parallel_loop3A_829#0, %mul3A_943 : vector<16xf32>
      %mul3A_945 = arith.mulf %parallel_loop3A_829#1, %exp3A_837 : vector<16xf32>
      %mul3A_946 = arith.mulf %mul3A_945, %div3A_889 : vector<16xf32>
      %sub3A_947 = arith.subf %parallel_loop3A_829#1, %mul3A_946 : vector<16xf32>
      %mul3A_948 = arith.mulf %parallel_loop3A_829#2, %exp3A_838 : vector<16xf32>
      %mul3A_949 = arith.mulf %mul3A_948, %div3A_889 : vector<16xf32>
      %sub3A_950 = arith.subf %parallel_loop3A_829#2, %mul3A_949 : vector<16xf32>
      %mul3A_951 = arith.mulf %parallel_loop3A_829#3, %exp3A_839 : vector<16xf32>
      %mul3A_952 = arith.mulf %mul3A_951, %div3A_889 : vector<16xf32>
      %sub3A_953 = arith.subf %parallel_loop3A_829#3, %mul3A_952 : vector<16xf32>
      %mul3A_954 = arith.mulf %mul3A_923, %exp3A_836 : vector<16xf32>
      %mul3A_955 = arith.mulf %mul3A_954, %div3A_889 : vector<16xf32>
      %sub3A_956 = arith.subf %mul3A_923, %mul3A_955 : vector<16xf32>
      %mul3A_957 = arith.mulf %mul3A_929, %exp3A_837 : vector<16xf32>
      %mul3A_958 = arith.mulf %mul3A_957, %div3A_889 : vector<16xf32>
      %sub3A_959 = arith.subf %mul3A_929, %mul3A_958 : vector<16xf32>
      %mul3A_960 = arith.mulf %mul3A_935, %exp3A_838 : vector<16xf32>
      %mul3A_961 = arith.mulf %mul3A_960, %div3A_889 : vector<16xf32>
      %sub3A_962 = arith.subf %mul3A_935, %mul3A_961 : vector<16xf32>
      %mul3A_963 = arith.mulf %mul3A_941, %exp3A_839 : vector<16xf32>
      %mul3A_964 = arith.mulf %mul3A_963, %div3A_889 : vector<16xf32>
      %sub3A_965 = arith.subf %mul3A_941, %mul3A_964 : vector<16xf32>
      %dma_start3A_966 = arith.constant 1280 : i32
      %dma_start3A_967 = arith.constant 0 : i32
      %dma_start3A_968 = tpu.memref_slice %arg3[%dma_start3A_966, %dma_start3A_967] : memref<2048x64xf32, #tpu.memory_space<hbm>> -> memref<256x64xf32, #tpu.memory_space<hbm>>
      %dma_start3A_969 = arith.constant 1280 : i32
      %dma_start3A_970 = arith.constant 0 : i32
      %dma_start3A_971 = tpu.memref_slice %arg3[%dma_start3A_969, %dma_start3A_970] : memref<2048x64xf32, #tpu.memory_space<hbm>> -> memref<256x64xf32, #tpu.memory_space<hbm>>
      tpu.enqueue_dma source(%arg7 : memref<256x64xf32, #tpu.memory_space<vmem>>) target(%dma_start3A_971 : memref<256x64xf32, #tpu.memory_space<hbm>>) target_semaphore(%arg9 : memref<!tpu.dma_semaphore, #tpu.memory_space<semaphore_mem>>)
      %dma_start3A_972 = arith.constant 1792 : i32
      %dma_start3A_973 = arith.constant 0 : i32
      %dma_start3A_974 = tpu.memref_slice %arg2[%dma_start3A_972, %dma_start3A_973] : memref<2048x64xf32, #tpu.memory_space<hbm>> -> memref<256x64xf32, #tpu.memory_space<hbm>>
      %dma_start3A_975 = arith.constant 1792 : i32
      %dma_start3A_976 = arith.constant 0 : i32
      %dma_start3A_977 = tpu.memref_slice %arg2[%dma_start3A_975, %dma_start3A_976] : memref<2048x64xf32, #tpu.memory_space<hbm>> -> memref<256x64xf32, #tpu.memory_space<hbm>>
      tpu.enqueue_dma source(%dma_start3A_977 : memref<256x64xf32, #tpu.memory_space<hbm>>) target(%arg5 : memref<256x64xf32, #tpu.memory_space<vmem>>) target_semaphore(%arg8 : memref<!tpu.dma_semaphore, #tpu.memory_space<semaphore_mem>>)
      %dma_wait3A_978 = arith.constant 1024 : i32
      %dma_wait3A_979 = arith.constant 0 : i32
      %dma_wait3A_980 = tpu.memref_slice %arg3[%dma_wait3A_978, %dma_wait3A_979] : memref<2048x64xf32, #tpu.memory_space<hbm>> -> memref<256x64xf32, #tpu.memory_space<hbm>>
      %dma_wait3A_981 = arith.constant 1024 : i32
      %dma_wait3A_982 = arith.constant 0 : i32
      %dma_wait3A_983 = tpu.memref_slice %arg3[%dma_wait3A_981, %dma_wait3A_982] : memref<2048x64xf32, #tpu.memory_space<hbm>> -> memref<256x64xf32, #tpu.memory_space<hbm>>
      tpu.wait_dma2 semaphore(%arg9 : memref<!tpu.dma_semaphore, #tpu.memory_space<semaphore_mem>>) src(%arg6 : memref<256x64xf32, #tpu.memory_space<vmem>>) dst(%dma_wait3A_983 : memref<256x64xf32, #tpu.memory_space<hbm>>)
      %parallel_loop3A_984 = arith.constant 0 : i32
      %parallel_loop3A_985 = arith.constant 255 : i32
      %parallel_loop3A_986 = arith.constant 1 : i32
      %parallel_loop3A_987:8 = scf.for %parallel_loop3A_1288 = %parallel_loop3A_984 to %parallel_loop3A_985 step %parallel_loop3A_986 iter_args(%parallel_loop3A_1289 = %sub3A_944, %parallel_loop3A_1290 = %sub3A_947, %parallel_loop3A_1291 = %sub3A_950, %parallel_loop3A_1292 = %sub3A_953, %parallel_loop3A_1293 = %sub3A_956, %parallel_loop3A_1294 = %sub3A_959, %parallel_loop3A_1295 = %sub3A_962, %parallel_loop3A_1296 = %sub3A_965) -> (vector<16xf32>, vector<16xf32>, vector<16xf32>, vector<16xf32>, vector<16xf32>, vector<16xf32>, vector<16xf32>, vector<16xf32>)  : i32 {
        %parallel_loop3A_1297 = math.exp %parallel_loop3A_1293 : vector<16xf32>
        %parallel_loop3A_1298 = math.exp %parallel_loop3A_1294 : vector<16xf32>
        %parallel_loop3A_1299 = math.exp %parallel_loop3A_1295 : vector<16xf32>
        %parallel_loop3A_1300 = math.exp %parallel_loop3A_1296 : vector<16xf32>
        %parallel_loop3A_1301 = arith.addf %parallel_loop3A_1297, %parallel_loop3A_1298 : vector<16xf32>
        %parallel_loop3A_1302 = arith.addf %parallel_loop3A_1299, %parallel_loop3A_1300 : vector<16xf32>
        %parallel_loop3A_1303 = arith.addf %parallel_loop3A_1301, %parallel_loop3A_1302 : vector<16xf32>
        %parallel_loop3A_1304 = arith.constant 0 : i32
        %parallel_loop3A_1305 = vector.broadcast %parallel_loop3A_1304 : i32 to vector<16xi32>
        %parallel_loop3A_1306 = arith.cmpi slt, %xor3A_5, %parallel_loop3A_1305 : vector<16xi32>
        %parallel_loop3A_1307 = arith.constant 16 : i32
        %parallel_loop3A_1308 = vector.broadcast %parallel_loop3A_1307 : i32 to vector<16xi32>
        %parallel_loop3A_1309 = arith.addi %xor3A_5, %parallel_loop3A_1308 : vector<16xi32>
        %parallel_loop3A_1310 = arith.select %parallel_loop3A_1306, %parallel_loop3A_1309, %xor3A_5 : vector<16xi1>, vector<16xi32>
        %parallel_loop3A_1311 = vector.shape_cast %parallel_loop3A_1310 : vector<16xi32> to vector<16x1xi32>
        %parallel_loop3A_1312 = vector.shape_cast %parallel_loop3A_1311 : vector<16x1xi32> to vector<16xi32>
        %parallel_loop3A_1313 = tpu.dynamic_gather %parallel_loop3A_1303[%parallel_loop3A_1312] in [0] : vector<16xf32>, vector<16xi32> -> vector<16xf32>
        %parallel_loop3A_1314 = arith.addf %parallel_loop3A_1303, %parallel_loop3A_1313 : vector<16xf32>
        %parallel_loop3A_1315 = arith.constant 0 : i32
        %parallel_loop3A_1316 = vector.broadcast %parallel_loop3A_1315 : i32 to vector<16xi32>
        %parallel_loop3A_1317 = arith.cmpi slt, %xor3A_8, %parallel_loop3A_1316 : vector<16xi32>
        %parallel_loop3A_1318 = arith.constant 16 : i32
        %parallel_loop3A_1319 = vector.broadcast %parallel_loop3A_1318 : i32 to vector<16xi32>
        %parallel_loop3A_1320 = arith.addi %xor3A_8, %parallel_loop3A_1319 : vector<16xi32>
        %parallel_loop3A_1321 = arith.select %parallel_loop3A_1317, %parallel_loop3A_1320, %xor3A_8 : vector<16xi1>, vector<16xi32>
        %parallel_loop3A_1322 = vector.shape_cast %parallel_loop3A_1321 : vector<16xi32> to vector<16x1xi32>
        %parallel_loop3A_1323 = vector.shape_cast %parallel_loop3A_1322 : vector<16x1xi32> to vector<16xi32>
        %parallel_loop3A_1324 = tpu.dynamic_gather %parallel_loop3A_1314[%parallel_loop3A_1323] in [0] : vector<16xf32>, vector<16xi32> -> vector<16xf32>
        %parallel_loop3A_1325 = arith.addf %parallel_loop3A_1314, %parallel_loop3A_1324 : vector<16xf32>
        %parallel_loop3A_1326 = arith.constant 0 : i32
        %parallel_loop3A_1327 = vector.broadcast %parallel_loop3A_1326 : i32 to vector<16xi32>
        %parallel_loop3A_1328 = arith.cmpi slt, %xor3A_11, %parallel_loop3A_1327 : vector<16xi32>
        %parallel_loop3A_1329 = arith.constant 16 : i32
        %parallel_loop3A_1330 = vector.broadcast %parallel_loop3A_1329 : i32 to vector<16xi32>
        %parallel_loop3A_1331 = arith.addi %xor3A_11, %parallel_loop3A_1330 : vector<16xi32>
        %parallel_loop3A_1332 = arith.select %parallel_loop3A_1328, %parallel_loop3A_1331, %xor3A_11 : vector<16xi1>, vector<16xi32>
        %parallel_loop3A_1333 = vector.shape_cast %parallel_loop3A_1332 : vector<16xi32> to vector<16x1xi32>
        %parallel_loop3A_1334 = vector.shape_cast %parallel_loop3A_1333 : vector<16x1xi32> to vector<16xi32>
        %parallel_loop3A_1335 = tpu.dynamic_gather %parallel_loop3A_1325[%parallel_loop3A_1334] in [0] : vector<16xf32>, vector<16xi32> -> vector<16xf32>
        %parallel_loop3A_1336 = arith.addf %parallel_loop3A_1325, %parallel_loop3A_1335 : vector<16xf32>
        %parallel_loop3A_1337 = arith.constant 0 : i32
        %parallel_loop3A_1338 = vector.broadcast %parallel_loop3A_1337 : i32 to vector<16xi32>
        %parallel_loop3A_1339 = arith.cmpi slt, %xor3A_14, %parallel_loop3A_1338 : vector<16xi32>
        %parallel_loop3A_1340 = arith.constant 16 : i32
        %parallel_loop3A_1341 = vector.broadcast %parallel_loop3A_1340 : i32 to vector<16xi32>
        %parallel_loop3A_1342 = arith.addi %xor3A_14, %parallel_loop3A_1341 : vector<16xi32>
        %parallel_loop3A_1343 = arith.select %parallel_loop3A_1339, %parallel_loop3A_1342, %xor3A_14 : vector<16xi1>, vector<16xi32>
        %parallel_loop3A_1344 = vector.shape_cast %parallel_loop3A_1343 : vector<16xi32> to vector<16x1xi32>
        %parallel_loop3A_1345 = vector.shape_cast %parallel_loop3A_1344 : vector<16x1xi32> to vector<16xi32>
        %parallel_loop3A_1346 = tpu.dynamic_gather %parallel_loop3A_1336[%parallel_loop3A_1345] in [0] : vector<16xf32>, vector<16xi32> -> vector<16xf32>
        %parallel_loop3A_1347 = arith.addf %parallel_loop3A_1336, %parallel_loop3A_1346 : vector<16xf32>
        %parallel_loop3A_1348 = arith.constant 1.000000e+00 : f32
        %parallel_loop3A_1349 = vector.broadcast %parallel_loop3A_1348 : f32 to vector<16xf32>
        %parallel_loop3A_1350 = arith.divf %parallel_loop3A_1349, %parallel_loop3A_1347 : vector<16xf32>
        %parallel_loop3A_1351 = arith.mulf %parallel_loop3A_1297, %parallel_loop3A_1350 : vector<16xf32>
        %parallel_loop3A_1352 = arith.index_cast %parallel_loop3A_1288 : i32 to index
        %parallel_loop3A_1353 = arith.constant 0 : index
        %parallel_loop3A_1354 = tpu.vector_load %arg6[%parallel_loop3A_1352, %parallel_loop3A_1353] {strides = array<i32>} : memref<256x64xf32, #tpu.memory_space<vmem>>, vector<1x16xf32>,
        %parallel_loop3A_1355 = vector.shape_cast %parallel_loop3A_1354 : vector<1x16xf32> to vector<16xf32>
        %parallel_loop3A_1356 = vector.shape_cast %parallel_loop3A_1351 : vector<16xf32> to vector<1x16xf32>
        tpu.vector_store %arg6[%parallel_loop3A_1352, %parallel_loop3A_1353], %parallel_loop3A_1356 {strides = array<i32>} : memref<256x64xf32, #tpu.memory_space<vmem>>, vector<1x16xf32>,
        %parallel_loop3A_1357 = arith.mulf %parallel_loop3A_1298, %parallel_loop3A_1350 : vector<16xf32>
        %parallel_loop3A_1358 = arith.index_cast %parallel_loop3A_1288 : i32 to index
        %parallel_loop3A_1359 = arith.constant 16 : index
        %parallel_loop3A_1360 = tpu.vector_load %arg6[%parallel_loop3A_1358, %parallel_loop3A_1359] {strides = array<i32>} : memref<256x64xf32, #tpu.memory_space<vmem>>, vector<1x16xf32>,
        %parallel_loop3A_1361 = vector.shape_cast %parallel_loop3A_1360 : vector<1x16xf32> to vector<16xf32>
        %parallel_loop3A_1362 = vector.shape_cast %parallel_loop3A_1357 : vector<16xf32> to vector<1x16xf32>
        tpu.vector_store %arg6[%parallel_loop3A_1358, %parallel_loop3A_1359], %parallel_loop3A_1362 {strides = array<i32>} : memref<256x64xf32, #tpu.memory_space<vmem>>, vector<1x16xf32>,
        %parallel_loop3A_1363 = arith.mulf %parallel_loop3A_1299, %parallel_loop3A_1350 : vector<16xf32>
        %parallel_loop3A_1364 = arith.index_cast %parallel_loop3A_1288 : i32 to index
        %parallel_loop3A_1365 = arith.constant 32 : index
        %parallel_loop3A_1366 = tpu.vector_load %arg6[%parallel_loop3A_1364, %parallel_loop3A_1365] {strides = array<i32>} : memref<256x64xf32, #tpu.memory_space<vmem>>, vector<1x16xf32>,
        %parallel_loop3A_1367 = vector.shape_cast %parallel_loop3A_1366 : vector<1x16xf32> to vector<16xf32>
        %parallel_loop3A_1368 = vector.shape_cast %parallel_loop3A_1363 : vector<16xf32> to vector<1x16xf32>
        tpu.vector_store %arg6[%parallel_loop3A_1364, %parallel_loop3A_1365], %parallel_loop3A_1368 {strides = array<i32>} : memref<256x64xf32, #tpu.memory_space<vmem>>, vector<1x16xf32>,
        %parallel_loop3A_1369 = arith.mulf %parallel_loop3A_1300, %parallel_loop3A_1350 : vector<16xf32>
        %parallel_loop3A_1370 = arith.index_cast %parallel_loop3A_1288 : i32 to index
        %parallel_loop3A_1371 = arith.constant 48 : index
        %parallel_loop3A_1372 = tpu.vector_load %arg6[%parallel_loop3A_1370, %parallel_loop3A_1371] {strides = array<i32>} : memref<256x64xf32, #tpu.memory_space<vmem>>, vector<1x16xf32>,
        %parallel_loop3A_1373 = vector.shape_cast %parallel_loop3A_1372 : vector<1x16xf32> to vector<16xf32>
        %parallel_loop3A_1374 = vector.shape_cast %parallel_loop3A_1369 : vector<16xf32> to vector<1x16xf32>
        tpu.vector_store %arg6[%parallel_loop3A_1370, %parallel_loop3A_1371], %parallel_loop3A_1374 {strides = array<i32>} : memref<256x64xf32, #tpu.memory_space<vmem>>, vector<1x16xf32>,
        %parallel_loop3A_1375 = arith.constant 1 : i32
        %parallel_loop3A_1376 = arith.addi %parallel_loop3A_1288, %parallel_loop3A_1375 : i32
        %parallel_loop3A_1377 = arith.constant 0 : i32
        %parallel_loop3A_1378 = arith.subi %parallel_loop3A_1376, %parallel_loop3A_1377 : i32
        %parallel_loop3A_1379 = arith.index_cast %parallel_loop3A_1378 : i32 to index
        %parallel_loop3A_1380 = arith.constant 0 : index
        %parallel_loop3A_1381 = tpu.vector_load %arg4[%parallel_loop3A_1379, %parallel_loop3A_1380] {strides = array<i32>} : memref<256x64xf32, #tpu.memory_space<vmem>>, vector<1x16xf32>,
        %parallel_loop3A_1382 = vector.shape_cast %parallel_loop3A_1381 : vector<1x16xf32> to vector<16xf32>
        %parallel_loop3A_1383 = arith.mulf %parallel_loop3A_1382, %parallel_loop3A_1289 : vector<16xf32>
        %parallel_loop3A_1384 = arith.index_cast %parallel_loop3A_1378 : i32 to index
        %parallel_loop3A_1385 = arith.constant 16 : index
        %parallel_loop3A_1386 = tpu.vector_load %arg4[%parallel_loop3A_1384, %parallel_loop3A_1385] {strides = array<i32>} : memref<256x64xf32, #tpu.memory_space<vmem>>, vector<1x16xf32>,
        %parallel_loop3A_1387 = vector.shape_cast %parallel_loop3A_1386 : vector<1x16xf32> to vector<16xf32>
        %parallel_loop3A_1388 = arith.mulf %parallel_loop3A_1387, %parallel_loop3A_1290 : vector<16xf32>
        %parallel_loop3A_1389 = arith.index_cast %parallel_loop3A_1378 : i32 to index
        %parallel_loop3A_1390 = arith.constant 32 : index
        %parallel_loop3A_1391 = tpu.vector_load %arg4[%parallel_loop3A_1389, %parallel_loop3A_1390] {strides = array<i32>} : memref<256x64xf32, #tpu.memory_space<vmem>>, vector<1x16xf32>,
        %parallel_loop3A_1392 = vector.shape_cast %parallel_loop3A_1391 : vector<1x16xf32> to vector<16xf32>
        %parallel_loop3A_1393 = arith.mulf %parallel_loop3A_1392, %parallel_loop3A_1291 : vector<16xf32>
        %parallel_loop3A_1394 = arith.index_cast %parallel_loop3A_1378 : i32 to index
        %parallel_loop3A_1395 = arith.constant 48 : index
        %parallel_loop3A_1396 = tpu.vector_load %arg4[%parallel_loop3A_1394, %parallel_loop3A_1395] {strides = array<i32>} : memref<256x64xf32, #tpu.memory_space<vmem>>, vector<1x16xf32>,
        %parallel_loop3A_1397 = vector.shape_cast %parallel_loop3A_1396 : vector<1x16xf32> to vector<16xf32>
        %parallel_loop3A_1398 = arith.mulf %parallel_loop3A_1397, %parallel_loop3A_1292 : vector<16xf32>
        %parallel_loop3A_1399 = arith.mulf %parallel_loop3A_1289, %parallel_loop3A_1297 : vector<16xf32>
        %parallel_loop3A_1400 = arith.mulf %parallel_loop3A_1399, %parallel_loop3A_1350 : vector<16xf32>
        %parallel_loop3A_1401 = arith.subf %parallel_loop3A_1289, %parallel_loop3A_1400 : vector<16xf32>
        %parallel_loop3A_1402 = arith.mulf %parallel_loop3A_1290, %parallel_loop3A_1298 : vector<16xf32>
        %parallel_loop3A_1403 = arith.mulf %parallel_loop3A_1402, %parallel_loop3A_1350 : vector<16xf32>
        %parallel_loop3A_1404 = arith.subf %parallel_loop3A_1290, %parallel_loop3A_1403 : vector<16xf32>
        %parallel_loop3A_1405 = arith.mulf %parallel_loop3A_1291, %parallel_loop3A_1299 : vector<16xf32>
        %parallel_loop3A_1406 = arith.mulf %parallel_loop3A_1405, %parallel_loop3A_1350 : vector<16xf32>
        %parallel_loop3A_1407 = arith.subf %parallel_loop3A_1291, %parallel_loop3A_1406 : vector<16xf32>
        %parallel_loop3A_1408 = arith.mulf %parallel_loop3A_1292, %parallel_loop3A_1300 : vector<16xf32>
        %parallel_loop3A_1409 = arith.mulf %parallel_loop3A_1408, %parallel_loop3A_1350 : vector<16xf32>
        %parallel_loop3A_1410 = arith.subf %parallel_loop3A_1292, %parallel_loop3A_1409 : vector<16xf32>
        %parallel_loop3A_1411 = arith.mulf %parallel_loop3A_1383, %parallel_loop3A_1297 : vector<16xf32>
        %parallel_loop3A_1412 = arith.mulf %parallel_loop3A_1411, %parallel_loop3A_1350 : vector<16xf32>
        %parallel_loop3A_1413 = arith.subf %parallel_loop3A_1383, %parallel_loop3A_1412 : vector<16xf32>
        %parallel_loop3A_1414 = arith.mulf %parallel_loop3A_1388, %parallel_loop3A_1298 : vector<16xf32>
        %parallel_loop3A_1415 = arith.mulf %parallel_loop3A_1414, %parallel_loop3A_1350 : vector<16xf32>
        %parallel_loop3A_1416 = arith.subf %parallel_loop3A_1388, %parallel_loop3A_1415 : vector<16xf32>
        %parallel_loop3A_1417 = arith.mulf %parallel_loop3A_1393, %parallel_loop3A_1299 : vector<16xf32>
        %parallel_loop3A_1418 = arith.mulf %parallel_loop3A_1417, %parallel_loop3A_1350 : vector<16xf32>
        %parallel_loop3A_1419 = arith.subf %parallel_loop3A_1393, %parallel_loop3A_1418 : vector<16xf32>
        %parallel_loop3A_1420 = arith.mulf %parallel_loop3A_1398, %parallel_loop3A_1300 : vector<16xf32>
        %parallel_loop3A_1421 = arith.mulf %parallel_loop3A_1420, %parallel_loop3A_1350 : vector<16xf32>
        %parallel_loop3A_1422 = arith.subf %parallel_loop3A_1398, %parallel_loop3A_1421 : vector<16xf32>
        scf.yield %parallel_loop3A_1401, %parallel_loop3A_1404, %parallel_loop3A_1407, %parallel_loop3A_1410, %parallel_loop3A_1413, %parallel_loop3A_1416, %parallel_loop3A_1419, %parallel_loop3A_1422 : vector<16xf32>, vector<16xf32>, vector<16xf32>, vector<16xf32>, vector<16xf32>, vector<16xf32>, vector<16xf32>, vector<16xf32>
      } {sc.loop_unroll_factor = 8 : i64, sc.parallel_access}
      %dma_wait3A_988 = arith.constant 1792 : i32
      %dma_wait3A_989 = arith.constant 0 : i32
      %dma_wait3A_990 = tpu.memref_slice %arg2[%dma_wait3A_988, %dma_wait3A_989] : memref<2048x64xf32, #tpu.memory_space<hbm>> -> memref<256x64xf32, #tpu.memory_space<hbm>>
      %dma_wait3A_991 = arith.constant 1792 : i32
      %dma_wait3A_992 = arith.constant 0 : i32
      %dma_wait3A_993 = tpu.memref_slice %arg2[%dma_wait3A_991, %dma_wait3A_992] : memref<2048x64xf32, #tpu.memory_space<hbm>> -> memref<256x64xf32, #tpu.memory_space<hbm>>
      tpu.wait_dma2 semaphore(%arg8 : memref<!tpu.dma_semaphore, #tpu.memory_space<semaphore_mem>>) src(%dma_wait3A_993 : memref<256x64xf32, #tpu.memory_space<hbm>>) dst(%arg5 : memref<256x64xf32, #tpu.memory_space<vmem>>)
      %exp3A_994 = math.exp %parallel_loop3A_987#4 : vector<16xf32>
      %exp3A_995 = math.exp %parallel_loop3A_987#5 : vector<16xf32>
      %exp3A_996 = math.exp %parallel_loop3A_987#6 : vector<16xf32>
      %exp3A_997 = math.exp %parallel_loop3A_987#7 : vector<16xf32>
      %add3A_998 = arith.addf %exp3A_994, %exp3A_995 : vector<16xf32>
      %add3A_999 = arith.addf %exp3A_996, %exp3A_997 : vector<16xf32>
      %add3A_1000 = arith.addf %add3A_998, %add3A_999 : vector<16xf32>
      %lt3A_1001 = arith.constant 0 : i32
      %lt3A_1002 = vector.broadcast %lt3A_1001 : i32 to vector<16xi32>
      %lt3A_1003 = arith.cmpi slt, %xor3A_5, %lt3A_1002 : vector<16xi32>
      %add3A_1004 = arith.constant 16 : i32
      %add3A_1005 = vector.broadcast %add3A_1004 : i32 to vector<16xi32>
      %add3A_1006 = arith.addi %xor3A_5, %add3A_1005 : vector<16xi32>
      %select_n3A_1007 = arith.select %lt3A_1003, %add3A_1006, %xor3A_5 : vector<16xi1>, vector<16xi32>
      %broadcast_in_dim3A_1008 = vector.shape_cast %select_n3A_1007 : vector<16xi32> to vector<16x1xi32>
      %gather3A_1009 = vector.shape_cast %broadcast_in_dim3A_1008 : vector<16x1xi32> to vector<16xi32>
      %gather3A_1010 = tpu.dynamic_gather %add3A_1000[%gather3A_1009] in [0] : vector<16xf32>, vector<16xi32> -> vector<16xf32>
      %add3A_1011 = arith.addf %add3A_1000, %gather3A_1010 : vector<16xf32>
      %lt3A_1012 = arith.constant 0 : i32
      %lt3A_1013 = vector.broadcast %lt3A_1012 : i32 to vector<16xi32>
      %lt3A_1014 = arith.cmpi slt, %xor3A_8, %lt3A_1013 : vector<16xi32>
      %add3A_1015 = arith.constant 16 : i32
      %add3A_1016 = vector.broadcast %add3A_1015 : i32 to vector<16xi32>
      %add3A_1017 = arith.addi %xor3A_8, %add3A_1016 : vector<16xi32>
      %select_n3A_1018 = arith.select %lt3A_1014, %add3A_1017, %xor3A_8 : vector<16xi1>, vector<16xi32>
      %broadcast_in_dim3A_1019 = vector.shape_cast %select_n3A_1018 : vector<16xi32> to vector<16x1xi32>
      %gather3A_1020 = vector.shape_cast %broadcast_in_dim3A_1019 : vector<16x1xi32> to vector<16xi32>
      %gather3A_1021 = tpu.dynamic_gather %add3A_1011[%gather3A_1020] in [0] : vector<16xf32>, vector<16xi32> -> vector<16xf32>
      %add3A_1022 = arith.addf %add3A_1011, %gather3A_1021 : vector<16xf32>
      %lt3A_1023 = arith.constant 0 : i32
      %lt3A_1024 = vector.broadcast %lt3A_1023 : i32 to vector<16xi32>
      %lt3A_1025 = arith.cmpi slt, %xor3A_11, %lt3A_1024 : vector<16xi32>
      %add3A_1026 = arith.constant 16 : i32
      %add3A_1027 = vector.broadcast %add3A_1026 : i32 to vector<16xi32>
      %add3A_1028 = arith.addi %xor3A_11, %add3A_1027 : vector<16xi32>
      %select_n3A_1029 = arith.select %lt3A_1025, %add3A_1028, %xor3A_11 : vector<16xi1>, vector<16xi32>
      %broadcast_in_dim3A_1030 = vector.shape_cast %select_n3A_1029 : vector<16xi32> to vector<16x1xi32>
      %gather3A_1031 = vector.shape_cast %broadcast_in_dim3A_1030 : vector<16x1xi32> to vector<16xi32>
      %gather3A_1032 = tpu.dynamic_gather %add3A_1022[%gather3A_1031] in [0] : vector<16xf32>, vector<16xi32> -> vector<16xf32>
      %add3A_1033 = arith.addf %add3A_1022, %gather3A_1032 : vector<16xf32>
      %lt3A_1034 = arith.constant 0 : i32
      %lt3A_1035 = vector.broadcast %lt3A_1034 : i32 to vector<16xi32>
      %lt3A_1036 = arith.cmpi slt, %xor3A_14, %lt3A_1035 : vector<16xi32>
      %add3A_1037 = arith.constant 16 : i32
      %add3A_1038 = vector.broadcast %add3A_1037 : i32 to vector<16xi32>
      %add3A_1039 = arith.addi %xor3A_14, %add3A_1038 : vector<16xi32>
      %select_n3A_1040 = arith.select %lt3A_1036, %add3A_1039, %xor3A_14 : vector<16xi1>, vector<16xi32>
      %broadcast_in_dim3A_1041 = vector.shape_cast %select_n3A_1040 : vector<16xi32> to vector<16x1xi32>
      %gather3A_1042 = vector.shape_cast %broadcast_in_dim3A_1041 : vector<16x1xi32> to vector<16xi32>
      %gather3A_1043 = tpu.dynamic_gather %add3A_1033[%gather3A_1042] in [0] : vector<16xf32>, vector<16xi32> -> vector<16xf32>
      %add3A_1044 = arith.addf %add3A_1033, %gather3A_1043 : vector<16xf32>
      %div3A_1045 = arith.constant 1.000000e+00 : f32
      %div3A_1046 = vector.broadcast %div3A_1045 : f32 to vector<16xf32>
      %div3A_1047 = arith.divf %div3A_1046, %add3A_1044 : vector<16xf32>
      %mul3A_1048 = arith.mulf %exp3A_994, %div3A_1047 : vector<16xf32>
      %swap3A_1049 = arith.constant 255 : i32
      %swap3A_1050 = arith.index_cast %swap3A_1049 : i32 to index
      %swap3A_1051 = arith.constant 0 : index
      %swap3A_1052 = tpu.vector_load %arg6[%swap3A_1050, %swap3A_1051] {strides = array<i32>} : memref<256x64xf32, #tpu.memory_space<vmem>>, vector<1x16xf32>,
      %swap3A_1053 = vector.shape_cast %swap3A_1052 : vector<1x16xf32> to vector<16xf32>
      %swap3A_1054 = vector.shape_cast %mul3A_1048 : vector<16xf32> to vector<1x16xf32>
      tpu.vector_store %arg6[%swap3A_1050, %swap3A_1051], %swap3A_1054 {strides = array<i32>} : memref<256x64xf32, #tpu.memory_space<vmem>>, vector<1x16xf32>,
      %mul3A_1055 = arith.mulf %exp3A_995, %div3A_1047 : vector<16xf32>
      %swap3A_1056 = arith.constant 255 : i32
      %swap3A_1057 = arith.index_cast %swap3A_1056 : i32 to index
      %swap3A_1058 = arith.constant 16 : index
      %swap3A_1059 = tpu.vector_load %arg6[%swap3A_1057, %swap3A_1058] {strides = array<i32>} : memref<256x64xf32, #tpu.memory_space<vmem>>, vector<1x16xf32>,
      %swap3A_1060 = vector.shape_cast %swap3A_1059 : vector<1x16xf32> to vector<16xf32>
      %swap3A_1061 = vector.shape_cast %mul3A_1055 : vector<16xf32> to vector<1x16xf32>
      tpu.vector_store %arg6[%swap3A_1057, %swap3A_1058], %swap3A_1061 {strides = array<i32>} : memref<256x64xf32, #tpu.memory_space<vmem>>, vector<1x16xf32>,
      %mul3A_1062 = arith.mulf %exp3A_996, %div3A_1047 : vector<16xf32>
      %swap3A_1063 = arith.constant 255 : i32
      %swap3A_1064 = arith.index_cast %swap3A_1063 : i32 to index
      %swap3A_1065 = arith.constant 32 : index
      %swap3A_1066 = tpu.vector_load %arg6[%swap3A_1064, %swap3A_1065] {strides = array<i32>} : memref<256x64xf32, #tpu.memory_space<vmem>>, vector<1x16xf32>,
      %swap3A_1067 = vector.shape_cast %swap3A_1066 : vector<1x16xf32> to vector<16xf32>
      %swap3A_1068 = vector.shape_cast %mul3A_1062 : vector<16xf32> to vector<1x16xf32>
      tpu.vector_store %arg6[%swap3A_1064, %swap3A_1065], %swap3A_1068 {strides = array<i32>} : memref<256x64xf32, #tpu.memory_space<vmem>>, vector<1x16xf32>,
      %mul3A_1069 = arith.mulf %exp3A_997, %div3A_1047 : vector<16xf32>
      %swap3A_1070 = arith.constant 255 : i32
      %swap3A_1071 = arith.index_cast %swap3A_1070 : i32 to index
      %swap3A_1072 = arith.constant 48 : index
      %swap3A_1073 = tpu.vector_load %arg6[%swap3A_1071, %swap3A_1072] {strides = array<i32>} : memref<256x64xf32, #tpu.memory_space<vmem>>, vector<1x16xf32>,
      %swap3A_1074 = vector.shape_cast %swap3A_1073 : vector<1x16xf32> to vector<16xf32>
      %swap3A_1075 = vector.shape_cast %mul3A_1069 : vector<16xf32> to vector<1x16xf32>
      tpu.vector_store %arg6[%swap3A_1071, %swap3A_1072], %swap3A_1075 {strides = array<i32>} : memref<256x64xf32, #tpu.memory_space<vmem>>, vector<1x16xf32>,
      %get3A_1076 = arith.constant 0 : i32
      %get3A_1077 = arith.index_cast %get3A_1076 : i32 to index
      %get3A_1078 = arith.constant 0 : index
      %get3A_1079 = tpu.vector_load %arg5[%get3A_1077, %get3A_1078] {strides = array<i32>} : memref<256x64xf32, #tpu.memory_space<vmem>>, vector<1x16xf32>,
      %get3A_1080 = vector.shape_cast %get3A_1079 : vector<1x16xf32> to vector<16xf32>
      %mul3A_1081 = arith.mulf %get3A_1080, %parallel_loop3A_987#0 : vector<16xf32>
      %get3A_1082 = arith.constant 0 : i32
      %get3A_1083 = arith.index_cast %get3A_1082 : i32 to index
      %get3A_1084 = arith.constant 16 : index
      %get3A_1085 = tpu.vector_load %arg5[%get3A_1083, %get3A_1084] {strides = array<i32>} : memref<256x64xf32, #tpu.memory_space<vmem>>, vector<1x16xf32>,
      %get3A_1086 = vector.shape_cast %get3A_1085 : vector<1x16xf32> to vector<16xf32>
      %mul3A_1087 = arith.mulf %get3A_1086, %parallel_loop3A_987#1 : vector<16xf32>
      %get3A_1088 = arith.constant 0 : i32
      %get3A_1089 = arith.index_cast %get3A_1088 : i32 to index
      %get3A_1090 = arith.constant 32 : index
      %get3A_1091 = tpu.vector_load %arg5[%get3A_1089, %get3A_1090] {strides = array<i32>} : memref<256x64xf32, #tpu.memory_space<vmem>>, vector<1x16xf32>,
      %get3A_1092 = vector.shape_cast %get3A_1091 : vector<1x16xf32> to vector<16xf32>
      %mul3A_1093 = arith.mulf %get3A_1092, %parallel_loop3A_987#2 : vector<16xf32>
      %get3A_1094 = arith.constant 0 : i32
      %get3A_1095 = arith.index_cast %get3A_1094 : i32 to index
      %get3A_1096 = arith.constant 48 : index
      %get3A_1097 = tpu.vector_load %arg5[%get3A_1095, %get3A_1096] {strides = array<i32>} : memref<256x64xf32, #tpu.memory_space<vmem>>, vector<1x16xf32>,
      %get3A_1098 = vector.shape_cast %get3A_1097 : vector<1x16xf32> to vector<16xf32>
      %mul3A_1099 = arith.mulf %get3A_1098, %parallel_loop3A_987#3 : vector<16xf32>
      %mul3A_1100 = arith.mulf %parallel_loop3A_987#0, %exp3A_994 : vector<16xf32>
      %mul3A_1101 = arith.mulf %mul3A_1100, %div3A_1047 : vector<16xf32>
      %sub3A_1102 = arith.subf %parallel_loop3A_987#0, %mul3A_1101 : vector<16xf32>
      %mul3A_1103 = arith.mulf %parallel_loop3A_987#1, %exp3A_995 : vector<16xf32>
      %mul3A_1104 = arith.mulf %mul3A_1103, %div3A_1047 : vector<16xf32>
      %sub3A_1105 = arith.subf %parallel_loop3A_987#1, %mul3A_1104 : vector<16xf32>
      %mul3A_1106 = arith.mulf %parallel_loop3A_987#2, %exp3A_996 : vector<16xf32>
      %mul3A_1107 = arith.mulf %mul3A_1106, %div3A_1047 : vector<16xf32>
      %sub3A_1108 = arith.subf %parallel_loop3A_987#2, %mul3A_1107 : vector<16xf32>
      %mul3A_1109 = arith.mulf %parallel_loop3A_987#3, %exp3A_997 : vector<16xf32>
      %mul3A_1110 = arith.mulf %mul3A_1109, %div3A_1047 : vector<16xf32>
      %sub3A_1111 = arith.subf %parallel_loop3A_987#3, %mul3A_1110 : vector<16xf32>
      %mul3A_1112 = arith.mulf %mul3A_1081, %exp3A_994 : vector<16xf32>
      %mul3A_1113 = arith.mulf %mul3A_1112, %div3A_1047 : vector<16xf32>
      %sub3A_1114 = arith.subf %mul3A_1081, %mul3A_1113 : vector<16xf32>
      %mul3A_1115 = arith.mulf %mul3A_1087, %exp3A_995 : vector<16xf32>
      %mul3A_1116 = arith.mulf %mul3A_1115, %div3A_1047 : vector<16xf32>
      %sub3A_1117 = arith.subf %mul3A_1087, %mul3A_1116 : vector<16xf32>
      %mul3A_1118 = arith.mulf %mul3A_1093, %exp3A_996 : vector<16xf32>
      %mul3A_1119 = arith.mulf %mul3A_1118, %div3A_1047 : vector<16xf32>
      %sub3A_1120 = arith.subf %mul3A_1093, %mul3A_1119 : vector<16xf32>
      %mul3A_1121 = arith.mulf %mul3A_1099, %exp3A_997 : vector<16xf32>
      %mul3A_1122 = arith.mulf %mul3A_1121, %div3A_1047 : vector<16xf32>
      %sub3A_1123 = arith.subf %mul3A_1099, %mul3A_1122 : vector<16xf32>
      %dma_start3A_1124 = arith.constant 1536 : i32
      %dma_start3A_1125 = arith.constant 0 : i32
      %dma_start3A_1126 = tpu.memref_slice %arg3[%dma_start3A_1124, %dma_start3A_1125] : memref<2048x64xf32, #tpu.memory_space<hbm>> -> memref<256x64xf32, #tpu.memory_space<hbm>>
      %dma_start3A_1127 = arith.constant 1536 : i32
      %dma_start3A_1128 = arith.constant 0 : i32
      %dma_start3A_1129 = tpu.memref_slice %arg3[%dma_start3A_1127, %dma_start3A_1128] : memref<2048x64xf32, #tpu.memory_space<hbm>> -> memref<256x64xf32, #tpu.memory_space<hbm>>
      tpu.enqueue_dma source(%arg6 : memref<256x64xf32, #tpu.memory_space<vmem>>) target(%dma_start3A_1129 : memref<256x64xf32, #tpu.memory_space<hbm>>) target_semaphore(%arg9 : memref<!tpu.dma_semaphore, #tpu.memory_space<semaphore_mem>>)
      %dma_wait3A_1130 = arith.constant 1280 : i32
      %dma_wait3A_1131 = arith.constant 0 : i32
      %dma_wait3A_1132 = tpu.memref_slice %arg3[%dma_wait3A_1130, %dma_wait3A_1131] : memref<2048x64xf32, #tpu.memory_space<hbm>> -> memref<256x64xf32, #tpu.memory_space<hbm>>
      %dma_wait3A_1133 = arith.constant 1280 : i32
      %dma_wait3A_1134 = arith.constant 0 : i32
      %dma_wait3A_1135 = tpu.memref_slice %arg3[%dma_wait3A_1133, %dma_wait3A_1134] : memref<2048x64xf32, #tpu.memory_space<hbm>> -> memref<256x64xf32, #tpu.memory_space<hbm>>
      tpu.wait_dma2 semaphore(%arg9 : memref<!tpu.dma_semaphore, #tpu.memory_space<semaphore_mem>>) src(%arg7 : memref<256x64xf32, #tpu.memory_space<vmem>>) dst(%dma_wait3A_1135 : memref<256x64xf32, #tpu.memory_space<hbm>>)
      %parallel_loop3A_1136 = arith.constant 0 : i32
      %parallel_loop3A_1137 = arith.constant 255 : i32
      %parallel_loop3A_1138 = arith.constant 1 : i32
      %parallel_loop3A_1139:8 = scf.for %parallel_loop3A_1288 = %parallel_loop3A_1136 to %parallel_loop3A_1137 step %parallel_loop3A_1138 iter_args(%parallel_loop3A_1289 = %sub3A_1102, %parallel_loop3A_1290 = %sub3A_1105, %parallel_loop3A_1291 = %sub3A_1108, %parallel_loop3A_1292 = %sub3A_1111, %parallel_loop3A_1293 = %sub3A_1114, %parallel_loop3A_1294 = %sub3A_1117, %parallel_loop3A_1295 = %sub3A_1120, %parallel_loop3A_1296 = %sub3A_1123) -> (vector<16xf32>, vector<16xf32>, vector<16xf32>, vector<16xf32>, vector<16xf32>, vector<16xf32>, vector<16xf32>, vector<16xf32>)  : i32 {
        %parallel_loop3A_1297 = math.exp %parallel_loop3A_1293 : vector<16xf32>
        %parallel_loop3A_1298 = math.exp %parallel_loop3A_1294 : vector<16xf32>
        %parallel_loop3A_1299 = math.exp %parallel_loop3A_1295 : vector<16xf32>
        %parallel_loop3A_1300 = math.exp %parallel_loop3A_1296 : vector<16xf32>
        %parallel_loop3A_1301 = arith.addf %parallel_loop3A_1297, %parallel_loop3A_1298 : vector<16xf32>
        %parallel_loop3A_1302 = arith.addf %parallel_loop3A_1299, %parallel_loop3A_1300 : vector<16xf32>
        %parallel_loop3A_1303 = arith.addf %parallel_loop3A_1301, %parallel_loop3A_1302 : vector<16xf32>
        %parallel_loop3A_1304 = arith.constant 0 : i32
        %parallel_loop3A_1305 = vector.broadcast %parallel_loop3A_1304 : i32 to vector<16xi32>
        %parallel_loop3A_1306 = arith.cmpi slt, %xor3A_5, %parallel_loop3A_1305 : vector<16xi32>
        %parallel_loop3A_1307 = arith.constant 16 : i32
        %parallel_loop3A_1308 = vector.broadcast %parallel_loop3A_1307 : i32 to vector<16xi32>
        %parallel_loop3A_1309 = arith.addi %xor3A_5, %parallel_loop3A_1308 : vector<16xi32>
        %parallel_loop3A_1310 = arith.select %parallel_loop3A_1306, %parallel_loop3A_1309, %xor3A_5 : vector<16xi1>, vector<16xi32>
        %parallel_loop3A_1311 = vector.shape_cast %parallel_loop3A_1310 : vector<16xi32> to vector<16x1xi32>
        %parallel_loop3A_1312 = vector.shape_cast %parallel_loop3A_1311 : vector<16x1xi32> to vector<16xi32>
        %parallel_loop3A_1313 = tpu.dynamic_gather %parallel_loop3A_1303[%parallel_loop3A_1312] in [0] : vector<16xf32>, vector<16xi32> -> vector<16xf32>
        %parallel_loop3A_1314 = arith.addf %parallel_loop3A_1303, %parallel_loop3A_1313 : vector<16xf32>
        %parallel_loop3A_1315 = arith.constant 0 : i32
        %parallel_loop3A_1316 = vector.broadcast %parallel_loop3A_1315 : i32 to vector<16xi32>
        %parallel_loop3A_1317 = arith.cmpi slt, %xor3A_8, %parallel_loop3A_1316 : vector<16xi32>
        %parallel_loop3A_1318 = arith.constant 16 : i32
        %parallel_loop3A_1319 = vector.broadcast %parallel_loop3A_1318 : i32 to vector<16xi32>
        %parallel_loop3A_1320 = arith.addi %xor3A_8, %parallel_loop3A_1319 : vector<16xi32>
        %parallel_loop3A_1321 = arith.select %parallel_loop3A_1317, %parallel_loop3A_1320, %xor3A_8 : vector<16xi1>, vector<16xi32>
        %parallel_loop3A_1322 = vector.shape_cast %parallel_loop3A_1321 : vector<16xi32> to vector<16x1xi32>
        %parallel_loop3A_1323 = vector.shape_cast %parallel_loop3A_1322 : vector<16x1xi32> to vector<16xi32>
        %parallel_loop3A_1324 = tpu.dynamic_gather %parallel_loop3A_1314[%parallel_loop3A_1323] in [0] : vector<16xf32>, vector<16xi32> -> vector<16xf32>
        %parallel_loop3A_1325 = arith.addf %parallel_loop3A_1314, %parallel_loop3A_1324 : vector<16xf32>
        %parallel_loop3A_1326 = arith.constant 0 : i32
        %parallel_loop3A_1327 = vector.broadcast %parallel_loop3A_1326 : i32 to vector<16xi32>
        %parallel_loop3A_1328 = arith.cmpi slt, %xor3A_11, %parallel_loop3A_1327 : vector<16xi32>
        %parallel_loop3A_1329 = arith.constant 16 : i32
        %parallel_loop3A_1330 = vector.broadcast %parallel_loop3A_1329 : i32 to vector<16xi32>
        %parallel_loop3A_1331 = arith.addi %xor3A_11, %parallel_loop3A_1330 : vector<16xi32>
        %parallel_loop3A_1332 = arith.select %parallel_loop3A_1328, %parallel_loop3A_1331, %xor3A_11 : vector<16xi1>, vector<16xi32>
        %parallel_loop3A_1333 = vector.shape_cast %parallel_loop3A_1332 : vector<16xi32> to vector<16x1xi32>
        %parallel_loop3A_1334 = vector.shape_cast %parallel_loop3A_1333 : vector<16x1xi32> to vector<16xi32>
        %parallel_loop3A_1335 = tpu.dynamic_gather %parallel_loop3A_1325[%parallel_loop3A_1334] in [0] : vector<16xf32>, vector<16xi32> -> vector<16xf32>
        %parallel_loop3A_1336 = arith.addf %parallel_loop3A_1325, %parallel_loop3A_1335 : vector<16xf32>
        %parallel_loop3A_1337 = arith.constant 0 : i32
        %parallel_loop3A_1338 = vector.broadcast %parallel_loop3A_1337 : i32 to vector<16xi32>
        %parallel_loop3A_1339 = arith.cmpi slt, %xor3A_14, %parallel_loop3A_1338 : vector<16xi32>
        %parallel_loop3A_1340 = arith.constant 16 : i32
        %parallel_loop3A_1341 = vector.broadcast %parallel_loop3A_1340 : i32 to vector<16xi32>
        %parallel_loop3A_1342 = arith.addi %xor3A_14, %parallel_loop3A_1341 : vector<16xi32>
        %parallel_loop3A_1343 = arith.select %parallel_loop3A_1339, %parallel_loop3A_1342, %xor3A_14 : vector<16xi1>, vector<16xi32>
        %parallel_loop3A_1344 = vector.shape_cast %parallel_loop3A_1343 : vector<16xi32> to vector<16x1xi32>
        %parallel_loop3A_1345 = vector.shape_cast %parallel_loop3A_1344 : vector<16x1xi32> to vector<16xi32>
        %parallel_loop3A_1346 = tpu.dynamic_gather %parallel_loop3A_1336[%parallel_loop3A_1345] in [0] : vector<16xf32>, vector<16xi32> -> vector<16xf32>
        %parallel_loop3A_1347 = arith.addf %parallel_loop3A_1336, %parallel_loop3A_1346 : vector<16xf32>
        %parallel_loop3A_1348 = arith.constant 1.000000e+00 : f32
        %parallel_loop3A_1349 = vector.broadcast %parallel_loop3A_1348 : f32 to vector<16xf32>
        %parallel_loop3A_1350 = arith.divf %parallel_loop3A_1349, %parallel_loop3A_1347 : vector<16xf32>
        %parallel_loop3A_1351 = arith.mulf %parallel_loop3A_1297, %parallel_loop3A_1350 : vector<16xf32>
        %parallel_loop3A_1352 = arith.index_cast %parallel_loop3A_1288 : i32 to index
        %parallel_loop3A_1353 = arith.constant 0 : index
        %parallel_loop3A_1354 = tpu.vector_load %arg7[%parallel_loop3A_1352, %parallel_loop3A_1353] {strides = array<i32>} : memref<256x64xf32, #tpu.memory_space<vmem>>, vector<1x16xf32>,
        %parallel_loop3A_1355 = vector.shape_cast %parallel_loop3A_1354 : vector<1x16xf32> to vector<16xf32>
        %parallel_loop3A_1356 = vector.shape_cast %parallel_loop3A_1351 : vector<16xf32> to vector<1x16xf32>
        tpu.vector_store %arg7[%parallel_loop3A_1352, %parallel_loop3A_1353], %parallel_loop3A_1356 {strides = array<i32>} : memref<256x64xf32, #tpu.memory_space<vmem>>, vector<1x16xf32>,
        %parallel_loop3A_1357 = arith.mulf %parallel_loop3A_1298, %parallel_loop3A_1350 : vector<16xf32>
        %parallel_loop3A_1358 = arith.index_cast %parallel_loop3A_1288 : i32 to index
        %parallel_loop3A_1359 = arith.constant 16 : index
        %parallel_loop3A_1360 = tpu.vector_load %arg7[%parallel_loop3A_1358, %parallel_loop3A_1359] {strides = array<i32>} : memref<256x64xf32, #tpu.memory_space<vmem>>, vector<1x16xf32>,
        %parallel_loop3A_1361 = vector.shape_cast %parallel_loop3A_1360 : vector<1x16xf32> to vector<16xf32>
        %parallel_loop3A_1362 = vector.shape_cast %parallel_loop3A_1357 : vector<16xf32> to vector<1x16xf32>
        tpu.vector_store %arg7[%parallel_loop3A_1358, %parallel_loop3A_1359], %parallel_loop3A_1362 {strides = array<i32>} : memref<256x64xf32, #tpu.memory_space<vmem>>, vector<1x16xf32>,
        %parallel_loop3A_1363 = arith.mulf %parallel_loop3A_1299, %parallel_loop3A_1350 : vector<16xf32>
        %parallel_loop3A_1364 = arith.index_cast %parallel_loop3A_1288 : i32 to index
        %parallel_loop3A_1365 = arith.constant 32 : index
        %parallel_loop3A_1366 = tpu.vector_load %arg7[%parallel_loop3A_1364, %parallel_loop3A_1365] {strides = array<i32>} : memref<256x64xf32, #tpu.memory_space<vmem>>, vector<1x16xf32>,
        %parallel_loop3A_1367 = vector.shape_cast %parallel_loop3A_1366 : vector<1x16xf32> to vector<16xf32>
        %parallel_loop3A_1368 = vector.shape_cast %parallel_loop3A_1363 : vector<16xf32> to vector<1x16xf32>
        tpu.vector_store %arg7[%parallel_loop3A_1364, %parallel_loop3A_1365], %parallel_loop3A_1368 {strides = array<i32>} : memref<256x64xf32, #tpu.memory_space<vmem>>, vector<1x16xf32>,
        %parallel_loop3A_1369 = arith.mulf %parallel_loop3A_1300, %parallel_loop3A_1350 : vector<16xf32>
        %parallel_loop3A_1370 = arith.index_cast %parallel_loop3A_1288 : i32 to index
        %parallel_loop3A_1371 = arith.constant 48 : index
        %parallel_loop3A_1372 = tpu.vector_load %arg7[%parallel_loop3A_1370, %parallel_loop3A_1371] {strides = array<i32>} : memref<256x64xf32, #tpu.memory_space<vmem>>, vector<1x16xf32>,
        %parallel_loop3A_1373 = vector.shape_cast %parallel_loop3A_1372 : vector<1x16xf32> to vector<16xf32>
        %parallel_loop3A_1374 = vector.shape_cast %parallel_loop3A_1369 : vector<16xf32> to vector<1x16xf32>
        tpu.vector_store %arg7[%parallel_loop3A_1370, %parallel_loop3A_1371], %parallel_loop3A_1374 {strides = array<i32>} : memref<256x64xf32, #tpu.memory_space<vmem>>, vector<1x16xf32>,
        %parallel_loop3A_1375 = arith.constant 1 : i32
        %parallel_loop3A_1376 = arith.addi %parallel_loop3A_1288, %parallel_loop3A_1375 : i32
        %parallel_loop3A_1377 = arith.constant 0 : i32
        %parallel_loop3A_1378 = arith.subi %parallel_loop3A_1376, %parallel_loop3A_1377 : i32
        %parallel_loop3A_1379 = arith.index_cast %parallel_loop3A_1378 : i32 to index
        %parallel_loop3A_1380 = arith.constant 0 : index
        %parallel_loop3A_1381 = tpu.vector_load %arg5[%parallel_loop3A_1379, %parallel_loop3A_1380] {strides = array<i32>} : memref<256x64xf32, #tpu.memory_space<vmem>>, vector<1x16xf32>,
        %parallel_loop3A_1382 = vector.shape_cast %parallel_loop3A_1381 : vector<1x16xf32> to vector<16xf32>
        %parallel_loop3A_1383 = arith.mulf %parallel_loop3A_1382, %parallel_loop3A_1289 : vector<16xf32>
        %parallel_loop3A_1384 = arith.index_cast %parallel_loop3A_1378 : i32 to index
        %parallel_loop3A_1385 = arith.constant 16 : index
        %parallel_loop3A_1386 = tpu.vector_load %arg5[%parallel_loop3A_1384, %parallel_loop3A_1385] {strides = array<i32>} : memref<256x64xf32, #tpu.memory_space<vmem>>, vector<1x16xf32>,
        %parallel_loop3A_1387 = vector.shape_cast %parallel_loop3A_1386 : vector<1x16xf32> to vector<16xf32>
        %parallel_loop3A_1388 = arith.mulf %parallel_loop3A_1387, %parallel_loop3A_1290 : vector<16xf32>
        %parallel_loop3A_1389 = arith.index_cast %parallel_loop3A_1378 : i32 to index
        %parallel_loop3A_1390 = arith.constant 32 : index
        %parallel_loop3A_1391 = tpu.vector_load %arg5[%parallel_loop3A_1389, %parallel_loop3A_1390] {strides = array<i32>} : memref<256x64xf32, #tpu.memory_space<vmem>>, vector<1x16xf32>,
        %parallel_loop3A_1392 = vector.shape_cast %parallel_loop3A_1391 : vector<1x16xf32> to vector<16xf32>
        %parallel_loop3A_1393 = arith.mulf %parallel_loop3A_1392, %parallel_loop3A_1291 : vector<16xf32>
        %parallel_loop3A_1394 = arith.index_cast %parallel_loop3A_1378 : i32 to index
        %parallel_loop3A_1395 = arith.constant 48 : index
        %parallel_loop3A_1396 = tpu.vector_load %arg5[%parallel_loop3A_1394, %parallel_loop3A_1395] {strides = array<i32>} : memref<256x64xf32, #tpu.memory_space<vmem>>, vector<1x16xf32>,
        %parallel_loop3A_1397 = vector.shape_cast %parallel_loop3A_1396 : vector<1x16xf32> to vector<16xf32>
        %parallel_loop3A_1398 = arith.mulf %parallel_loop3A_1397, %parallel_loop3A_1292 : vector<16xf32>
        %parallel_loop3A_1399 = arith.mulf %parallel_loop3A_1289, %parallel_loop3A_1297 : vector<16xf32>
        %parallel_loop3A_1400 = arith.mulf %parallel_loop3A_1399, %parallel_loop3A_1350 : vector<16xf32>
        %parallel_loop3A_1401 = arith.subf %parallel_loop3A_1289, %parallel_loop3A_1400 : vector<16xf32>
        %parallel_loop3A_1402 = arith.mulf %parallel_loop3A_1290, %parallel_loop3A_1298 : vector<16xf32>
        %parallel_loop3A_1403 = arith.mulf %parallel_loop3A_1402, %parallel_loop3A_1350 : vector<16xf32>
        %parallel_loop3A_1404 = arith.subf %parallel_loop3A_1290, %parallel_loop3A_1403 : vector<16xf32>
        %parallel_loop3A_1405 = arith.mulf %parallel_loop3A_1291, %parallel_loop3A_1299 : vector<16xf32>
        %parallel_loop3A_1406 = arith.mulf %parallel_loop3A_1405, %parallel_loop3A_1350 : vector<16xf32>
        %parallel_loop3A_1407 = arith.subf %parallel_loop3A_1291, %parallel_loop3A_1406 : vector<16xf32>
        %parallel_loop3A_1408 = arith.mulf %parallel_loop3A_1292, %parallel_loop3A_1300 : vector<16xf32>
        %parallel_loop3A_1409 = arith.mulf %parallel_loop3A_1408, %parallel_loop3A_1350 : vector<16xf32>
        %parallel_loop3A_1410 = arith.subf %parallel_loop3A_1292, %parallel_loop3A_1409 : vector<16xf32>
        %parallel_loop3A_1411 = arith.mulf %parallel_loop3A_1383, %parallel_loop3A_1297 : vector<16xf32>
        %parallel_loop3A_1412 = arith.mulf %parallel_loop3A_1411, %parallel_loop3A_1350 : vector<16xf32>
        %parallel_loop3A_1413 = arith.subf %parallel_loop3A_1383, %parallel_loop3A_1412 : vector<16xf32>
        %parallel_loop3A_1414 = arith.mulf %parallel_loop3A_1388, %parallel_loop3A_1298 : vector<16xf32>
        %parallel_loop3A_1415 = arith.mulf %parallel_loop3A_1414, %parallel_loop3A_1350 : vector<16xf32>
        %parallel_loop3A_1416 = arith.subf %parallel_loop3A_1388, %parallel_loop3A_1415 : vector<16xf32>
        %parallel_loop3A_1417 = arith.mulf %parallel_loop3A_1393, %parallel_loop3A_1299 : vector<16xf32>
        %parallel_loop3A_1418 = arith.mulf %parallel_loop3A_1417, %parallel_loop3A_1350 : vector<16xf32>
        %parallel_loop3A_1419 = arith.subf %parallel_loop3A_1393, %parallel_loop3A_1418 : vector<16xf32>
        %parallel_loop3A_1420 = arith.mulf %parallel_loop3A_1398, %parallel_loop3A_1300 : vector<16xf32>
        %parallel_loop3A_1421 = arith.mulf %parallel_loop3A_1420, %parallel_loop3A_1350 : vector<16xf32>
        %parallel_loop3A_1422 = arith.subf %parallel_loop3A_1398, %parallel_loop3A_1421 : vector<16xf32>
        scf.yield %parallel_loop3A_1401, %parallel_loop3A_1404, %parallel_loop3A_1407, %parallel_loop3A_1410, %parallel_loop3A_1413, %parallel_loop3A_1416, %parallel_loop3A_1419, %parallel_loop3A_1422 : vector<16xf32>, vector<16xf32>, vector<16xf32>, vector<16xf32>, vector<16xf32>, vector<16xf32>, vector<16xf32>, vector<16xf32>
      } {sc.loop_unroll_factor = 8 : i64, sc.parallel_access}
      %exp3A_1140 = math.exp %parallel_loop3A_1139#4 : vector<16xf32>
      %exp3A_1141 = math.exp %parallel_loop3A_1139#5 : vector<16xf32>
      %exp3A_1142 = math.exp %parallel_loop3A_1139#6 : vector<16xf32>
      %exp3A_1143 = math.exp %parallel_loop3A_1139#7 : vector<16xf32>
      %add3A_1144 = arith.addf %exp3A_1140, %exp3A_1141 : vector<16xf32>
      %add3A_1145 = arith.addf %exp3A_1142, %exp3A_1143 : vector<16xf32>
      %add3A_1146 = arith.addf %add3A_1144, %add3A_1145 : vector<16xf32>
      %lt3A_1147 = arith.constant 0 : i32
      %lt3A_1148 = vector.broadcast %lt3A_1147 : i32 to vector<16xi32>
      %lt3A_1149 = arith.cmpi slt, %xor3A_5, %lt3A_1148 : vector<16xi32>
      %add3A_1150 = arith.constant 16 : i32
      %add3A_1151 = vector.broadcast %add3A_1150 : i32 to vector<16xi32>
      %add3A_1152 = arith.addi %xor3A_5, %add3A_1151 : vector<16xi32>
      %select_n3A_1153 = arith.select %lt3A_1149, %add3A_1152, %xor3A_5 : vector<16xi1>, vector<16xi32>
      %broadcast_in_dim3A_1154 = vector.shape_cast %select_n3A_1153 : vector<16xi32> to vector<16x1xi32>
      %gather3A_1155 = vector.shape_cast %broadcast_in_dim3A_1154 : vector<16x1xi32> to vector<16xi32>
      %gather3A_1156 = tpu.dynamic_gather %add3A_1146[%gather3A_1155] in [0] : vector<16xf32>, vector<16xi32> -> vector<16xf32>
      %add3A_1157 = arith.addf %add3A_1146, %gather3A_1156 : vector<16xf32>
      %lt3A_1158 = arith.constant 0 : i32
      %lt3A_1159 = vector.broadcast %lt3A_1158 : i32 to vector<16xi32>
      %lt3A_1160 = arith.cmpi slt, %xor3A_8, %lt3A_1159 : vector<16xi32>
      %add3A_1161 = arith.constant 16 : i32
      %add3A_1162 = vector.broadcast %add3A_1161 : i32 to vector<16xi32>
      %add3A_1163 = arith.addi %xor3A_8, %add3A_1162 : vector<16xi32>
      %select_n3A_1164 = arith.select %lt3A_1160, %add3A_1163, %xor3A_8 : vector<16xi1>, vector<16xi32>
      %broadcast_in_dim3A_1165 = vector.shape_cast %select_n3A_1164 : vector<16xi32> to vector<16x1xi32>
      %gather3A_1166 = vector.shape_cast %broadcast_in_dim3A_1165 : vector<16x1xi32> to vector<16xi32>
      %gather3A_1167 = tpu.dynamic_gather %add3A_1157[%gather3A_1166] in [0] : vector<16xf32>, vector<16xi32> -> vector<16xf32>
      %add3A_1168 = arith.addf %add3A_1157, %gather3A_1167 : vector<16xf32>
      %lt3A_1169 = arith.constant 0 : i32
      %lt3A_1170 = vector.broadcast %lt3A_1169 : i32 to vector<16xi32>
      %lt3A_1171 = arith.cmpi slt, %xor3A_11, %lt3A_1170 : vector<16xi32>
      %add3A_1172 = arith.constant 16 : i32
      %add3A_1173 = vector.broadcast %add3A_1172 : i32 to vector<16xi32>
      %add3A_1174 = arith.addi %xor3A_11, %add3A_1173 : vector<16xi32>
      %select_n3A_1175 = arith.select %lt3A_1171, %add3A_1174, %xor3A_11 : vector<16xi1>, vector<16xi32>
      %broadcast_in_dim3A_1176 = vector.shape_cast %select_n3A_1175 : vector<16xi32> to vector<16x1xi32>
      %gather3A_1177 = vector.shape_cast %broadcast_in_dim3A_1176 : vector<16x1xi32> to vector<16xi32>
      %gather3A_1178 = tpu.dynamic_gather %add3A_1168[%gather3A_1177] in [0] : vector<16xf32>, vector<16xi32> -> vector<16xf32>
      %add3A_1179 = arith.addf %add3A_1168, %gather3A_1178 : vector<16xf32>
      %lt3A_1180 = arith.constant 0 : i32
      %lt3A_1181 = vector.broadcast %lt3A_1180 : i32 to vector<16xi32>
      %lt3A_1182 = arith.cmpi slt, %xor3A_14, %lt3A_1181 : vector<16xi32>
      %add3A_1183 = arith.constant 16 : i32
      %add3A_1184 = vector.broadcast %add3A_1183 : i32 to vector<16xi32>
      %add3A_1185 = arith.addi %xor3A_14, %add3A_1184 : vector<16xi32>
      %select_n3A_1186 = arith.select %lt3A_1182, %add3A_1185, %xor3A_14 : vector<16xi1>, vector<16xi32>
      %broadcast_in_dim3A_1187 = vector.shape_cast %select_n3A_1186 : vector<16xi32> to vector<16x1xi32>
      %gather3A_1188 = vector.shape_cast %broadcast_in_dim3A_1187 : vector<16x1xi32> to vector<16xi32>
      %gather3A_1189 = tpu.dynamic_gather %add3A_1179[%gather3A_1188] in [0] : vector<16xf32>, vector<16xi32> -> vector<16xf32>
      %add3A_1190 = arith.addf %add3A_1179, %gather3A_1189 : vector<16xf32>
      %div3A_1191 = arith.constant 1.000000e+00 : f32
      %div3A_1192 = vector.broadcast %div3A_1191 : f32 to vector<16xf32>
      %div3A_1193 = arith.divf %div3A_1192, %add3A_1190 : vector<16xf32>
      %mul3A_1194 = arith.mulf %exp3A_1140, %div3A_1193 : vector<16xf32>
      %swap3A_1195 = arith.constant 255 : i32
      %swap3A_1196 = arith.index_cast %swap3A_1195 : i32 to index
      %swap3A_1197 = arith.constant 0 : index
      %swap3A_1198 = tpu.vector_load %arg7[%swap3A_1196, %swap3A_1197] {strides = array<i32>} : memref<256x64xf32, #tpu.memory_space<vmem>>, vector<1x16xf32>,
      %swap3A_1199 = vector.shape_cast %swap3A_1198 : vector<1x16xf32> to vector<16xf32>
      %swap3A_1200 = vector.shape_cast %mul3A_1194 : vector<16xf32> to vector<1x16xf32>
      tpu.vector_store %arg7[%swap3A_1196, %swap3A_1197], %swap3A_1200 {strides = array<i32>} : memref<256x64xf32, #tpu.memory_space<vmem>>, vector<1x16xf32>,
      %mul3A_1201 = arith.mulf %exp3A_1141, %div3A_1193 : vector<16xf32>
      %swap3A_1202 = arith.constant 255 : i32
      %swap3A_1203 = arith.index_cast %swap3A_1202 : i32 to index
      %swap3A_1204 = arith.constant 16 : index
      %swap3A_1205 = tpu.vector_load %arg7[%swap3A_1203, %swap3A_1204] {strides = array<i32>} : memref<256x64xf32, #tpu.memory_space<vmem>>, vector<1x16xf32>,
      %swap3A_1206 = vector.shape_cast %swap3A_1205 : vector<1x16xf32> to vector<16xf32>
      %swap3A_1207 = vector.shape_cast %mul3A_1201 : vector<16xf32> to vector<1x16xf32>
      tpu.vector_store %arg7[%swap3A_1203, %swap3A_1204], %swap3A_1207 {strides = array<i32>} : memref<256x64xf32, #tpu.memory_space<vmem>>, vector<1x16xf32>,
      %mul3A_1208 = arith.mulf %exp3A_1142, %div3A_1193 : vector<16xf32>
      %swap3A_1209 = arith.constant 255 : i32
      %swap3A_1210 = arith.index_cast %swap3A_1209 : i32 to index
      %swap3A_1211 = arith.constant 32 : index
      %swap3A_1212 = tpu.vector_load %arg7[%swap3A_1210, %swap3A_1211] {strides = array<i32>} : memref<256x64xf32, #tpu.memory_space<vmem>>, vector<1x16xf32>,
      %swap3A_1213 = vector.shape_cast %swap3A_1212 : vector<1x16xf32> to vector<16xf32>
      %swap3A_1214 = vector.shape_cast %mul3A_1208 : vector<16xf32> to vector<1x16xf32>
      tpu.vector_store %arg7[%swap3A_1210, %swap3A_1211], %swap3A_1214 {strides = array<i32>} : memref<256x64xf32, #tpu.memory_space<vmem>>, vector<1x16xf32>,
      %mul3A_1215 = arith.mulf %exp3A_1143, %div3A_1193 : vector<16xf32>
      %swap3A_1216 = arith.constant 255 : i32
      %swap3A_1217 = arith.index_cast %swap3A_1216 : i32 to index
      %swap3A_1218 = arith.constant 48 : index
      %swap3A_1219 = tpu.vector_load %arg7[%swap3A_1217, %swap3A_1218] {strides = array<i32>} : memref<256x64xf32, #tpu.memory_space<vmem>>, vector<1x16xf32>,
      %swap3A_1220 = vector.shape_cast %swap3A_1219 : vector<1x16xf32> to vector<16xf32>
      %swap3A_1221 = vector.shape_cast %mul3A_1215 : vector<16xf32> to vector<1x16xf32>
      tpu.vector_store %arg7[%swap3A_1217, %swap3A_1218], %swap3A_1221 {strides = array<i32>} : memref<256x64xf32, #tpu.memory_space<vmem>>, vector<1x16xf32>,
      %get3A_1222 = arith.constant 0 : i32
      %get3A_1223 = arith.index_cast %get3A_1222 : i32 to index
      %get3A_1224 = arith.constant 0 : index
      %get3A_1225 = tpu.vector_load %arg5[%get3A_1223, %get3A_1224] {strides = array<i32>} : memref<256x64xf32, #tpu.memory_space<vmem>>, vector<1x16xf32>,
      %get3A_1226 = vector.shape_cast %get3A_1225 : vector<1x16xf32> to vector<16xf32>
      %mul3A_1227 = arith.mulf %get3A_1226, %parallel_loop3A_1139#0 : vector<16xf32>
      %get3A_1228 = arith.constant 0 : i32
      %get3A_1229 = arith.index_cast %get3A_1228 : i32 to index
      %get3A_1230 = arith.constant 16 : index
      %get3A_1231 = tpu.vector_load %arg5[%get3A_1229, %get3A_1230] {strides = array<i32>} : memref<256x64xf32, #tpu.memory_space<vmem>>, vector<1x16xf32>,
      %get3A_1232 = vector.shape_cast %get3A_1231 : vector<1x16xf32> to vector<16xf32>
      %mul3A_1233 = arith.mulf %get3A_1232, %parallel_loop3A_1139#1 : vector<16xf32>
      %get3A_1234 = arith.constant 0 : i32
      %get3A_1235 = arith.index_cast %get3A_1234 : i32 to index
      %get3A_1236 = arith.constant 32 : index
      %get3A_1237 = tpu.vector_load %arg5[%get3A_1235, %get3A_1236] {strides = array<i32>} : memref<256x64xf32, #tpu.memory_space<vmem>>, vector<1x16xf32>,
      %get3A_1238 = vector.shape_cast %get3A_1237 : vector<1x16xf32> to vector<16xf32>
      %mul3A_1239 = arith.mulf %get3A_1238, %parallel_loop3A_1139#2 : vector<16xf32>
      %get3A_1240 = arith.constant 0 : i32
      %get3A_1241 = arith.index_cast %get3A_1240 : i32 to index
      %get3A_1242 = arith.constant 48 : index
      %get3A_1243 = tpu.vector_load %arg5[%get3A_1241, %get3A_1242] {strides = array<i32>} : memref<256x64xf32, #tpu.memory_space<vmem>>, vector<1x16xf32>,
      %get3A_1244 = vector.shape_cast %get3A_1243 : vector<1x16xf32> to vector<16xf32>
      %mul3A_1245 = arith.mulf %get3A_1244, %parallel_loop3A_1139#3 : vector<16xf32>
      %mul3A_1246 = arith.mulf %parallel_loop3A_1139#0, %exp3A_1140 : vector<16xf32>
      %mul3A_1247 = arith.mulf %mul3A_1246, %div3A_1193 : vector<16xf32>
      %sub3A_1248 = arith.subf %parallel_loop3A_1139#0, %mul3A_1247 : vector<16xf32>
      %mul3A_1249 = arith.mulf %parallel_loop3A_1139#1, %exp3A_1141 : vector<16xf32>
      %mul3A_1250 = arith.mulf %mul3A_1249, %div3A_1193 : vector<16xf32>
      %sub3A_1251 = arith.subf %parallel_loop3A_1139#1, %mul3A_1250 : vector<16xf32>
      %mul3A_1252 = arith.mulf %parallel_loop3A_1139#2, %exp3A_1142 : vector<16xf32>
      %mul3A_1253 = arith.mulf %mul3A_1252, %div3A_1193 : vector<16xf32>
      %sub3A_1254 = arith.subf %parallel_loop3A_1139#2, %mul3A_1253 : vector<16xf32>
      %mul3A_1255 = arith.mulf %parallel_loop3A_1139#3, %exp3A_1143 : vector<16xf32>
      %mul3A_1256 = arith.mulf %mul3A_1255, %div3A_1193 : vector<16xf32>
      %sub3A_1257 = arith.subf %parallel_loop3A_1139#3, %mul3A_1256 : vector<16xf32>
      %mul3A_1258 = arith.mulf %mul3A_1227, %exp3A_1140 : vector<16xf32>
      %mul3A_1259 = arith.mulf %mul3A_1258, %div3A_1193 : vector<16xf32>
      %sub3A_1260 = arith.subf %mul3A_1227, %mul3A_1259 : vector<16xf32>
      %mul3A_1261 = arith.mulf %mul3A_1233, %exp3A_1141 : vector<16xf32>
      %mul3A_1262 = arith.mulf %mul3A_1261, %div3A_1193 : vector<16xf32>
      %sub3A_1263 = arith.subf %mul3A_1233, %mul3A_1262 : vector<16xf32>
      %mul3A_1264 = arith.mulf %mul3A_1239, %exp3A_1142 : vector<16xf32>
      %mul3A_1265 = arith.mulf %mul3A_1264, %div3A_1193 : vector<16xf32>
      %sub3A_1266 = arith.subf %mul3A_1239, %mul3A_1265 : vector<16xf32>
      %mul3A_1267 = arith.mulf %mul3A_1245, %exp3A_1143 : vector<16xf32>
      %mul3A_1268 = arith.mulf %mul3A_1267, %div3A_1193 : vector<16xf32>
      %sub3A_1269 = arith.subf %mul3A_1245, %mul3A_1268 : vector<16xf32>
      %dma_start3A_1270 = arith.constant 1792 : i32
      %dma_start3A_1271 = arith.constant 0 : i32
      %dma_start3A_1272 = tpu.memref_slice %arg3[%dma_start3A_1270, %dma_start3A_1271] : memref<2048x64xf32, #tpu.memory_space<hbm>> -> memref<256x64xf32, #tpu.memory_space<hbm>>
      %dma_start3A_1273 = arith.constant 1792 : i32
      %dma_start3A_1274 = arith.constant 0 : i32
      %dma_start3A_1275 = tpu.memref_slice %arg3[%dma_start3A_1273, %dma_start3A_1274] : memref<2048x64xf32, #tpu.memory_space<hbm>> -> memref<256x64xf32, #tpu.memory_space<hbm>>
      tpu.enqueue_dma source(%arg7 : memref<256x64xf32, #tpu.memory_space<vmem>>) target(%dma_start3A_1275 : memref<256x64xf32, #tpu.memory_space<hbm>>) target_semaphore(%arg9 : memref<!tpu.dma_semaphore, #tpu.memory_space<semaphore_mem>>)
      %dma_wait3A_1276 = arith.constant 1536 : i32
      %dma_wait3A_1277 = arith.constant 0 : i32
      %dma_wait3A_1278 = tpu.memref_slice %arg3[%dma_wait3A_1276, %dma_wait3A_1277] : memref<2048x64xf32, #tpu.memory_space<hbm>> -> memref<256x64xf32, #tpu.memory_space<hbm>>
      %dma_wait3A_1279 = arith.constant 1536 : i32
      %dma_wait3A_1280 = arith.constant 0 : i32
      %dma_wait3A_1281 = tpu.memref_slice %arg3[%dma_wait3A_1279, %dma_wait3A_1280] : memref<2048x64xf32, #tpu.memory_space<hbm>> -> memref<256x64xf32, #tpu.memory_space<hbm>>
      tpu.wait_dma2 semaphore(%arg9 : memref<!tpu.dma_semaphore, #tpu.memory_space<semaphore_mem>>) src(%arg6 : memref<256x64xf32, #tpu.memory_space<vmem>>) dst(%dma_wait3A_1281 : memref<256x64xf32, #tpu.memory_space<hbm>>)
      %dma_wait3A_1282 = arith.constant 1792 : i32
      %dma_wait3A_1283 = arith.constant 0 : i32
      %dma_wait3A_1284 = tpu.memref_slice %arg3[%dma_wait3A_1282, %dma_wait3A_1283] : memref<2048x64xf32, #tpu.memory_space<hbm>> -> memref<256x64xf32, #tpu.memory_space<hbm>>
      %dma_wait3A_1285 = arith.constant 1792 : i32
      %dma_wait3A_1286 = arith.constant 0 : i32
      %dma_wait3A_1287 = tpu.memref_slice %arg3[%dma_wait3A_1285, %dma_wait3A_1286] : memref<2048x64xf32, #tpu.memory_space<hbm>> -> memref<256x64xf32, #tpu.memory_space<hbm>>
      tpu.wait_dma2 semaphore(%arg9 : memref<!tpu.dma_semaphore, #tpu.memory_space<semaphore_mem>>) src(%arg7 : memref<256x64xf32, #tpu.memory_space<vmem>>) dst(%dma_wait3A_1287 : memref<256x64xf32, #tpu.memory_space<hbm>>)
    } else {
    }
    return
  }
}

module attributes {stable_mosaic.version = 14 : i64} {
  func.func @_shift_body(%arg0: memref<2048x64xf32, #tpu.memory_space<vmem>>, %arg1: memref<2048x64xf32, #tpu.memory_space<vmem>>) attributes {dimension_semantics = [], scalar_prefetch = 0 : i64, scratch_operands = 0 : i64, tpu.core_type = #tpu.core_type<tc>} {
    %get3A = arith.constant 0 : index
    %get3A_0 = arith.constant 0 : index
    %get3A_1 = vector.load %arg0[%get3A, %get3A_0] : memref<2048x64xf32, #tpu.memory_space<vmem>>, vector<2048x64xf32>
    %reduce_min3A = arith.constant dense<0x7F800000> : vector<2048xf32>
    %reduce_min3A_2 = vector.multi_reduction <minimumf>, %get3A_1, %reduce_min3A [1] : vector<2048x64xf32> to vector<2048xf32>
    %broadcast_in_dim3A = vector.shape_cast %reduce_min3A_2 : vector<2048xf32> to vector<2048x1xf32>
    %sub3A = vector.broadcast %broadcast_in_dim3A : vector<2048x1xf32> to vector<2048x64xf32>
    %sub3A_3 = arith.subf %get3A_1, %sub3A : vector<2048x64xf32>
    %add3A = arith.constant 1.000000e+00 : f32
    %add3A_4 = vector.broadcast %add3A : f32 to vector<2048x64xf32>
    %add3A_5 = arith.addf %sub3A_3, %add3A_4 : vector<2048x64xf32>
    %swap3A = arith.constant 0 : index
    %swap3A_6 = arith.constant 0 : index
    %swap3A_7 = vector.load %arg1[%swap3A, %swap3A_6] : memref<2048x64xf32, #tpu.memory_space<vmem>>, vector<2048x64xf32>
    tpu.vector_store %arg1[%swap3A, %swap3A_6], %add3A_5 {strides = array<i32>} : memref<2048x64xf32, #tpu.memory_space<vmem>>, vector<2048x64xf32>,
    return
  }
}

</mosaic_0001>

<sc_bundles>
// kernel: kernel.4.cloned.1.call-start
scs
__scs_entry_jumppad:
0x0: {  	(pc) =	sbr.rel $0x88, $3  }
0x1: {  	(tag) =	ssettag $0x0;
	lr =	simm.s32 $0x1  }
0x2: {  	[smem:$0x3FA0] =	sst lr;
	_ =	strace $0xD0000000  }
0x3: {  	_ = 	snop  }
0x4: {  	_ = 	snop  }
0x5: {  	_ = 	snop  }
0x6: {  	_ = 	snop  }
0x7: {  	_ = 	snop  }
__scs_overlays_trampoline_lowered:
0x8: {  	[smem:$0x3FAF] =	sst s0  }
0x9: {  	[smem:$0x3FB0] =	sst s1  }
0xa: {  	[smem:$0x3FB1] =	sst s2  }
0xb: {  	[smem:$0x3FB2] =	sst s3  }
0xc: {  	[smem:$0x3FB3] =	sst s4  }
0xd: {  	[smem:$0x3FB4] =	sst s5  }
0xe: {  	[smem:$0x3FB5] =	sst s6  }
0xf: {  	[smem:$0x3FB6] =	sst s7  }
0x10: {  	[smem:$0x3FB7] =	sst s8  }
0x11: {  	[smem:$0x3FB8] =	sst s9;
	s0 =	simm.s32 @!p0 $0x0  }
0x12: {  	s1 =	sld [smem:$0x3F9E];
	s0 =	simm.s32 @p0 $0x1  }
0x13: {  	[smem:$0x3FB9] =	sst s0;
	s0 =	simm.s32 @!p1 $0x0  }
0x14: {  	s2 =	sld [smem:$0x3F9D];
	s0 =	simm.s32 @p1 $0x1  }
0x15: {  	[smem:$0x3FBA] =	sst s0;
	s0 =	simm.s32 @!p2 $0x0  }
0x16: {  	s3 =	sld [smem:$0x3FDB];
	s0 =	simm.s32 @p2 $0x1  }
0x17: {  	s4 =	simm.s32 $0x1BF5;
	[smem:$0x3FBC] =	sst s0  }
0x18: {  	s0 =	sld [smem:$0x3F9F];
	_ =	swait.ge [sflag:s4], $0x0  }
0x19: {  	s7 =	sld [smem:$0x3FA0]  }
0x1a: {  	s8 =	sadd.s32 $0xFFFFE003, lr  }
0x1b: {  	s9 =	sadd.s32 $0xFFFFFEF7, lr;
	s5 =	simm.s32 $0xFFFFFFFF;
	p2 =	slt.u32 s8, $0xFFFFF086  }
0x1c: {  	p1 =	slt.u32 s9, $0xF7A;
	s5 =	simm.s32 @!p2 $0x0  }
0x1d: {  	s5 =	simm.s32 @p1 $0x1;
	p0 =	seq.s32 s7, s2  }
0x1e: {  	s7 =	smul.u32 @!p0 $0xF7A, s2;
	p2 =	seq.s32 @!p0 s5, $0x0  }
0x1f: {  	s9 =	smul.u32 $0xF7A, s1;
	s8 =	simm.s32 @!p0 $0x1BF5;
	p2 =	por !p2, p0  }
0x20: {  	[sflag:s8] =	ssyncset.s32 @!p0 $0xFFFFF086;
	s6 =	sadd.s32 @!p0 s3, s7;
	s7 =	simm.s32 @!p0 $0x108  }
0x21: {  	s3 =	sadd.s32 s3, s9;
	s6 =	sadd.s32 @!p0 $0x88, s6;
	s7 =	simm.s32 @p2 $0x1082  }
0x22: {  	[simem:s7], [sflag:s8] =	dma.local @!p0 [hbm:s6], $0xF7A  }
0x23: {  	s9 =	sor.u32 $0xD0000000, s2;
	s6 =	simm.s32 $0x108;
	_ =	swait.ge @!p0 [sflag:s8], $0x0  }
0x24: {  	s3 =	sadd.s32 $0x88, s3;
	s6 =	simm.s32 @!p1 $0x1082;
	[sflag:s4] =	ssyncset.s32 $0xFFFFF086  }
0x25: {  	[simem:s6], [sflag:s4] =	dma.local [hbm:s3], $0xF7A  }
0x26: {  	[smem:$0x3FA0] =	sst s1;
	(tag) =	ssettag s2;
	_ =	strace s9  }
0x27: {  	s1 =	sld [smem:$0x3FB0]  }
0x28: {  	s2 =	sld [smem:$0x3FB1]  }
0x29: {  	s4 =	sld [smem:$0x3FB3]  }
0x2a: {  	p0 =	seq.s32 s5, $0x0;
	s5 =	sld [smem:$0x3FB4]  }
0x2b: {  	s6 =	sld [smem:$0x3FB5]  }
0x2c: {  	s7 =	sld [smem:$0x3FB6]  }
0x2d: {  	s3 =	simm.s32 $0x108;
	s8 =	sld [smem:$0x3FB7]  }
0x2e: {  	s3 =	simm.s32 @!p0 $0x1082;
	s9 =	sld [smem:$0x3FB8]  }
0x2f: {  	lr =	sadd.s32 s0, s3;
	s0 =	sld [smem:$0x3FAF]  }
0x30: {  	s3 =	sld [smem:$0x3FB2]  }
0x31: {  	[smem:$0x3FBB] =	sst s10  }
0x32: {  	s10 =	sld [smem:$0x3FB9];
	_ =	sdelay $0x3  }
0x33: {  	p0 =	seq.s32 s10, $0x1;
	s10 =	sld [smem:$0x3FBB];
	_ =	sdelay $0x3  }
0x34: {  	[smem:$0x3FBB] =	sst s10  }
0x35: {  	s10 =	sld [smem:$0x3FBA];
	_ =	sdelay $0x3  }
0x36: {  	p1 =	seq.s32 s10, $0x1;
	s10 =	sld [smem:$0x3FBB];
	_ =	sdelay $0x3  }
0x37: {  	[smem:$0x3FBB] =	sst s10  }
0x38: {  	s10 =	sld [smem:$0x3FBC]  }
0x39: {  	_ = 	snop;
	(pc) =	sbr.ind lr, $3  }
0x3a: {  	_ = 	snop  }
0x3b: {  	_ = 	snop  }
0x3c: {  	p2 =	seq.s32 s10, $0x1;
	s10 =	sld [smem:$0x3FBB]  }
0x3d: {  	_ =	shalt  }
0x3e: {  	_ =	shalt  }
0x3f: {  	_ =	shalt  }
0x40: {  	_ =	shalt  }
0x41: {  	_ =	shalt  }
0x42: {  	_ =	shalt  }
0x43: {  	_ =	shalt  }
0x44: {  	_ =	shalt  }
0x45: {  	_ =	shalt  }
0x46: {  	_ =	shalt  }
0x47: {  	_ =	shalt  }
0x48: {  	_ =	shalt  }
0x49: {  	_ =	shalt  }
0x4a: {  	_ =	shalt  }
0x4b: {  	_ =	shalt  }
0x4c: {  	_ =	shalt  }
0x4d: {  	_ =	shalt  }
0x4e: {  	_ =	shalt  }
0x4f: {  	_ =	shalt  }
0x50: {  	_ =	shalt  }
0x51: {  	_ =	shalt  }
0x52: {  	_ =	shalt  }
0x53: {  	_ =	shalt  }
0x54: {  	_ =	shalt  }
0x55: {  	_ =	shalt  }
0x56: {  	_ =	shalt  }
0x57: {  	_ =	shalt  }
0x58: {  	_ =	shalt  }
0x59: {  	_ =	shalt  }
0x5a: {  	_ =	shalt  }
0x5b: {  	_ =	shalt  }
0x5c: {  	_ =	shalt  }
0x5d: {  	_ =	shalt  }
0x5e: {  	_ =	shalt  }
0x5f: {  	_ =	shalt  }
0x60: {  	_ =	shalt  }
0x61: {  	_ =	shalt  }
0x62: {  	_ =	shalt  }
0x63: {  	_ =	shalt  }
0x64: {  	_ =	shalt  }
0x65: {  	_ =	shalt  }
0x66: {  	_ =	shalt  }
0x67: {  	_ =	shalt  }
0x68: {  	_ =	shalt  }
0x69: {  	_ =	shalt  }
0x6a: {  	_ =	shalt  }
0x6b: {  	_ =	shalt  }
0x6c: {  	_ =	shalt  }
0x6d: {  	_ =	shalt  }
0x6e: {  	_ =	shalt  }
0x6f: {  	_ =	shalt  }
0x70: {  	_ =	shalt  }
0x71: {  	_ =	shalt  }
0x72: {  	_ =	shalt  }
0x73: {  	_ =	shalt  }
0x74: {  	_ =	shalt  }
0x75: {  	_ =	shalt  }
0x76: {  	_ =	shalt  }
0x77: {  	_ =	shalt  }
0x78: {  	_ =	shalt  }
0x79: {  	_ =	shalt  }
0x7a: {  	_ =	shalt  }
0x7b: {  	_ =	shalt  }
0x7c: {  	_ =	shalt  }
0x7d: {  	_ =	shalt  }
0x7e: {  	_ =	shalt  }
0x7f: {  	_ =	shalt  }
0x80: {  	_ =	shalt  }
0x81: {  	_ =	shalt  }
0x82: {  	_ =	shalt  }
0x83: {  	_ =	shalt  }
0x84: {  	_ =	shalt  }
0x85: {  	_ =	shalt  }
0x86: {  	_ =	shalt  }
0x87: {  	_ =	shalt  }
.Lfunc_end0:
.L_simem_size_0:
called_computation_lowered:
.L_overlay_start_0:
0x88: {  	s0 =	sld [smem:$0x3FD9]  }
0x89: {  	s1 =	sld [smem:$0x3FFE];
	_ =	sdelay $0x3  }
0x8a: {  	s0 =	sadd.s32 s1, s0  }
0x8b: {  	[smem:$0x3FC7] =	sst s0  }
0x8c: {  	_ = 	snop  }
0x8d: {  	(tm) =	ssettm $0x1  }
0x8e: {  	s15 =	sld [smem:$0x3FFB];
	_ =	sdelay $0x3  }
0x8f: {  	_ =	strace s15  }
0x90: {  	s0 =	sld [smem:$0x3FFC];
	_ =	sdelay $0x3  }
0x91: {  	_ =	strace s0  }
0x92: {  	s0 =	sld [smem:$0x3FFD];
	_ =	sdelay $0x3  }
0x93: {  	_ =	strace s0  }
0x94: {  	_ =	strace $0x8FFFFFFF  }
0x95: {  	s16 =	sld [smem:$0x3FDB];
	_ =	sdelay $0x1  }
0x96: {  	s17 =	simm.s32 $_scs_section_size  }
0x97: {  	s2 =	simm.s32 $_size__tile_overlayer_lowered;
	s3 =	simm.s32 $_tile_overlayer_lowered  }
0x98: {  	s20 =	simm.s32 $0x1BFF;
	s19 =	sshll.u32 s3, $0x1;
	s0 =	sadd.s32 s17, s16  }
0x99: {  	s4 =	simm.s32 $0x0;
	s18 =	sshll.u32 s2, $0x1;
	s2 =	sadd.s32 s19, s0  }
0x9a: {  	[timem:s4], [sflag:s20] =	dma.local [hbm:s2], s18  }
0x9b: {  	_ =	swait.ge [sflag:s20], s18  }
0x9c: {  	s1 =	ssub.s32 $0x0, s18;
	[sflag:s20] =	ssyncset.done $0x0  }
0x9d: {  	[sflag:s20] =	ssyncadd.s32 s1;
	_ =	sdelay $0x1  }
0x9e: {  	s21 =	simm.s32 $0x1B8B  }
0x9f: {  	_ =	swait.ge [sflag:s21], $0x1  }
0xa0: {  	[sflag:s21] =	ssyncset.done $0x0  }
0xa1: {  	s23 =	simm.s32 $0x1B8E;
	s22 =	sld [smem:$0x3FFE];
	[sflag:s21] =	ssyncadd.s32 $0xFFFFFFFF  }
0xa2: {  	s24 =	simm.s32 $execute0_lowered;
	[smem:$0x3FD2] =	sst s23  }
0xa3: {  	s2 =	sshll.u32 s24, $0x1;
	_ =	strace $0x80000046;
	[dreg:$0x1] =	wrdreg $0xFFFFFFFF  }
0xa4: {  	s25 =	simm.s32 $_size_execute0_lowered;
	s0 =	sadd.s32 s0, s2;
	[dreg:$0x0] =	wrdreg $0x0  }
0xa5: {  	s2 =	sshll.u32 s25, $0x1;
	[dreg:$0x2] =	wrdreg s0  }
0xa6: {  	[dreg:$0x3] =	wrdreg s2  }
0xa7: {  	[dreg:$0x4] =	wrdreg $0xC0  }
0xa8: {  	_ =	task [dreg:s4], $0x5FFFF  }
0xa9: {  	[dreg:$0x1] =	wrdreg $0xFFFFFFFF  }
0xaa: {  	[dreg:$0x0] =	wrdreg $0x60  }
0xab: {  	[dreg:$0x2] =	wrdreg s22  }
0xac: {  	[dreg:$0x3] =	wrdreg $0x9  }
0xad: {  	_ =	task.clear_ibuf [dreg:s4], $0x4FFFF;
	_ =	strace $0x90000046  }
0xae: {  	s26 =	simm.s32 $0x9;
	_ =	strace $0x80000048  }
0xaf: {  	_ =	swait.ge [sflag:s26], $0x1  }
0xb0: {  	[sflag:s26] =	ssyncadd.s32 $0xFFFFFFFF  }
0xb1: {  	_ =	strace $0x90000048  }
0xb2: {  	_ =	sfence  }
0xb3: {  	s28 =	sld [smem:$0x0];
	_ =	sdelay $0x1  }
0xb4: {  	s29 =	srdreg.scid  }
0xb5: {  	s30 =	sshll.u32 s29, $0xD;
	s31 =	sshrl.u32 s29, $0x2  }
0xb6: {  	s1 =	sand.u32 $0x1, s29;
	s2 =	sand.u32 $0x4000, s30;
	s0 =	sadd.s32 s31, s28  }
0xb7: {  	s1 =	sor.u32 s2, s1;
	s0 =	sshll.u32 s0, $0x11  }
0xb8: {  	s0 =	sor.u32 s0, s1  }
0xb9: {  	s0 =	sadd.s32 $0x8F2B, s0  }
0xba: {  	[sflag:s0] =	ssyncadd.remote.s32 $0x1  }
0xbb: {  	_ =	sfence.sel $0xFFFF  }
0xbc: {  	[dreg:$0x0] =	wrdreg $0xFFFFFFFF;
	(pc) =	sbr.abs _section_cstart, $3  }
0xbd: {  	[dreg:$0x1] =	wrdreg $0xFFFFFFFF  }
0xbe: {  	_ =	task.clear_ibuf [dreg:s4], $0x2FFFF;
	_ =	strace $0x9FFFFFFF  }
0xbf: {  	(tm) =	ssettm $0x7FFFFFFF  }
tec
execute0_lowered:
.L_overlay_start_1:
0x0: {  	(tag) =	ssettag $0x1  }
0x1: {  	s1 =	rddreg [dreg:$0x0];
	s15 =	simm.s32 $0x0  }
0x2: {  	s2 =	stileid.u32;
	[smem:$0x7FF] =	sst s15  }
0x3: {  	s0 =	rddreg [dreg:$0x1];
	p0 =	sne.s32 s2, $0x0;
	_ =	strace $0x80000047  }
0x4: {  	_ =	sfence.sel @p0 $0x180000  }
0x5: {  	[bflag:$0x0] =	sbarrier.arrive @p0 $0xFFFF  }
0x6: {  	_ =	strace @p0 $0x90000047  }
0x7: {  	[bflag:$0x2] =	sbarrier.arrive @p0 $0xFFFF  }
0x8: {  	_ =	shalt @p0  }
.LBB2_1:
0x9: {  	s2 =	sadd.s32 $0x600, s1;
	s3 =	simm.s32 $0x1  }
0xa: {  	[tilespmem:s15], [sflag:$0x1] =	stream.linear.gather [hbm4b:s2+s15], $0x8000, $0x38;
	v63 =	vld [tilespmem:$0x0]  }
0xb: {  	_ =	swait.ge [sflag:s3], $0x8000  }
0xc: {  	[sflag:s3] =	ssyncset.done $0x0  }
0xd: {  	[sflag:s3] =	ssyncadd.s32 $0xFFFF8000  }
0xe: {  	v0 =	vld [tilespmem:$0x20]  }
0xf: {  	v1 =	vld [tilespmem:$0x30]  }
0x10: {  	v2 =	vld [tilespmem:$0x10]  }
0x11: {  	v3 =	vld [tilespmem:$0x0];
	_ =	sdelay $0x1  }
0x12: {  	v0 =	vmul.f32 $1.442695020e+00, v0  }
0x13: {  	v1 =	vmul.f32 $1.442695020e+00, v1  }
0x14: {  	(erf) = vpow2.f32 v0;
	v0 =	vmul.f32 $1.442695020e+00, v2  }
0x15: {  	v2 =	vmul.f32 $1.442695020e+00, v3;
	(erf) = vpow2.f32 v1  }
0x16: {  	(erf) = vpow2.f32 v0  }
0x17: {  	(erf) = vpow2.f32 v2;
	_ =	sdelay $0x3  }
0x18: {  	v1 =	vimm.s32 $0xFEDCBA98;
	v0 =	vimm.s32 $0x76543210  }
0x19: {  	v3 =	vunpack.c.l.s4.s8 v1  }
0x1a: {  	v5 =	vpop (erf)  }
0x1b: {  	v2 =	vunpack.c.l.s4.s8 v0;
	v0 =	vpop (erf)  }
0x1c: {  	v1 =	vpop (erf)  }
0x1d: {  	v6 =	vimm.s32 $0xBA98FEDC;
	v7 =	vimm.s32 $0x32107654;
	v4 =	vunpack.c.0.s8.s32 v3;
	v3 =	vpop (erf)  }
0x1e: {  	v2 =	vunpack.c.0.s8.s32 v2;
	v8 =	vadd.f32 v0, v5;
	v9 =	vadd.f32 v1, v3  }
0x1f: {  	v6 =	vunpack.c.l.s4.s8 v6;
	v7 =	vunpack.c.l.s4.s8 v7;
	v4 =	vand.u32 $0xF, v4  }
0x20: {  	v4 =	vcombine.low v4, v2;
	v2 =	vadd.f32 v8, v9;
	v8 =	vimm.s32 $0xDCFE98BA  }
0x21: {  	v6 =	vunpack.c.0.s8.s32 v6;
	v7 =	vunpack.c.0.s8.s32 v7;
	v8 =	vunpack.c.l.s4.s8 v8  }
0x22: {  	v9 =	vimm.s32 $0x54761032;
	v10 =	vperm.xlane v2, v4  }
0x23: {  	v11 =	vunpack.c.l.s4.s8 v9;
	v9 =	vcombine.low v7, v6;
	v6 =	vunpack.c.0.s8.s32 v8  }
0x24: {  	s14 =	sadd.s32 $0x8600, s1;
	s13 =	sadd.s32 $0x2600, s1;
	v8 =	vimm.s32 $0xEFCDAB89;
	v2 =	vadd.f32 v10, v2;
	v10 =	vimm.s32 $0x67452301  }
0x25: {  	s12 =	sadd.s32 $0x9600, s1;
	s11 =	sadd.s32 $0x3600, s1;
	s10 =	sadd.s32 $0xA600, s1;
	v7 =	vunpack.c.0.s8.s32 v11;
	v8 =	vunpack.c.l.s4.s8 v8;
	v11 =	vunpack.c.l.s4.s8 v10  }
0x26: {  	s9 =	sadd.s32 $0x4600, s1;
	s8 =	sadd.s32 $0xB600, s1;
	s7 =	sadd.s32 $0x5600, s1;
	v12 =	vperm.xlane v2, v9  }
0x27: {  	s5 =	sadd.s32 $0xC600, s1;
	s31 =	simm.s32 $0x8000;
	s6 =	sadd.s32 $0x6600, s1;
	v10 =	vcombine.low v7, v6;
	v6 =	vunpack.c.0.s8.s32 v8;
	v7 =	vunpack.c.0.s8.s32 v11  }
0x28: {  	s4 =	sadd.s32 $0xD600, s1;
	s16 =	simm.s32 $0x200;
	s2 =	sadd.s32 $0x1000, s2;
	v12 =	vadd.f32 v12, v2  }
0x29: {  	[tilespmem:s31], [sflag:$0x1] =	stream.linear.gather [hbm4b:s2+s15], $0x8000, $0x38;
	v8 =	vimm.f32 $1.000000000e+00;
	v2 =	vimm.f32 $1.000000000e+00;
	v11 =	vcombine.low v7, v6;
	v63 =	vld [tilespmem:$0x0]  }
0x2a: {  	s3 =	sadd.s32 $0x7600, s1;
	s2 =	sadd.s32 $0xE600, s1;
	s1 =	sadd.s32 $0xF600, s1;
	v6 =	vimm.f32 $1.000000000e+00;
	v7 =	vimm.f32 $1.000000000e+00;
	v13 =	vperm.xlane v12, v10  }
.LBB2_2:
0x2b: {  	_ = 	snop  }
0x2c: {  	p0 =	sne.s32 s16, $0x1FC00;
	s18 =	smov.u32 s16;
	s16 =	sadd.s32 $0x200, s16;
	v12 =	vadd.f32 v13, v12  }
0x2d: {  	_ = 	snop  }
0x2e: {  	v13 =	vperm.xlane v12, v11;
	_ =	sdelay $0x1  }
0x2f: {  	s17 =	sshra.s32 s15, $0x2;
	s15 =	smov.u32 s18;
	v12 =	vadd.f32 v13, v12  }
0x30: {  	v13 =	vld [tilespmem:s17+$0xB0]  }
0x31: {  	v14 =	vld [tilespmem:s17+$0xA0];
	(erf) = vrcp.f32 v12  }
0x32: {  	v12 =	vld [tilespmem:s17+$0x90]  }
0x33: {  	v15 =	vld [tilespmem:s17+$0x80];
	_ =	sdelay $0x1  }
0x34: {  	v16 =	vmul.f32 v5, v8;
	v13 =	vmul.f32 v13, v2  }
0x35: {  	v17 =	vmul.f32 v3, v6;
	v18 =	vmul.f32 v1, v7  }
0x36: {  	v14 =	vmul.f32 v14, v8;
	v12 =	vmul.f32 v12, v7  }
0x37: {  	v19 =	vmul.f32 v0, v2;
	v15 =	vmul.f32 v15, v6  }
0x38: {  	v21 =	vmul.f32 v13, v0;
	v20 =	vmul.f32 v14, v5  }
0x39: {  	v23 =	vmul.f32 v12, v1;
	v22 =	vmul.f32 v15, v3;
	v24 =	vpop (erf)  }
0x3a: {  	v20 =	vmul.f32 v20, v24;
	v21 =	vmul.f32 v21, v24  }
0x3b: {  	v23 =	vmul.f32 v23, v24;
	v22 =	vmul.f32 v22, v24  }
0x3c: {  	v5 =	vmul.f32 v24, v5;
	v14 =	vsub.f32 v14, v20;
	v13 =	vsub.f32 v13, v21  }
0x3d: {  	v19 =	vmul.f32 v24, v19;
	v12 =	vsub.f32 v12, v23;
	v15 =	vsub.f32 v15, v22  }
0x3e: {  	v3 =	vmul.f32 v24, v3;
	v14 =	vmul.f32 $1.442695020e+00, v14;
	[tilespmem:s17+$0x10020] =	vst v5  }
0x3f: {  	v2 =	vsub.f32 v2, v19;
	v13 =	vmul.f32 $1.442695020e+00, v13;
	v5 =	vmul.f32 $1.442695020e+00, v15  }
0x40: {  	v1 =	vmul.f32 v24, v1;
	(erf) = vpow2.f32 v14;
	[tilespmem:s17+$0x10000] =	vst v3  }
0x41: {  	v3 =	vmul.f32 $1.442695020e+00, v12;
	v12 =	vmul.f32 v24, v16  }
0x42: {  	(erf) = vpow2.f32 v13;
	[tilespmem:s17+$0x10010] =	vst v1;
	v1 =	vmul.f32 v24, v18  }
0x43: {  	(erf) = vpow2.f32 v3;
	v3 =	vmul.f32 v24, v17  }
0x44: {  	v0 =	vmul.f32 v24, v0;
	v8 =	vsub.f32 v8, v12;
	(erf) = vpow2.f32 v5  }
0x45: {  	v7 =	vsub.f32 v7, v1;
	v6 =	vsub.f32 v6, v3  }
0x46: {  	[tilespmem:s17+$0x10030] =	vst v0;
	_ =	sdelay $0x2  }
0x47: {  	v5 =	vpop (erf);
	_ =	sdelay $0x1  }
0x48: {  	v0 =	vpop (erf)  }
0x49: {  	v12 =	vadd.f32 v0, v5;
	v1 =	vpop (erf)  }
0x4a: {  	v3 =	vpop (erf)  }
0x4b: {  	v13 =	vadd.f32 v1, v3;
	_ =	sdelay $0x1  }
0x4c: {  	v12 =	vadd.f32 v12, v13;
	_ =	sdelay $0x1  }
0x4d: {  	v13 =	vperm.xlane v12, v4;
	_ =	sdelay $0x1  }
0x4e: {  	v12 =	vadd.f32 v13, v12;
	_ =	sdelay $0x1  }
.Ltmp0:
0x4f: {  	v13 =	vperm.xlane v12, v9;
	(pc) =	sbr.rel @p0 .LBB2_2-.Ltmp0, $3  }
0x50: {  	_ = 	snop  }
0x51: {  	v12 =	vadd.f32 v13, v12;
	_ =	sdelay $0x1  }
0x52: {  	v13 =	vperm.xlane v12, v10  }
0x53: {  	_ = 	snop  }
0x54: {  	v4 =	vadd.f32 v13, v12;
	_ =	sdelay $0x1  }
0x55: {  	v9 =	vperm.xlane v4, v11;
	_ =	sdelay $0x1  }
0x56: {  	v4 =	vadd.f32 v9, v4  }
0x57: {  	s15 =	sshra.s32 s15, $0x2  }
0x58: {  	v10 =	vld [tilespmem:s15+$0x80];
	(erf) = vrcp.f32 v4  }
0x59: {  	v11 =	vld [tilespmem:s15+$0x90]  }
0x5a: {  	v9 =	vld [tilespmem:s15+$0xB0]  }
0x5b: {  	v4 =	vld [tilespmem:s15+$0xA0];
	_ =	sdelay $0x2  }
0x5c: {  	v10 =	vmul.f32 v10, v6  }
0x5d: {  	v11 =	vmul.f32 v11, v7;
	v9 =	vmul.f32 v9, v2  }
0x5e: {  	v14 =	vmul.f32 v10, v3;
	v4 =	vmul.f32 v4, v8  }
0x5f: {  	v16 =	vmul.f32 v11, v1;
	v13 =	vmul.f32 v9, v0;
	v15 =	vpop (erf)  }
0x60: {  	v12 =	vmul.f32 v4, v5;
	v17 =	vmul.f32 v15, v5  }
0x61: {  	v14 =	vmul.f32 v14, v15;
	v18 =	vmul.f32 v15, v3  }
0x62: {  	v16 =	vmul.f32 v16, v15;
	v52 =	vmul.f32 v15, v1;
	[tilespmem:s15+$0x10020] =	vst v17  }
0x63: {  	v12 =	vmul.f32 v12, v15;
	v10 =	vsub.f32 v10, v14;
	[tilespmem:s15+$0x10000] =	vst v18;
	v14 =	vmul.f32 v15, v0  }
0x64: {  	v13 =	vmul.f32 v13, v15;
	v11 =	vsub.f32 v11, v16;
	[tilespmem:s15+$0x10010] =	vst v52  }
0x65: {  	s31 =	simm.s32 $0x1;
	v4 =	vsub.f32 v4, v12;
	[tilespmem:s15+$0x10030] =	vst v14;
	v10 =	vmul.f32 $1.442695020e+00, v10  }
0x66: {  	v9 =	vsub.f32 v9, v13;
	v11 =	vmul.f32 $1.442695020e+00, v11;
	_ =	swait.ge [sflag:s31], $0x8000  }
0x67: {  	v4 =	vmul.f32 $1.442695020e+00, v4;
	(erf) = vpow2.f32 v10  }
0x68: {  	v9 =	vmul.f32 $1.442695020e+00, v9;
	(erf) = vpow2.f32 v11  }
0x69: {  	(erf) = vpow2.f32 v4  }
0x6a: {  	(erf) = vpow2.f32 v9;
	_ =	sdelay $0x4  }
0x6b: {  	v4 =	vimm.s32 $0xFEDCBA98  }
0x6c: {  	v9 =	vimm.s32 $0x76543210;
	v4 =	vunpack.c.l.s4.s8 v4;
	v14 =	vpop (erf)  }
0x6d: {  	v9 =	vunpack.c.l.s4.s8 v9;
	v53 =	vpop (erf)  }
0x6e: {  	v4 =	vunpack.c.0.s8.s32 v4;
	v54 =	vpop (erf)  }
0x6f: {  	v9 =	vunpack.c.0.s8.s32 v9;
	v55 =	vpop (erf)  }
0x70: {  	v4 =	vand.u32 $0xF, v4;
	v10 =	vadd.f32 v53, v14;
	v11 =	vadd.f32 v55, v54  }
0x71: {  	v4 =	vcombine.low v4, v9  }
0x72: {  	v9 =	vimm.s32 $0xBA98FEDC;
	v10 =	vadd.f32 v11, v10;
	v11 =	vimm.s32 $0x32107654  }
0x73: {  	v9 =	vunpack.c.l.s4.s8 v9;
	v11 =	vunpack.c.l.s4.s8 v11  }
0x74: {  	v12 =	vperm.xlane v10, v4  }
0x75: {  	v9 =	vunpack.c.0.s8.s32 v9;
	v11 =	vunpack.c.0.s8.s32 v11  }
0x76: {  	v10 =	vadd.f32 v12, v10  }
0x77: {  	v12 =	vimm.s32 $0x54761032;
	v9 =	vcombine.low v11, v9;
	v11 =	vimm.s32 $0xDCFE98BA  }
0x78: {  	v12 =	vunpack.c.l.s4.s8 v12;
	v11 =	vunpack.c.l.s4.s8 v11  }
0x79: {  	v13 =	vperm.xlane v10, v9  }
0x7a: {  	v12 =	vunpack.c.0.s8.s32 v12;
	v11 =	vunpack.c.0.s8.s32 v11  }
0x7b: {  	v19 =	vimm.s32 $0xEFCDAB89;
	v20 =	vimm.s32 $0x67452301;
	v13 =	vadd.f32 v13, v10  }
0x7c: {  	v10 =	vcombine.low v12, v11;
	v11 =	vunpack.c.l.s4.s8 v19;
	v12 =	vunpack.c.l.s4.s8 v20;
	_ =	sdelay $0x1  }
0x7d: {  	v56 =	vperm.xlane v13, v10;
	v11 =	vunpack.c.0.s8.s32 v11;
	v12 =	vunpack.c.0.s8.s32 v12;
	_ =	sdelay $0x1  }
0x7e: {  	v19 =	vadd.f32 v56, v13;
	v13 =	vcombine.low v12, v11;
	_ =	sdelay $0x1  }
0x7f: {  	v11 =	vperm.xlane v19, v13;
	_ =	sdelay $0x1  }
0x80: {  	v11 =	vadd.f32 v11, v19  }
0x81: {  	[sflag:s31] =	ssyncset.done $0x0  }
0x82: {  	v5 =	vmul.f32 v5, v8;
	[sflag:s31] =	ssyncadd.s32 $0xFFFF8000;
	(erf) = vrcp.f32 v11  }
0x83: {  	v0 =	vmul.f32 v0, v2;
	v11 =	vld [tilespmem:$0x8020]  }
0x84: {  	v1 =	vmul.f32 v1, v7;
	v5 =	vmul.f32 v15, v5;
	v12 =	vld [tilespmem:$0x8030]  }
0x85: {  	v3 =	vmul.f32 v3, v6;
	v0 =	vmul.f32 v15, v0;
	v57 =	vld [tilespmem:$0x8010]  }
0x86: {  	v1 =	vmul.f32 v15, v1;
	v5 =	vsub.f32 v8, v5;
	v8 =	vld [tilespmem:$0x8000]  }
0x87: {  	v58 =	vsub.f32 v2, v0;
	v0 =	vmul.f32 v15, v3  }
0x88: {  	v3 =	vsub.f32 v7, v1;
	v1 =	vmul.f32 v11, v5  }
0x89: {  	v0 =	vsub.f32 v6, v0;
	v2 =	vmul.f32 v12, v58  }
0x8a: {  	v6 =	vmul.f32 v57, v3;
	v7 =	vmul.f32 v1, v54  }
0x8b: {  	v8 =	vmul.f32 v8, v0;
	v11 =	vmul.f32 v2, v55;
	v15 =	vpop (erf)  }
0x8c: {  	v12 =	vmul.f32 v6, v53;
	v7 =	vmul.f32 v7, v15  }
0x8d: {  	v59 =	vmul.f32 v8, v14;
	v11 =	vmul.f32 v11, v15  }
0x8e: {  	v12 =	vmul.f32 v12, v15;
	v1 =	vsub.f32 v1, v7  }
0x8f: {  	v7 =	vmul.f32 v59, v15;
	v2 =	vsub.f32 v2, v11  }
0x90: {  	v6 =	vsub.f32 v6, v12;
	v1 =	vmul.f32 $1.442695020e+00, v1  }
0x91: {  	v7 =	vsub.f32 v8, v7;
	v2 =	vmul.f32 $1.442695020e+00, v2  }
0x92: {  	(erf) = vpow2.f32 v1;
	v1 =	vmul.f32 $1.442695020e+00, v6  }
0x93: {  	v6 =	vmul.f32 $1.442695020e+00, v7;
	(erf) = vpow2.f32 v2  }
0x94: {  	(erf) = vpow2.f32 v1  }
0x95: {  	(erf) = vpow2.f32 v6;
	_ =	sdelay $0x5  }
0x96: {  	v11 =	vpop (erf)  }
0x97: {  	v1 =	vpop (erf)  }
0x98: {  	v8 =	vpop (erf)  }
0x99: {  	v12 =	vpop (erf)  }
0x9a: {  	v2 =	vadd.f32 v1, v11;
	v6 =	vadd.f32 v8, v12;
	_ =	sdelay $0x1  }
0x9b: {  	v7 =	vmul.f32 v15, v14;
	v2 =	vadd.f32 v2, v6  }
0x9c: {  	v6 =	vmul.f32 v15, v53  }
0x9d: {  	[tilespmem:$0x17F80] =	vst v7;
	v7 =	vmul.f32 v15, v54;
	v60 =	vperm.xlane v2, v4  }
0x9e: {  	[tilespmem:$0x17F90] =	vst v6;
	v6 =	vmul.f32 v15, v55  }
0x9f: {  	v61 =	vmul.f32 v55, v58;
	[tilespmem:$0x17FA0] =	vst v7;
	v2 =	vadd.f32 v60, v2  }
0xa0: {  	v7 =	vmul.f32 v14, v0;
	[tilespmem:$0x17FB0] =	vst v6;
	v6 =	vmul.f32 v53, v3  }
0xa1: {  	s16 =	simm.s32 $0x10000;
	s15 =	simm.s32 $0x0;
	v14 =	vmul.f32 v54, v5;
	v62 =	vperm.xlane v2, v9  }
0xa2: {  	v7 =	vmul.f32 v15, v7;
	[hbm4b:s14+s15] =	stream.linear.scatter [tilespmem:s16], [sflag:$0x2], $0x8000, $0x38;
	v6 =	vmul.f32 v15, v6;
	v63 =	vld [tilespmem:$0x0]  }
0xa3: {  	v14 =	vmul.f32 v15, v14;
	v15 =	vmul.f32 v15, v61;
	v2 =	vadd.f32 v62, v2  }
0xa4: {  	v0 =	vsub.f32 v0, v7;
	[tilespmem:s15], [sflag:$0x1] =	stream.linear.gather [hbm4b:s13+s15], $0x8000, $0x38;
	v3 =	vsub.f32 v3, v6;
	v63 =	vld [tilespmem:$0x0]  }
0xa5: {  	s13 =	simm.s32 $0x200;
	v6 =	vsub.f32 v5, v14;
	v5 =	vsub.f32 v58, v15;
	v7 =	vperm.xlane v2, v10  }
.LBB2_4:
0xa6: {  	_ = 	snop  }
0xa7: {  	p0 =	sne.s32 s13, $0x1FC00;
	s16 =	smov.u32 s13;
	s13 =	sadd.s32 $0x200, s13;
	v2 =	vadd.f32 v7, v2  }
0xa8: {  	_ = 	snop  }
0xa9: {  	v7 =	vperm.xlane v2, v13;
	_ =	sdelay $0x1  }
0xaa: {  	s14 =	sshra.s32 s15, $0x2;
	s15 =	smov.u32 s16;
	v2 =	vadd.f32 v7, v2  }
0xab: {  	v7 =	vld [tilespmem:s14+$0x80B0]  }
0xac: {  	v14 =	vld [tilespmem:s14+$0x80A0];
	(erf) = vrcp.f32 v2  }
0xad: {  	v2 =	vld [tilespmem:s14+$0x8090]  }
0xae: {  	v15 =	vld [tilespmem:s14+$0x8080];
	_ =	sdelay $0x1  }
0xaf: {  	v16 =	vmul.f32 v11, v6;
	v7 =	vmul.f32 v7, v5  }
0xb0: {  	v17 =	vmul.f32 v12, v0;
	v18 =	vmul.f32 v8, v3  }
0xb1: {  	v14 =	vmul.f32 v14, v6;
	v2 =	vmul.f32 v2, v3  }
0xb2: {  	v19 =	vmul.f32 v1, v5;
	v15 =	vmul.f32 v15, v0  }
0xb3: {  	v21 =	vmul.f32 v7, v1;
	v20 =	vmul.f32 v14, v11  }
0xb4: {  	v23 =	vmul.f32 v2, v8;
	v22 =	vmul.f32 v15, v12;
	v24 =	vpop (erf)  }
0xb5: {  	v20 =	vmul.f32 v20, v24;
	v21 =	vmul.f32 v21, v24  }
0xb6: {  	v23 =	vmul.f32 v23, v24;
	v22 =	vmul.f32 v22, v24  }
0xb7: {  	v11 =	vmul.f32 v24, v11;
	v14 =	vsub.f32 v14, v20;
	v7 =	vsub.f32 v7, v21  }
0xb8: {  	v19 =	vmul.f32 v24, v19;
	v2 =	vsub.f32 v2, v23;
	v15 =	vsub.f32 v15, v22  }
0xb9: {  	v12 =	vmul.f32 v24, v12;
	v14 =	vmul.f32 $1.442695020e+00, v14;
	[tilespmem:s14+$0x18020] =	vst v11  }
0xba: {  	v5 =	vsub.f32 v5, v19;
	v7 =	vmul.f32 $1.442695020e+00, v7;
	v11 =	vmul.f32 $1.442695020e+00, v15  }
0xbb: {  	v8 =	vmul.f32 v24, v8;
	(erf) = vpow2.f32 v14;
	[tilespmem:s14+$0x18000] =	vst v12  }
0xbc: {  	v2 =	vmul.f32 $1.442695020e+00, v2;
	v12 =	vmul.f32 v24, v16  }
0xbd: {  	(erf) = vpow2.f32 v7;
	[tilespmem:s14+$0x18010] =	vst v8;
	v7 =	vmul.f32 v24, v18  }
0xbe: {  	(erf) = vpow2.f32 v2;
	v2 =	vmul.f32 v24, v17  }
0xbf: {  	v1 =	vmul.f32 v24, v1;
	v6 =	vsub.f32 v6, v12;
	(erf) = vpow2.f32 v11  }
0xc0: {  	v3 =	vsub.f32 v3, v7;
	v0 =	vsub.f32 v0, v2  }
0xc1: {  	[tilespmem:s14+$0x18030] =	vst v1;
	_ =	sdelay $0x2  }
0xc2: {  	v11 =	vpop (erf);
	_ =	sdelay $0x1  }
0xc3: {  	v1 =	vpop (erf)  }
0xc4: {  	v2 =	vadd.f32 v1, v11;
	v8 =	vpop (erf)  }
0xc5: {  	v12 =	vpop (erf)  }
0xc6: {  	v7 =	vadd.f32 v8, v12;
	_ =	sdelay $0x1  }
0xc7: {  	v2 =	vadd.f32 v2, v7;
	_ =	sdelay $0x1  }
0xc8: {  	v7 =	vperm.xlane v2, v4;
	_ =	sdelay $0x1  }
0xc9: {  	v2 =	vadd.f32 v7, v2;
	_ =	sdelay $0x1  }
.Ltmp1:
0xca: {  	v7 =	vperm.xlane v2, v9;
	(pc) =	sbr.rel @p0 .LBB2_4-.Ltmp1, $3  }
0xcb: {  	_ = 	snop  }
0xcc: {  	v2 =	vadd.f32 v7, v2;
	_ =	sdelay $0x1  }
0xcd: {  	v7 =	vperm.xlane v2, v10  }
0xce: {  	_ = 	snop  }
0xcf: {  	v2 =	vadd.f32 v7, v2;
	_ =	sdelay $0x1  }
0xd0: {  	v4 =	vperm.xlane v2, v13;
	_ =	sdelay $0x1  }
0xd1: {  	v2 =	vadd.f32 v4, v2  }
0xd2: {  	s13 =	sshra.s32 s15, $0x2  }
0xd3: {  	v7 =	vld [tilespmem:s13+$0x8080];
	(erf) = vrcp.f32 v2  }
0xd4: {  	v9 =	vld [tilespmem:s13+$0x8090]  }
0xd5: {  	v4 =	vld [tilespmem:s13+$0x80B0]  }
0xd6: {  	v2 =	vld [tilespmem:s13+$0x80A0];
	_ =	sdelay $0x2  }
0xd7: {  	v7 =	vmul.f32 v7, v0  }
0xd8: {  	v9 =	vmul.f32 v9, v3;
	v4 =	vmul.f32 v4, v5  }
0xd9: {  	v14 =	vmul.f32 v7, v12;
	v2 =	vmul.f32 v2, v6  }
0xda: {  	v16 =	vmul.f32 v9, v8;
	v13 =	vmul.f32 v4, v1;
	v15 =	vpop (erf)  }
0xdb: {  	v10 =	vmul.f32 v2, v11;
	v17 =	vmul.f32 v15, v11  }
0xdc: {  	v14 =	vmul.f32 v14, v15;
	v18 =	vmul.f32 v15, v12  }
0xdd: {  	v16 =	vmul.f32 v16, v15;
	v48 =	vmul.f32 v15, v8;
	[tilespmem:s13+$0x18020] =	vst v17  }
0xde: {  	v10 =	vmul.f32 v10, v15;
	v7 =	vsub.f32 v7, v14;
	[tilespmem:s13+$0x18000] =	vst v18;
	v14 =	vmul.f32 v15, v1  }
0xdf: {  	v13 =	vmul.f32 v13, v15;
	v9 =	vsub.f32 v9, v16;
	[tilespmem:s13+$0x18010] =	vst v48  }
0xe0: {  	s29 =	simm.s32 $0x1;
	v2 =	vsub.f32 v2, v10;
	[tilespmem:s13+$0x18030] =	vst v14;
	v7 =	vmul.f32 $1.442695020e+00, v7  }
0xe1: {  	v4 =	vsub.f32 v4, v13;
	v9 =	vmul.f32 $1.442695020e+00, v9;
	_ =	swait.ge [sflag:s29], $0x8000  }
0xe2: {  	v2 =	vmul.f32 $1.442695020e+00, v2;
	(erf) = vpow2.f32 v7  }
0xe3: {  	v4 =	vmul.f32 $1.442695020e+00, v4;
	(erf) = vpow2.f32 v9  }
0xe4: {  	(erf) = vpow2.f32 v2  }
0xe5: {  	(erf) = vpow2.f32 v4;
	_ =	sdelay $0x4  }
0xe6: {  	v2 =	vimm.s32 $0xFEDCBA98  }
0xe7: {  	v7 =	vimm.s32 $0x76543210;
	v2 =	vunpack.c.l.s4.s8 v2;
	v4 =	vpop (erf)  }
0xe8: {  	v7 =	vunpack.c.l.s4.s8 v7;
	v13 =	vpop (erf)  }
0xe9: {  	v2 =	vunpack.c.0.s8.s32 v2;
	v14 =	vpop (erf)  }
0xea: {  	v7 =	vunpack.c.0.s8.s32 v7;
	v49 =	vpop (erf)  }
0xeb: {  	v2 =	vand.u32 $0xF, v2;
	v9 =	vadd.f32 v13, v4;
	v10 =	vadd.f32 v49, v14  }
0xec: {  	v2 =	vcombine.low v2, v7  }
0xed: {  	v7 =	vimm.s32 $0xBA98FEDC;
	v9 =	vadd.f32 v10, v9;
	v10 =	vimm.s32 $0x32107654  }
0xee: {  	v7 =	vunpack.c.l.s4.s8 v7;
	v10 =	vunpack.c.l.s4.s8 v10;
	_ =	sdelay $0x1  }
0xef: {  	v7 =	vunpack.c.0.s8.s32 v7;
	v10 =	vunpack.c.0.s8.s32 v10  }
0xf0: {  	v50 =	vperm.xlane v9, v2  }
0xf1: {  	v51 =	vimm.s32 $0x54761032;
	v7 =	vcombine.low v10, v7;
	v10 =	vimm.s32 $0xDCFE98BA  }
0xf2: {  	v17 =	vunpack.c.l.s4.s8 v51;
	v9 =	vadd.f32 v50, v9;
	v10 =	vunpack.c.l.s4.s8 v10  }
0xf3: {  	v20 =	vimm.s32 $0x67452301  }
0xf4: {  	v17 =	vunpack.c.0.s8.s32 v17;
	v52 =	vperm.xlane v9, v7;
	v10 =	vunpack.c.0.s8.s32 v10  }
0xf5: {  	v19 =	vimm.s32 $0xEFCDAB89;
	v53 =	vunpack.c.l.s4.s8 v20  }
0xf6: {  	v18 =	vadd.f32 v52, v9;
	v9 =	vcombine.low v17, v10;
	v10 =	vunpack.c.l.s4.s8 v19;
	_ =	sdelay $0x1  }
0xf7: {  	v17 =	vunpack.c.0.s8.s32 v53;
	v54 =	vperm.xlane v18, v9;
	v10 =	vunpack.c.0.s8.s32 v10;
	_ =	sdelay $0x1  }
0xf8: {  	v18 =	vadd.f32 v54, v18;
	v10 =	vcombine.low v17, v10;
	_ =	sdelay $0x1  }
0xf9: {  	v17 =	vperm.xlane v18, v10;
	_ =	sdelay $0x1  }
0xfa: {  	v17 =	vadd.f32 v17, v18;
	_ =	sdelay $0x1  }
0xfb: {  	(erf) = vrcp.f32 v17;
	_ =	sdelay $0x2  }
0xfc: {  	[sflag:s29] =	ssyncset.done $0x0  }
0xfd: {  	v11 =	vmul.f32 v11, v6;
	[sflag:s29] =	ssyncadd.s32 $0xFFFF8000  }
0xfe: {  	v12 =	vmul.f32 v12, v0;
	v1 =	vmul.f32 v1, v5;
	v55 =	vld [tilespmem:$0x20]  }
0xff: {  	v8 =	vmul.f32 v8, v3;
	v11 =	vmul.f32 v15, v11;
	v56 =	vld [tilespmem:$0x30]  }
0x100: {  	v1 =	vmul.f32 v15, v1  }
0x101: {  	v8 =	vmul.f32 v15, v8;
	v12 =	vmul.f32 v15, v12;
	v15 =	vsub.f32 v6, v11;
	v57 =	vld [tilespmem:$0x10]  }
0x102: {  	v58 =	vsub.f32 v5, v1;
	v11 =	vld [tilespmem:$0x0];
	v6 =	vpop (erf)  }
0x103: {  	v3 =	vsub.f32 v3, v8;
	v17 =	vmul.f32 v55, v15;
	v1 =	vmul.f32 v6, v4  }
0x104: {  	v0 =	vsub.f32 v0, v12;
	v12 =	vmul.f32 v56, v58;
	v5 =	vmul.f32 v6, v13  }
0x105: {  	v59 =	vmul.f32 v17, v14;
	v8 =	vmul.f32 v6, v14;
	[tilespmem:$0x1FF80] =	vst v1  }
0x106: {  	v1 =	vmul.f32 v6, v49;
	[tilespmem:$0x1FF90] =	vst v5;
	v5 =	vmul.f32 v57, v3  }
0x107: {  	[tilespmem:$0x1FFA0] =	vst v8;
	v8 =	vmul.f32 v11, v0;
	v11 =	vmul.f32 v12, v49  }
0x108: {  	v18 =	vmul.f32 v59, v6;
	[tilespmem:$0x1FFB0] =	vst v1;
	v1 =	vmul.f32 v5, v13  }
0x109: {  	s14 =	simm.s32 $0x18000;
	s13 =	simm.s32 $0x0;
	v60 =	vmul.f32 v8, v4;
	v11 =	vmul.f32 v11, v6  }
0x10a: {  	v17 =	vsub.f32 v17, v18;
	[hbm4b:s12+s13] =	stream.linear.scatter [tilespmem:s14], [sflag:$0x2], $0x8000, $0x38;
	v1 =	vmul.f32 v1, v6;
	v63 =	vld [tilespmem:$0x0]  }
0x10b: {  	s30 =	simm.s32 $0x8000;
	s31 =	simm.s32 $0x2;
	v61 =	vmul.f32 v60, v6;
	v11 =	vsub.f32 v12, v11  }
0x10c: {  	[tilespmem:s30], [sflag:$0x1] =	stream.linear.gather [hbm4b:s11+s13], $0x8000, $0x38;
	v1 =	vsub.f32 v5, v1;
	v5 =	vmul.f32 $1.442695020e+00, v17;
	v63 =	vld [tilespmem:$0x0]  }
0x10d: {  	v8 =	vsub.f32 v8, v61;
	_ =	swait.ge [sflag:s31], $0x8000;
	v11 =	vmul.f32 $1.442695020e+00, v11  }
0x10e: {  	(erf) = vpow2.f32 v5;
	v1 =	vmul.f32 $1.442695020e+00, v1  }
0x10f: {  	v5 =	vmul.f32 $1.442695020e+00, v8;
	(erf) = vpow2.f32 v11  }
0x110: {  	(erf) = vpow2.f32 v1  }
0x111: {  	(erf) = vpow2.f32 v5;
	_ =	sdelay $0x5  }
0x112: {  	v11 =	vpop (erf)  }
0x113: {  	v5 =	vpop (erf)  }
0x114: {  	v8 =	vpop (erf)  }
0x115: {  	v12 =	vpop (erf)  }
0x116: {  	v1 =	vadd.f32 v5, v11;
	v62 =	vadd.f32 v8, v12;
	_ =	sdelay $0x1  }
0x117: {  	v1 =	vadd.f32 v1, v62;
	_ =	sdelay $0x1  }
0x118: {  	v17 =	vperm.xlane v1, v2;
	_ =	sdelay $0x1  }
0x119: {  	v16 =	vmul.f32 v49, v58;
	v1 =	vadd.f32 v17, v1  }
0x11a: {  	v14 =	vmul.f32 v14, v15;
	v4 =	vmul.f32 v4, v0  }
0x11b: {  	v13 =	vmul.f32 v13, v3;
	v17 =	vperm.xlane v1, v7  }
0x11c: {  	v14 =	vmul.f32 v6, v14;
	v4 =	vmul.f32 v6, v4  }
0x11d: {  	v16 =	vmul.f32 v6, v16;
	v13 =	vmul.f32 v6, v13;
	v6 =	vadd.f32 v17, v1  }
0x11e: {  	v0 =	vsub.f32 v0, v4;
	v4 =	vsub.f32 v15, v14;
	[sflag:s31] =	ssyncset.done $0x0  }
0x11f: {  	s11 =	simm.s32 $0x200;
	[sflag:s31] =	ssyncadd.s32 $0xFFFF8000;
	v1 =	vsub.f32 v3, v13;
	v3 =	vsub.f32 v58, v16;
	v13 =	vperm.xlane v6, v9  }
.LBB2_6:
0x120: {  	_ = 	snop  }
0x121: {  	p0 =	sne.s32 s11, $0x1FC00;
	s14 =	smov.u32 s11;
	s11 =	sadd.s32 $0x200, s11;
	v6 =	vadd.f32 v13, v6  }
0x122: {  	_ = 	snop  }
0x123: {  	v13 =	vperm.xlane v6, v10;
	_ =	sdelay $0x1  }
0x124: {  	s12 =	sshra.s32 s13, $0x2;
	s13 =	smov.u32 s14;
	v6 =	vadd.f32 v13, v6  }
0x125: {  	v13 =	vld [tilespmem:s12+$0xB0]  }
0x126: {  	v14 =	vld [tilespmem:s12+$0xA0];
	(erf) = vrcp.f32 v6  }
0x127: {  	v6 =	vld [tilespmem:s12+$0x90]  }
0x128: {  	v15 =	vld [tilespmem:s12+$0x80];
	_ =	sdelay $0x1  }
0x129: {  	v16 =	vmul.f32 v11, v4;
	v13 =	vmul.f32 v13, v3  }
0x12a: {  	v17 =	vmul.f32 v12, v0;
	v18 =	vmul.f32 v8, v1  }
0x12b: {  	v14 =	vmul.f32 v14, v4;
	v6 =	vmul.f32 v6, v1  }
0x12c: {  	v19 =	vmul.f32 v5, v3;
	v15 =	vmul.f32 v15, v0  }
0x12d: {  	v21 =	vmul.f32 v13, v5;
	v20 =	vmul.f32 v14, v11  }
0x12e: {  	v23 =	vmul.f32 v6, v8;
	v22 =	vmul.f32 v15, v12;
	v24 =	vpop (erf)  }
0x12f: {  	v20 =	vmul.f32 v20, v24;
	v21 =	vmul.f32 v21, v24  }
0x130: {  	v23 =	vmul.f32 v23, v24;
	v22 =	vmul.f32 v22, v24  }
0x131: {  	v11 =	vmul.f32 v24, v11;
	v14 =	vsub.f32 v14, v20;
	v13 =	vsub.f32 v13, v21  }
0x132: {  	v19 =	vmul.f32 v24, v19;
	v6 =	vsub.f32 v6, v23;
	v15 =	vsub.f32 v15, v22  }
0x133: {  	v12 =	vmul.f32 v24, v12;
	v14 =	vmul.f32 $1.442695020e+00, v14;
	[tilespmem:s12+$0x10020] =	vst v11  }
0x134: {  	v3 =	vsub.f32 v3, v19;
	v13 =	vmul.f32 $1.442695020e+00, v13;
	v11 =	vmul.f32 $1.442695020e+00, v15  }
0x135: {  	v8 =	vmul.f32 v24, v8;
	(erf) = vpow2.f32 v14;
	[tilespmem:s12+$0x10000] =	vst v12  }
0x136: {  	v6 =	vmul.f32 $1.442695020e+00, v6;
	v12 =	vmul.f32 v24, v16  }
0x137: {  	(erf) = vpow2.f32 v13;
	[tilespmem:s12+$0x10010] =	vst v8;
	v8 =	vmul.f32 v24, v18  }
0x138: {  	(erf) = vpow2.f32 v6;
	v6 =	vmul.f32 v24, v17  }
0x139: {  	v5 =	vmul.f32 v24, v5;
	v4 =	vsub.f32 v4, v12;
	(erf) = vpow2.f32 v11  }
0x13a: {  	v1 =	vsub.f32 v1, v8;
	v0 =	vsub.f32 v0, v6  }
0x13b: {  	[tilespmem:s12+$0x10030] =	vst v5;
	_ =	sdelay $0x2  }
0x13c: {  	v11 =	vpop (erf);
	_ =	sdelay $0x1  }
0x13d: {  	v5 =	vpop (erf)  }
0x13e: {  	v6 =	vadd.f32 v5, v11;
	v8 =	vpop (erf)  }
0x13f: {  	v12 =	vpop (erf)  }
0x140: {  	v13 =	vadd.f32 v8, v12;
	_ =	sdelay $0x1  }
0x141: {  	v6 =	vadd.f32 v6, v13;
	_ =	sdelay $0x1  }
0x142: {  	v13 =	vperm.xlane v6, v2;
	_ =	sdelay $0x1  }
0x143: {  	v6 =	vadd.f32 v13, v6;
	_ =	sdelay $0x1  }
.Ltmp2:
0x144: {  	v13 =	vperm.xlane v6, v7;
	(pc) =	sbr.rel @p0 .LBB2_6-.Ltmp2, $3  }
0x145: {  	_ = 	snop  }
0x146: {  	v6 =	vadd.f32 v13, v6;
	_ =	sdelay $0x1  }
0x147: {  	v13 =	vperm.xlane v6, v9  }
0x148: {  	_ = 	snop  }
0x149: {  	v2 =	vadd.f32 v13, v6;
	_ =	sdelay $0x1  }
0x14a: {  	v6 =	vperm.xlane v2, v10;
	_ =	sdelay $0x1  }
0x14b: {  	v2 =	vadd.f32 v6, v2  }
0x14c: {  	s11 =	sshra.s32 s13, $0x2  }
0x14d: {  	v7 =	vld [tilespmem:s11+$0x80];
	(erf) = vrcp.f32 v2  }
0x14e: {  	v9 =	vld [tilespmem:s11+$0x90]  }
0x14f: {  	v6 =	vld [tilespmem:s11+$0xB0]  }
0x150: {  	v2 =	vld [tilespmem:s11+$0xA0];
	_ =	sdelay $0x2  }
0x151: {  	v7 =	vmul.f32 v7, v0  }
0x152: {  	v9 =	vmul.f32 v9, v1;
	v6 =	vmul.f32 v6, v3  }
0x153: {  	v14 =	vmul.f32 v7, v12;
	v2 =	vmul.f32 v2, v4  }
0x154: {  	v16 =	vmul.f32 v9, v8;
	v13 =	vmul.f32 v6, v5;
	v15 =	vpop (erf)  }
0x155: {  	v10 =	vmul.f32 v2, v11;
	v17 =	vmul.f32 v15, v11  }
0x156: {  	v14 =	vmul.f32 v14, v15;
	v18 =	vmul.f32 v15, v12  }
0x157: {  	v16 =	vmul.f32 v16, v15;
	v50 =	vmul.f32 v15, v8;
	[tilespmem:s11+$0x10020] =	vst v17  }
0x158: {  	v10 =	vmul.f32 v10, v15;
	v7 =	vsub.f32 v7, v14;
	[tilespmem:s11+$0x10000] =	vst v18;
	v14 =	vmul.f32 v15, v5  }
0x159: {  	v13 =	vmul.f32 v13, v15;
	v9 =	vsub.f32 v9, v16;
	[tilespmem:s11+$0x10010] =	vst v50  }
0x15a: {  	s30 =	simm.s32 $0x1;
	v2 =	vsub.f32 v2, v10;
	[tilespmem:s11+$0x10030] =	vst v14;
	v7 =	vmul.f32 $1.442695020e+00, v7  }
0x15b: {  	v6 =	vsub.f32 v6, v13;
	v9 =	vmul.f32 $1.442695020e+00, v9;
	_ =	swait.ge [sflag:s30], $0x8000  }
0x15c: {  	v2 =	vmul.f32 $1.442695020e+00, v2;
	(erf) = vpow2.f32 v7  }
0x15d: {  	v6 =	vmul.f32 $1.442695020e+00, v6;
	(erf) = vpow2.f32 v9  }
0x15e: {  	(erf) = vpow2.f32 v2  }
0x15f: {  	(erf) = vpow2.f32 v6;
	_ =	sdelay $0x4  }
0x160: {  	v2 =	vimm.s32 $0xFEDCBA98  }
0x161: {  	v6 =	vimm.s32 $0x76543210;
	v2 =	vunpack.c.l.s4.s8 v2;
	v13 =	vpop (erf)  }
0x162: {  	v6 =	vunpack.c.l.s4.s8 v6;
	v14 =	vpop (erf)  }
0x163: {  	v2 =	vunpack.c.0.s8.s32 v2;
	v51 =	vpop (erf)  }
0x164: {  	v6 =	vunpack.c.0.s8.s32 v6;
	v52 =	vpop (erf)  }
0x165: {  	v2 =	vand.u32 $0xF, v2;
	v7 =	vadd.f32 v14, v13;
	v9 =	vadd.f32 v52, v51  }
0x166: {  	v2 =	vcombine.low v2, v6  }
0x167: {  	v6 =	vimm.s32 $0xBA98FEDC;
	v7 =	vadd.f32 v9, v7;
	v9 =	vimm.s32 $0x32107654  }
0x168: {  	v6 =	vunpack.c.l.s4.s8 v6;
	v9 =	vunpack.c.l.s4.s8 v9  }
0x169: {  	v10 =	vperm.xlane v7, v2  }
0x16a: {  	v6 =	vunpack.c.0.s8.s32 v6;
	v9 =	vunpack.c.0.s8.s32 v9  }
0x16b: {  	v7 =	vadd.f32 v10, v7  }
0x16c: {  	v10 =	vimm.s32 $0x54761032;
	v6 =	vcombine.low v9, v6;
	v9 =	vimm.s32 $0xDCFE98BA  }
0x16d: {  	v10 =	vunpack.c.l.s4.s8 v10;
	v9 =	vunpack.c.l.s4.s8 v9  }
0x16e: {  	v53 =	vperm.xlane v7, v6  }
0x16f: {  	v10 =	vunpack.c.0.s8.s32 v10;
	v9 =	vunpack.c.0.s8.s32 v9  }
0x170: {  	v19 =	vimm.s32 $0xEFCDAB89;
	v20 =	vimm.s32 $0x67452301;
	v18 =	vadd.f32 v53, v7  }
0x171: {  	v7 =	vcombine.low v10, v9;
	v9 =	vunpack.c.l.s4.s8 v19;
	v10 =	vunpack.c.l.s4.s8 v20;
	_ =	sdelay $0x1  }
0x172: {  	v54 =	vperm.xlane v18, v7;
	v9 =	vunpack.c.0.s8.s32 v9;
	v10 =	vunpack.c.0.s8.s32 v10;
	_ =	sdelay $0x1  }
0x173: {  	v18 =	vadd.f32 v54, v18;
	v9 =	vcombine.low v10, v9;
	_ =	sdelay $0x1  }
0x174: {  	v10 =	vperm.xlane v18, v9;
	_ =	sdelay $0x1  }
0x175: {  	v10 =	vadd.f32 v10, v18;
	_ =	sdelay $0x1  }
0x176: {  	(erf) = vrcp.f32 v10  }
0x177: {  	[sflag:s30] =	ssyncset.done $0x0  }
0x178: {  	[sflag:s30] =	ssyncadd.s32 $0xFFFF8000  }
0x179: {  	v8 =	vmul.f32 v8, v1;
	v56 =	vld [tilespmem:$0x8010];
	v10 =	vmul.f32 v11, v4  }
0x17a: {  	v5 =	vmul.f32 v5, v3;
	v11 =	vmul.f32 v12, v0;
	v12 =	vld [tilespmem:$0x8020]  }
0x17b: {  	v8 =	vmul.f32 v15, v8;
	v55 =	vld [tilespmem:$0x8030];
	v10 =	vmul.f32 v15, v10  }
0x17c: {  	v5 =	vmul.f32 v15, v5  }
0x17d: {  	v1 =	vsub.f32 v1, v8;
	v4 =	vsub.f32 v4, v10  }
0x17e: {  	v3 =	vsub.f32 v3, v5;
	v11 =	vmul.f32 v15, v11;
	v10 =	vld [tilespmem:$0x8000]  }
0x17f: {  	v58 =	vmul.f32 v56, v1;
	v12 =	vmul.f32 v12, v4;
	v15 =	vpop (erf)  }
0x180: {  	v0 =	vsub.f32 v0, v11;
	v11 =	vmul.f32 v55, v3;
	v5 =	vmul.f32 v15, v13  }
0x181: {  	v59 =	vmul.f32 v12, v51;
	v8 =	vmul.f32 v15, v51  }
0x182: {  	v57 =	vmul.f32 v15, v14;
	[tilespmem:$0x17F80] =	vst v5;
	v5 =	vmul.f32 v15, v52  }
0x183: {  	[tilespmem:$0x17FA0] =	vst v8;
	v8 =	vmul.f32 v10, v0;
	v10 =	vmul.f32 v11, v52  }
0x184: {  	v19 =	vmul.f32 v59, v15;
	[tilespmem:$0x17FB0] =	vst v5;
	v5 =	vmul.f32 v58, v14  }
0x185: {  	s12 =	simm.s32 $0x10000;
	s11 =	simm.s32 $0x0;
	[tilespmem:$0x17F90] =	vst v57;
	v60 =	vmul.f32 v8, v13;
	v10 =	vmul.f32 v10, v15  }
0x186: {  	v12 =	vsub.f32 v12, v19;
	[hbm4b:s10+s11] =	stream.linear.scatter [tilespmem:s12], [sflag:$0x2], $0x8000, $0x38;
	v5 =	vmul.f32 v5, v15;
	v63 =	vld [tilespmem:$0x0]  }
0x187: {  	s31 =	simm.s32 $0x2;
	v61 =	vmul.f32 v60, v15;
	v10 =	vsub.f32 v11, v10  }
0x188: {  	v11 =	vmul.f32 $1.442695020e+00, v12;
	[tilespmem:s11], [sflag:$0x1] =	stream.linear.gather [hbm4b:s9+s11], $0x8000, $0x38;
	v5 =	vsub.f32 v58, v5;
	v63 =	vld [tilespmem:$0x0]  }
0x189: {  	v8 =	vsub.f32 v8, v61;
	_ =	swait.ge [sflag:s31], $0x8000;
	v10 =	vmul.f32 $1.442695020e+00, v10  }
0x18a: {  	(erf) = vpow2.f32 v11;
	v5 =	vmul.f32 $1.442695020e+00, v5  }
0x18b: {  	v8 =	vmul.f32 $1.442695020e+00, v8;
	(erf) = vpow2.f32 v10  }
0x18c: {  	(erf) = vpow2.f32 v5  }
0x18d: {  	(erf) = vpow2.f32 v8;
	_ =	sdelay $0x5  }
0x18e: {  	v10 =	vpop (erf)  }
0x18f: {  	v5 =	vpop (erf)  }
0x190: {  	v8 =	vpop (erf)  }
0x191: {  	v11 =	vpop (erf)  }
0x192: {  	v12 =	vadd.f32 v5, v10;
	v62 =	vadd.f32 v8, v11;
	_ =	sdelay $0x1  }
0x193: {  	v12 =	vadd.f32 v12, v62;
	_ =	sdelay $0x1  }
0x194: {  	v18 =	vperm.xlane v12, v2;
	_ =	sdelay $0x1  }
0x195: {  	v17 =	vmul.f32 v52, v3;
	v12 =	vadd.f32 v18, v12  }
0x196: {  	v16 =	vmul.f32 v51, v4;
	v13 =	vmul.f32 v13, v0  }
0x197: {  	v14 =	vmul.f32 v14, v1;
	v18 =	vperm.xlane v12, v6  }
0x198: {  	v16 =	vmul.f32 v15, v16;
	v13 =	vmul.f32 v15, v13  }
0x199: {  	v14 =	vmul.f32 v15, v14;
	v15 =	vmul.f32 v15, v17;
	v12 =	vadd.f32 v18, v12  }
0x19a: {  	v4 =	vsub.f32 v4, v16;
	v0 =	vsub.f32 v0, v13;
	[sflag:s31] =	ssyncset.done $0x0  }
0x19b: {  	s9 =	simm.s32 $0x200;
	v1 =	vsub.f32 v1, v14;
	v3 =	vsub.f32 v3, v15;
	[sflag:s31] =	ssyncadd.s32 $0xFFFF8000;
	v13 =	vperm.xlane v12, v7  }
.LBB2_8:
0x19c: {  	_ = 	snop  }
0x19d: {  	p0 =	sne.s32 s9, $0x1FC00;
	s12 =	smov.u32 s9;
	s9 =	sadd.s32 $0x200, s9;
	v12 =	vadd.f32 v13, v12  }
0x19e: {  	_ = 	snop  }
0x19f: {  	v13 =	vperm.xlane v12, v9;
	_ =	sdelay $0x1  }
0x1a0: {  	s10 =	sshra.s32 s11, $0x2;
	s11 =	smov.u32 s12;
	v12 =	vadd.f32 v13, v12  }
0x1a1: {  	v13 =	vld [tilespmem:s10+$0x80B0]  }
0x1a2: {  	v14 =	vld [tilespmem:s10+$0x80A0];
	(erf) = vrcp.f32 v12  }
0x1a3: {  	v12 =	vld [tilespmem:s10+$0x8090]  }
0x1a4: {  	v15 =	vld [tilespmem:s10+$0x8080];
	_ =	sdelay $0x1  }
0x1a5: {  	v16 =	vmul.f32 v10, v4;
	v13 =	vmul.f32 v13, v3  }
0x1a6: {  	v17 =	vmul.f32 v11, v0;
	v18 =	vmul.f32 v8, v1  }
0x1a7: {  	v14 =	vmul.f32 v14, v4;
	v12 =	vmul.f32 v12, v1  }
0x1a8: {  	v19 =	vmul.f32 v5, v3;
	v15 =	vmul.f32 v15, v0  }
0x1a9: {  	v21 =	vmul.f32 v13, v5;
	v20 =	vmul.f32 v14, v10  }
0x1aa: {  	v23 =	vmul.f32 v12, v8;
	v22 =	vmul.f32 v15, v11;
	v24 =	vpop (erf)  }
0x1ab: {  	v20 =	vmul.f32 v20, v24;
	v21 =	vmul.f32 v21, v24  }
0x1ac: {  	v23 =	vmul.f32 v23, v24;
	v22 =	vmul.f32 v22, v24  }
0x1ad: {  	v10 =	vmul.f32 v24, v10;
	v14 =	vsub.f32 v14, v20;
	v13 =	vsub.f32 v13, v21  }
0x1ae: {  	v19 =	vmul.f32 v24, v19;
	v12 =	vsub.f32 v12, v23;
	v15 =	vsub.f32 v15, v22  }
0x1af: {  	v11 =	vmul.f32 v24, v11;
	v14 =	vmul.f32 $1.442695020e+00, v14;
	[tilespmem:s10+$0x18020] =	vst v10  }
0x1b0: {  	v3 =	vsub.f32 v3, v19;
	v13 =	vmul.f32 $1.442695020e+00, v13;
	v10 =	vmul.f32 $1.442695020e+00, v15  }
0x1b1: {  	v8 =	vmul.f32 v24, v8;
	(erf) = vpow2.f32 v14;
	[tilespmem:s10+$0x18000] =	vst v11  }
0x1b2: {  	v11 =	vmul.f32 $1.442695020e+00, v12;
	v12 =	vmul.f32 v24, v16  }
0x1b3: {  	(erf) = vpow2.f32 v13;
	[tilespmem:s10+$0x18010] =	vst v8;
	v8 =	vmul.f32 v24, v18  }
0x1b4: {  	(erf) = vpow2.f32 v11;
	v11 =	vmul.f32 v24, v17  }
0x1b5: {  	v5 =	vmul.f32 v24, v5;
	v4 =	vsub.f32 v4, v12;
	(erf) = vpow2.f32 v10  }
0x1b6: {  	v1 =	vsub.f32 v1, v8;
	v0 =	vsub.f32 v0, v11  }
0x1b7: {  	[tilespmem:s10+$0x18030] =	vst v5;
	_ =	sdelay $0x2  }
0x1b8: {  	v10 =	vpop (erf);
	_ =	sdelay $0x1  }
0x1b9: {  	v5 =	vpop (erf)  }
0x1ba: {  	v12 =	vadd.f32 v5, v10;
	v8 =	vpop (erf)  }
0x1bb: {  	v11 =	vpop (erf)  }
0x1bc: {  	v13 =	vadd.f32 v8, v11;
	_ =	sdelay $0x1  }
0x1bd: {  	v12 =	vadd.f32 v12, v13;
	_ =	sdelay $0x1  }
0x1be: {  	v13 =	vperm.xlane v12, v2;
	_ =	sdelay $0x1  }
0x1bf: {  	v12 =	vadd.f32 v13, v12;
	_ =	sdelay $0x1  }
.Ltmp3:
0x1c0: {  	v13 =	vperm.xlane v12, v6;
	(pc) =	sbr.rel @p0 .LBB2_8-.Ltmp3, $3  }
0x1c1: {  	_ = 	snop  }
0x1c2: {  	v12 =	vadd.f32 v13, v12;
	_ =	sdelay $0x1  }
0x1c3: {  	v13 =	vperm.xlane v12, v7  }
0x1c4: {  	_ = 	snop  }
0x1c5: {  	v2 =	vadd.f32 v13, v12;
	_ =	sdelay $0x1  }
0x1c6: {  	v6 =	vperm.xlane v2, v9;
	_ =	sdelay $0x1  }
0x1c7: {  	v2 =	vadd.f32 v6, v2  }
0x1c8: {  	s9 =	sshra.s32 s11, $0x2  }
0x1c9: {  	v7 =	vld [tilespmem:s9+$0x8080];
	(erf) = vrcp.f32 v2  }
0x1ca: {  	v9 =	vld [tilespmem:s9+$0x8090]  }
0x1cb: {  	v6 =	vld [tilespmem:s9+$0x80B0]  }
0x1cc: {  	v2 =	vld [tilespmem:s9+$0x80A0];
	_ =	sdelay $0x2  }
0x1cd: {  	v7 =	vmul.f32 v7, v0  }
0x1ce: {  	v9 =	vmul.f32 v9, v1;
	v6 =	vmul.f32 v6, v3  }
0x1cf: {  	v14 =	vmul.f32 v7, v11;
	v2 =	vmul.f32 v2, v4  }
0x1d0: {  	v16 =	vmul.f32 v9, v8;
	v13 =	vmul.f32 v6, v5;
	v15 =	vpop (erf)  }
0x1d1: {  	v12 =	vmul.f32 v2, v10;
	v17 =	vmul.f32 v15, v10  }
0x1d2: {  	v14 =	vmul.f32 v14, v15;
	v18 =	vmul.f32 v15, v11  }
0x1d3: {  	v16 =	vmul.f32 v16, v15;
	v45 =	vmul.f32 v15, v8;
	[tilespmem:s9+$0x18020] =	vst v17  }
0x1d4: {  	v12 =	vmul.f32 v12, v15;
	v7 =	vsub.f32 v7, v14;
	[tilespmem:s9+$0x18000] =	vst v18;
	v14 =	vmul.f32 v15, v5  }
0x1d5: {  	v13 =	vmul.f32 v13, v15;
	v9 =	vsub.f32 v9, v16;
	[tilespmem:s9+$0x18010] =	vst v45  }
0x1d6: {  	s29 =	simm.s32 $0x1;
	v2 =	vsub.f32 v2, v12;
	[tilespmem:s9+$0x18030] =	vst v14;
	v7 =	vmul.f32 $1.442695020e+00, v7  }
0x1d7: {  	v6 =	vsub.f32 v6, v13;
	v9 =	vmul.f32 $1.442695020e+00, v9;
	_ =	swait.ge [sflag:s29], $0x8000  }
0x1d8: {  	v2 =	vmul.f32 $1.442695020e+00, v2;
	(erf) = vpow2.f32 v7  }
0x1d9: {  	v6 =	vmul.f32 $1.442695020e+00, v6;
	(erf) = vpow2.f32 v9  }
0x1da: {  	(erf) = vpow2.f32 v2  }
0x1db: {  	(erf) = vpow2.f32 v6;
	_ =	sdelay $0x4  }
0x1dc: {  	v2 =	vimm.s32 $0xFEDCBA98  }
0x1dd: {  	v6 =	vimm.s32 $0x76543210;
	v2 =	vunpack.c.l.s4.s8 v2;
	v12 =	vpop (erf)  }
0x1de: {  	v6 =	vunpack.c.l.s4.s8 v6;
	v13 =	vpop (erf)  }
0x1df: {  	v2 =	vunpack.c.0.s8.s32 v2;
	v14 =	vpop (erf)  }
0x1e0: {  	v6 =	vunpack.c.0.s8.s32 v6;
	v46 =	vpop (erf)  }
0x1e1: {  	v2 =	vand.u32 $0xF, v2;
	v7 =	vadd.f32 v13, v12;
	v9 =	vadd.f32 v46, v14  }
0x1e2: {  	v2 =	vcombine.low v2, v6  }
0x1e3: {  	v6 =	vimm.s32 $0xBA98FEDC;
	v7 =	vadd.f32 v9, v7;
	v9 =	vimm.s32 $0x32107654  }
0x1e4: {  	v6 =	vunpack.c.l.s4.s8 v6;
	v9 =	vunpack.c.l.s4.s8 v9;
	_ =	sdelay $0x1  }
0x1e5: {  	v6 =	vunpack.c.0.s8.s32 v6;
	v9 =	vunpack.c.0.s8.s32 v9  }
0x1e6: {  	v47 =	vperm.xlane v7, v2  }
0x1e7: {  	v48 =	vimm.s32 $0x54761032;
	v6 =	vcombine.low v9, v6;
	v9 =	vimm.s32 $0xDCFE98BA  }
0x1e8: {  	v17 =	vunpack.c.l.s4.s8 v48;
	v7 =	vadd.f32 v47, v7;
	v9 =	vunpack.c.l.s4.s8 v9  }
0x1e9: {  	v20 =	vimm.s32 $0x67452301  }
0x1ea: {  	v17 =	vunpack.c.0.s8.s32 v17;
	v49 =	vperm.xlane v7, v6;
	v9 =	vunpack.c.0.s8.s32 v9  }
0x1eb: {  	v19 =	vimm.s32 $0xEFCDAB89;
	v50 =	vunpack.c.l.s4.s8 v20  }
0x1ec: {  	v18 =	vadd.f32 v49, v7;
	v7 =	vcombine.low v17, v9;
	v9 =	vunpack.c.l.s4.s8 v19;
	_ =	sdelay $0x1  }
0x1ed: {  	v17 =	vunpack.c.0.s8.s32 v50;
	v51 =	vperm.xlane v18, v7;
	v9 =	vunpack.c.0.s8.s32 v9;
	_ =	sdelay $0x1  }
0x1ee: {  	v18 =	vadd.f32 v51, v18;
	v9 =	vcombine.low v17, v9;
	_ =	sdelay $0x1  }
0x1ef: {  	v17 =	vperm.xlane v18, v9;
	_ =	sdelay $0x1  }
0x1f0: {  	v17 =	vadd.f32 v17, v18;
	_ =	sdelay $0x1  }
0x1f1: {  	(erf) = vrcp.f32 v17  }
0x1f2: {  	[sflag:s29] =	ssyncset.done $0x0  }
0x1f3: {  	[sflag:s29] =	ssyncadd.s32 $0xFFFF8000  }
0x1f4: {  	v10 =	vmul.f32 v10, v4;
	v5 =	vmul.f32 v5, v3;
	v52 =	vld [tilespmem:$0x20]  }
0x1f5: {  	v11 =	vmul.f32 v11, v0;
	v8 =	vmul.f32 v8, v1;
	v53 =	vld [tilespmem:$0x30]  }
0x1f6: {  	v10 =	vmul.f32 v15, v10;
	v5 =	vmul.f32 v15, v5;
	v54 =	vld [tilespmem:$0x10]  }
0x1f7: {  	v8 =	vmul.f32 v15, v8  }
0x1f8: {  	v11 =	vmul.f32 v15, v11;
	v4 =	vsub.f32 v4, v10;
	v3 =	vsub.f32 v3, v5  }
0x1f9: {  	v1 =	vsub.f32 v1, v8;
	v10 =	vld [tilespmem:$0x0]  }
0x1fa: {  	v0 =	vsub.f32 v0, v11;
	v11 =	vmul.f32 v53, v3;
	v17 =	vmul.f32 v52, v4;
	v15 =	vpop (erf)  }
0x1fb: {  	v56 =	vmul.f32 v54, v1;
	v5 =	vmul.f32 v15, v12  }
0x1fc: {  	v57 =	vmul.f32 v17, v14;
	v8 =	vmul.f32 v15, v14  }
0x1fd: {  	v55 =	vmul.f32 v15, v13;
	[tilespmem:$0x1FF80] =	vst v5;
	v5 =	vmul.f32 v15, v46  }
0x1fe: {  	[tilespmem:$0x1FFA0] =	vst v8;
	v8 =	vmul.f32 v10, v0;
	v10 =	vmul.f32 v11, v46  }
0x1ff: {  	v19 =	vmul.f32 v57, v15;
	[tilespmem:$0x1FFB0] =	vst v5;
	v5 =	vmul.f32 v56, v13  }
0x200: {  	s10 =	simm.s32 $0x18000;
	s9 =	simm.s32 $0x0;
	[tilespmem:$0x1FF90] =	vst v55;
	v58 =	vmul.f32 v8, v12;
	v10 =	vmul.f32 v10, v15  }
0x201: {  	v17 =	vsub.f32 v17, v19;
	[hbm4b:s8+s9] =	stream.linear.scatter [tilespmem:s10], [sflag:$0x2], $0x8000, $0x38;
	v5 =	vmul.f32 v5, v15;
	v63 =	vld [tilespmem:$0x0]  }
0x202: {  	s30 =	simm.s32 $0x8000;
	s31 =	simm.s32 $0x2;
	v59 =	vmul.f32 v58, v15;
	v10 =	vsub.f32 v11, v10  }
0x203: {  	v11 =	vmul.f32 $1.442695020e+00, v17;
	[tilespmem:s30], [sflag:$0x1] =	stream.linear.gather [hbm4b:s7+s9], $0x8000, $0x38;
	v5 =	vsub.f32 v56, v5;
	v63 =	vld [tilespmem:$0x0]  }
0x204: {  	v8 =	vsub.f32 v8, v59;
	_ =	swait.ge [sflag:s31], $0x8000;
	v10 =	vmul.f32 $1.442695020e+00, v10  }
0x205: {  	(erf) = vpow2.f32 v11;
	v5 =	vmul.f32 $1.442695020e+00, v5  }
0x206: {  	v8 =	vmul.f32 $1.442695020e+00, v8;
	(erf) = vpow2.f32 v10  }
0x207: {  	(erf) = vpow2.f32 v5  }
0x208: {  	(erf) = vpow2.f32 v8;
	_ =	sdelay $0x5  }
0x209: {  	v10 =	vpop (erf)  }
0x20a: {  	v5 =	vpop (erf)  }
0x20b: {  	v8 =	vpop (erf)  }
0x20c: {  	v11 =	vpop (erf)  }
0x20d: {  	v60 =	vadd.f32 v5, v10;
	v61 =	vadd.f32 v8, v11;
	_ =	sdelay $0x1  }
0x20e: {  	v17 =	vadd.f32 v60, v61;
	_ =	sdelay $0x1  }
0x20f: {  	v18 =	vperm.xlane v17, v2;
	_ =	sdelay $0x1  }
0x210: {  	v16 =	vmul.f32 v46, v3;
	v17 =	vadd.f32 v18, v17  }
0x211: {  	v14 =	vmul.f32 v14, v4;
	v12 =	vmul.f32 v12, v0  }
0x212: {  	v13 =	vmul.f32 v13, v1;
	v18 =	vperm.xlane v17, v6  }
0x213: {  	v14 =	vmul.f32 v15, v14;
	v62 =	vmul.f32 v15, v12  }
0x214: {  	v13 =	vmul.f32 v15, v13;
	v15 =	vmul.f32 v15, v16;
	v12 =	vadd.f32 v18, v17  }
0x215: {  	v4 =	vsub.f32 v4, v14;
	v0 =	vsub.f32 v0, v62;
	[sflag:s31] =	ssyncset.done $0x0  }
0x216: {  	s7 =	simm.s32 $0x200;
	v1 =	vsub.f32 v1, v13;
	v3 =	vsub.f32 v3, v15;
	[sflag:s31] =	ssyncadd.s32 $0xFFFF8000;
	v13 =	vperm.xlane v12, v7  }
.LBB2_10:
0x217: {  	_ = 	snop  }
0x218: {  	p0 =	sne.s32 s7, $0x1FC00;
	s10 =	smov.u32 s7;
	s7 =	sadd.s32 $0x200, s7;
	v12 =	vadd.f32 v13, v12  }
0x219: {  	_ = 	snop  }
0x21a: {  	v13 =	vperm.xlane v12, v9;
	_ =	sdelay $0x1  }
0x21b: {  	s8 =	sshra.s32 s9, $0x2;
	s9 =	smov.u32 s10;
	v12 =	vadd.f32 v13, v12  }
0x21c: {  	v13 =	vld [tilespmem:s8+$0xB0]  }
0x21d: {  	v14 =	vld [tilespmem:s8+$0xA0];
	(erf) = vrcp.f32 v12  }
0x21e: {  	v12 =	vld [tilespmem:s8+$0x90]  }
0x21f: {  	v15 =	vld [tilespmem:s8+$0x80];
	_ =	sdelay $0x1  }
0x220: {  	v16 =	vmul.f32 v10, v4;
	v13 =	vmul.f32 v13, v3  }
0x221: {  	v17 =	vmul.f32 v11, v0;
	v18 =	vmul.f32 v8, v1  }
0x222: {  	v14 =	vmul.f32 v14, v4;
	v12 =	vmul.f32 v12, v1  }
0x223: {  	v19 =	vmul.f32 v5, v3;
	v15 =	vmul.f32 v15, v0  }
0x224: {  	v21 =	vmul.f32 v13, v5;
	v20 =	vmul.f32 v14, v10  }
0x225: {  	v23 =	vmul.f32 v12, v8;
	v22 =	vmul.f32 v15, v11;
	v24 =	vpop (erf)  }
0x226: {  	v20 =	vmul.f32 v20, v24;
	v21 =	vmul.f32 v21, v24  }
0x227: {  	v23 =	vmul.f32 v23, v24;
	v22 =	vmul.f32 v22, v24  }
0x228: {  	v10 =	vmul.f32 v24, v10;
	v14 =	vsub.f32 v14, v20;
	v13 =	vsub.f32 v13, v21  }
0x229: {  	v19 =	vmul.f32 v24, v19;
	v12 =	vsub.f32 v12, v23;
	v15 =	vsub.f32 v15, v22  }
0x22a: {  	v11 =	vmul.f32 v24, v11;
	v14 =	vmul.f32 $1.442695020e+00, v14;
	[tilespmem:s8+$0x10020] =	vst v10  }
0x22b: {  	v3 =	vsub.f32 v3, v19;
	v13 =	vmul.f32 $1.442695020e+00, v13;
	v10 =	vmul.f32 $1.442695020e+00, v15  }
0x22c: {  	v8 =	vmul.f32 v24, v8;
	(erf) = vpow2.f32 v14;
	[tilespmem:s8+$0x10000] =	vst v11  }
0x22d: {  	v11 =	vmul.f32 $1.442695020e+00, v12;
	v12 =	vmul.f32 v24, v16  }
0x22e: {  	(erf) = vpow2.f32 v13;
	[tilespmem:s8+$0x10010] =	vst v8;
	v8 =	vmul.f32 v24, v18  }
0x22f: {  	(erf) = vpow2.f32 v11;
	v11 =	vmul.f32 v24, v17  }
0x230: {  	v5 =	vmul.f32 v24, v5;
	v4 =	vsub.f32 v4, v12;
	(erf) = vpow2.f32 v10  }
0x231: {  	v1 =	vsub.f32 v1, v8;
	v0 =	vsub.f32 v0, v11  }
0x232: {  	[tilespmem:s8+$0x10030] =	vst v5;
	_ =	sdelay $0x2  }
0x233: {  	v10 =	vpop (erf);
	_ =	sdelay $0x1  }
0x234: {  	v5 =	vpop (erf)  }
0x235: {  	v12 =	vadd.f32 v5, v10;
	v8 =	vpop (erf)  }
0x236: {  	v11 =	vpop (erf)  }
0x237: {  	v13 =	vadd.f32 v8, v11;
	_ =	sdelay $0x1  }
0x238: {  	v12 =	vadd.f32 v12, v13;
	_ =	sdelay $0x1  }
0x239: {  	v13 =	vperm.xlane v12, v2;
	_ =	sdelay $0x1  }
0x23a: {  	v12 =	vadd.f32 v13, v12;
	_ =	sdelay $0x1  }
.Ltmp4:
0x23b: {  	v13 =	vperm.xlane v12, v6;
	(pc) =	sbr.rel @p0 .LBB2_10-.Ltmp4, $3  }
0x23c: {  	_ = 	snop  }
0x23d: {  	v12 =	vadd.f32 v13, v12;
	_ =	sdelay $0x1  }
0x23e: {  	v13 =	vperm.xlane v12, v7  }
0x23f: {  	_ = 	snop  }
0x240: {  	v2 =	vadd.f32 v13, v12;
	_ =	sdelay $0x1  }
0x241: {  	v6 =	vperm.xlane v2, v9;
	_ =	sdelay $0x1  }
0x242: {  	v2 =	vadd.f32 v6, v2  }
0x243: {  	s7 =	sshra.s32 s9, $0x2  }
0x244: {  	v7 =	vld [tilespmem:s7+$0x80];
	(erf) = vrcp.f32 v2  }
0x245: {  	v9 =	vld [tilespmem:s7+$0x90]  }
0x246: {  	v6 =	vld [tilespmem:s7+$0xB0]  }
0x247: {  	v2 =	vld [tilespmem:s7+$0xA0];
	_ =	sdelay $0x2  }
0x248: {  	v7 =	vmul.f32 v7, v0  }
0x249: {  	v9 =	vmul.f32 v9, v1;
	v6 =	vmul.f32 v6, v3  }
0x24a: {  	v14 =	vmul.f32 v7, v11;
	v2 =	vmul.f32 v2, v4  }
0x24b: {  	v16 =	vmul.f32 v9, v8;
	v13 =	vmul.f32 v6, v5;
	v15 =	vpop (erf)  }
0x24c: {  	v12 =	vmul.f32 v2, v10;
	v17 =	vmul.f32 v15, v10  }
0x24d: {  	v14 =	vmul.f32 v14, v15;
	v18 =	vmul.f32 v15, v11  }
0x24e: {  	v16 =	vmul.f32 v16, v15;
	v45 =	vmul.f32 v15, v8;
	[tilespmem:s7+$0x10020] =	vst v17  }
0x24f: {  	v12 =	vmul.f32 v12, v15;
	v7 =	vsub.f32 v7, v14;
	[tilespmem:s7+$0x10000] =	vst v18;
	v14 =	vmul.f32 v15, v5  }
0x250: {  	v13 =	vmul.f32 v13, v15;
	v9 =	vsub.f32 v9, v16;
	[tilespmem:s7+$0x10010] =	vst v45  }
0x251: {  	s30 =	simm.s32 $0x1;
	v2 =	vsub.f32 v2, v12;
	[tilespmem:s7+$0x10030] =	vst v14;
	v7 =	vmul.f32 $1.442695020e+00, v7  }
0x252: {  	v6 =	vsub.f32 v6, v13;
	v9 =	vmul.f32 $1.442695020e+00, v9;
	_ =	swait.ge [sflag:s30], $0x8000  }
0x253: {  	v2 =	vmul.f32 $1.442695020e+00, v2;
	(erf) = vpow2.f32 v7  }
0x254: {  	v6 =	vmul.f32 $1.442695020e+00, v6;
	(erf) = vpow2.f32 v9  }
0x255: {  	(erf) = vpow2.f32 v2  }
0x256: {  	(erf) = vpow2.f32 v6;
	_ =	sdelay $0x4  }
0x257: {  	v2 =	vimm.s32 $0xFEDCBA98  }
0x258: {  	v6 =	vimm.s32 $0x76543210;
	v2 =	vunpack.c.l.s4.s8 v2;
	v12 =	vpop (erf)  }
0x259: {  	v6 =	vunpack.c.l.s4.s8 v6;
	v13 =	vpop (erf)  }
0x25a: {  	v2 =	vunpack.c.0.s8.s32 v2;
	v14 =	vpop (erf)  }
0x25b: {  	v6 =	vunpack.c.0.s8.s32 v6;
	v46 =	vpop (erf)  }
0x25c: {  	v2 =	vand.u32 $0xF, v2;
	v7 =	vadd.f32 v13, v12;
	v9 =	vadd.f32 v46, v14  }
0x25d: {  	v2 =	vcombine.low v2, v6  }
0x25e: {  	v6 =	vimm.s32 $0xBA98FEDC;
	v7 =	vadd.f32 v9, v7;
	v9 =	vimm.s32 $0x32107654  }
0x25f: {  	v6 =	vunpack.c.l.s4.s8 v6;
	v9 =	vunpack.c.l.s4.s8 v9;
	_ =	sdelay $0x1  }
0x260: {  	v6 =	vunpack.c.0.s8.s32 v6;
	v9 =	vunpack.c.0.s8.s32 v9  }
0x261: {  	v47 =	vperm.xlane v7, v2  }
0x262: {  	v48 =	vimm.s32 $0x54761032;
	v6 =	vcombine.low v9, v6;
	v9 =	vimm.s32 $0xDCFE98BA  }
0x263: {  	v17 =	vunpack.c.l.s4.s8 v48;
	v7 =	vadd.f32 v47, v7;
	v9 =	vunpack.c.l.s4.s8 v9  }
0x264: {  	v20 =	vimm.s32 $0x67452301  }
0x265: {  	v17 =	vunpack.c.0.s8.s32 v17;
	v49 =	vperm.xlane v7, v6;
	v9 =	vunpack.c.0.s8.s32 v9  }
0x266: {  	v19 =	vimm.s32 $0xEFCDAB89;
	v50 =	vunpack.c.l.s4.s8 v20  }
0x267: {  	v18 =	vadd.f32 v49, v7;
	v7 =	vcombine.low v17, v9;
	v9 =	vunpack.c.l.s4.s8 v19;
	_ =	sdelay $0x1  }
0x268: {  	v17 =	vunpack.c.0.s8.s32 v50;
	v51 =	vperm.xlane v18, v7;
	v9 =	vunpack.c.0.s8.s32 v9;
	_ =	sdelay $0x1  }
0x269: {  	v18 =	vadd.f32 v51, v18;
	v9 =	vcombine.low v17, v9;
	_ =	sdelay $0x1  }
0x26a: {  	v17 =	vperm.xlane v18, v9;
	_ =	sdelay $0x1  }
0x26b: {  	v17 =	vadd.f32 v17, v18;
	_ =	sdelay $0x1  }
0x26c: {  	(erf) = vrcp.f32 v17  }
0x26d: {  	[sflag:s30] =	ssyncset.done $0x0  }
0x26e: {  	[sflag:s30] =	ssyncadd.s32 $0xFFFF8000  }
0x26f: {  	v10 =	vmul.f32 v10, v4;
	v5 =	vmul.f32 v5, v3;
	v52 =	vld [tilespmem:$0x8020]  }
0x270: {  	v11 =	vmul.f32 v11, v0;
	v8 =	vmul.f32 v8, v1;
	v53 =	vld [tilespmem:$0x8030]  }
0x271: {  	v10 =	vmul.f32 v15, v10;
	v5 =	vmul.f32 v15, v5;
	v54 =	vld [tilespmem:$0x8010]  }
0x272: {  	v8 =	vmul.f32 v15, v8  }
0x273: {  	v11 =	vmul.f32 v15, v11;
	v4 =	vsub.f32 v4, v10;
	v3 =	vsub.f32 v3, v5  }
0x274: {  	v1 =	vsub.f32 v1, v8;
	v10 =	vld [tilespmem:$0x8000]  }
0x275: {  	v0 =	vsub.f32 v0, v11;
	v11 =	vmul.f32 v53, v3;
	v17 =	vmul.f32 v52, v4;
	v15 =	vpop (erf)  }
0x276: {  	v56 =	vmul.f32 v54, v1;
	v5 =	vmul.f32 v15, v12  }
0x277: {  	v57 =	vmul.f32 v17, v14;
	v8 =	vmul.f32 v15, v14  }
0x278: {  	v55 =	vmul.f32 v15, v13;
	[tilespmem:$0x17F80] =	vst v5;
	v5 =	vmul.f32 v15, v46  }
0x279: {  	[tilespmem:$0x17FA0] =	vst v8;
	v8 =	vmul.f32 v10, v0;
	v10 =	vmul.f32 v11, v46  }
0x27a: {  	v19 =	vmul.f32 v57, v15;
	[tilespmem:$0x17FB0] =	vst v5;
	v5 =	vmul.f32 v56, v13  }
0x27b: {  	s8 =	simm.s32 $0x10000;
	s7 =	simm.s32 $0x0;
	[tilespmem:$0x17F90] =	vst v55;
	v58 =	vmul.f32 v8, v12;
	v10 =	vmul.f32 v10, v15  }
0x27c: {  	v17 =	vsub.f32 v17, v19;
	[hbm4b:s5+s7] =	stream.linear.scatter [tilespmem:s8], [sflag:$0x2], $0x8000, $0x38;
	v5 =	vmul.f32 v5, v15;
	v63 =	vld [tilespmem:$0x0]  }
0x27d: {  	s31 =	simm.s32 $0x2;
	v59 =	vmul.f32 v58, v15;
	v10 =	vsub.f32 v11, v10  }
0x27e: {  	v11 =	vmul.f32 $1.442695020e+00, v17;
	[tilespmem:s7], [sflag:$0x1] =	stream.linear.gather [hbm4b:s6+s7], $0x8000, $0x38;
	v5 =	vsub.f32 v56, v5;
	v63 =	vld [tilespmem:$0x0]  }
0x27f: {  	v8 =	vsub.f32 v8, v59;
	_ =	swait.ge [sflag:s31], $0x8000;
	v10 =	vmul.f32 $1.442695020e+00, v10  }
0x280: {  	(erf) = vpow2.f32 v11;
	v5 =	vmul.f32 $1.442695020e+00, v5  }
0x281: {  	v8 =	vmul.f32 $1.442695020e+00, v8;
	(erf) = vpow2.f32 v10  }
0x282: {  	(erf) = vpow2.f32 v5  }
0x283: {  	(erf) = vpow2.f32 v8;
	_ =	sdelay $0x5  }
0x284: {  	v10 =	vpop (erf)  }
0x285: {  	v5 =	vpop (erf)  }
0x286: {  	v8 =	vpop (erf)  }
0x287: {  	v11 =	vpop (erf)  }
0x288: {  	v60 =	vadd.f32 v5, v10;
	v61 =	vadd.f32 v8, v11;
	_ =	sdelay $0x1  }
0x289: {  	v17 =	vadd.f32 v60, v61;
	_ =	sdelay $0x1  }
0x28a: {  	v18 =	vperm.xlane v17, v2;
	_ =	sdelay $0x1  }
0x28b: {  	v16 =	vmul.f32 v46, v3;
	v17 =	vadd.f32 v18, v17  }
0x28c: {  	v14 =	vmul.f32 v14, v4;
	v12 =	vmul.f32 v12, v0  }
0x28d: {  	v13 =	vmul.f32 v13, v1;
	v18 =	vperm.xlane v17, v6  }
0x28e: {  	v14 =	vmul.f32 v15, v14;
	v62 =	vmul.f32 v15, v12  }
0x28f: {  	v13 =	vmul.f32 v15, v13;
	v15 =	vmul.f32 v15, v16;
	v12 =	vadd.f32 v18, v17  }
0x290: {  	v4 =	vsub.f32 v4, v14;
	v0 =	vsub.f32 v0, v62;
	[sflag:s31] =	ssyncset.done $0x0  }
0x291: {  	s5 =	simm.s32 $0x200;
	v1 =	vsub.f32 v1, v13;
	v3 =	vsub.f32 v3, v15;
	[sflag:s31] =	ssyncadd.s32 $0xFFFF8000;
	v13 =	vperm.xlane v12, v7  }
.LBB2_12:
0x292: {  	_ = 	snop  }
0x293: {  	p0 =	sne.s32 s5, $0x1FC00;
	s8 =	smov.u32 s5;
	s5 =	sadd.s32 $0x200, s5;
	v12 =	vadd.f32 v13, v12  }
0x294: {  	_ = 	snop  }
0x295: {  	v13 =	vperm.xlane v12, v9;
	_ =	sdelay $0x1  }
0x296: {  	s6 =	sshra.s32 s7, $0x2;
	s7 =	smov.u32 s8;
	v12 =	vadd.f32 v13, v12  }
0x297: {  	v13 =	vld [tilespmem:s6+$0x80B0]  }
0x298: {  	v14 =	vld [tilespmem:s6+$0x80A0];
	(erf) = vrcp.f32 v12  }
0x299: {  	v12 =	vld [tilespmem:s6+$0x8090]  }
0x29a: {  	v15 =	vld [tilespmem:s6+$0x8080];
	_ =	sdelay $0x1  }
0x29b: {  	v16 =	vmul.f32 v10, v4;
	v13 =	vmul.f32 v13, v3  }
0x29c: {  	v17 =	vmul.f32 v11, v0;
	v18 =	vmul.f32 v8, v1  }
0x29d: {  	v14 =	vmul.f32 v14, v4;
	v12 =	vmul.f32 v12, v1  }
0x29e: {  	v19 =	vmul.f32 v5, v3;
	v15 =	vmul.f32 v15, v0  }
0x29f: {  	v21 =	vmul.f32 v13, v5;
	v20 =	vmul.f32 v14, v10  }
0x2a0: {  	v23 =	vmul.f32 v12, v8;
	v22 =	vmul.f32 v15, v11;
	v24 =	vpop (erf)  }
0x2a1: {  	v20 =	vmul.f32 v20, v24;
	v21 =	vmul.f32 v21, v24  }
0x2a2: {  	v23 =	vmul.f32 v23, v24;
	v22 =	vmul.f32 v22, v24  }
0x2a3: {  	v10 =	vmul.f32 v24, v10;
	v14 =	vsub.f32 v14, v20;
	v13 =	vsub.f32 v13, v21  }
0x2a4: {  	v19 =	vmul.f32 v24, v19;
	v12 =	vsub.f32 v12, v23;
	v15 =	vsub.f32 v15, v22  }
0x2a5: {  	v11 =	vmul.f32 v24, v11;
	v14 =	vmul.f32 $1.442695020e+00, v14;
	[tilespmem:s6+$0x18020] =	vst v10  }
0x2a6: {  	v3 =	vsub.f32 v3, v19;
	v13 =	vmul.f32 $1.442695020e+00, v13;
	v10 =	vmul.f32 $1.442695020e+00, v15  }
0x2a7: {  	v8 =	vmul.f32 v24, v8;
	(erf) = vpow2.f32 v14;
	[tilespmem:s6+$0x18000] =	vst v11  }
0x2a8: {  	v11 =	vmul.f32 $1.442695020e+00, v12;
	v12 =	vmul.f32 v24, v16  }
0x2a9: {  	(erf) = vpow2.f32 v13;
	[tilespmem:s6+$0x18010] =	vst v8;
	v8 =	vmul.f32 v24, v18  }
0x2aa: {  	(erf) = vpow2.f32 v11;
	v11 =	vmul.f32 v24, v17  }
0x2ab: {  	v5 =	vmul.f32 v24, v5;
	v4 =	vsub.f32 v4, v12;
	(erf) = vpow2.f32 v10  }
0x2ac: {  	v1 =	vsub.f32 v1, v8;
	v0 =	vsub.f32 v0, v11  }
0x2ad: {  	[tilespmem:s6+$0x18030] =	vst v5;
	_ =	sdelay $0x2  }
0x2ae: {  	v10 =	vpop (erf);
	_ =	sdelay $0x1  }
0x2af: {  	v5 =	vpop (erf)  }
0x2b0: {  	v12 =	vadd.f32 v5, v10;
	v8 =	vpop (erf)  }
0x2b1: {  	v11 =	vpop (erf)  }
0x2b2: {  	v13 =	vadd.f32 v8, v11;
	_ =	sdelay $0x1  }
0x2b3: {  	v12 =	vadd.f32 v12, v13;
	_ =	sdelay $0x1  }
0x2b4: {  	v13 =	vperm.xlane v12, v2;
	_ =	sdelay $0x1  }
0x2b5: {  	v12 =	vadd.f32 v13, v12;
	_ =	sdelay $0x1  }
.Ltmp5:
0x2b6: {  	v13 =	vperm.xlane v12, v6;
	(pc) =	sbr.rel @p0 .LBB2_12-.Ltmp5, $3  }
0x2b7: {  	_ = 	snop  }
0x2b8: {  	v12 =	vadd.f32 v13, v12;
	_ =	sdelay $0x1  }
0x2b9: {  	v13 =	vperm.xlane v12, v7  }
0x2ba: {  	_ = 	snop  }
0x2bb: {  	v2 =	vadd.f32 v13, v12;
	_ =	sdelay $0x1  }
0x2bc: {  	v6 =	vperm.xlane v2, v9;
	_ =	sdelay $0x1  }
0x2bd: {  	v2 =	vadd.f32 v6, v2  }
0x2be: {  	s5 =	sshra.s32 s7, $0x2  }
0x2bf: {  	v7 =	vld [tilespmem:s5+$0x8080];
	(erf) = vrcp.f32 v2  }
0x2c0: {  	v9 =	vld [tilespmem:s5+$0x8090]  }
0x2c1: {  	v6 =	vld [tilespmem:s5+$0x80B0]  }
0x2c2: {  	v2 =	vld [tilespmem:s5+$0x80A0];
	_ =	sdelay $0x2  }
0x2c3: {  	v7 =	vmul.f32 v7, v0  }
0x2c4: {  	v9 =	vmul.f32 v9, v1;
	v6 =	vmul.f32 v6, v3  }
0x2c5: {  	v14 =	vmul.f32 v7, v11;
	v2 =	vmul.f32 v2, v4  }
0x2c6: {  	v16 =	vmul.f32 v9, v8;
	v13 =	vmul.f32 v6, v5;
	v15 =	vpop (erf)  }
0x2c7: {  	v12 =	vmul.f32 v2, v10;
	v17 =	vmul.f32 v15, v10  }
0x2c8: {  	v14 =	vmul.f32 v14, v15;
	v18 =	vmul.f32 v15, v11  }
0x2c9: {  	v16 =	vmul.f32 v16, v15;
	v45 =	vmul.f32 v15, v8;
	[tilespmem:s5+$0x18020] =	vst v17  }
0x2ca: {  	v12 =	vmul.f32 v12, v15;
	v7 =	vsub.f32 v7, v14;
	[tilespmem:s5+$0x18000] =	vst v18;
	v14 =	vmul.f32 v15, v5  }
0x2cb: {  	v13 =	vmul.f32 v13, v15;
	v9 =	vsub.f32 v9, v16;
	[tilespmem:s5+$0x18010] =	vst v45  }
0x2cc: {  	s29 =	simm.s32 $0x1;
	v2 =	vsub.f32 v2, v12;
	[tilespmem:s5+$0x18030] =	vst v14;
	v7 =	vmul.f32 $1.442695020e+00, v7  }
0x2cd: {  	v6 =	vsub.f32 v6, v13;
	v9 =	vmul.f32 $1.442695020e+00, v9;
	_ =	swait.ge [sflag:s29], $0x8000  }
0x2ce: {  	v2 =	vmul.f32 $1.442695020e+00, v2;
	(erf) = vpow2.f32 v7  }
0x2cf: {  	v6 =	vmul.f32 $1.442695020e+00, v6;
	(erf) = vpow2.f32 v9  }
0x2d0: {  	(erf) = vpow2.f32 v2  }
0x2d1: {  	(erf) = vpow2.f32 v6;
	_ =	sdelay $0x4  }
0x2d2: {  	v2 =	vimm.s32 $0xFEDCBA98  }
0x2d3: {  	v6 =	vimm.s32 $0x76543210;
	v2 =	vunpack.c.l.s4.s8 v2;
	v12 =	vpop (erf)  }
0x2d4: {  	v6 =	vunpack.c.l.s4.s8 v6;
	v13 =	vpop (erf)  }
0x2d5: {  	v2 =	vunpack.c.0.s8.s32 v2;
	v14 =	vpop (erf)  }
0x2d6: {  	v6 =	vunpack.c.0.s8.s32 v6;
	v46 =	vpop (erf)  }
0x2d7: {  	v2 =	vand.u32 $0xF, v2;
	v7 =	vadd.f32 v13, v12;
	v9 =	vadd.f32 v46, v14  }
0x2d8: {  	v2 =	vcombine.low v2, v6  }
0x2d9: {  	v6 =	vimm.s32 $0xBA98FEDC;
	v7 =	vadd.f32 v9, v7;
	v9 =	vimm.s32 $0x32107654  }
0x2da: {  	v6 =	vunpack.c.l.s4.s8 v6;
	v9 =	vunpack.c.l.s4.s8 v9;
	_ =	sdelay $0x1  }
0x2db: {  	v6 =	vunpack.c.0.s8.s32 v6;
	v9 =	vunpack.c.0.s8.s32 v9  }
0x2dc: {  	v47 =	vperm.xlane v7, v2  }
0x2dd: {  	v48 =	vimm.s32 $0x54761032;
	v6 =	vcombine.low v9, v6;
	v9 =	vimm.s32 $0xDCFE98BA  }
0x2de: {  	v17 =	vunpack.c.l.s4.s8 v48;
	v7 =	vadd.f32 v47, v7;
	v9 =	vunpack.c.l.s4.s8 v9  }
0x2df: {  	v20 =	vimm.s32 $0x67452301  }
0x2e0: {  	v17 =	vunpack.c.0.s8.s32 v17;
	v49 =	vperm.xlane v7, v6;
	v9 =	vunpack.c.0.s8.s32 v9  }
0x2e1: {  	v19 =	vimm.s32 $0xEFCDAB89;
	v50 =	vunpack.c.l.s4.s8 v20  }
0x2e2: {  	v18 =	vadd.f32 v49, v7;
	v7 =	vcombine.low v17, v9;
	v9 =	vunpack.c.l.s4.s8 v19;
	_ =	sdelay $0x1  }
0x2e3: {  	v17 =	vunpack.c.0.s8.s32 v50;
	v51 =	vperm.xlane v18, v7;
	v9 =	vunpack.c.0.s8.s32 v9;
	_ =	sdelay $0x1  }
0x2e4: {  	v18 =	vadd.f32 v51, v18;
	v9 =	vcombine.low v17, v9;
	_ =	sdelay $0x1  }
0x2e5: {  	v17 =	vperm.xlane v18, v9;
	_ =	sdelay $0x1  }
0x2e6: {  	v17 =	vadd.f32 v17, v18;
	_ =	sdelay $0x1  }
0x2e7: {  	(erf) = vrcp.f32 v17  }
0x2e8: {  	[sflag:s29] =	ssyncset.done $0x0  }
0x2e9: {  	[sflag:s29] =	ssyncadd.s32 $0xFFFF8000  }
0x2ea: {  	v10 =	vmul.f32 v10, v4;
	v5 =	vmul.f32 v5, v3;
	v52 =	vld [tilespmem:$0x20]  }
0x2eb: {  	v11 =	vmul.f32 v11, v0;
	v8 =	vmul.f32 v8, v1;
	v53 =	vld [tilespmem:$0x30]  }
0x2ec: {  	v10 =	vmul.f32 v15, v10;
	v5 =	vmul.f32 v15, v5;
	v54 =	vld [tilespmem:$0x10]  }
0x2ed: {  	v8 =	vmul.f32 v15, v8  }
0x2ee: {  	v11 =	vmul.f32 v15, v11;
	v4 =	vsub.f32 v4, v10;
	v3 =	vsub.f32 v3, v5  }
0x2ef: {  	v1 =	vsub.f32 v1, v8;
	v10 =	vld [tilespmem:$0x0]  }
0x2f0: {  	v0 =	vsub.f32 v0, v11;
	v11 =	vmul.f32 v53, v3;
	v17 =	vmul.f32 v52, v4;
	v15 =	vpop (erf)  }
0x2f1: {  	v56 =	vmul.f32 v54, v1;
	v5 =	vmul.f32 v15, v12  }
0x2f2: {  	v57 =	vmul.f32 v17, v14;
	v8 =	vmul.f32 v15, v14  }
0x2f3: {  	v55 =	vmul.f32 v15, v13;
	[tilespmem:$0x1FF80] =	vst v5;
	v5 =	vmul.f32 v15, v46  }
0x2f4: {  	[tilespmem:$0x1FFA0] =	vst v8;
	v8 =	vmul.f32 v10, v0;
	v10 =	vmul.f32 v11, v46  }
0x2f5: {  	v19 =	vmul.f32 v57, v15;
	[tilespmem:$0x1FFB0] =	vst v5;
	v5 =	vmul.f32 v56, v13  }
0x2f6: {  	s6 =	simm.s32 $0x18000;
	s5 =	simm.s32 $0x0;
	[tilespmem:$0x1FF90] =	vst v55;
	v58 =	vmul.f32 v8, v12;
	v10 =	vmul.f32 v10, v15  }
0x2f7: {  	v17 =	vsub.f32 v17, v19;
	[hbm4b:s4+s5] =	stream.linear.scatter [tilespmem:s6], [sflag:$0x2], $0x8000, $0x38;
	v5 =	vmul.f32 v5, v15;
	v63 =	vld [tilespmem:$0x0]  }
0x2f8: {  	s30 =	simm.s32 $0x8000;
	s31 =	simm.s32 $0x2;
	v59 =	vmul.f32 v58, v15;
	v10 =	vsub.f32 v11, v10  }
0x2f9: {  	v11 =	vmul.f32 $1.442695020e+00, v17;
	[tilespmem:s30], [sflag:$0x1] =	stream.linear.gather [hbm4b:s3+s5], $0x8000, $0x38;
	v5 =	vsub.f32 v56, v5;
	v63 =	vld [tilespmem:$0x0]  }
0x2fa: {  	v8 =	vsub.f32 v8, v59;
	_ =	swait.ge [sflag:s31], $0x8000;
	v10 =	vmul.f32 $1.442695020e+00, v10  }
0x2fb: {  	(erf) = vpow2.f32 v11;
	v5 =	vmul.f32 $1.442695020e+00, v5  }
0x2fc: {  	v8 =	vmul.f32 $1.442695020e+00, v8;
	(erf) = vpow2.f32 v10  }
0x2fd: {  	(erf) = vpow2.f32 v5  }
0x2fe: {  	(erf) = vpow2.f32 v8;
	_ =	sdelay $0x5  }
0x2ff: {  	v10 =	vpop (erf)  }
0x300: {  	v5 =	vpop (erf)  }
0x301: {  	v8 =	vpop (erf)  }
0x302: {  	v11 =	vpop (erf)  }
0x303: {  	v60 =	vadd.f32 v5, v10;
	v61 =	vadd.f32 v8, v11;
	_ =	sdelay $0x1  }
0x304: {  	v17 =	vadd.f32 v60, v61;
	_ =	sdelay $0x1  }
0x305: {  	v18 =	vperm.xlane v17, v2;
	_ =	sdelay $0x1  }
0x306: {  	v16 =	vmul.f32 v46, v3;
	v17 =	vadd.f32 v18, v17  }
0x307: {  	v14 =	vmul.f32 v14, v4;
	v12 =	vmul.f32 v12, v0  }
0x308: {  	v13 =	vmul.f32 v13, v1;
	v18 =	vperm.xlane v17, v6  }
0x309: {  	v14 =	vmul.f32 v15, v14;
	v62 =	vmul.f32 v15, v12  }
0x30a: {  	v13 =	vmul.f32 v15, v13;
	v15 =	vmul.f32 v15, v16;
	v12 =	vadd.f32 v18, v17  }
0x30b: {  	v4 =	vsub.f32 v4, v14;
	v0 =	vsub.f32 v0, v62;
	[sflag:s31] =	ssyncset.done $0x0  }
0x30c: {  	s3 =	simm.s32 $0x200;
	v1 =	vsub.f32 v1, v13;
	v3 =	vsub.f32 v3, v15;
	[sflag:s31] =	ssyncadd.s32 $0xFFFF8000;
	v13 =	vperm.xlane v12, v7  }
.LBB2_14:
0x30d: {  	_ = 	snop  }
0x30e: {  	p0 =	sne.s32 s3, $0x1FC00;
	s6 =	smov.u32 s3;
	s3 =	sadd.s32 $0x200, s3;
	v12 =	vadd.f32 v13, v12  }
0x30f: {  	_ = 	snop  }
0x310: {  	v13 =	vperm.xlane v12, v9;
	_ =	sdelay $0x1  }
0x311: {  	s4 =	sshra.s32 s5, $0x2;
	s5 =	smov.u32 s6;
	v12 =	vadd.f32 v13, v12  }
0x312: {  	v13 =	vld [tilespmem:s4+$0xB0]  }
0x313: {  	v14 =	vld [tilespmem:s4+$0xA0];
	(erf) = vrcp.f32 v12  }
0x314: {  	v12 =	vld [tilespmem:s4+$0x90]  }
0x315: {  	v15 =	vld [tilespmem:s4+$0x80];
	_ =	sdelay $0x1  }
0x316: {  	v16 =	vmul.f32 v10, v4;
	v13 =	vmul.f32 v13, v3  }
0x317: {  	v17 =	vmul.f32 v11, v0;
	v18 =	vmul.f32 v8, v1  }
0x318: {  	v14 =	vmul.f32 v14, v4;
	v12 =	vmul.f32 v12, v1  }
0x319: {  	v19 =	vmul.f32 v5, v3;
	v15 =	vmul.f32 v15, v0  }
0x31a: {  	v21 =	vmul.f32 v13, v5;
	v20 =	vmul.f32 v14, v10  }
0x31b: {  	v23 =	vmul.f32 v12, v8;
	v22 =	vmul.f32 v15, v11;
	v24 =	vpop (erf)  }
0x31c: {  	v20 =	vmul.f32 v20, v24;
	v21 =	vmul.f32 v21, v24  }
0x31d: {  	v23 =	vmul.f32 v23, v24;
	v22 =	vmul.f32 v22, v24  }
0x31e: {  	v10 =	vmul.f32 v24, v10;
	v14 =	vsub.f32 v14, v20;
	v13 =	vsub.f32 v13, v21  }
0x31f: {  	v19 =	vmul.f32 v24, v19;
	v12 =	vsub.f32 v12, v23;
	v15 =	vsub.f32 v15, v22  }
0x320: {  	v11 =	vmul.f32 v24, v11;
	v14 =	vmul.f32 $1.442695020e+00, v14;
	[tilespmem:s4+$0x10020] =	vst v10  }
0x321: {  	v3 =	vsub.f32 v3, v19;
	v13 =	vmul.f32 $1.442695020e+00, v13;
	v10 =	vmul.f32 $1.442695020e+00, v15  }
0x322: {  	v8 =	vmul.f32 v24, v8;
	(erf) = vpow2.f32 v14;
	[tilespmem:s4+$0x10000] =	vst v11  }
0x323: {  	v11 =	vmul.f32 $1.442695020e+00, v12;
	v12 =	vmul.f32 v24, v16  }
0x324: {  	(erf) = vpow2.f32 v13;
	[tilespmem:s4+$0x10010] =	vst v8;
	v8 =	vmul.f32 v24, v18  }
0x325: {  	(erf) = vpow2.f32 v11;
	v11 =	vmul.f32 v24, v17  }
0x326: {  	v5 =	vmul.f32 v24, v5;
	v4 =	vsub.f32 v4, v12;
	(erf) = vpow2.f32 v10  }
0x327: {  	v1 =	vsub.f32 v1, v8;
	v0 =	vsub.f32 v0, v11  }
0x328: {  	[tilespmem:s4+$0x10030] =	vst v5;
	_ =	sdelay $0x2  }
0x329: {  	v10 =	vpop (erf);
	_ =	sdelay $0x1  }
0x32a: {  	v5 =	vpop (erf)  }
0x32b: {  	v12 =	vadd.f32 v5, v10;
	v8 =	vpop (erf)  }
0x32c: {  	v11 =	vpop (erf)  }
0x32d: {  	v13 =	vadd.f32 v8, v11;
	_ =	sdelay $0x1  }
0x32e: {  	v12 =	vadd.f32 v12, v13;
	_ =	sdelay $0x1  }
0x32f: {  	v13 =	vperm.xlane v12, v2;
	_ =	sdelay $0x1  }
0x330: {  	v12 =	vadd.f32 v13, v12;
	_ =	sdelay $0x1  }
.Ltmp6:
0x331: {  	v13 =	vperm.xlane v12, v6;
	(pc) =	sbr.rel @p0 .LBB2_14-.Ltmp6, $3  }
0x332: {  	_ = 	snop  }
0x333: {  	v12 =	vadd.f32 v13, v12;
	_ =	sdelay $0x1  }
0x334: {  	v13 =	vperm.xlane v12, v7  }
0x335: {  	_ = 	snop  }
0x336: {  	v2 =	vadd.f32 v13, v12;
	_ =	sdelay $0x1  }
0x337: {  	v6 =	vperm.xlane v2, v9;
	_ =	sdelay $0x1  }
0x338: {  	v2 =	vadd.f32 v6, v2  }
0x339: {  	s3 =	sshra.s32 s5, $0x2  }
0x33a: {  	v7 =	vld [tilespmem:s3+$0x80];
	(erf) = vrcp.f32 v2  }
0x33b: {  	v9 =	vld [tilespmem:s3+$0x90]  }
0x33c: {  	v6 =	vld [tilespmem:s3+$0xB0]  }
0x33d: {  	v2 =	vld [tilespmem:s3+$0xA0];
	_ =	sdelay $0x2  }
0x33e: {  	v7 =	vmul.f32 v7, v0  }
0x33f: {  	v9 =	vmul.f32 v9, v1;
	v6 =	vmul.f32 v6, v3  }
0x340: {  	v14 =	vmul.f32 v7, v11;
	v2 =	vmul.f32 v2, v4  }
0x341: {  	v16 =	vmul.f32 v9, v8;
	v13 =	vmul.f32 v6, v5;
	v15 =	vpop (erf)  }
0x342: {  	v12 =	vmul.f32 v2, v10;
	v17 =	vmul.f32 v15, v10  }
0x343: {  	v14 =	vmul.f32 v14, v15;
	v18 =	vmul.f32 v15, v11  }
0x344: {  	v16 =	vmul.f32 v16, v15;
	v48 =	vmul.f32 v15, v8;
	[tilespmem:s3+$0x10020] =	vst v17  }
0x345: {  	v12 =	vmul.f32 v12, v15;
	v7 =	vsub.f32 v7, v14;
	[tilespmem:s3+$0x10000] =	vst v18;
	v14 =	vmul.f32 v15, v5  }
0x346: {  	v13 =	vmul.f32 v13, v15;
	v9 =	vsub.f32 v9, v16;
	[tilespmem:s3+$0x10010] =	vst v48  }
0x347: {  	s30 =	simm.s32 $0x1;
	v2 =	vsub.f32 v2, v12;
	[tilespmem:s3+$0x10030] =	vst v14;
	v7 =	vmul.f32 $1.442695020e+00, v7  }
0x348: {  	v6 =	vsub.f32 v6, v13;
	v9 =	vmul.f32 $1.442695020e+00, v9;
	_ =	swait.ge [sflag:s30], $0x8000  }
0x349: {  	v2 =	vmul.f32 $1.442695020e+00, v2;
	(erf) = vpow2.f32 v7  }
0x34a: {  	v6 =	vmul.f32 $1.442695020e+00, v6;
	(erf) = vpow2.f32 v9  }
0x34b: {  	(erf) = vpow2.f32 v2  }
0x34c: {  	(erf) = vpow2.f32 v6;
	_ =	sdelay $0x4  }
0x34d: {  	v2 =	vimm.s32 $0xFEDCBA98  }
0x34e: {  	v6 =	vimm.s32 $0x76543210;
	v2 =	vunpack.c.l.s4.s8 v2;
	v12 =	vpop (erf)  }
0x34f: {  	v6 =	vunpack.c.l.s4.s8 v6;
	v13 =	vpop (erf)  }
0x350: {  	v2 =	vunpack.c.0.s8.s32 v2;
	v14 =	vpop (erf)  }
0x351: {  	v6 =	vunpack.c.0.s8.s32 v6;
	v49 =	vpop (erf)  }
0x352: {  	v2 =	vand.u32 $0xF, v2;
	v7 =	vadd.f32 v13, v12;
	v9 =	vadd.f32 v49, v14  }
0x353: {  	v2 =	vcombine.low v2, v6  }
0x354: {  	v6 =	vimm.s32 $0xBA98FEDC;
	v7 =	vadd.f32 v9, v7;
	v9 =	vimm.s32 $0x32107654  }
0x355: {  	v6 =	vunpack.c.l.s4.s8 v6;
	v9 =	vunpack.c.l.s4.s8 v9;
	_ =	sdelay $0x1  }
0x356: {  	v6 =	vunpack.c.0.s8.s32 v6;
	v9 =	vunpack.c.0.s8.s32 v9  }
0x357: {  	v50 =	vperm.xlane v7, v2  }
0x358: {  	v51 =	vimm.s32 $0x54761032;
	v6 =	vcombine.low v9, v6;
	v9 =	vimm.s32 $0xDCFE98BA  }
0x359: {  	v17 =	vunpack.c.l.s4.s8 v51;
	v7 =	vadd.f32 v50, v7;
	v9 =	vunpack.c.l.s4.s8 v9  }
0x35a: {  	v20 =	vimm.s32 $0x67452301  }
0x35b: {  	v17 =	vunpack.c.0.s8.s32 v17;
	v52 =	vperm.xlane v7, v6;
	v9 =	vunpack.c.0.s8.s32 v9  }
0x35c: {  	v19 =	vimm.s32 $0xEFCDAB89;
	v53 =	vunpack.c.l.s4.s8 v20  }
0x35d: {  	v18 =	vadd.f32 v52, v7;
	v7 =	vcombine.low v17, v9;
	v9 =	vunpack.c.l.s4.s8 v19;
	_ =	sdelay $0x1  }
0x35e: {  	v17 =	vunpack.c.0.s8.s32 v53;
	v54 =	vperm.xlane v18, v7;
	v9 =	vunpack.c.0.s8.s32 v9;
	_ =	sdelay $0x1  }
0x35f: {  	v18 =	vadd.f32 v54, v18;
	v9 =	vcombine.low v17, v9;
	_ =	sdelay $0x1  }
0x360: {  	v17 =	vperm.xlane v18, v9;
	_ =	sdelay $0x1  }
0x361: {  	v17 =	vadd.f32 v17, v18  }
0x362: {  	[sflag:s30] =	ssyncset.done $0x0  }
0x363: {  	v10 =	vmul.f32 v10, v4;
	[sflag:s30] =	ssyncadd.s32 $0xFFFF8000;
	(erf) = vrcp.f32 v17  }
0x364: {  	v55 =	vld [tilespmem:$0x8020]  }
0x365: {  	v5 =	vmul.f32 v5, v3;
	v10 =	vmul.f32 v15, v10;
	v56 =	vld [tilespmem:$0x8030]  }
0x366: {  	v11 =	vmul.f32 v11, v0;
	v8 =	vmul.f32 v8, v1;
	v57 =	vld [tilespmem:$0x8010]  }
0x367: {  	v5 =	vmul.f32 v15, v5;
	v10 =	vsub.f32 v4, v10;
	v4 =	vld [tilespmem:$0x8000]  }
0x368: {  	v8 =	vmul.f32 v15, v8;
	v11 =	vmul.f32 v15, v11  }
0x369: {  	v5 =	vsub.f32 v3, v5  }
0x36a: {  	v21 =	vsub.f32 v1, v8;
	v11 =	vsub.f32 v0, v11  }
0x36b: {  	v8 =	vmul.f32 v55, v10;
	v59 =	vmul.f32 v56, v5  }
0x36c: {  	v4 =	vmul.f32 v4, v11;
	v19 =	vmul.f32 v57, v21;
	v15 =	vpop (erf)  }
0x36d: {  	v60 =	vmul.f32 v8, v14;
	v3 =	vmul.f32 v15, v12  }
0x36e: {  	v61 =	vmul.f32 v19, v13;
	v58 =	vmul.f32 v15, v13  }
0x36f: {  	v1 =	vmul.f32 v15, v14;
	[tilespmem:$0x17F80] =	vst v3;
	v3 =	vmul.f32 v59, v49  }
0x370: {  	v0 =	vmul.f32 v15, v49;
	v18 =	vmul.f32 v60, v15  }
0x371: {  	[tilespmem:$0x17FA0] =	vst v1;
	v1 =	vmul.f32 v3, v15;
	v3 =	vmul.f32 v4, v12  }
0x372: {  	[tilespmem:$0x17FB0] =	vst v0;
	v0 =	vsub.f32 v8, v18;
	v8 =	vmul.f32 v61, v15  }
0x373: {  	s4 =	simm.s32 $0x10000;
	s31 =	simm.s32 $0x2;
	s3 =	simm.s32 $0x0;
	[tilespmem:$0x17F90] =	vst v58;
	v1 =	vsub.f32 v59, v1;
	v3 =	vmul.f32 v3, v15  }
0x374: {  	[hbm4b:s2+s3] =	stream.linear.scatter [tilespmem:s4], [sflag:$0x2], $0x8000, $0x38;
	v8 =	vsub.f32 v19, v8;
	v0 =	vmul.f32 $1.442695020e+00, v0;
	v63 =	vld [tilespmem:$0x0]  }
0x375: {  	_ =	swait.ge [sflag:s31], $0x8000;
	v3 =	vsub.f32 v4, v3;
	v1 =	vmul.f32 $1.442695020e+00, v1  }
0x376: {  	(erf) = vpow2.f32 v0;
	v0 =	vmul.f32 $1.442695020e+00, v8  }
0x377: {  	v3 =	vmul.f32 $1.442695020e+00, v3;
	(erf) = vpow2.f32 v1  }
0x378: {  	(erf) = vpow2.f32 v0  }
0x379: {  	(erf) = vpow2.f32 v3;
	_ =	sdelay $0x5  }
0x37a: {  	v3 =	vpop (erf)  }
0x37b: {  	v0 =	vpop (erf)  }
0x37c: {  	v1 =	vpop (erf)  }
0x37d: {  	v4 =	vpop (erf)  }
0x37e: {  	v8 =	vadd.f32 v0, v3;
	v62 =	vadd.f32 v1, v4;
	_ =	sdelay $0x1  }
0x37f: {  	v8 =	vadd.f32 v8, v62;
	_ =	sdelay $0x1  }
0x380: {  	v17 =	vperm.xlane v8, v2  }
0x381: {  	v16 =	vmul.f32 v49, v5  }
0x382: {  	v14 =	vmul.f32 v14, v10;
	v13 =	vmul.f32 v13, v21;
	v8 =	vadd.f32 v17, v8  }
0x383: {  	v16 =	vmul.f32 v15, v16;
	v12 =	vmul.f32 v12, v11  }
0x384: {  	v14 =	vmul.f32 v15, v14;
	v17 =	vperm.xlane v8, v6  }
0x385: {  	v13 =	vmul.f32 v15, v13;
	v15 =	vmul.f32 v15, v12  }
0x386: {  	v12 =	vadd.f32 v17, v8  }
0x387: {  	v5 =	vsub.f32 v5, v16;
	[sflag:s31] =	ssyncset.done $0x0;
	v11 =	vsub.f32 v11, v15  }
0x388: {  	s2 =	simm.s32 $0x200;
	[sflag:s31] =	ssyncadd.s32 $0xFFFF8000;
	v8 =	vsub.f32 v10, v14;
	v10 =	vsub.f32 v21, v13;
	v13 =	vperm.xlane v12, v7  }
.LBB2_16:
0x389: {  	_ = 	snop  }
0x38a: {  	p0 =	sne.s32 s2, $0x1FC00;
	s5 =	smov.u32 s2;
	s2 =	sadd.s32 $0x200, s2;
	v12 =	vadd.f32 v13, v12  }
0x38b: {  	_ = 	snop  }
0x38c: {  	v13 =	vperm.xlane v12, v9;
	_ =	sdelay $0x1  }
0x38d: {  	s4 =	sshra.s32 s3, $0x2;
	s3 =	smov.u32 s5;
	v12 =	vadd.f32 v13, v12  }
0x38e: {  	v13 =	vld [tilespmem:s4+$0x80B0]  }
0x38f: {  	v14 =	vld [tilespmem:s4+$0x80A0];
	(erf) = vrcp.f32 v12  }
0x390: {  	v12 =	vld [tilespmem:s4+$0x8090]  }
0x391: {  	v15 =	vld [tilespmem:s4+$0x8080];
	_ =	sdelay $0x1  }
0x392: {  	v16 =	vmul.f32 v3, v8;
	v13 =	vmul.f32 v13, v5  }
0x393: {  	v17 =	vmul.f32 v4, v11;
	v18 =	vmul.f32 v1, v10  }
0x394: {  	v14 =	vmul.f32 v14, v8;
	v12 =	vmul.f32 v12, v10  }
0x395: {  	v19 =	vmul.f32 v0, v5;
	v15 =	vmul.f32 v15, v11  }
0x396: {  	v21 =	vmul.f32 v13, v0;
	v20 =	vmul.f32 v14, v3  }
0x397: {  	v23 =	vmul.f32 v12, v1;
	v22 =	vmul.f32 v15, v4;
	v24 =	vpop (erf)  }
0x398: {  	v20 =	vmul.f32 v20, v24;
	v21 =	vmul.f32 v21, v24  }
0x399: {  	v23 =	vmul.f32 v23, v24;
	v22 =	vmul.f32 v22, v24  }
0x39a: {  	v3 =	vmul.f32 v24, v3;
	v14 =	vsub.f32 v14, v20;
	v13 =	vsub.f32 v13, v21  }
0x39b: {  	v19 =	vmul.f32 v24, v19;
	v12 =	vsub.f32 v12, v23;
	v15 =	vsub.f32 v15, v22  }
0x39c: {  	v4 =	vmul.f32 v24, v4;
	v14 =	vmul.f32 $1.442695020e+00, v14;
	[tilespmem:s4+$0x18020] =	vst v3  }
0x39d: {  	v5 =	vsub.f32 v5, v19;
	v13 =	vmul.f32 $1.442695020e+00, v13;
	v3 =	vmul.f32 $1.442695020e+00, v15  }
0x39e: {  	v1 =	vmul.f32 v24, v1;
	(erf) = vpow2.f32 v14;
	[tilespmem:s4+$0x18000] =	vst v4  }
0x39f: {  	v4 =	vmul.f32 $1.442695020e+00, v12;
	v12 =	vmul.f32 v24, v16  }
0x3a0: {  	(erf) = vpow2.f32 v13;
	[tilespmem:s4+$0x18010] =	vst v1;
	v1 =	vmul.f32 v24, v18  }
0x3a1: {  	(erf) = vpow2.f32 v4;
	v4 =	vmul.f32 v24, v17  }
0x3a2: {  	v0 =	vmul.f32 v24, v0;
	v8 =	vsub.f32 v8, v12;
	(erf) = vpow2.f32 v3  }
0x3a3: {  	v10 =	vsub.f32 v10, v1;
	v11 =	vsub.f32 v11, v4  }
0x3a4: {  	[tilespmem:s4+$0x18030] =	vst v0;
	_ =	sdelay $0x2  }
0x3a5: {  	v3 =	vpop (erf);
	_ =	sdelay $0x1  }
0x3a6: {  	v0 =	vpop (erf)  }
0x3a7: {  	v12 =	vadd.f32 v0, v3;
	v1 =	vpop (erf)  }
0x3a8: {  	v4 =	vpop (erf)  }
0x3a9: {  	v13 =	vadd.f32 v1, v4;
	_ =	sdelay $0x1  }
0x3aa: {  	v12 =	vadd.f32 v12, v13;
	_ =	sdelay $0x1  }
0x3ab: {  	v13 =	vperm.xlane v12, v2;
	_ =	sdelay $0x1  }
0x3ac: {  	v12 =	vadd.f32 v13, v12;
	_ =	sdelay $0x1  }
.Ltmp7:
0x3ad: {  	v13 =	vperm.xlane v12, v6;
	(pc) =	sbr.rel @p0 .LBB2_16-.Ltmp7, $3  }
0x3ae: {  	_ = 	snop  }
0x3af: {  	v12 =	vadd.f32 v13, v12;
	_ =	sdelay $0x1  }
0x3b0: {  	v13 =	vperm.xlane v12, v7  }
0x3b1: {  	_ = 	snop  }
0x3b2: {  	v2 =	vadd.f32 v13, v12;
	_ =	sdelay $0x1  }
0x3b3: {  	v6 =	vperm.xlane v2, v9;
	_ =	sdelay $0x1  }
0x3b4: {  	v2 =	vadd.f32 v6, v2;
	_ =	sdelay $0x1  }
0x3b5: {  	s2 =	sshra.s32 s3, $0x2;
	(erf) = vrcp.f32 v2  }
0x3b6: {  	v29 =	vld [tilespmem:s2+$0x8080]  }
0x3b7: {  	v30 =	vld [tilespmem:s2+$0x8090]  }
0x3b8: {  	v7 =	vld [tilespmem:s2+$0x80A0]  }
0x3b9: {  	v31 =	vld [tilespmem:s2+$0x80B0];
	_ =	sdelay $0x1  }
0x3ba: {  	v2 =	vmul.f32 v29, v11  }
0x3bb: {  	v6 =	vmul.f32 v30, v10  }
0x3bc: {  	v7 =	vmul.f32 v7, v8;
	v32 =	vmul.f32 v2, v4  }
0x3bd: {  	v5 =	vmul.f32 v31, v5;
	v33 =	vmul.f32 v6, v1;
	v34 =	vpop (erf)  }
0x3be: {  	v35 =	vmul.f32 v7, v3;
	v8 =	vmul.f32 v32, v34  }
0x3bf: {  	v36 =	vmul.f32 v5, v0;
	v9 =	vmul.f32 v33, v34  }
0x3c0: {  	v11 =	vmul.f32 v35, v34;
	v2 =	vsub.f32 v2, v8  }
0x3c1: {  	v37 =	vmul.f32 v36, v34;
	v6 =	vsub.f32 v6, v9  }
0x3c2: {  	v7 =	vsub.f32 v7, v11;
	v2 =	vmul.f32 $1.442695020e+00, v2  }
0x3c3: {  	v5 =	vsub.f32 v5, v37;
	v6 =	vmul.f32 $1.442695020e+00, v6  }
0x3c4: {  	v38 =	vmul.f32 $1.442695020e+00, v7;
	(erf) = vpow2.f32 v2  }
0x3c5: {  	v5 =	vmul.f32 $1.442695020e+00, v5;
	(erf) = vpow2.f32 v6  }
0x3c6: {  	(erf) = vpow2.f32 v38  }
0x3c7: {  	(erf) = vpow2.f32 v5;
	_ =	sdelay $0x4  }
0x3c8: {  	v41 =	vimm.s32 $0xFEDCBA98  }
0x3c9: {  	v43 =	vimm.s32 $0x76543210;
	v6 =	vunpack.c.l.s4.s8 v41;
	v39 =	vpop (erf)  }
0x3ca: {  	v8 =	vunpack.c.l.s4.s8 v43;
	v40 =	vpop (erf)  }
0x3cb: {  	v6 =	vunpack.c.0.s8.s32 v6;
	v42 =	vpop (erf)  }
0x3cc: {  	v47 =	vimm.s32 $0xBA98FEDC;
	v48 =	vimm.s32 $0x32107654;
	v8 =	vunpack.c.0.s8.s32 v8;
	v44 =	vpop (erf)  }
0x3cd: {  	v6 =	vand.u32 $0xF, v6;
	v45 =	vadd.f32 v40, v39;
	v46 =	vadd.f32 v44, v42  }
0x3ce: {  	v12 =	vunpack.c.l.s4.s8 v48;
	v6 =	vcombine.low v6, v8;
	v8 =	vunpack.c.l.s4.s8 v47  }
0x3cf: {  	v11 =	vadd.f32 v46, v45  }
0x3d0: {  	v12 =	vunpack.c.0.s8.s32 v12;
	v8 =	vunpack.c.0.s8.s32 v8  }
0x3d1: {  	v6 =	vperm.xlane v11, v6  }
0x3d2: {  	v49 =	vimm.s32 $0xDCFE98BA;
	v50 =	vimm.s32 $0x54761032;
	v8 =	vcombine.low v12, v8  }
0x3d3: {  	v12 =	vunpack.c.l.s4.s8 v50;
	v6 =	vadd.f32 v6, v11;
	v11 =	vunpack.c.l.s4.s8 v49  }
0x3d4: {  	v52 =	vimm.s32 $0x67452301  }
0x3d5: {  	v12 =	vunpack.c.0.s8.s32 v12;
	v8 =	vperm.xlane v6, v8;
	v11 =	vunpack.c.0.s8.s32 v11  }
0x3d6: {  	v51 =	vimm.s32 $0xEFCDAB89;
	v53 =	vunpack.c.l.s4.s8 v52  }
0x3d7: {  	v6 =	vadd.f32 v8, v6;
	v11 =	vcombine.low v12, v11;
	v8 =	vunpack.c.l.s4.s8 v51;
	_ =	sdelay $0x1  }
0x3d8: {  	v12 =	vunpack.c.0.s8.s32 v53;
	v11 =	vperm.xlane v6, v11;
	v8 =	vunpack.c.0.s8.s32 v8;
	_ =	sdelay $0x1  }
0x3d9: {  	v6 =	vadd.f32 v11, v6;
	v8 =	vcombine.low v12, v8;
	_ =	sdelay $0x1  }
0x3da: {  	v8 =	vperm.xlane v6, v8;
	_ =	sdelay $0x1  }
0x3db: {  	v6 =	vadd.f32 v8, v6;
	_ =	sdelay $0x1  }
0x3dc: {  	(erf) = vrcp.f32 v6;
	_ =	sdelay $0x5  }
0x3dd: {  	v54 =	vmul.f32 v34, v3  }
0x3de: {  	v55 =	vmul.f32 v34, v4  }
0x3df: {  	v56 =	vmul.f32 v34, v1;
	[tilespmem:s2+$0x18020] =	vst v54  }
0x3e0: {  	v57 =	vmul.f32 v34, v0;
	[tilespmem:s2+$0x18000] =	vst v55;
	v58 =	vpop (erf)  }
0x3e1: {  	[tilespmem:s2+$0x18010] =	vst v56;
	v59 =	vmul.f32 v58, v39  }
0x3e2: {  	[tilespmem:s2+$0x18030] =	vst v57;
	v60 =	vmul.f32 v58, v40  }
0x3e3: {  	v61 =	vmul.f32 v58, v42;
	[tilespmem:$0x1FF80] =	vst v59  }
0x3e4: {  	v62 =	vmul.f32 v58, v44;
	[tilespmem:$0x1FF90] =	vst v60  }
0x3e5: {  	[tilespmem:$0x1FFA0] =	vst v61  }
0x3e6: {  	s29 =	simm.s32 $0x0;
	s30 =	simm.s32 $0x18000;
	s31 =	simm.s32 $0x2;
	[tilespmem:$0x1FFB0] =	vst v62  }
0x3e7: {  	[hbm4b:s1+s29] =	stream.linear.scatter [tilespmem:s30], [sflag:$0x2], $0x8000, $0x38;
	v63 =	vld [tilespmem:$0x0]  }
0x3e8: {  	_ =	swait.ge [sflag:s31], $0x8000  }
0x3e9: {  	[sflag:s31] =	ssyncset.done $0x0  }
0x3ea: {  	[sflag:s31] =	ssyncadd.s32 $0xFFFF8000  }
0x3eb: {  	_ =	swait.ge [sflag:s31], $0x8000  }
0x3ec: {  	[sflag:s31] =	ssyncset.done $0x0  }
0x3ed: {  	[sflag:s31] =	ssyncadd.s32 $0xFFFF8000  }
0x3ee: {  	_ =	sfence.sel $0x180000  }
0x3ef: {  	[bflag:$0x0] =	sbarrier.arrive $0xFFFF  }
0x3f0: {  	_ =	strace $0x90000047  }
0x3f1: {  	s0 =	sadd.s32 $0x100000, s0;
	[bflag:$0x2] =	sbarrier.arrive $0xFFFF  }
0x3f2: {  	[sflag:s0] =	ssyncadd.tile.s32 $0x1;
	_ =	shalt  }
.Lfunc_end2:
_tile_overlayer_lowered:
.L_overlay_start_2:
0x3f3: {  	(tag) =	ssettag $0x2  }
0x3f4: {  	s0 =	rddreg [dreg:$0x0];
	s2 =	stileid.u32  }
0x3f5: {  	s1 =	rddreg [dreg:$0x1];
	p0 =	sne.s32 s2, $0x0  }
0x3f6: {  	s3 =	rddreg [dreg:$0x2];
	[bflag:$0x3] =	sbarrier.arrive $0xFFFF;
	s2 =	simm.s32 @!p0 $0x1C03  }
0x3f7: {  	[timem:s3], [sflag:s2] =	dma.local @!p0 [hbm:s0], s1  }
0x3f8: {  	s0 =	simm.s32 @!p0 $0x3  }
0x3f9: {  	_ =	swait.ge @!p0 [sflag:s0], s1  }
0x3fa: {  	s1 =	ssub.s32 @!p0 $0x0, s1;
	[sflag:s0] =	ssyncset.done @!p0 $0x0  }
0x3fb: {  	[sflag:s0] =	ssyncadd.s32 @!p0 s1  }
0x3fc: {  	[bflag:$0x3] =	sbarrier.arrive $0xFFFF  }
0x3fd: {  	_ =	shalt  }

</sc_bundles>
